<compile_context>
chip_gen: v7x
topology: tpu7x:2x2x1
jax: 0.10.2.dev20260603
libtpu: 0.0.44.dev20260713+nightly
codegen_flags: <defaults>
</compile_context>

<pallas_src>
import functools

import jax
import jax.numpy as jnp
from jax import lax
from jax.experimental import pallas as pl
from jax.experimental.pallas import tpu as pltpu
from jax.experimental.pallas import tpu_sc as plsc

N = 10000
C = 20000
E = 320000
D = 128
DE = 16
NC_LEN = 60000

NUM_SC = 2
NUM_SUB = 16
NUM_W = NUM_SC * NUM_SUB

C_PAD = 20480
HALF = C_PAD // NUM_SC
ACC_ROWS = HALF + 128
ZROWS_PER_SUB = ACC_ROWS // NUM_SUB
ZBUF_ROWS = 72
DUMMY_ROW = HALF
OUT_ROWS_PER_SUB = HALF // NUM_SUB

A_CHUNK = 96
A_NCHUNKS = NC_LEN // A_CHUNK

E_CHUNK = 128
E_NCHUNKS = E // E_CHUNK
ZERO_ROW2 = 2 * C

_mesh = plsc.VectorSubcoreMesh(core_axis_name="c", subcore_axis_name="s")


@functools.partial(
    pl.kernel,
    mesh=_mesh,
    out_type=jax.ShapeDtypeStruct((C_PAD, D), jnp.float32),
    scratch_types=[
        pltpu.VMEM_SHARED((ACC_ROWS, D), jnp.float32),
        pltpu.VMEM((ZBUF_ROWS, D), jnp.float32),
        pltpu.VMEM((A_CHUNK, D), jnp.float32),
        pltpu.VMEM((A_CHUNK, D), jnp.float32),
        pltpu.VMEM((A_CHUNK,), jnp.int32),
        pltpu.VMEM((A_CHUNK,), jnp.int32),
        pltpu.VMEM((A_CHUNK,), jnp.int32),
        pltpu.VMEM((A_CHUNK,), jnp.int32),
        pltpu.VMEM((A_CHUNK,), jnp.int32),
        pltpu.VMEM((A_CHUNK,), jnp.int32),
        pltpu.SemaphoreType.DMA,
        pltpu.SemaphoreType.DMA,
        pltpu.SemaphoreType.DMA,
        pltpu.SemaphoreType.DMA,
        pltpu.SemaphoreType.DMA,
        pltpu.SemaphoreType.DMA,
        pltpu.SemaphoreType.DMA,
        pltpu.SemaphoreType.DMA,
    ],
)
def _seg_sum(node_hbm, cn_hbm, ci_hbm, out_hbm,
             acc, zbuf, rows0, rows1, nidx0, cidx0, lidx0,
             nidx1, cidx1, lidx1,
             semG0, semG1, semA0, semA1, semN0, semC0, semN1, semC1):
    cid = lax.axis_index("c")
    sid = lax.axis_index("s")

    zv = jnp.zeros((16,), jnp.float32)

    def zrow(i, carry):
        for j in range(D // 16):
            zbuf[i, pl.ds(j * 16, 16)] = zv
        return carry

    lax.fori_loop(0, ZBUF_ROWS, zrow, 0)
    for t in range(ZROWS_PER_SUB // ZBUF_ROWS):
        pltpu.sync_copy(
            zbuf, acc.at[pl.ds(sid * ZROWS_PER_SUB + t * ZBUF_ROWS, ZBUF_ROWS)])
    plsc.subcore_barrier()

    lo = cid * HALF
    nk = (A_NCHUNKS - sid + NUM_SUB - 1) // NUM_SUB
    npairs = nk // 2
    dummy = jnp.full((16,), DUMMY_ROW, jnp.int32)

    def make_lidx(cidx, lidx):
        for j in range(A_CHUNK // 16):
            sl = pl.ds(j * 16, 16)
            loc = cidx[sl] - lo
            valid = (loc >= 0) & (loc < HALF)
            lidx[sl] = jnp.where(valid, loc, dummy)

    def body(k, carry):
        base0 = (sid + NUM_SUB * (2 * k)) * A_CHUNK
        base1 = (sid + NUM_SUB * (2 * k + 1)) * A_CHUNK
        cn0 = pltpu.async_copy(cn_hbm.at[pl.ds(base0, A_CHUNK)], nidx0, semN0)
        cc0 = pltpu.async_copy(ci_hbm.at[pl.ds(base0, A_CHUNK)], cidx0, semC0)
        cn1 = pltpu.async_copy(cn_hbm.at[pl.ds(base1, A_CHUNK)], nidx1, semN1)
        cc1 = pltpu.async_copy(ci_hbm.at[pl.ds(base1, A_CHUNK)], cidx1, semC1)
        cn0.wait()
        g0 = pltpu.async_copy(node_hbm.at[nidx0], rows0, semG0)
        cc0.wait()
        make_lidx(cidx0, lidx0)
        cn1.wait()
        g1 = pltpu.async_copy(node_hbm.at[nidx1], rows1, semG1)
        cc1.wait()
        make_lidx(cidx1, lidx1)
        g0.wait()
        a0 = pltpu.async_copy(rows0, acc.at[lidx0], semA0, add=True)
        g1.wait()
        a1 = pltpu.async_copy(rows1, acc.at[lidx1], semA1, add=True)
        a0.wait()
        a1.wait()
        return carry

    lax.fori_loop(0, npairs, body, 0)

    @pl.when(nk % 2 == 1)
    def _taila():
        base = (sid + NUM_SUB * (nk - 1)) * A_CHUNK
        pltpu.sync_copy(cn_hbm.at[pl.ds(base, A_CHUNK)], nidx0)
        pltpu.sync_copy(ci_hbm.at[pl.ds(base, A_CHUNK)], cidx0)
        pltpu.async_copy(node_hbm.at[nidx0], rows0, semG0).wait()
        make_lidx(cidx0, lidx0)
        pltpu.sync_copy(rows0, acc.at[lidx0], add=True)

    plsc.subcore_barrier()

    pltpu.sync_copy(
        acc.at[pl.ds(sid * OUT_ROWS_PER_SUB, OUT_ROWS_PER_SUB)],
        out_hbm.at[pl.ds(cid * HALF + sid * OUT_ROWS_PER_SUB,
                         OUT_ROWS_PER_SUB)])


@functools.partial(
    pl.kernel,
    mesh=_mesh,
    out_type=jax.ShapeDtypeStruct((E, D), jnp.float32),
    scratch_types=[
        pltpu.VMEM((E_CHUNK, D), jnp.float32),
        pltpu.VMEM((E_CHUNK, D), jnp.float32),
        pltpu.VMEM((E_CHUNK, D), jnp.float32),
        pltpu.VMEM((E_CHUNK, D), jnp.float32),
        pltpu.VMEM((E_CHUNK, D), jnp.float32),
        pltpu.VMEM((E_CHUNK, D), jnp.float32),
        pltpu.VMEM((E_CHUNK,), jnp.int32),
        pltpu.VMEM((E_CHUNK,), jnp.int32),
        pltpu.VMEM((E_CHUNK,), jnp.int32),
        pltpu.VMEM((E_CHUNK,), jnp.int32),
        pltpu.VMEM((E_CHUNK,), jnp.int32),
        pltpu.VMEM((E_CHUNK,), jnp.int32),
        pltpu.VMEM((E_CHUNK,), jnp.int32),
        pltpu.VMEM((E_CHUNK,), jnp.int32),
        pltpu.SemaphoreType.DMA,
        pltpu.SemaphoreType.DMA,
        pltpu.SemaphoreType.DMA,
        pltpu.SemaphoreType.DMA,
        pltpu.SemaphoreType.DMA,
        pltpu.SemaphoreType.DMA,
        pltpu.SemaphoreType.DMA,
        pltpu.SemaphoreType.DMA,
        pltpu.SemaphoreType.DMA,
        pltpu.SemaphoreType.DMA,
    ],
)
def _edge_gather(p2_hbm, s_hbm, r_hbm, contrib_hbm, out_hbm,
                 bufS0, bufR0, bufO0, bufS1, bufR1, bufO1,
                 sraw0, rraw0, srow0, rrow0, sraw1, rraw1, srow1, rrow1,
                 semS0, semR0, semO0, semS1, semR1, semO1,
                 semI0, semI1, semI2, semI3):
    cid = lax.axis_index("c")
    sid = lax.axis_index("s")
    wid = sid * NUM_SC + cid
    nk = (E_NCHUNKS - wid + NUM_W - 1) // NUM_W
    npairs = nk // 2
    zrow = jnp.full((16,), ZERO_ROW2, jnp.int32)

    def rows_from_raw(sraw, rraw, srow, rrow):
        for j in range(E_CHUNK // 16):
            sl = pl.ds(j * 16, 16)
            sv = sraw[sl]
            rv = rraw[sl]
            srow[sl] = sv * 2
            rrow[sl] = jnp.where(sv == rv, zrow, rv * 2 + 1)

    def add_out(bufS, bufR, bufO, base):
        def addrow(i, c2):
            for j in range(D // 16):
                sl = pl.ds(j * 16, 16)
                plsc.addupdate(bufO.at[i, sl], bufS[i, sl] + bufR[i, sl])
            return c2
        lax.fori_loop(0, E_CHUNK, addrow, 0)
        pltpu.sync_copy(bufO, out_hbm.at[pl.ds(base, E_CHUNK)])

    def body(k, carry):
        base0 = (wid + NUM_W * (2 * k)) * E_CHUNK
        base1 = (wid + NUM_W * (2 * k + 1)) * E_CHUNK
        ci0s = pltpu.async_copy(s_hbm.at[pl.ds(base0, E_CHUNK)], sraw0, semI0)
        ci0r = pltpu.async_copy(r_hbm.at[pl.ds(base0, E_CHUNK)], rraw0, semI1)
        ci1s = pltpu.async_copy(s_hbm.at[pl.ds(base1, E_CHUNK)], sraw1, semI2)
        ci1r = pltpu.async_copy(r_hbm.at[pl.ds(base1, E_CHUNK)], rraw1, semI3)
        co0 = pltpu.async_copy(contrib_hbm.at[pl.ds(base0, E_CHUNK)], bufO0,
                               semO0)
        co1 = pltpu.async_copy(contrib_hbm.at[pl.ds(base1, E_CHUNK)], bufO1,
                               semO1)
        ci0s.wait()
        ci0r.wait()
        rows_from_raw(sraw0, rraw0, srow0, rrow0)
        cs0 = pltpu.async_copy(p2_hbm.at[srow0], bufS0, semS0)
        cr0 = pltpu.async_copy(p2_hbm.at[rrow0], bufR0, semR0)
        ci1s.wait()
        ci1r.wait()
        rows_from_raw(sraw1, rraw1, srow1, rrow1)
        cs1 = pltpu.async_copy(p2_hbm.at[srow1], bufS1, semS1)
        cr1 = pltpu.async_copy(p2_hbm.at[rrow1], bufR1, semR1)
        cs0.wait()
        cr0.wait()
        co0.wait()
        add_out(bufS0, bufR0, bufO0, base0)
        cs1.wait()
        cr1.wait()
        co1.wait()
        add_out(bufS1, bufR1, bufO1, base1)
        return carry

    lax.fori_loop(0, npairs, body, 0)

    @pl.when(nk % 2 == 1)
    def _tail():
        base = (wid + NUM_W * (nk - 1)) * E_CHUNK
        pltpu.sync_copy(s_hbm.at[pl.ds(base, E_CHUNK)], sraw0)
        pltpu.sync_copy(r_hbm.at[pl.ds(base, E_CHUNK)], rraw0)
        co = pltpu.async_copy(contrib_hbm.at[pl.ds(base, E_CHUNK)], bufO0,
                              semO0)
        rows_from_raw(sraw0, rraw0, srow0, rrow0)
        cs = pltpu.async_copy(p2_hbm.at[srow0], bufS0, semS0)
        cr = pltpu.async_copy(p2_hbm.at[rrow0], bufR0, semR0)
        cs.wait()
        cr.wait()
        co.wait()
        add_out(bufS0, bufR0, bufO0, base)


def _tc_body(x_ref, wsr_ref, ea_ref, we_ref, b_ref, p_ref, c_ref):
    p_ref[...] = jnp.dot(x_ref[...], wsr_ref[...],
                         preferred_element_type=jnp.float32)
    acc = jnp.dot(ea_ref[...], we_ref[...],
                  preferred_element_type=jnp.float32)
    c_ref[...] = acc + b_ref[...]


_B_GRID = 40
_B_BLK = C_PAD // _B_GRID
_D_BLK = E // _B_GRID

_tc_stage = pl.pallas_call(
    _tc_body,
    grid=(_B_GRID,),
    in_specs=[pl.BlockSpec((_B_BLK, D), lambda i: (i, 0)),
              pl.BlockSpec((D, 2 * D), lambda i: (0, 0)),
              pl.BlockSpec((_D_BLK, DE), lambda i: (i, 0)),
              pl.BlockSpec((DE, D), lambda i: (0, 0)),
              pl.BlockSpec((1, D), lambda i: (0, 0))],
    out_specs=[pl.BlockSpec((_B_BLK, 2 * D), lambda i: (i, 0)),
               pl.BlockSpec((_D_BLK, D), lambda i: (i, 0))],
    out_shape=(jax.ShapeDtypeStruct((C_PAD, 2 * D), jnp.float32),
               jax.ShapeDtypeStruct((E, D), jnp.float32)),
)


def kernel(node_attr, edge_attr, cells_node, cells_index,
           cell_edge_index, node_edge_index, W, b):
    Wsr = jnp.concatenate([W[:D], W[D:2 * D]], axis=1)
    We = W[2 * D:]

    cell_attr_pad = _seg_sum(node_attr, cells_node, cells_index)
    P, contrib = _tc_stage(cell_attr_pad, Wsr, edge_attr, We,
                           b.reshape(1, D))
    P2 = P.reshape(2 * C_PAD, D)

    edge_attr_ = _edge_gather(P2, cell_edge_index[0], cell_edge_index[1],
                              contrib)
    return (node_attr, edge_attr_, node_edge_index, cells_node)

# --- scband reference (transcript-rebuilt; emitter-appended) ---
"""Pipeline reference for scband-edge-block-17703855194353 (READ-ONLY COPY).

The authoritative reference and input builder live on the scoring server;
editing this copy changes nothing except your own understanding.
"""

import jax, jax.numpy as jnp
import numpy as np

N = 10000   # nodes
C = 20000   # cells
E = 320000  # cell-graph edges
D = 128     # d_feat
DE = 16     # d_edge
NC = 60000  # flattened cells_node / cells_index length (3 per triangle cell)
D_IN = 2 * D + DE  # 272, input dim of the edge MLP (custom_func)


def setup_inputs(seed: int = 0) -> dict:
    key = jax.random.key(seed)
    ks = jax.random.split(key, 8)
    node_attr = jax.random.normal(ks[0], (N, D), dtype=jnp.float32)
    edge_attr = jax.random.normal(ks[1], (E, DE), dtype=jnp.float32)
    cells_node = jax.random.randint(ks[2], (NC,), 0, N, dtype=jnp.int32)
    cells_index = jnp.sort(jax.random.randint(ks[3], (NC,), 0, C, dtype=jnp.int32))
    cell_edge_index = jax.random.randint(ks[4], (2, E), 0, C, dtype=jnp.int32)
    node_edge_index = jax.random.randint(ks[5], (2, E), 0, N, dtype=jnp.int32)
    # custom_func modeled as Linear(2*D+DE -> D), the typical edge-update MLP head
    W = jax.random.normal(ks[6], (D_IN, D), dtype=jnp.float32) * 0.02
    b = jnp.zeros((D,), dtype=jnp.float32)
    return {
        "node_attr": node_attr,
        "edge_attr": edge_attr,
        "cells_node": cells_node,
        "cells_index": cells_index,
        "cell_edge_index": cell_edge_index,
        "node_edge_index": node_edge_index,
        "W": W,
        "b": b,
    }


def reference(node_attr, edge_attr, cells_node, cells_index, cell_edge_index, node_edge_index, W, b):
    # calc_cell_centered_with_node_attr(..., reduce='sum', map=True):
    # gather node features at each cell corner, segment-sum into per-cell features
    gathered = node_attr[cells_node]                                   # [NC, D]
    cell_attr = jax.ops.segment_sum(gathered, cells_index, num_segments=C)  # [C, D]
    senders_cell_idx = cell_edge_index[0]
    receivers_cell_idx = cell_edge_index[1]
    mask = (senders_cell_idx != receivers_cell_idx).astype(node_attr.dtype)[:, None]  # [E,1]
    senders_attr = cell_attr[senders_cell_idx]                         # [E, D]
    receivers_attr = cell_attr[receivers_cell_idx]                     # [E, D]
    collected_edges = jnp.concatenate(
        [senders_attr, receivers_attr * mask, edge_attr], axis=1)      # [E, 2D+DE]
    edge_attr_ = jnp.dot(collected_edges, W) + b                       # self.net(collected_edges)
    # Data(x=node_attr, edge_attr=edge_attr_, edge_index=edge_index, face=face)
    return (node_attr, edge_attr_, node_edge_index, cells_node)

if __name__ == "__main__":
    import jax
    _d = setup_inputs()
    print(jax.jit(kernel)(*tuple(_d.values())))

</pallas_src>

<mosaic_0001>
#map = affine_map<(d0, d1) -> (0, 0)>
#map1 = affine_map<(d0, d1) -> (0)>
module attributes {stable_mosaic.version = 14 : i64} {
  func.func @_seg_sum(%arg0: i32, %arg1: i32, %arg2: memref<10000x128xf32, #tpu.memory_space<hbm>>, %arg3: memref<60000xi32, #tpu.memory_space<hbm>>, %arg4: memref<60000xi32, #tpu.memory_space<hbm>>, %arg5: memref<20480x128xf32, #tpu.memory_space<hbm>>, %arg6: memref<10368x128xf32, #tpu.memory_space<vmem_shared>>, %arg7: memref<72x128xf32, #tpu.memory_space<vmem>>, %arg8: memref<96x128xf32, #tpu.memory_space<vmem>>, %arg9: memref<96x128xf32, #tpu.memory_space<vmem>>, %arg10: memref<96xi32, #tpu.memory_space<vmem>>, %arg11: memref<96xi32, #tpu.memory_space<vmem>>, %arg12: memref<96xi32, #tpu.memory_space<vmem>>, %arg13: memref<96xi32, #tpu.memory_space<vmem>>, %arg14: memref<96xi32, #tpu.memory_space<vmem>>, %arg15: memref<96xi32, #tpu.memory_space<vmem>>, %arg16: memref<!tpu.dma_semaphore, #tpu.memory_space<semaphore_mem>>, %arg17: memref<!tpu.dma_semaphore, #tpu.memory_space<semaphore_mem>>, %arg18: memref<!tpu.dma_semaphore, #tpu.memory_space<semaphore_mem>>, %arg19: memref<!tpu.dma_semaphore, #tpu.memory_space<semaphore_mem>>, %arg20: memref<!tpu.dma_semaphore, #tpu.memory_space<semaphore_mem>>, %arg21: memref<!tpu.dma_semaphore, #tpu.memory_space<semaphore_mem>>, %arg22: memref<!tpu.dma_semaphore, #tpu.memory_space<semaphore_mem>>, %arg23: memref<!tpu.dma_semaphore, #tpu.memory_space<semaphore_mem>>) attributes {dimension_semantics = [#tpu.dimension_semantics<core_parallel>, #tpu.dimension_semantics<subcore_parallel>], iteration_bounds = array<i64: 2, 16>, scalar_prefetch = 0 : i64, scratch_operands = 18 : i64, tpu.core_type = #tpu.core_type<sc_vector_subcore>, window_params = [{transform_indices = #map}, {transform_indices = #map1}, {transform_indices = #map1}, {transform_indices = #map}]} {
    %broadcast_in_dim3A = arith.constant 0.000000e+00 : f32
    %broadcast_in_dim3A_0 = vector.broadcast %broadcast_in_dim3A : f32 to vector<16xf32>
    %scan3A = arith.constant 0 : i32
    %scan3A_1 = arith.constant 0 : i32
    %scan3A_2 = arith.constant 72 : i32
    %scan3A_3 = arith.addi %scan3A_1, %scan3A_2 : i32
    %scan3A_4 = arith.constant 1 : i32
    scf.for %scan3A_124 = %scan3A_1 to %scan3A_3 step %scan3A_4  : i32 {
      %swap3A = arith.index_cast %scan3A_124 : i32 to index
      %swap3A_125 = arith.constant 0 : index
      %swap3A_126 = tpu.vector_load %arg7[%swap3A, %swap3A_125] {strides = array<i32>} : memref<72x128xf32, #tpu.memory_space<vmem>>, vector<1x16xf32>,
      %swap3A_127 = vector.shape_cast %swap3A_126 : vector<1x16xf32> to vector<16xf32>
      %swap3A_128 = vector.shape_cast %broadcast_in_dim3A_0 : vector<16xf32> to vector<1x16xf32>
      tpu.vector_store %arg7[%swap3A, %swap3A_125], %swap3A_128 {strides = array<i32>} : memref<72x128xf32, #tpu.memory_space<vmem>>, vector<1x16xf32>,
      %swap3A_129 = arith.index_cast %scan3A_124 : i32 to index
      %swap3A_130 = arith.constant 16 : index
      %swap3A_131 = tpu.vector_load %arg7[%swap3A_129, %swap3A_130] {strides = array<i32>} : memref<72x128xf32, #tpu.memory_space<vmem>>, vector<1x16xf32>,
      %swap3A_132 = vector.shape_cast %swap3A_131 : vector<1x16xf32> to vector<16xf32>
      %swap3A_133 = vector.shape_cast %broadcast_in_dim3A_0 : vector<16xf32> to vector<1x16xf32>
      tpu.vector_store %arg7[%swap3A_129, %swap3A_130], %swap3A_133 {strides = array<i32>} : memref<72x128xf32, #tpu.memory_space<vmem>>, vector<1x16xf32>,
      %swap3A_134 = arith.index_cast %scan3A_124 : i32 to index
      %swap3A_135 = arith.constant 32 : index
      %swap3A_136 = tpu.vector_load %arg7[%swap3A_134, %swap3A_135] {strides = array<i32>} : memref<72x128xf32, #tpu.memory_space<vmem>>, vector<1x16xf32>,
      %swap3A_137 = vector.shape_cast %swap3A_136 : vector<1x16xf32> to vector<16xf32>
      %swap3A_138 = vector.shape_cast %broadcast_in_dim3A_0 : vector<16xf32> to vector<1x16xf32>
      tpu.vector_store %arg7[%swap3A_134, %swap3A_135], %swap3A_138 {strides = array<i32>} : memref<72x128xf32, #tpu.memory_space<vmem>>, vector<1x16xf32>,
      %swap3A_139 = arith.index_cast %scan3A_124 : i32 to index
      %swap3A_140 = arith.constant 48 : index
      %swap3A_141 = tpu.vector_load %arg7[%swap3A_139, %swap3A_140] {strides = array<i32>} : memref<72x128xf32, #tpu.memory_space<vmem>>, vector<1x16xf32>,
      %swap3A_142 = vector.shape_cast %swap3A_141 : vector<1x16xf32> to vector<16xf32>
      %swap3A_143 = vector.shape_cast %broadcast_in_dim3A_0 : vector<16xf32> to vector<1x16xf32>
      tpu.vector_store %arg7[%swap3A_139, %swap3A_140], %swap3A_143 {strides = array<i32>} : memref<72x128xf32, #tpu.memory_space<vmem>>, vector<1x16xf32>,
      %swap3A_144 = arith.index_cast %scan3A_124 : i32 to index
      %swap3A_145 = arith.constant 64 : index
      %swap3A_146 = tpu.vector_load %arg7[%swap3A_144, %swap3A_145] {strides = array<i32>} : memref<72x128xf32, #tpu.memory_space<vmem>>, vector<1x16xf32>,
      %swap3A_147 = vector.shape_cast %swap3A_146 : vector<1x16xf32> to vector<16xf32>
      %swap3A_148 = vector.shape_cast %broadcast_in_dim3A_0 : vector<16xf32> to vector<1x16xf32>
      tpu.vector_store %arg7[%swap3A_144, %swap3A_145], %swap3A_148 {strides = array<i32>} : memref<72x128xf32, #tpu.memory_space<vmem>>, vector<1x16xf32>,
      %swap3A_149 = arith.index_cast %scan3A_124 : i32 to index
      %swap3A_150 = arith.constant 80 : index
      %swap3A_151 = tpu.vector_load %arg7[%swap3A_149, %swap3A_150] {strides = array<i32>} : memref<72x128xf32, #tpu.memory_space<vmem>>, vector<1x16xf32>,
      %swap3A_152 = vector.shape_cast %swap3A_151 : vector<1x16xf32> to vector<16xf32>
      %swap3A_153 = vector.shape_cast %broadcast_in_dim3A_0 : vector<16xf32> to vector<1x16xf32>
      tpu.vector_store %arg7[%swap3A_149, %swap3A_150], %swap3A_153 {strides = array<i32>} : memref<72x128xf32, #tpu.memory_space<vmem>>, vector<1x16xf32>,
      %swap3A_154 = arith.index_cast %scan3A_124 : i32 to index
      %swap3A_155 = arith.constant 96 : index
      %swap3A_156 = tpu.vector_load %arg7[%swap3A_154, %swap3A_155] {strides = array<i32>} : memref<72x128xf32, #tpu.memory_space<vmem>>, vector<1x16xf32>,
      %swap3A_157 = vector.shape_cast %swap3A_156 : vector<1x16xf32> to vector<16xf32>
      %swap3A_158 = vector.shape_cast %broadcast_in_dim3A_0 : vector<16xf32> to vector<1x16xf32>
      tpu.vector_store %arg7[%swap3A_154, %swap3A_155], %swap3A_158 {strides = array<i32>} : memref<72x128xf32, #tpu.memory_space<vmem>>, vector<1x16xf32>,
      %swap3A_159 = arith.index_cast %scan3A_124 : i32 to index
      %swap3A_160 = arith.constant 112 : index
      %swap3A_161 = tpu.vector_load %arg7[%swap3A_159, %swap3A_160] {strides = array<i32>} : memref<72x128xf32, #tpu.memory_space<vmem>>, vector<1x16xf32>,
      %swap3A_162 = vector.shape_cast %swap3A_161 : vector<1x16xf32> to vector<16xf32>
      %swap3A_163 = vector.shape_cast %broadcast_in_dim3A_0 : vector<16xf32> to vector<1x16xf32>
      tpu.vector_store %arg7[%swap3A_159, %swap3A_160], %swap3A_163 {strides = array<i32>} : memref<72x128xf32, #tpu.memory_space<vmem>>, vector<1x16xf32>,
    }
    %scan3A_5 = arith.constant 72 : i32
    %mul3A = arith.constant 648 : i32
    %mul3A_6 = arith.muli %arg1, %mul3A : i32
    %add3A = arith.constant 0 : i32
    %add3A_7 = arith.addi %mul3A_6, %add3A : i32
    "tpu.region"() ({
      %run_scoped3A = tpu.sem_alloc : memref<!tpu.dma_semaphore, #tpu.memory_space<semaphore_mem>>
      %dma_start3A = arith.constant 0 : i32
      %dma_start3A_124 = tpu.memref_slice %arg6[%add3A_7, %dma_start3A] : memref<10368x128xf32, #tpu.memory_space<vmem_shared>> -> memref<72x128xf32, #tpu.memory_space<vmem_shared>>
      %dma_start3A_125 = arith.constant 0 : i32
      %dma_start3A_126 = tpu.memref_slice %arg6[%add3A_7, %dma_start3A_125] : memref<10368x128xf32, #tpu.memory_space<vmem_shared>> -> memref<72x128xf32, #tpu.memory_space<vmem_shared>>
      tpu.enqueue_dma source(%arg7 : memref<72x128xf32, #tpu.memory_space<vmem>>) target(%dma_start3A_126 : memref<72x128xf32, #tpu.memory_space<vmem_shared>>) target_semaphore(%run_scoped3A : memref<!tpu.dma_semaphore, #tpu.memory_space<semaphore_mem>>)
      %dma_wait3A = arith.constant 0 : i32
      %dma_wait3A_127 = tpu.memref_slice %arg6[%add3A_7, %dma_wait3A] : memref<10368x128xf32, #tpu.memory_space<vmem_shared>> -> memref<72x128xf32, #tpu.memory_space<vmem_shared>>
      %dma_wait3A_128 = arith.constant 0 : i32
      %dma_wait3A_129 = tpu.memref_slice %arg6[%add3A_7, %dma_wait3A_128] : memref<10368x128xf32, #tpu.memory_space<vmem_shared>> -> memref<72x128xf32, #tpu.memory_space<vmem_shared>>
      tpu.wait_dma2 semaphore(%run_scoped3A : memref<!tpu.dma_semaphore, #tpu.memory_space<semaphore_mem>>) src(%arg7 : memref<72x128xf32, #tpu.memory_space<vmem>>) dst(%dma_wait3A_129 : memref<72x128xf32, #tpu.memory_space<vmem_shared>>)
      tpu.yield
    }) : () -> ()
    %mul3A_8 = arith.constant 648 : i32
    %mul3A_9 = arith.muli %arg1, %mul3A_8 : i32
    %add3A_10 = arith.constant 72 : i32
    %add3A_11 = arith.addi %mul3A_9, %add3A_10 : i32
    "tpu.region"() ({
      %run_scoped3A = tpu.sem_alloc : memref<!tpu.dma_semaphore, #tpu.memory_space<semaphore_mem>>
      %dma_start3A = arith.constant 0 : i32
      %dma_start3A_124 = tpu.memref_slice %arg6[%add3A_11, %dma_start3A] : memref<10368x128xf32, #tpu.memory_space<vmem_shared>> -> memref<72x128xf32, #tpu.memory_space<vmem_shared>>
      %dma_start3A_125 = arith.constant 0 : i32
      %dma_start3A_126 = tpu.memref_slice %arg6[%add3A_11, %dma_start3A_125] : memref<10368x128xf32, #tpu.memory_space<vmem_shared>> -> memref<72x128xf32, #tpu.memory_space<vmem_shared>>
      tpu.enqueue_dma source(%arg7 : memref<72x128xf32, #tpu.memory_space<vmem>>) target(%dma_start3A_126 : memref<72x128xf32, #tpu.memory_space<vmem_shared>>) target_semaphore(%run_scoped3A : memref<!tpu.dma_semaphore, #tpu.memory_space<semaphore_mem>>)
      %dma_wait3A = arith.constant 0 : i32
      %dma_wait3A_127 = tpu.memref_slice %arg6[%add3A_11, %dma_wait3A] : memref<10368x128xf32, #tpu.memory_space<vmem_shared>> -> memref<72x128xf32, #tpu.memory_space<vmem_shared>>
      %dma_wait3A_128 = arith.constant 0 : i32
      %dma_wait3A_129 = tpu.memref_slice %arg6[%add3A_11, %dma_wait3A_128] : memref<10368x128xf32, #tpu.memory_space<vmem_shared>> -> memref<72x128xf32, #tpu.memory_space<vmem_shared>>
      tpu.wait_dma2 semaphore(%run_scoped3A : memref<!tpu.dma_semaphore, #tpu.memory_space<semaphore_mem>>) src(%arg7 : memref<72x128xf32, #tpu.memory_space<vmem>>) dst(%dma_wait3A_129 : memref<72x128xf32, #tpu.memory_space<vmem_shared>>)
      tpu.yield
    }) : () -> ()
    %mul3A_12 = arith.constant 648 : i32
    %mul3A_13 = arith.muli %arg1, %mul3A_12 : i32
    %add3A_14 = arith.constant 144 : i32
    %add3A_15 = arith.addi %mul3A_13, %add3A_14 : i32
    "tpu.region"() ({
      %run_scoped3A = tpu.sem_alloc : memref<!tpu.dma_semaphore, #tpu.memory_space<semaphore_mem>>
      %dma_start3A = arith.constant 0 : i32
      %dma_start3A_124 = tpu.memref_slice %arg6[%add3A_15, %dma_start3A] : memref<10368x128xf32, #tpu.memory_space<vmem_shared>> -> memref<72x128xf32, #tpu.memory_space<vmem_shared>>
      %dma_start3A_125 = arith.constant 0 : i32
      %dma_start3A_126 = tpu.memref_slice %arg6[%add3A_15, %dma_start3A_125] : memref<10368x128xf32, #tpu.memory_space<vmem_shared>> -> memref<72x128xf32, #tpu.memory_space<vmem_shared>>
      tpu.enqueue_dma source(%arg7 : memref<72x128xf32, #tpu.memory_space<vmem>>) target(%dma_start3A_126 : memref<72x128xf32, #tpu.memory_space<vmem_shared>>) target_semaphore(%run_scoped3A : memref<!tpu.dma_semaphore, #tpu.memory_space<semaphore_mem>>)
      %dma_wait3A = arith.constant 0 : i32
      %dma_wait3A_127 = tpu.memref_slice %arg6[%add3A_15, %dma_wait3A] : memref<10368x128xf32, #tpu.memory_space<vmem_shared>> -> memref<72x128xf32, #tpu.memory_space<vmem_shared>>
      %dma_wait3A_128 = arith.constant 0 : i32
      %dma_wait3A_129 = tpu.memref_slice %arg6[%add3A_15, %dma_wait3A_128] : memref<10368x128xf32, #tpu.memory_space<vmem_shared>> -> memref<72x128xf32, #tpu.memory_space<vmem_shared>>
      tpu.wait_dma2 semaphore(%run_scoped3A : memref<!tpu.dma_semaphore, #tpu.memory_space<semaphore_mem>>) src(%arg7 : memref<72x128xf32, #tpu.memory_space<vmem>>) dst(%dma_wait3A_129 : memref<72x128xf32, #tpu.memory_space<vmem_shared>>)
      tpu.yield
    }) : () -> ()
    %mul3A_16 = arith.constant 648 : i32
    %mul3A_17 = arith.muli %arg1, %mul3A_16 : i32
    %add3A_18 = arith.constant 216 : i32
    %add3A_19 = arith.addi %mul3A_17, %add3A_18 : i32
    "tpu.region"() ({
      %run_scoped3A = tpu.sem_alloc : memref<!tpu.dma_semaphore, #tpu.memory_space<semaphore_mem>>
      %dma_start3A = arith.constant 0 : i32
      %dma_start3A_124 = tpu.memref_slice %arg6[%add3A_19, %dma_start3A] : memref<10368x128xf32, #tpu.memory_space<vmem_shared>> -> memref<72x128xf32, #tpu.memory_space<vmem_shared>>
      %dma_start3A_125 = arith.constant 0 : i32
      %dma_start3A_126 = tpu.memref_slice %arg6[%add3A_19, %dma_start3A_125] : memref<10368x128xf32, #tpu.memory_space<vmem_shared>> -> memref<72x128xf32, #tpu.memory_space<vmem_shared>>
      tpu.enqueue_dma source(%arg7 : memref<72x128xf32, #tpu.memory_space<vmem>>) target(%dma_start3A_126 : memref<72x128xf32, #tpu.memory_space<vmem_shared>>) target_semaphore(%run_scoped3A : memref<!tpu.dma_semaphore, #tpu.memory_space<semaphore_mem>>)
      %dma_wait3A = arith.constant 0 : i32
      %dma_wait3A_127 = tpu.memref_slice %arg6[%add3A_19, %dma_wait3A] : memref<10368x128xf32, #tpu.memory_space<vmem_shared>> -> memref<72x128xf32, #tpu.memory_space<vmem_shared>>
      %dma_wait3A_128 = arith.constant 0 : i32
      %dma_wait3A_129 = tpu.memref_slice %arg6[%add3A_19, %dma_wait3A_128] : memref<10368x128xf32, #tpu.memory_space<vmem_shared>> -> memref<72x128xf32, #tpu.memory_space<vmem_shared>>
      tpu.wait_dma2 semaphore(%run_scoped3A : memref<!tpu.dma_semaphore, #tpu.memory_space<semaphore_mem>>) src(%arg7 : memref<72x128xf32, #tpu.memory_space<vmem>>) dst(%dma_wait3A_129 : memref<72x128xf32, #tpu.memory_space<vmem_shared>>)
      tpu.yield
    }) : () -> ()
    %mul3A_20 = arith.constant 648 : i32
    %mul3A_21 = arith.muli %arg1, %mul3A_20 : i32
    %add3A_22 = arith.constant 288 : i32
    %add3A_23 = arith.addi %mul3A_21, %add3A_22 : i32
    "tpu.region"() ({
      %run_scoped3A = tpu.sem_alloc : memref<!tpu.dma_semaphore, #tpu.memory_space<semaphore_mem>>
      %dma_start3A = arith.constant 0 : i32
      %dma_start3A_124 = tpu.memref_slice %arg6[%add3A_23, %dma_start3A] : memref<10368x128xf32, #tpu.memory_space<vmem_shared>> -> memref<72x128xf32, #tpu.memory_space<vmem_shared>>
      %dma_start3A_125 = arith.constant 0 : i32
      %dma_start3A_126 = tpu.memref_slice %arg6[%add3A_23, %dma_start3A_125] : memref<10368x128xf32, #tpu.memory_space<vmem_shared>> -> memref<72x128xf32, #tpu.memory_space<vmem_shared>>
      tpu.enqueue_dma source(%arg7 : memref<72x128xf32, #tpu.memory_space<vmem>>) target(%dma_start3A_126 : memref<72x128xf32, #tpu.memory_space<vmem_shared>>) target_semaphore(%run_scoped3A : memref<!tpu.dma_semaphore, #tpu.memory_space<semaphore_mem>>)
      %dma_wait3A = arith.constant 0 : i32
      %dma_wait3A_127 = tpu.memref_slice %arg6[%add3A_23, %dma_wait3A] : memref<10368x128xf32, #tpu.memory_space<vmem_shared>> -> memref<72x128xf32, #tpu.memory_space<vmem_shared>>
      %dma_wait3A_128 = arith.constant 0 : i32
      %dma_wait3A_129 = tpu.memref_slice %arg6[%add3A_23, %dma_wait3A_128] : memref<10368x128xf32, #tpu.memory_space<vmem_shared>> -> memref<72x128xf32, #tpu.memory_space<vmem_shared>>
      tpu.wait_dma2 semaphore(%run_scoped3A : memref<!tpu.dma_semaphore, #tpu.memory_space<semaphore_mem>>) src(%arg7 : memref<72x128xf32, #tpu.memory_space<vmem>>) dst(%dma_wait3A_129 : memref<72x128xf32, #tpu.memory_space<vmem_shared>>)
      tpu.yield
    }) : () -> ()
    %mul3A_24 = arith.constant 648 : i32
    %mul3A_25 = arith.muli %arg1, %mul3A_24 : i32
    %add3A_26 = arith.constant 360 : i32
    %add3A_27 = arith.addi %mul3A_25, %add3A_26 : i32
    "tpu.region"() ({
      %run_scoped3A = tpu.sem_alloc : memref<!tpu.dma_semaphore, #tpu.memory_space<semaphore_mem>>
      %dma_start3A = arith.constant 0 : i32
      %dma_start3A_124 = tpu.memref_slice %arg6[%add3A_27, %dma_start3A] : memref<10368x128xf32, #tpu.memory_space<vmem_shared>> -> memref<72x128xf32, #tpu.memory_space<vmem_shared>>
      %dma_start3A_125 = arith.constant 0 : i32
      %dma_start3A_126 = tpu.memref_slice %arg6[%add3A_27, %dma_start3A_125] : memref<10368x128xf32, #tpu.memory_space<vmem_shared>> -> memref<72x128xf32, #tpu.memory_space<vmem_shared>>
      tpu.enqueue_dma source(%arg7 : memref<72x128xf32, #tpu.memory_space<vmem>>) target(%dma_start3A_126 : memref<72x128xf32, #tpu.memory_space<vmem_shared>>) target_semaphore(%run_scoped3A : memref<!tpu.dma_semaphore, #tpu.memory_space<semaphore_mem>>)
      %dma_wait3A = arith.constant 0 : i32
      %dma_wait3A_127 = tpu.memref_slice %arg6[%add3A_27, %dma_wait3A] : memref<10368x128xf32, #tpu.memory_space<vmem_shared>> -> memref<72x128xf32, #tpu.memory_space<vmem_shared>>
      %dma_wait3A_128 = arith.constant 0 : i32
      %dma_wait3A_129 = tpu.memref_slice %arg6[%add3A_27, %dma_wait3A_128] : memref<10368x128xf32, #tpu.memory_space<vmem_shared>> -> memref<72x128xf32, #tpu.memory_space<vmem_shared>>
      tpu.wait_dma2 semaphore(%run_scoped3A : memref<!tpu.dma_semaphore, #tpu.memory_space<semaphore_mem>>) src(%arg7 : memref<72x128xf32, #tpu.memory_space<vmem>>) dst(%dma_wait3A_129 : memref<72x128xf32, #tpu.memory_space<vmem_shared>>)
      tpu.yield
    }) : () -> ()
    %mul3A_28 = arith.constant 648 : i32
    %mul3A_29 = arith.muli %arg1, %mul3A_28 : i32
    %add3A_30 = arith.constant 432 : i32
    %add3A_31 = arith.addi %mul3A_29, %add3A_30 : i32
    "tpu.region"() ({
      %run_scoped3A = tpu.sem_alloc : memref<!tpu.dma_semaphore, #tpu.memory_space<semaphore_mem>>
      %dma_start3A = arith.constant 0 : i32
      %dma_start3A_124 = tpu.memref_slice %arg6[%add3A_31, %dma_start3A] : memref<10368x128xf32, #tpu.memory_space<vmem_shared>> -> memref<72x128xf32, #tpu.memory_space<vmem_shared>>
      %dma_start3A_125 = arith.constant 0 : i32
      %dma_start3A_126 = tpu.memref_slice %arg6[%add3A_31, %dma_start3A_125] : memref<10368x128xf32, #tpu.memory_space<vmem_shared>> -> memref<72x128xf32, #tpu.memory_space<vmem_shared>>
      tpu.enqueue_dma source(%arg7 : memref<72x128xf32, #tpu.memory_space<vmem>>) target(%dma_start3A_126 : memref<72x128xf32, #tpu.memory_space<vmem_shared>>) target_semaphore(%run_scoped3A : memref<!tpu.dma_semaphore, #tpu.memory_space<semaphore_mem>>)
      %dma_wait3A = arith.constant 0 : i32
      %dma_wait3A_127 = tpu.memref_slice %arg6[%add3A_31, %dma_wait3A] : memref<10368x128xf32, #tpu.memory_space<vmem_shared>> -> memref<72x128xf32, #tpu.memory_space<vmem_shared>>
      %dma_wait3A_128 = arith.constant 0 : i32
      %dma_wait3A_129 = tpu.memref_slice %arg6[%add3A_31, %dma_wait3A_128] : memref<10368x128xf32, #tpu.memory_space<vmem_shared>> -> memref<72x128xf32, #tpu.memory_space<vmem_shared>>
      tpu.wait_dma2 semaphore(%run_scoped3A : memref<!tpu.dma_semaphore, #tpu.memory_space<semaphore_mem>>) src(%arg7 : memref<72x128xf32, #tpu.memory_space<vmem>>) dst(%dma_wait3A_129 : memref<72x128xf32, #tpu.memory_space<vmem_shared>>)
      tpu.yield
    }) : () -> ()
    %mul3A_32 = arith.constant 648 : i32
    %mul3A_33 = arith.muli %arg1, %mul3A_32 : i32
    %add3A_34 = arith.constant 504 : i32
    %add3A_35 = arith.addi %mul3A_33, %add3A_34 : i32
    "tpu.region"() ({
      %run_scoped3A = tpu.sem_alloc : memref<!tpu.dma_semaphore, #tpu.memory_space<semaphore_mem>>
      %dma_start3A = arith.constant 0 : i32
      %dma_start3A_124 = tpu.memref_slice %arg6[%add3A_35, %dma_start3A] : memref<10368x128xf32, #tpu.memory_space<vmem_shared>> -> memref<72x128xf32, #tpu.memory_space<vmem_shared>>
      %dma_start3A_125 = arith.constant 0 : i32
      %dma_start3A_126 = tpu.memref_slice %arg6[%add3A_35, %dma_start3A_125] : memref<10368x128xf32, #tpu.memory_space<vmem_shared>> -> memref<72x128xf32, #tpu.memory_space<vmem_shared>>
      tpu.enqueue_dma source(%arg7 : memref<72x128xf32, #tpu.memory_space<vmem>>) target(%dma_start3A_126 : memref<72x128xf32, #tpu.memory_space<vmem_shared>>) target_semaphore(%run_scoped3A : memref<!tpu.dma_semaphore, #tpu.memory_space<semaphore_mem>>)
      %dma_wait3A = arith.constant 0 : i32
      %dma_wait3A_127 = tpu.memref_slice %arg6[%add3A_35, %dma_wait3A] : memref<10368x128xf32, #tpu.memory_space<vmem_shared>> -> memref<72x128xf32, #tpu.memory_space<vmem_shared>>
      %dma_wait3A_128 = arith.constant 0 : i32
      %dma_wait3A_129 = tpu.memref_slice %arg6[%add3A_35, %dma_wait3A_128] : memref<10368x128xf32, #tpu.memory_space<vmem_shared>> -> memref<72x128xf32, #tpu.memory_space<vmem_shared>>
      tpu.wait_dma2 semaphore(%run_scoped3A : memref<!tpu.dma_semaphore, #tpu.memory_space<semaphore_mem>>) src(%arg7 : memref<72x128xf32, #tpu.memory_space<vmem>>) dst(%dma_wait3A_129 : memref<72x128xf32, #tpu.memory_space<vmem_shared>>)
      tpu.yield
    }) : () -> ()
    %mul3A_36 = arith.constant 648 : i32
    %mul3A_37 = arith.muli %arg1, %mul3A_36 : i32
    %add3A_38 = arith.constant 576 : i32
    %add3A_39 = arith.addi %mul3A_37, %add3A_38 : i32
    "tpu.region"() ({
      %run_scoped3A = tpu.sem_alloc : memref<!tpu.dma_semaphore, #tpu.memory_space<semaphore_mem>>
      %dma_start3A = arith.constant 0 : i32
      %dma_start3A_124 = tpu.memref_slice %arg6[%add3A_39, %dma_start3A] : memref<10368x128xf32, #tpu.memory_space<vmem_shared>> -> memref<72x128xf32, #tpu.memory_space<vmem_shared>>
      %dma_start3A_125 = arith.constant 0 : i32
      %dma_start3A_126 = tpu.memref_slice %arg6[%add3A_39, %dma_start3A_125] : memref<10368x128xf32, #tpu.memory_space<vmem_shared>> -> memref<72x128xf32, #tpu.memory_space<vmem_shared>>
      tpu.enqueue_dma source(%arg7 : memref<72x128xf32, #tpu.memory_space<vmem>>) target(%dma_start3A_126 : memref<72x128xf32, #tpu.memory_space<vmem_shared>>) target_semaphore(%run_scoped3A : memref<!tpu.dma_semaphore, #tpu.memory_space<semaphore_mem>>)
      %dma_wait3A = arith.constant 0 : i32
      %dma_wait3A_127 = tpu.memref_slice %arg6[%add3A_39, %dma_wait3A] : memref<10368x128xf32, #tpu.memory_space<vmem_shared>> -> memref<72x128xf32, #tpu.memory_space<vmem_shared>>
      %dma_wait3A_128 = arith.constant 0 : i32
      %dma_wait3A_129 = tpu.memref_slice %arg6[%add3A_39, %dma_wait3A_128] : memref<10368x128xf32, #tpu.memory_space<vmem_shared>> -> memref<72x128xf32, #tpu.memory_space<vmem_shared>>
      tpu.wait_dma2 semaphore(%run_scoped3A : memref<!tpu.dma_semaphore, #tpu.memory_space<semaphore_mem>>) src(%arg7 : memref<72x128xf32, #tpu.memory_space<vmem>>) dst(%dma_wait3A_129 : memref<72x128xf32, #tpu.memory_space<vmem_shared>>)
      tpu.yield
    }) : () -> ()
    %barrier3A = arith.constant 0 : index
    tpu.barrier barrier_id(%barrier3A)
    %mul3A_40 = arith.constant 10240 : i32
    %mul3A_41 = arith.muli %arg0, %mul3A_40 : i32
    %sub3A = arith.constant 625 : i32
    %sub3A_42 = arith.subi %sub3A, %arg1 : i32
    %add3A_43 = arith.constant 16 : i32
    %add3A_44 = arith.addi %sub3A_42, %add3A_43 : i32
    %sub3A_45 = arith.constant 1 : i32
    %sub3A_46 = arith.subi %add3A_44, %sub3A_45 : i32
    %jit3A = arith.constant 16 : i32
    %div3A = arith.divsi %sub3A_46, %jit3A : i32
    %sign3A = arith.constant 0 : i32
    %sign3A_47 = arith.cmpi sgt, %sub3A_46, %sign3A : i32
    %sign3A_48 = arith.extui %sign3A_47 : i1 to i32
    %sign3A_49 = arith.constant 0 : i32
    %sign3A_50 = arith.cmpi slt, %sub3A_46, %sign3A_49 : i32
    %sign3A_51 = arith.extui %sign3A_50 : i1 to i32
    %sign3A_52 = arith.subi %sign3A_48, %sign3A_51 : i32
    %sign3A_53 = arith.constant 0 : i32
    %sign3A_54 = arith.cmpi sgt, %jit3A, %sign3A_53 : i32
    %sign3A_55 = arith.extui %sign3A_54 : i1 to i32
    %sign3A_56 = arith.constant 0 : i32
    %sign3A_57 = arith.cmpi slt, %jit3A, %sign3A_56 : i32
    %sign3A_58 = arith.extui %sign3A_57 : i1 to i32
    %sign3A_59 = arith.subi %sign3A_55, %sign3A_58 : i32
    %ne3A = arith.cmpi ne, %sign3A_52, %sign3A_59 : i32
    %rem3A = arith.remsi %sub3A_46, %jit3A : i32
    %ne3A_60 = arith.constant 0 : i32
    %ne3A_61 = arith.cmpi ne, %rem3A, %ne3A_60 : i32
    %and3A = arith.andi %ne3A, %ne3A_61 : i1
    %sub3A_62 = arith.constant 1 : i32
    %sub3A_63 = arith.subi %div3A, %sub3A_62 : i32
    %select_n3A = arith.select %and3A, %sub3A_63, %div3A : i32
    %jit3A_64 = arith.constant 2 : i32
    %div3A_65 = arith.divsi %select_n3A, %jit3A_64 : i32
    %sign3A_66 = arith.constant 0 : i32
    %sign3A_67 = arith.cmpi sgt, %select_n3A, %sign3A_66 : i32
    %sign3A_68 = arith.extui %sign3A_67 : i1 to i32
    %sign3A_69 = arith.constant 0 : i32
    %sign3A_70 = arith.cmpi slt, %select_n3A, %sign3A_69 : i32
    %sign3A_71 = arith.extui %sign3A_70 : i1 to i32
    %sign3A_72 = arith.subi %sign3A_68, %sign3A_71 : i32
    %sign3A_73 = arith.constant 0 : i32
    %sign3A_74 = arith.cmpi sgt, %jit3A_64, %sign3A_73 : i32
    %sign3A_75 = arith.extui %sign3A_74 : i1 to i32
    %sign3A_76 = arith.constant 0 : i32
    %sign3A_77 = arith.cmpi slt, %jit3A_64, %sign3A_76 : i32
    %sign3A_78 = arith.extui %sign3A_77 : i1 to i32
    %sign3A_79 = arith.subi %sign3A_75, %sign3A_78 : i32
    %ne3A_80 = arith.cmpi ne, %sign3A_72, %sign3A_79 : i32
    %rem3A_81 = arith.remsi %select_n3A, %jit3A_64 : i32
    %ne3A_82 = arith.constant 0 : i32
    %ne3A_83 = arith.cmpi ne, %rem3A_81, %ne3A_82 : i32
    %and3A_84 = arith.andi %ne3A_80, %ne3A_83 : i1
    %sub3A_85 = arith.constant 1 : i32
    %sub3A_86 = arith.subi %div3A_65, %sub3A_85 : i32
    %select_n3A_87 = arith.select %and3A_84, %sub3A_86, %div3A_65 : i32
    %broadcast_in_dim3A_88 = arith.constant 10240 : i32
    %broadcast_in_dim3A_89 = vector.broadcast %broadcast_in_dim3A_88 : i32 to vector<16xi32>
    %while3A = arith.constant 0 : i32
    %while3A_90 = arith.constant 0 : i32
    %while3A_91 = arith.subi %select_n3A_87, %while3A_90 : i32
    %while3A_92 = arith.addi %while3A_90, %while3A_91 : i32
    %while3A_93 = arith.constant 1 : i32
    %while3A_94 = arith.divsi %while3A_91, %while3A_93 : i32
    %while3A_95 = arith.muli %while3A_94, %while3A_93 : i32
    %while3A_96 = arith.addi %while3A_90, %while3A_95 : i32
    %while3A_97 = arith.constant 1 : i32
    scf.for %while3A_124 = %while3A_90 to %while3A_96 step %while3A_97  : i32 {
      %mul3A_125 = arith.constant 2 : i32
      %mul3A_126 = arith.muli %mul3A_125, %while3A_124 : i32
      %mul3A_127 = arith.constant 16 : i32
      %mul3A_128 = arith.muli %mul3A_127, %mul3A_126 : i32
      %add3A_129 = arith.addi %arg1, %mul3A_128 : i32
      %mul3A_130 = arith.constant 96 : i32
      %mul3A_131 = arith.muli %add3A_129, %mul3A_130 : i32
      %mul3A_132 = arith.constant 2 : i32
      %mul3A_133 = arith.muli %mul3A_132, %while3A_124 : i32
      %add3A_134 = arith.constant 1 : i32
      %add3A_135 = arith.addi %mul3A_133, %add3A_134 : i32
      %mul3A_136 = arith.constant 16 : i32
      %mul3A_137 = arith.muli %mul3A_136, %add3A_135 : i32
      %add3A_138 = arith.addi %arg1, %mul3A_137 : i32
      %mul3A_139 = arith.constant 96 : i32
      %mul3A_140 = arith.muli %add3A_138, %mul3A_139 : i32
      %dma_start3A = tpu.memref_slice %arg3[%mul3A_131] : memref<60000xi32, #tpu.memory_space<hbm>> -> memref<96xi32, #tpu.memory_space<hbm>>
      %dma_start3A_141 = tpu.memref_slice %arg3[%mul3A_131] : memref<60000xi32, #tpu.memory_space<hbm>> -> memref<96xi32, #tpu.memory_space<hbm>>
      tpu.enqueue_dma source(%dma_start3A_141 : memref<96xi32, #tpu.memory_space<hbm>>) target(%arg10 : memref<96xi32, #tpu.memory_space<vmem>>) target_semaphore(%arg20 : memref<!tpu.dma_semaphore, #tpu.memory_space<semaphore_mem>>)
      %dma_start3A_142 = tpu.memref_slice %arg4[%mul3A_131] : memref<60000xi32, #tpu.memory_space<hbm>> -> memref<96xi32, #tpu.memory_space<hbm>>
      %dma_start3A_143 = tpu.memref_slice %arg4[%mul3A_131] : memref<60000xi32, #tpu.memory_space<hbm>> -> memref<96xi32, #tpu.memory_space<hbm>>
      tpu.enqueue_dma source(%dma_start3A_143 : memref<96xi32, #tpu.memory_space<hbm>>) target(%arg11 : memref<96xi32, #tpu.memory_space<vmem>>) target_semaphore(%arg21 : memref<!tpu.dma_semaphore, #tpu.memory_space<semaphore_mem>>)
      %dma_start3A_144 = tpu.memref_slice %arg3[%mul3A_140] : memref<60000xi32, #tpu.memory_space<hbm>> -> memref<96xi32, #tpu.memory_space<hbm>>
      %dma_start3A_145 = tpu.memref_slice %arg3[%mul3A_140] : memref<60000xi32, #tpu.memory_space<hbm>> -> memref<96xi32, #tpu.memory_space<hbm>>
      tpu.enqueue_dma source(%dma_start3A_145 : memref<96xi32, #tpu.memory_space<hbm>>) target(%arg13 : memref<96xi32, #tpu.memory_space<vmem>>) target_semaphore(%arg22 : memref<!tpu.dma_semaphore, #tpu.memory_space<semaphore_mem>>)
      %dma_start3A_146 = tpu.memref_slice %arg4[%mul3A_140] : memref<60000xi32, #tpu.memory_space<hbm>> -> memref<96xi32, #tpu.memory_space<hbm>>
      %dma_start3A_147 = tpu.memref_slice %arg4[%mul3A_140] : memref<60000xi32, #tpu.memory_space<hbm>> -> memref<96xi32, #tpu.memory_space<hbm>>
      tpu.enqueue_dma source(%dma_start3A_147 : memref<96xi32, #tpu.memory_space<hbm>>) target(%arg14 : memref<96xi32, #tpu.memory_space<vmem>>) target_semaphore(%arg23 : memref<!tpu.dma_semaphore, #tpu.memory_space<semaphore_mem>>)
      %dma_wait3A = tpu.memref_slice %arg3[%mul3A_131] : memref<60000xi32, #tpu.memory_space<hbm>> -> memref<96xi32, #tpu.memory_space<hbm>>
      %dma_wait3A_148 = tpu.memref_slice %arg3[%mul3A_131] : memref<60000xi32, #tpu.memory_space<hbm>> -> memref<96xi32, #tpu.memory_space<hbm>>
      tpu.wait_dma2 semaphore(%arg20 : memref<!tpu.dma_semaphore, #tpu.memory_space<semaphore_mem>>) src(%dma_wait3A_148 : memref<96xi32, #tpu.memory_space<hbm>>) dst(%arg10 : memref<96xi32, #tpu.memory_space<vmem>>)
      %dma_start3A_149 = arith.constant 0 : i32
      %dma_start3A_150 = arith.constant 0 : i32
      %dma_start3A_151 = tpu.memref_slice %arg2[%dma_start3A_149, %dma_start3A_150] : memref<10000x128xf32, #tpu.memory_space<hbm>> -> memref<10000x128xf32, #tpu.memory_space<hbm>>
      tpu.enqueue_indirect_dma source(%dma_start3A_151 : memref<10000x128xf32, #tpu.memory_space<hbm>>) target(%arg8 : memref<96x128xf32, #tpu.memory_space<vmem>>) offsets(%arg10 : memref<96xi32, #tpu.memory_space<vmem>>) semaphore(%arg16 : memref<!tpu.dma_semaphore, #tpu.memory_space<semaphore_mem>>)
      %dma_wait3A_152 = tpu.memref_slice %arg4[%mul3A_131] : memref<60000xi32, #tpu.memory_space<hbm>> -> memref<96xi32, #tpu.memory_space<hbm>>
      %dma_wait3A_153 = tpu.memref_slice %arg4[%mul3A_131] : memref<60000xi32, #tpu.memory_space<hbm>> -> memref<96xi32, #tpu.memory_space<hbm>>
      tpu.wait_dma2 semaphore(%arg21 : memref<!tpu.dma_semaphore, #tpu.memory_space<semaphore_mem>>) src(%dma_wait3A_153 : memref<96xi32, #tpu.memory_space<hbm>>) dst(%arg11 : memref<96xi32, #tpu.memory_space<vmem>>)
      %get3A = arith.constant 0 : index
      %get3A_154 = tpu.vector_load %arg11[%get3A] {strides = array<i32>} : memref<96xi32, #tpu.memory_space<vmem>>, vector<16xi32>,
      %get3A_155 = vector.shape_cast %get3A_154 : vector<16xi32> to vector<16xi32>
      %sub3A_156 = vector.broadcast %mul3A_41 : i32 to vector<16xi32>
      %sub3A_157 = arith.subi %get3A_155, %sub3A_156 : vector<16xi32>
      %ge3A = arith.constant 0 : i32
      %ge3A_158 = vector.broadcast %ge3A : i32 to vector<16xi32>
      %ge3A_159 = arith.cmpi sge, %sub3A_157, %ge3A_158 : vector<16xi32>
      %lt3A_160 = arith.constant 10240 : i32
      %lt3A_161 = vector.broadcast %lt3A_160 : i32 to vector<16xi32>
      %lt3A_162 = arith.cmpi slt, %sub3A_157, %lt3A_161 : vector<16xi32>
      %and3A_163 = arith.andi %ge3A_159, %lt3A_162 : vector<16xi1>
      %select_n3A_164 = arith.select %and3A_163, %sub3A_157, %broadcast_in_dim3A_89 : vector<16xi1>, vector<16xi32>
      %swap3A = arith.constant 0 : index
      %swap3A_165 = tpu.vector_load %arg12[%swap3A] {strides = array<i32>} : memref<96xi32, #tpu.memory_space<vmem>>, vector<16xi32>,
      %swap3A_166 = vector.shape_cast %swap3A_165 : vector<16xi32> to vector<16xi32>
      %swap3A_167 = vector.shape_cast %select_n3A_164 : vector<16xi32> to vector<16xi32>
      tpu.vector_store %arg12[%swap3A], %swap3A_167 {strides = array<i32>} : memref<96xi32, #tpu.memory_space<vmem>>, vector<16xi32>,
      %get3A_168 = arith.constant 16 : index
      %get3A_169 = tpu.vector_load %arg11[%get3A_168] {strides = array<i32>} : memref<96xi32, #tpu.memory_space<vmem>>, vector<16xi32>,
      %get3A_170 = vector.shape_cast %get3A_169 : vector<16xi32> to vector<16xi32>
      %sub3A_171 = vector.broadcast %mul3A_41 : i32 to vector<16xi32>
      %sub3A_172 = arith.subi %get3A_170, %sub3A_171 : vector<16xi32>
      %ge3A_173 = arith.constant 0 : i32
      %ge3A_174 = vector.broadcast %ge3A_173 : i32 to vector<16xi32>
      %ge3A_175 = arith.cmpi sge, %sub3A_172, %ge3A_174 : vector<16xi32>
      %lt3A_176 = arith.constant 10240 : i32
      %lt3A_177 = vector.broadcast %lt3A_176 : i32 to vector<16xi32>
      %lt3A_178 = arith.cmpi slt, %sub3A_172, %lt3A_177 : vector<16xi32>
      %and3A_179 = arith.andi %ge3A_175, %lt3A_178 : vector<16xi1>
      %select_n3A_180 = arith.select %and3A_179, %sub3A_172, %broadcast_in_dim3A_89 : vector<16xi1>, vector<16xi32>
      %swap3A_181 = arith.constant 16 : index
      %swap3A_182 = tpu.vector_load %arg12[%swap3A_181] {strides = array<i32>} : memref<96xi32, #tpu.memory_space<vmem>>, vector<16xi32>,
      %swap3A_183 = vector.shape_cast %swap3A_182 : vector<16xi32> to vector<16xi32>
      %swap3A_184 = vector.shape_cast %select_n3A_180 : vector<16xi32> to vector<16xi32>
      tpu.vector_store %arg12[%swap3A_181], %swap3A_184 {strides = array<i32>} : memref<96xi32, #tpu.memory_space<vmem>>, vector<16xi32>,
      %get3A_185 = arith.constant 32 : index
      %get3A_186 = tpu.vector_load %arg11[%get3A_185] {strides = array<i32>} : memref<96xi32, #tpu.memory_space<vmem>>, vector<16xi32>,
      %get3A_187 = vector.shape_cast %get3A_186 : vector<16xi32> to vector<16xi32>
      %sub3A_188 = vector.broadcast %mul3A_41 : i32 to vector<16xi32>
      %sub3A_189 = arith.subi %get3A_187, %sub3A_188 : vector<16xi32>
      %ge3A_190 = arith.constant 0 : i32
      %ge3A_191 = vector.broadcast %ge3A_190 : i32 to vector<16xi32>
      %ge3A_192 = arith.cmpi sge, %sub3A_189, %ge3A_191 : vector<16xi32>
      %lt3A_193 = arith.constant 10240 : i32
      %lt3A_194 = vector.broadcast %lt3A_193 : i32 to vector<16xi32>
      %lt3A_195 = arith.cmpi slt, %sub3A_189, %lt3A_194 : vector<16xi32>
      %and3A_196 = arith.andi %ge3A_192, %lt3A_195 : vector<16xi1>
      %select_n3A_197 = arith.select %and3A_196, %sub3A_189, %broadcast_in_dim3A_89 : vector<16xi1>, vector<16xi32>
      %swap3A_198 = arith.constant 32 : index
      %swap3A_199 = tpu.vector_load %arg12[%swap3A_198] {strides = array<i32>} : memref<96xi32, #tpu.memory_space<vmem>>, vector<16xi32>,
      %swap3A_200 = vector.shape_cast %swap3A_199 : vector<16xi32> to vector<16xi32>
      %swap3A_201 = vector.shape_cast %select_n3A_197 : vector<16xi32> to vector<16xi32>
      tpu.vector_store %arg12[%swap3A_198], %swap3A_201 {strides = array<i32>} : memref<96xi32, #tpu.memory_space<vmem>>, vector<16xi32>,
      %get3A_202 = arith.constant 48 : index
      %get3A_203 = tpu.vector_load %arg11[%get3A_202] {strides = array<i32>} : memref<96xi32, #tpu.memory_space<vmem>>, vector<16xi32>,
      %get3A_204 = vector.shape_cast %get3A_203 : vector<16xi32> to vector<16xi32>
      %sub3A_205 = vector.broadcast %mul3A_41 : i32 to vector<16xi32>
      %sub3A_206 = arith.subi %get3A_204, %sub3A_205 : vector<16xi32>
      %ge3A_207 = arith.constant 0 : i32
      %ge3A_208 = vector.broadcast %ge3A_207 : i32 to vector<16xi32>
      %ge3A_209 = arith.cmpi sge, %sub3A_206, %ge3A_208 : vector<16xi32>
      %lt3A_210 = arith.constant 10240 : i32
      %lt3A_211 = vector.broadcast %lt3A_210 : i32 to vector<16xi32>
      %lt3A_212 = arith.cmpi slt, %sub3A_206, %lt3A_211 : vector<16xi32>
      %and3A_213 = arith.andi %ge3A_209, %lt3A_212 : vector<16xi1>
      %select_n3A_214 = arith.select %and3A_213, %sub3A_206, %broadcast_in_dim3A_89 : vector<16xi1>, vector<16xi32>
      %swap3A_215 = arith.constant 48 : index
      %swap3A_216 = tpu.vector_load %arg12[%swap3A_215] {strides = array<i32>} : memref<96xi32, #tpu.memory_space<vmem>>, vector<16xi32>,
      %swap3A_217 = vector.shape_cast %swap3A_216 : vector<16xi32> to vector<16xi32>
      %swap3A_218 = vector.shape_cast %select_n3A_214 : vector<16xi32> to vector<16xi32>
      tpu.vector_store %arg12[%swap3A_215], %swap3A_218 {strides = array<i32>} : memref<96xi32, #tpu.memory_space<vmem>>, vector<16xi32>,
      %get3A_219 = arith.constant 64 : index
      %get3A_220 = tpu.vector_load %arg11[%get3A_219] {strides = array<i32>} : memref<96xi32, #tpu.memory_space<vmem>>, vector<16xi32>,
      %get3A_221 = vector.shape_cast %get3A_220 : vector<16xi32> to vector<16xi32>
      %sub3A_222 = vector.broadcast %mul3A_41 : i32 to vector<16xi32>
      %sub3A_223 = arith.subi %get3A_221, %sub3A_222 : vector<16xi32>
      %ge3A_224 = arith.constant 0 : i32
      %ge3A_225 = vector.broadcast %ge3A_224 : i32 to vector<16xi32>
      %ge3A_226 = arith.cmpi sge, %sub3A_223, %ge3A_225 : vector<16xi32>
      %lt3A_227 = arith.constant 10240 : i32
      %lt3A_228 = vector.broadcast %lt3A_227 : i32 to vector<16xi32>
      %lt3A_229 = arith.cmpi slt, %sub3A_223, %lt3A_228 : vector<16xi32>
      %and3A_230 = arith.andi %ge3A_226, %lt3A_229 : vector<16xi1>
      %select_n3A_231 = arith.select %and3A_230, %sub3A_223, %broadcast_in_dim3A_89 : vector<16xi1>, vector<16xi32>
      %swap3A_232 = arith.constant 64 : index
      %swap3A_233 = tpu.vector_load %arg12[%swap3A_232] {strides = array<i32>} : memref<96xi32, #tpu.memory_space<vmem>>, vector<16xi32>,
      %swap3A_234 = vector.shape_cast %swap3A_233 : vector<16xi32> to vector<16xi32>
      %swap3A_235 = vector.shape_cast %select_n3A_231 : vector<16xi32> to vector<16xi32>
      tpu.vector_store %arg12[%swap3A_232], %swap3A_235 {strides = array<i32>} : memref<96xi32, #tpu.memory_space<vmem>>, vector<16xi32>,
      %get3A_236 = arith.constant 80 : index
      %get3A_237 = tpu.vector_load %arg11[%get3A_236] {strides = array<i32>} : memref<96xi32, #tpu.memory_space<vmem>>, vector<16xi32>,
      %get3A_238 = vector.shape_cast %get3A_237 : vector<16xi32> to vector<16xi32>
      %sub3A_239 = vector.broadcast %mul3A_41 : i32 to vector<16xi32>
      %sub3A_240 = arith.subi %get3A_238, %sub3A_239 : vector<16xi32>
      %ge3A_241 = arith.constant 0 : i32
      %ge3A_242 = vector.broadcast %ge3A_241 : i32 to vector<16xi32>
      %ge3A_243 = arith.cmpi sge, %sub3A_240, %ge3A_242 : vector<16xi32>
      %lt3A_244 = arith.constant 10240 : i32
      %lt3A_245 = vector.broadcast %lt3A_244 : i32 to vector<16xi32>
      %lt3A_246 = arith.cmpi slt, %sub3A_240, %lt3A_245 : vector<16xi32>
      %and3A_247 = arith.andi %ge3A_243, %lt3A_246 : vector<16xi1>
      %select_n3A_248 = arith.select %and3A_247, %sub3A_240, %broadcast_in_dim3A_89 : vector<16xi1>, vector<16xi32>
      %swap3A_249 = arith.constant 80 : index
      %swap3A_250 = tpu.vector_load %arg12[%swap3A_249] {strides = array<i32>} : memref<96xi32, #tpu.memory_space<vmem>>, vector<16xi32>,
      %swap3A_251 = vector.shape_cast %swap3A_250 : vector<16xi32> to vector<16xi32>
      %swap3A_252 = vector.shape_cast %select_n3A_248 : vector<16xi32> to vector<16xi32>
      tpu.vector_store %arg12[%swap3A_249], %swap3A_252 {strides = array<i32>} : memref<96xi32, #tpu.memory_space<vmem>>, vector<16xi32>,
      %dma_wait3A_253 = tpu.memref_slice %arg3[%mul3A_140] : memref<60000xi32, #tpu.memory_space<hbm>> -> memref<96xi32, #tpu.memory_space<hbm>>
      %dma_wait3A_254 = tpu.memref_slice %arg3[%mul3A_140] : memref<60000xi32, #tpu.memory_space<hbm>> -> memref<96xi32, #tpu.memory_space<hbm>>
      tpu.wait_dma2 semaphore(%arg22 : memref<!tpu.dma_semaphore, #tpu.memory_space<semaphore_mem>>) src(%dma_wait3A_254 : memref<96xi32, #tpu.memory_space<hbm>>) dst(%arg13 : memref<96xi32, #tpu.memory_space<vmem>>)
      %dma_start3A_255 = arith.constant 0 : i32
      %dma_start3A_256 = arith.constant 0 : i32
      %dma_start3A_257 = tpu.memref_slice %arg2[%dma_start3A_255, %dma_start3A_256] : memref<10000x128xf32, #tpu.memory_space<hbm>> -> memref<10000x128xf32, #tpu.memory_space<hbm>>
      tpu.enqueue_indirect_dma source(%dma_start3A_257 : memref<10000x128xf32, #tpu.memory_space<hbm>>) target(%arg9 : memref<96x128xf32, #tpu.memory_space<vmem>>) offsets(%arg13 : memref<96xi32, #tpu.memory_space<vmem>>) semaphore(%arg17 : memref<!tpu.dma_semaphore, #tpu.memory_space<semaphore_mem>>)
      %dma_wait3A_258 = tpu.memref_slice %arg4[%mul3A_140] : memref<60000xi32, #tpu.memory_space<hbm>> -> memref<96xi32, #tpu.memory_space<hbm>>
      %dma_wait3A_259 = tpu.memref_slice %arg4[%mul3A_140] : memref<60000xi32, #tpu.memory_space<hbm>> -> memref<96xi32, #tpu.memory_space<hbm>>
      tpu.wait_dma2 semaphore(%arg23 : memref<!tpu.dma_semaphore, #tpu.memory_space<semaphore_mem>>) src(%dma_wait3A_259 : memref<96xi32, #tpu.memory_space<hbm>>) dst(%arg14 : memref<96xi32, #tpu.memory_space<vmem>>)
      %get3A_260 = arith.constant 0 : index
      %get3A_261 = tpu.vector_load %arg14[%get3A_260] {strides = array<i32>} : memref<96xi32, #tpu.memory_space<vmem>>, vector<16xi32>,
      %get3A_262 = vector.shape_cast %get3A_261 : vector<16xi32> to vector<16xi32>
      %sub3A_263 = vector.broadcast %mul3A_41 : i32 to vector<16xi32>
      %sub3A_264 = arith.subi %get3A_262, %sub3A_263 : vector<16xi32>
      %ge3A_265 = arith.constant 0 : i32
      %ge3A_266 = vector.broadcast %ge3A_265 : i32 to vector<16xi32>
      %ge3A_267 = arith.cmpi sge, %sub3A_264, %ge3A_266 : vector<16xi32>
      %lt3A_268 = arith.constant 10240 : i32
      %lt3A_269 = vector.broadcast %lt3A_268 : i32 to vector<16xi32>
      %lt3A_270 = arith.cmpi slt, %sub3A_264, %lt3A_269 : vector<16xi32>
      %and3A_271 = arith.andi %ge3A_267, %lt3A_270 : vector<16xi1>
      %select_n3A_272 = arith.select %and3A_271, %sub3A_264, %broadcast_in_dim3A_89 : vector<16xi1>, vector<16xi32>
      %swap3A_273 = arith.constant 0 : index
      %swap3A_274 = tpu.vector_load %arg15[%swap3A_273] {strides = array<i32>} : memref<96xi32, #tpu.memory_space<vmem>>, vector<16xi32>,
      %swap3A_275 = vector.shape_cast %swap3A_274 : vector<16xi32> to vector<16xi32>
      %swap3A_276 = vector.shape_cast %select_n3A_272 : vector<16xi32> to vector<16xi32>
      tpu.vector_store %arg15[%swap3A_273], %swap3A_276 {strides = array<i32>} : memref<96xi32, #tpu.memory_space<vmem>>, vector<16xi32>,
      %get3A_277 = arith.constant 16 : index
      %get3A_278 = tpu.vector_load %arg14[%get3A_277] {strides = array<i32>} : memref<96xi32, #tpu.memory_space<vmem>>, vector<16xi32>,
      %get3A_279 = vector.shape_cast %get3A_278 : vector<16xi32> to vector<16xi32>
      %sub3A_280 = vector.broadcast %mul3A_41 : i32 to vector<16xi32>
      %sub3A_281 = arith.subi %get3A_279, %sub3A_280 : vector<16xi32>
      %ge3A_282 = arith.constant 0 : i32
      %ge3A_283 = vector.broadcast %ge3A_282 : i32 to vector<16xi32>
      %ge3A_284 = arith.cmpi sge, %sub3A_281, %ge3A_283 : vector<16xi32>
      %lt3A_285 = arith.constant 10240 : i32
      %lt3A_286 = vector.broadcast %lt3A_285 : i32 to vector<16xi32>
      %lt3A_287 = arith.cmpi slt, %sub3A_281, %lt3A_286 : vector<16xi32>
      %and3A_288 = arith.andi %ge3A_284, %lt3A_287 : vector<16xi1>
      %select_n3A_289 = arith.select %and3A_288, %sub3A_281, %broadcast_in_dim3A_89 : vector<16xi1>, vector<16xi32>
      %swap3A_290 = arith.constant 16 : index
      %swap3A_291 = tpu.vector_load %arg15[%swap3A_290] {strides = array<i32>} : memref<96xi32, #tpu.memory_space<vmem>>, vector<16xi32>,
      %swap3A_292 = vector.shape_cast %swap3A_291 : vector<16xi32> to vector<16xi32>
      %swap3A_293 = vector.shape_cast %select_n3A_289 : vector<16xi32> to vector<16xi32>
      tpu.vector_store %arg15[%swap3A_290], %swap3A_293 {strides = array<i32>} : memref<96xi32, #tpu.memory_space<vmem>>, vector<16xi32>,
      %get3A_294 = arith.constant 32 : index
      %get3A_295 = tpu.vector_load %arg14[%get3A_294] {strides = array<i32>} : memref<96xi32, #tpu.memory_space<vmem>>, vector<16xi32>,
      %get3A_296 = vector.shape_cast %get3A_295 : vector<16xi32> to vector<16xi32>
      %sub3A_297 = vector.broadcast %mul3A_41 : i32 to vector<16xi32>
      %sub3A_298 = arith.subi %get3A_296, %sub3A_297 : vector<16xi32>
      %ge3A_299 = arith.constant 0 : i32
      %ge3A_300 = vector.broadcast %ge3A_299 : i32 to vector<16xi32>
      %ge3A_301 = arith.cmpi sge, %sub3A_298, %ge3A_300 : vector<16xi32>
      %lt3A_302 = arith.constant 10240 : i32
      %lt3A_303 = vector.broadcast %lt3A_302 : i32 to vector<16xi32>
      %lt3A_304 = arith.cmpi slt, %sub3A_298, %lt3A_303 : vector<16xi32>
      %and3A_305 = arith.andi %ge3A_301, %lt3A_304 : vector<16xi1>
      %select_n3A_306 = arith.select %and3A_305, %sub3A_298, %broadcast_in_dim3A_89 : vector<16xi1>, vector<16xi32>
      %swap3A_307 = arith.constant 32 : index
      %swap3A_308 = tpu.vector_load %arg15[%swap3A_307] {strides = array<i32>} : memref<96xi32, #tpu.memory_space<vmem>>, vector<16xi32>,
      %swap3A_309 = vector.shape_cast %swap3A_308 : vector<16xi32> to vector<16xi32>
      %swap3A_310 = vector.shape_cast %select_n3A_306 : vector<16xi32> to vector<16xi32>
      tpu.vector_store %arg15[%swap3A_307], %swap3A_310 {strides = array<i32>} : memref<96xi32, #tpu.memory_space<vmem>>, vector<16xi32>,
      %get3A_311 = arith.constant 48 : index
      %get3A_312 = tpu.vector_load %arg14[%get3A_311] {strides = array<i32>} : memref<96xi32, #tpu.memory_space<vmem>>, vector<16xi32>,
      %get3A_313 = vector.shape_cast %get3A_312 : vector<16xi32> to vector<16xi32>
      %sub3A_314 = vector.broadcast %mul3A_41 : i32 to vector<16xi32>
      %sub3A_315 = arith.subi %get3A_313, %sub3A_314 : vector<16xi32>
      %ge3A_316 = arith.constant 0 : i32
      %ge3A_317 = vector.broadcast %ge3A_316 : i32 to vector<16xi32>
      %ge3A_318 = arith.cmpi sge, %sub3A_315, %ge3A_317 : vector<16xi32>
      %lt3A_319 = arith.constant 10240 : i32
      %lt3A_320 = vector.broadcast %lt3A_319 : i32 to vector<16xi32>
      %lt3A_321 = arith.cmpi slt, %sub3A_315, %lt3A_320 : vector<16xi32>
      %and3A_322 = arith.andi %ge3A_318, %lt3A_321 : vector<16xi1>
      %select_n3A_323 = arith.select %and3A_322, %sub3A_315, %broadcast_in_dim3A_89 : vector<16xi1>, vector<16xi32>
      %swap3A_324 = arith.constant 48 : index
      %swap3A_325 = tpu.vector_load %arg15[%swap3A_324] {strides = array<i32>} : memref<96xi32, #tpu.memory_space<vmem>>, vector<16xi32>,
      %swap3A_326 = vector.shape_cast %swap3A_325 : vector<16xi32> to vector<16xi32>
      %swap3A_327 = vector.shape_cast %select_n3A_323 : vector<16xi32> to vector<16xi32>
      tpu.vector_store %arg15[%swap3A_324], %swap3A_327 {strides = array<i32>} : memref<96xi32, #tpu.memory_space<vmem>>, vector<16xi32>,
      %get3A_328 = arith.constant 64 : index
      %get3A_329 = tpu.vector_load %arg14[%get3A_328] {strides = array<i32>} : memref<96xi32, #tpu.memory_space<vmem>>, vector<16xi32>,
      %get3A_330 = vector.shape_cast %get3A_329 : vector<16xi32> to vector<16xi32>
      %sub3A_331 = vector.broadcast %mul3A_41 : i32 to vector<16xi32>
      %sub3A_332 = arith.subi %get3A_330, %sub3A_331 : vector<16xi32>
      %ge3A_333 = arith.constant 0 : i32
      %ge3A_334 = vector.broadcast %ge3A_333 : i32 to vector<16xi32>
      %ge3A_335 = arith.cmpi sge, %sub3A_332, %ge3A_334 : vector<16xi32>
      %lt3A_336 = arith.constant 10240 : i32
      %lt3A_337 = vector.broadcast %lt3A_336 : i32 to vector<16xi32>
      %lt3A_338 = arith.cmpi slt, %sub3A_332, %lt3A_337 : vector<16xi32>
      %and3A_339 = arith.andi %ge3A_335, %lt3A_338 : vector<16xi1>
      %select_n3A_340 = arith.select %and3A_339, %sub3A_332, %broadcast_in_dim3A_89 : vector<16xi1>, vector<16xi32>
      %swap3A_341 = arith.constant 64 : index
      %swap3A_342 = tpu.vector_load %arg15[%swap3A_341] {strides = array<i32>} : memref<96xi32, #tpu.memory_space<vmem>>, vector<16xi32>,
      %swap3A_343 = vector.shape_cast %swap3A_342 : vector<16xi32> to vector<16xi32>
      %swap3A_344 = vector.shape_cast %select_n3A_340 : vector<16xi32> to vector<16xi32>
      tpu.vector_store %arg15[%swap3A_341], %swap3A_344 {strides = array<i32>} : memref<96xi32, #tpu.memory_space<vmem>>, vector<16xi32>,
      %get3A_345 = arith.constant 80 : index
      %get3A_346 = tpu.vector_load %arg14[%get3A_345] {strides = array<i32>} : memref<96xi32, #tpu.memory_space<vmem>>, vector<16xi32>,
      %get3A_347 = vector.shape_cast %get3A_346 : vector<16xi32> to vector<16xi32>
      %sub3A_348 = vector.broadcast %mul3A_41 : i32 to vector<16xi32>
      %sub3A_349 = arith.subi %get3A_347, %sub3A_348 : vector<16xi32>
      %ge3A_350 = arith.constant 0 : i32
      %ge3A_351 = vector.broadcast %ge3A_350 : i32 to vector<16xi32>
      %ge3A_352 = arith.cmpi sge, %sub3A_349, %ge3A_351 : vector<16xi32>
      %lt3A_353 = arith.constant 10240 : i32
      %lt3A_354 = vector.broadcast %lt3A_353 : i32 to vector<16xi32>
      %lt3A_355 = arith.cmpi slt, %sub3A_349, %lt3A_354 : vector<16xi32>
      %and3A_356 = arith.andi %ge3A_352, %lt3A_355 : vector<16xi1>
      %select_n3A_357 = arith.select %and3A_356, %sub3A_349, %broadcast_in_dim3A_89 : vector<16xi1>, vector<16xi32>
      %swap3A_358 = arith.constant 80 : index
      %swap3A_359 = tpu.vector_load %arg15[%swap3A_358] {strides = array<i32>} : memref<96xi32, #tpu.memory_space<vmem>>, vector<16xi32>,
      %swap3A_360 = vector.shape_cast %swap3A_359 : vector<16xi32> to vector<16xi32>
      %swap3A_361 = vector.shape_cast %select_n3A_357 : vector<16xi32> to vector<16xi32>
      tpu.vector_store %arg15[%swap3A_358], %swap3A_361 {strides = array<i32>} : memref<96xi32, #tpu.memory_space<vmem>>, vector<16xi32>,
      %dma_wait3A_362 = arith.constant 0 : i32
      %dma_wait3A_363 = arith.constant 0 : i32
      %dma_wait3A_364 = tpu.memref_slice %arg2[%dma_wait3A_362, %dma_wait3A_363] : memref<10000x128xf32, #tpu.memory_space<hbm>> -> memref<10000x128xf32, #tpu.memory_space<hbm>>
      tpu.wait_indirect_dma semaphore(%arg16 : memref<!tpu.dma_semaphore, #tpu.memory_space<semaphore_mem>>) src(%dma_wait3A_364 : memref<10000x128xf32, #tpu.memory_space<hbm>>) dst(%arg8 : memref<96x128xf32, #tpu.memory_space<vmem>>)
      %dma_start3A_365 = arith.constant 0 : i32
      %dma_start3A_366 = arith.constant 0 : i32
      %dma_start3A_367 = tpu.memref_slice %arg6[%dma_start3A_365, %dma_start3A_366] : memref<10368x128xf32, #tpu.memory_space<vmem_shared>> -> memref<10368x128xf32, #tpu.memory_space<vmem_shared>>
      tpu.enqueue_indirect_dma source(%arg8 : memref<96x128xf32, #tpu.memory_space<vmem>>) target(%dma_start3A_367 : memref<10368x128xf32, #tpu.memory_space<vmem_shared>>) offsets(%arg12 : memref<96xi32, #tpu.memory_space<vmem>>) semaphore(%arg18 : memref<!tpu.dma_semaphore, #tpu.memory_space<semaphore_mem>>) {add = true}
      %dma_wait3A_368 = arith.constant 0 : i32
      %dma_wait3A_369 = arith.constant 0 : i32
      %dma_wait3A_370 = tpu.memref_slice %arg2[%dma_wait3A_368, %dma_wait3A_369] : memref<10000x128xf32, #tpu.memory_space<hbm>> -> memref<10000x128xf32, #tpu.memory_space<hbm>>
      tpu.wait_indirect_dma semaphore(%arg17 : memref<!tpu.dma_semaphore, #tpu.memory_space<semaphore_mem>>) src(%dma_wait3A_370 : memref<10000x128xf32, #tpu.memory_space<hbm>>) dst(%arg9 : memref<96x128xf32, #tpu.memory_space<vmem>>)
      %dma_start3A_371 = arith.constant 0 : i32
      %dma_start3A_372 = arith.constant 0 : i32
      %dma_start3A_373 = tpu.memref_slice %arg6[%dma_start3A_371, %dma_start3A_372] : memref<10368x128xf32, #tpu.memory_space<vmem_shared>> -> memref<10368x128xf32, #tpu.memory_space<vmem_shared>>
      tpu.enqueue_indirect_dma source(%arg9 : memref<96x128xf32, #tpu.memory_space<vmem>>) target(%dma_start3A_373 : memref<10368x128xf32, #tpu.memory_space<vmem_shared>>) offsets(%arg15 : memref<96xi32, #tpu.memory_space<vmem>>) semaphore(%arg19 : memref<!tpu.dma_semaphore, #tpu.memory_space<semaphore_mem>>) {add = true}
      %dma_wait3A_374 = arith.constant 0 : i32
      %dma_wait3A_375 = arith.constant 0 : i32
      %dma_wait3A_376 = tpu.memref_slice %arg6[%dma_wait3A_374, %dma_wait3A_375] : memref<10368x128xf32, #tpu.memory_space<vmem_shared>> -> memref<10368x128xf32, #tpu.memory_space<vmem_shared>>
      tpu.wait_indirect_dma semaphore(%arg18 : memref<!tpu.dma_semaphore, #tpu.memory_space<semaphore_mem>>) src(%arg8 : memref<96x128xf32, #tpu.memory_space<vmem>>) dst(%dma_wait3A_376 : memref<10368x128xf32, #tpu.memory_space<vmem_shared>>)
      %dma_wait3A_377 = arith.constant 0 : i32
      %dma_wait3A_378 = arith.constant 0 : i32
      %dma_wait3A_379 = tpu.memref_slice %arg6[%dma_wait3A_377, %dma_wait3A_378] : memref<10368x128xf32, #tpu.memory_space<vmem_shared>> -> memref<10368x128xf32, #tpu.memory_space<vmem_shared>>
      tpu.wait_indirect_dma semaphore(%arg19 : memref<!tpu.dma_semaphore, #tpu.memory_space<semaphore_mem>>) src(%arg9 : memref<96x128xf32, #tpu.memory_space<vmem>>) dst(%dma_wait3A_379 : memref<10368x128xf32, #tpu.memory_space<vmem_shared>>)
    }
    %while3A_98 = arith.constant 1 : i32
    scf.for %while3A_124 = %while3A_96 to %while3A_92 step %while3A_98  : i32 {
      %mul3A_125 = arith.constant 2 : i32
      %mul3A_126 = arith.muli %mul3A_125, %while3A_124 : i32
      %mul3A_127 = arith.constant 16 : i32
      %mul3A_128 = arith.muli %mul3A_127, %mul3A_126 : i32
      %add3A_129 = arith.addi %arg1, %mul3A_128 : i32
      %mul3A_130 = arith.constant 96 : i32
      %mul3A_131 = arith.muli %add3A_129, %mul3A_130 : i32
      %mul3A_132 = arith.constant 2 : i32
      %mul3A_133 = arith.muli %mul3A_132, %while3A_124 : i32
      %add3A_134 = arith.constant 1 : i32
      %add3A_135 = arith.addi %mul3A_133, %add3A_134 : i32
      %mul3A_136 = arith.constant 16 : i32
      %mul3A_137 = arith.muli %mul3A_136, %add3A_135 : i32
      %add3A_138 = arith.addi %arg1, %mul3A_137 : i32
      %mul3A_139 = arith.constant 96 : i32
      %mul3A_140 = arith.muli %add3A_138, %mul3A_139 : i32
      %dma_start3A = tpu.memref_slice %arg3[%mul3A_131] : memref<60000xi32, #tpu.memory_space<hbm>> -> memref<96xi32, #tpu.memory_space<hbm>>
      %dma_start3A_141 = tpu.memref_slice %arg3[%mul3A_131] : memref<60000xi32, #tpu.memory_space<hbm>> -> memref<96xi32, #tpu.memory_space<hbm>>
      tpu.enqueue_dma source(%dma_start3A_141 : memref<96xi32, #tpu.memory_space<hbm>>) target(%arg10 : memref<96xi32, #tpu.memory_space<vmem>>) target_semaphore(%arg20 : memref<!tpu.dma_semaphore, #tpu.memory_space<semaphore_mem>>)
      %dma_start3A_142 = tpu.memref_slice %arg4[%mul3A_131] : memref<60000xi32, #tpu.memory_space<hbm>> -> memref<96xi32, #tpu.memory_space<hbm>>
      %dma_start3A_143 = tpu.memref_slice %arg4[%mul3A_131] : memref<60000xi32, #tpu.memory_space<hbm>> -> memref<96xi32, #tpu.memory_space<hbm>>
      tpu.enqueue_dma source(%dma_start3A_143 : memref<96xi32, #tpu.memory_space<hbm>>) target(%arg11 : memref<96xi32, #tpu.memory_space<vmem>>) target_semaphore(%arg21 : memref<!tpu.dma_semaphore, #tpu.memory_space<semaphore_mem>>)
      %dma_start3A_144 = tpu.memref_slice %arg3[%mul3A_140] : memref<60000xi32, #tpu.memory_space<hbm>> -> memref<96xi32, #tpu.memory_space<hbm>>
      %dma_start3A_145 = tpu.memref_slice %arg3[%mul3A_140] : memref<60000xi32, #tpu.memory_space<hbm>> -> memref<96xi32, #tpu.memory_space<hbm>>
      tpu.enqueue_dma source(%dma_start3A_145 : memref<96xi32, #tpu.memory_space<hbm>>) target(%arg13 : memref<96xi32, #tpu.memory_space<vmem>>) target_semaphore(%arg22 : memref<!tpu.dma_semaphore, #tpu.memory_space<semaphore_mem>>)
      %dma_start3A_146 = tpu.memref_slice %arg4[%mul3A_140] : memref<60000xi32, #tpu.memory_space<hbm>> -> memref<96xi32, #tpu.memory_space<hbm>>
      %dma_start3A_147 = tpu.memref_slice %arg4[%mul3A_140] : memref<60000xi32, #tpu.memory_space<hbm>> -> memref<96xi32, #tpu.memory_space<hbm>>
      tpu.enqueue_dma source(%dma_start3A_147 : memref<96xi32, #tpu.memory_space<hbm>>) target(%arg14 : memref<96xi32, #tpu.memory_space<vmem>>) target_semaphore(%arg23 : memref<!tpu.dma_semaphore, #tpu.memory_space<semaphore_mem>>)
      %dma_wait3A = tpu.memref_slice %arg3[%mul3A_131] : memref<60000xi32, #tpu.memory_space<hbm>> -> memref<96xi32, #tpu.memory_space<hbm>>
      %dma_wait3A_148 = tpu.memref_slice %arg3[%mul3A_131] : memref<60000xi32, #tpu.memory_space<hbm>> -> memref<96xi32, #tpu.memory_space<hbm>>
      tpu.wait_dma2 semaphore(%arg20 : memref<!tpu.dma_semaphore, #tpu.memory_space<semaphore_mem>>) src(%dma_wait3A_148 : memref<96xi32, #tpu.memory_space<hbm>>) dst(%arg10 : memref<96xi32, #tpu.memory_space<vmem>>)
      %dma_start3A_149 = arith.constant 0 : i32
      %dma_start3A_150 = arith.constant 0 : i32
      %dma_start3A_151 = tpu.memref_slice %arg2[%dma_start3A_149, %dma_start3A_150] : memref<10000x128xf32, #tpu.memory_space<hbm>> -> memref<10000x128xf32, #tpu.memory_space<hbm>>
      tpu.enqueue_indirect_dma source(%dma_start3A_151 : memref<10000x128xf32, #tpu.memory_space<hbm>>) target(%arg8 : memref<96x128xf32, #tpu.memory_space<vmem>>) offsets(%arg10 : memref<96xi32, #tpu.memory_space<vmem>>) semaphore(%arg16 : memref<!tpu.dma_semaphore, #tpu.memory_space<semaphore_mem>>)
      %dma_wait3A_152 = tpu.memref_slice %arg4[%mul3A_131] : memref<60000xi32, #tpu.memory_space<hbm>> -> memref<96xi32, #tpu.memory_space<hbm>>
      %dma_wait3A_153 = tpu.memref_slice %arg4[%mul3A_131] : memref<60000xi32, #tpu.memory_space<hbm>> -> memref<96xi32, #tpu.memory_space<hbm>>
      tpu.wait_dma2 semaphore(%arg21 : memref<!tpu.dma_semaphore, #tpu.memory_space<semaphore_mem>>) src(%dma_wait3A_153 : memref<96xi32, #tpu.memory_space<hbm>>) dst(%arg11 : memref<96xi32, #tpu.memory_space<vmem>>)
      %get3A = arith.constant 0 : index
      %get3A_154 = tpu.vector_load %arg11[%get3A] {strides = array<i32>} : memref<96xi32, #tpu.memory_space<vmem>>, vector<16xi32>,
      %get3A_155 = vector.shape_cast %get3A_154 : vector<16xi32> to vector<16xi32>
      %sub3A_156 = vector.broadcast %mul3A_41 : i32 to vector<16xi32>
      %sub3A_157 = arith.subi %get3A_155, %sub3A_156 : vector<16xi32>
      %ge3A = arith.constant 0 : i32
      %ge3A_158 = vector.broadcast %ge3A : i32 to vector<16xi32>
      %ge3A_159 = arith.cmpi sge, %sub3A_157, %ge3A_158 : vector<16xi32>
      %lt3A_160 = arith.constant 10240 : i32
      %lt3A_161 = vector.broadcast %lt3A_160 : i32 to vector<16xi32>
      %lt3A_162 = arith.cmpi slt, %sub3A_157, %lt3A_161 : vector<16xi32>
      %and3A_163 = arith.andi %ge3A_159, %lt3A_162 : vector<16xi1>
      %select_n3A_164 = arith.select %and3A_163, %sub3A_157, %broadcast_in_dim3A_89 : vector<16xi1>, vector<16xi32>
      %swap3A = arith.constant 0 : index
      %swap3A_165 = tpu.vector_load %arg12[%swap3A] {strides = array<i32>} : memref<96xi32, #tpu.memory_space<vmem>>, vector<16xi32>,
      %swap3A_166 = vector.shape_cast %swap3A_165 : vector<16xi32> to vector<16xi32>
      %swap3A_167 = vector.shape_cast %select_n3A_164 : vector<16xi32> to vector<16xi32>
      tpu.vector_store %arg12[%swap3A], %swap3A_167 {strides = array<i32>} : memref<96xi32, #tpu.memory_space<vmem>>, vector<16xi32>,
      %get3A_168 = arith.constant 16 : index
      %get3A_169 = tpu.vector_load %arg11[%get3A_168] {strides = array<i32>} : memref<96xi32, #tpu.memory_space<vmem>>, vector<16xi32>,
      %get3A_170 = vector.shape_cast %get3A_169 : vector<16xi32> to vector<16xi32>
      %sub3A_171 = vector.broadcast %mul3A_41 : i32 to vector<16xi32>
      %sub3A_172 = arith.subi %get3A_170, %sub3A_171 : vector<16xi32>
      %ge3A_173 = arith.constant 0 : i32
      %ge3A_174 = vector.broadcast %ge3A_173 : i32 to vector<16xi32>
      %ge3A_175 = arith.cmpi sge, %sub3A_172, %ge3A_174 : vector<16xi32>
      %lt3A_176 = arith.constant 10240 : i32
      %lt3A_177 = vector.broadcast %lt3A_176 : i32 to vector<16xi32>
      %lt3A_178 = arith.cmpi slt, %sub3A_172, %lt3A_177 : vector<16xi32>
      %and3A_179 = arith.andi %ge3A_175, %lt3A_178 : vector<16xi1>
      %select_n3A_180 = arith.select %and3A_179, %sub3A_172, %broadcast_in_dim3A_89 : vector<16xi1>, vector<16xi32>
      %swap3A_181 = arith.constant 16 : index
      %swap3A_182 = tpu.vector_load %arg12[%swap3A_181] {strides = array<i32>} : memref<96xi32, #tpu.memory_space<vmem>>, vector<16xi32>,
      %swap3A_183 = vector.shape_cast %swap3A_182 : vector<16xi32> to vector<16xi32>
      %swap3A_184 = vector.shape_cast %select_n3A_180 : vector<16xi32> to vector<16xi32>
      tpu.vector_store %arg12[%swap3A_181], %swap3A_184 {strides = array<i32>} : memref<96xi32, #tpu.memory_space<vmem>>, vector<16xi32>,
      %get3A_185 = arith.constant 32 : index
      %get3A_186 = tpu.vector_load %arg11[%get3A_185] {strides = array<i32>} : memref<96xi32, #tpu.memory_space<vmem>>, vector<16xi32>,
      %get3A_187 = vector.shape_cast %get3A_186 : vector<16xi32> to vector<16xi32>
      %sub3A_188 = vector.broadcast %mul3A_41 : i32 to vector<16xi32>
      %sub3A_189 = arith.subi %get3A_187, %sub3A_188 : vector<16xi32>
      %ge3A_190 = arith.constant 0 : i32
      %ge3A_191 = vector.broadcast %ge3A_190 : i32 to vector<16xi32>
      %ge3A_192 = arith.cmpi sge, %sub3A_189, %ge3A_191 : vector<16xi32>
      %lt3A_193 = arith.constant 10240 : i32
      %lt3A_194 = vector.broadcast %lt3A_193 : i32 to vector<16xi32>
      %lt3A_195 = arith.cmpi slt, %sub3A_189, %lt3A_194 : vector<16xi32>
      %and3A_196 = arith.andi %ge3A_192, %lt3A_195 : vector<16xi1>
      %select_n3A_197 = arith.select %and3A_196, %sub3A_189, %broadcast_in_dim3A_89 : vector<16xi1>, vector<16xi32>
      %swap3A_198 = arith.constant 32 : index
      %swap3A_199 = tpu.vector_load %arg12[%swap3A_198] {strides = array<i32>} : memref<96xi32, #tpu.memory_space<vmem>>, vector<16xi32>,
      %swap3A_200 = vector.shape_cast %swap3A_199 : vector<16xi32> to vector<16xi32>
      %swap3A_201 = vector.shape_cast %select_n3A_197 : vector<16xi32> to vector<16xi32>
      tpu.vector_store %arg12[%swap3A_198], %swap3A_201 {strides = array<i32>} : memref<96xi32, #tpu.memory_space<vmem>>, vector<16xi32>,
      %get3A_202 = arith.constant 48 : index
      %get3A_203 = tpu.vector_load %arg11[%get3A_202] {strides = array<i32>} : memref<96xi32, #tpu.memory_space<vmem>>, vector<16xi32>,
      %get3A_204 = vector.shape_cast %get3A_203 : vector<16xi32> to vector<16xi32>
      %sub3A_205 = vector.broadcast %mul3A_41 : i32 to vector<16xi32>
      %sub3A_206 = arith.subi %get3A_204, %sub3A_205 : vector<16xi32>
      %ge3A_207 = arith.constant 0 : i32
      %ge3A_208 = vector.broadcast %ge3A_207 : i32 to vector<16xi32>
      %ge3A_209 = arith.cmpi sge, %sub3A_206, %ge3A_208 : vector<16xi32>
      %lt3A_210 = arith.constant 10240 : i32
      %lt3A_211 = vector.broadcast %lt3A_210 : i32 to vector<16xi32>
      %lt3A_212 = arith.cmpi slt, %sub3A_206, %lt3A_211 : vector<16xi32>
      %and3A_213 = arith.andi %ge3A_209, %lt3A_212 : vector<16xi1>
      %select_n3A_214 = arith.select %and3A_213, %sub3A_206, %broadcast_in_dim3A_89 : vector<16xi1>, vector<16xi32>
      %swap3A_215 = arith.constant 48 : index
      %swap3A_216 = tpu.vector_load %arg12[%swap3A_215] {strides = array<i32>} : memref<96xi32, #tpu.memory_space<vmem>>, vector<16xi32>,
      %swap3A_217 = vector.shape_cast %swap3A_216 : vector<16xi32> to vector<16xi32>
      %swap3A_218 = vector.shape_cast %select_n3A_214 : vector<16xi32> to vector<16xi32>
      tpu.vector_store %arg12[%swap3A_215], %swap3A_218 {strides = array<i32>} : memref<96xi32, #tpu.memory_space<vmem>>, vector<16xi32>,
      %get3A_219 = arith.constant 64 : index
      %get3A_220 = tpu.vector_load %arg11[%get3A_219] {strides = array<i32>} : memref<96xi32, #tpu.memory_space<vmem>>, vector<16xi32>,
      %get3A_221 = vector.shape_cast %get3A_220 : vector<16xi32> to vector<16xi32>
      %sub3A_222 = vector.broadcast %mul3A_41 : i32 to vector<16xi32>
      %sub3A_223 = arith.subi %get3A_221, %sub3A_222 : vector<16xi32>
      %ge3A_224 = arith.constant 0 : i32
      %ge3A_225 = vector.broadcast %ge3A_224 : i32 to vector<16xi32>
      %ge3A_226 = arith.cmpi sge, %sub3A_223, %ge3A_225 : vector<16xi32>
      %lt3A_227 = arith.constant 10240 : i32
      %lt3A_228 = vector.broadcast %lt3A_227 : i32 to vector<16xi32>
      %lt3A_229 = arith.cmpi slt, %sub3A_223, %lt3A_228 : vector<16xi32>
      %and3A_230 = arith.andi %ge3A_226, %lt3A_229 : vector<16xi1>
      %select_n3A_231 = arith.select %and3A_230, %sub3A_223, %broadcast_in_dim3A_89 : vector<16xi1>, vector<16xi32>
      %swap3A_232 = arith.constant 64 : index
      %swap3A_233 = tpu.vector_load %arg12[%swap3A_232] {strides = array<i32>} : memref<96xi32, #tpu.memory_space<vmem>>, vector<16xi32>,
      %swap3A_234 = vector.shape_cast %swap3A_233 : vector<16xi32> to vector<16xi32>
      %swap3A_235 = vector.shape_cast %select_n3A_231 : vector<16xi32> to vector<16xi32>
      tpu.vector_store %arg12[%swap3A_232], %swap3A_235 {strides = array<i32>} : memref<96xi32, #tpu.memory_space<vmem>>, vector<16xi32>,
      %get3A_236 = arith.constant 80 : index
      %get3A_237 = tpu.vector_load %arg11[%get3A_236] {strides = array<i32>} : memref<96xi32, #tpu.memory_space<vmem>>, vector<16xi32>,
      %get3A_238 = vector.shape_cast %get3A_237 : vector<16xi32> to vector<16xi32>
      %sub3A_239 = vector.broadcast %mul3A_41 : i32 to vector<16xi32>
      %sub3A_240 = arith.subi %get3A_238, %sub3A_239 : vector<16xi32>
      %ge3A_241 = arith.constant 0 : i32
      %ge3A_242 = vector.broadcast %ge3A_241 : i32 to vector<16xi32>
      %ge3A_243 = arith.cmpi sge, %sub3A_240, %ge3A_242 : vector<16xi32>
      %lt3A_244 = arith.constant 10240 : i32
      %lt3A_245 = vector.broadcast %lt3A_244 : i32 to vector<16xi32>
      %lt3A_246 = arith.cmpi slt, %sub3A_240, %lt3A_245 : vector<16xi32>
      %and3A_247 = arith.andi %ge3A_243, %lt3A_246 : vector<16xi1>
      %select_n3A_248 = arith.select %and3A_247, %sub3A_240, %broadcast_in_dim3A_89 : vector<16xi1>, vector<16xi32>
      %swap3A_249 = arith.constant 80 : index
      %swap3A_250 = tpu.vector_load %arg12[%swap3A_249] {strides = array<i32>} : memref<96xi32, #tpu.memory_space<vmem>>, vector<16xi32>,
      %swap3A_251 = vector.shape_cast %swap3A_250 : vector<16xi32> to vector<16xi32>
      %swap3A_252 = vector.shape_cast %select_n3A_248 : vector<16xi32> to vector<16xi32>
      tpu.vector_store %arg12[%swap3A_249], %swap3A_252 {strides = array<i32>} : memref<96xi32, #tpu.memory_space<vmem>>, vector<16xi32>,
      %dma_wait3A_253 = tpu.memref_slice %arg3[%mul3A_140] : memref<60000xi32, #tpu.memory_space<hbm>> -> memref<96xi32, #tpu.memory_space<hbm>>
      %dma_wait3A_254 = tpu.memref_slice %arg3[%mul3A_140] : memref<60000xi32, #tpu.memory_space<hbm>> -> memref<96xi32, #tpu.memory_space<hbm>>
      tpu.wait_dma2 semaphore(%arg22 : memref<!tpu.dma_semaphore, #tpu.memory_space<semaphore_mem>>) src(%dma_wait3A_254 : memref<96xi32, #tpu.memory_space<hbm>>) dst(%arg13 : memref<96xi32, #tpu.memory_space<vmem>>)
      %dma_start3A_255 = arith.constant 0 : i32
      %dma_start3A_256 = arith.constant 0 : i32
      %dma_start3A_257 = tpu.memref_slice %arg2[%dma_start3A_255, %dma_start3A_256] : memref<10000x128xf32, #tpu.memory_space<hbm>> -> memref<10000x128xf32, #tpu.memory_space<hbm>>
      tpu.enqueue_indirect_dma source(%dma_start3A_257 : memref<10000x128xf32, #tpu.memory_space<hbm>>) target(%arg9 : memref<96x128xf32, #tpu.memory_space<vmem>>) offsets(%arg13 : memref<96xi32, #tpu.memory_space<vmem>>) semaphore(%arg17 : memref<!tpu.dma_semaphore, #tpu.memory_space<semaphore_mem>>)
      %dma_wait3A_258 = tpu.memref_slice %arg4[%mul3A_140] : memref<60000xi32, #tpu.memory_space<hbm>> -> memref<96xi32, #tpu.memory_space<hbm>>
      %dma_wait3A_259 = tpu.memref_slice %arg4[%mul3A_140] : memref<60000xi32, #tpu.memory_space<hbm>> -> memref<96xi32, #tpu.memory_space<hbm>>
      tpu.wait_dma2 semaphore(%arg23 : memref<!tpu.dma_semaphore, #tpu.memory_space<semaphore_mem>>) src(%dma_wait3A_259 : memref<96xi32, #tpu.memory_space<hbm>>) dst(%arg14 : memref<96xi32, #tpu.memory_space<vmem>>)
      %get3A_260 = arith.constant 0 : index
      %get3A_261 = tpu.vector_load %arg14[%get3A_260] {strides = array<i32>} : memref<96xi32, #tpu.memory_space<vmem>>, vector<16xi32>,
      %get3A_262 = vector.shape_cast %get3A_261 : vector<16xi32> to vector<16xi32>
      %sub3A_263 = vector.broadcast %mul3A_41 : i32 to vector<16xi32>
      %sub3A_264 = arith.subi %get3A_262, %sub3A_263 : vector<16xi32>
      %ge3A_265 = arith.constant 0 : i32
      %ge3A_266 = vector.broadcast %ge3A_265 : i32 to vector<16xi32>
      %ge3A_267 = arith.cmpi sge, %sub3A_264, %ge3A_266 : vector<16xi32>
      %lt3A_268 = arith.constant 10240 : i32
      %lt3A_269 = vector.broadcast %lt3A_268 : i32 to vector<16xi32>
      %lt3A_270 = arith.cmpi slt, %sub3A_264, %lt3A_269 : vector<16xi32>
      %and3A_271 = arith.andi %ge3A_267, %lt3A_270 : vector<16xi1>
      %select_n3A_272 = arith.select %and3A_271, %sub3A_264, %broadcast_in_dim3A_89 : vector<16xi1>, vector<16xi32>
      %swap3A_273 = arith.constant 0 : index
      %swap3A_274 = tpu.vector_load %arg15[%swap3A_273] {strides = array<i32>} : memref<96xi32, #tpu.memory_space<vmem>>, vector<16xi32>,
      %swap3A_275 = vector.shape_cast %swap3A_274 : vector<16xi32> to vector<16xi32>
      %swap3A_276 = vector.shape_cast %select_n3A_272 : vector<16xi32> to vector<16xi32>
      tpu.vector_store %arg15[%swap3A_273], %swap3A_276 {strides = array<i32>} : memref<96xi32, #tpu.memory_space<vmem>>, vector<16xi32>,
      %get3A_277 = arith.constant 16 : index
      %get3A_278 = tpu.vector_load %arg14[%get3A_277] {strides = array<i32>} : memref<96xi32, #tpu.memory_space<vmem>>, vector<16xi32>,
      %get3A_279 = vector.shape_cast %get3A_278 : vector<16xi32> to vector<16xi32>
      %sub3A_280 = vector.broadcast %mul3A_41 : i32 to vector<16xi32>
      %sub3A_281 = arith.subi %get3A_279, %sub3A_280 : vector<16xi32>
      %ge3A_282 = arith.constant 0 : i32
      %ge3A_283 = vector.broadcast %ge3A_282 : i32 to vector<16xi32>
      %ge3A_284 = arith.cmpi sge, %sub3A_281, %ge3A_283 : vector<16xi32>
      %lt3A_285 = arith.constant 10240 : i32
      %lt3A_286 = vector.broadcast %lt3A_285 : i32 to vector<16xi32>
      %lt3A_287 = arith.cmpi slt, %sub3A_281, %lt3A_286 : vector<16xi32>
      %and3A_288 = arith.andi %ge3A_284, %lt3A_287 : vector<16xi1>
      %select_n3A_289 = arith.select %and3A_288, %sub3A_281, %broadcast_in_dim3A_89 : vector<16xi1>, vector<16xi32>
      %swap3A_290 = arith.constant 16 : index
      %swap3A_291 = tpu.vector_load %arg15[%swap3A_290] {strides = array<i32>} : memref<96xi32, #tpu.memory_space<vmem>>, vector<16xi32>,
      %swap3A_292 = vector.shape_cast %swap3A_291 : vector<16xi32> to vector<16xi32>
      %swap3A_293 = vector.shape_cast %select_n3A_289 : vector<16xi32> to vector<16xi32>
      tpu.vector_store %arg15[%swap3A_290], %swap3A_293 {strides = array<i32>} : memref<96xi32, #tpu.memory_space<vmem>>, vector<16xi32>,
      %get3A_294 = arith.constant 32 : index
      %get3A_295 = tpu.vector_load %arg14[%get3A_294] {strides = array<i32>} : memref<96xi32, #tpu.memory_space<vmem>>, vector<16xi32>,
      %get3A_296 = vector.shape_cast %get3A_295 : vector<16xi32> to vector<16xi32>
      %sub3A_297 = vector.broadcast %mul3A_41 : i32 to vector<16xi32>
      %sub3A_298 = arith.subi %get3A_296, %sub3A_297 : vector<16xi32>
      %ge3A_299 = arith.constant 0 : i32
      %ge3A_300 = vector.broadcast %ge3A_299 : i32 to vector<16xi32>
      %ge3A_301 = arith.cmpi sge, %sub3A_298, %ge3A_300 : vector<16xi32>
      %lt3A_302 = arith.constant 10240 : i32
      %lt3A_303 = vector.broadcast %lt3A_302 : i32 to vector<16xi32>
      %lt3A_304 = arith.cmpi slt, %sub3A_298, %lt3A_303 : vector<16xi32>
      %and3A_305 = arith.andi %ge3A_301, %lt3A_304 : vector<16xi1>
      %select_n3A_306 = arith.select %and3A_305, %sub3A_298, %broadcast_in_dim3A_89 : vector<16xi1>, vector<16xi32>
      %swap3A_307 = arith.constant 32 : index
      %swap3A_308 = tpu.vector_load %arg15[%swap3A_307] {strides = array<i32>} : memref<96xi32, #tpu.memory_space<vmem>>, vector<16xi32>,
      %swap3A_309 = vector.shape_cast %swap3A_308 : vector<16xi32> to vector<16xi32>
      %swap3A_310 = vector.shape_cast %select_n3A_306 : vector<16xi32> to vector<16xi32>
      tpu.vector_store %arg15[%swap3A_307], %swap3A_310 {strides = array<i32>} : memref<96xi32, #tpu.memory_space<vmem>>, vector<16xi32>,
      %get3A_311 = arith.constant 48 : index
      %get3A_312 = tpu.vector_load %arg14[%get3A_311] {strides = array<i32>} : memref<96xi32, #tpu.memory_space<vmem>>, vector<16xi32>,
      %get3A_313 = vector.shape_cast %get3A_312 : vector<16xi32> to vector<16xi32>
      %sub3A_314 = vector.broadcast %mul3A_41 : i32 to vector<16xi32>
      %sub3A_315 = arith.subi %get3A_313, %sub3A_314 : vector<16xi32>
      %ge3A_316 = arith.constant 0 : i32
      %ge3A_317 = vector.broadcast %ge3A_316 : i32 to vector<16xi32>
      %ge3A_318 = arith.cmpi sge, %sub3A_315, %ge3A_317 : vector<16xi32>
      %lt3A_319 = arith.constant 10240 : i32
      %lt3A_320 = vector.broadcast %lt3A_319 : i32 to vector<16xi32>
      %lt3A_321 = arith.cmpi slt, %sub3A_315, %lt3A_320 : vector<16xi32>
      %and3A_322 = arith.andi %ge3A_318, %lt3A_321 : vector<16xi1>
      %select_n3A_323 = arith.select %and3A_322, %sub3A_315, %broadcast_in_dim3A_89 : vector<16xi1>, vector<16xi32>
      %swap3A_324 = arith.constant 48 : index
      %swap3A_325 = tpu.vector_load %arg15[%swap3A_324] {strides = array<i32>} : memref<96xi32, #tpu.memory_space<vmem>>, vector<16xi32>,
      %swap3A_326 = vector.shape_cast %swap3A_325 : vector<16xi32> to vector<16xi32>
      %swap3A_327 = vector.shape_cast %select_n3A_323 : vector<16xi32> to vector<16xi32>
      tpu.vector_store %arg15[%swap3A_324], %swap3A_327 {strides = array<i32>} : memref<96xi32, #tpu.memory_space<vmem>>, vector<16xi32>,
      %get3A_328 = arith.constant 64 : index
      %get3A_329 = tpu.vector_load %arg14[%get3A_328] {strides = array<i32>} : memref<96xi32, #tpu.memory_space<vmem>>, vector<16xi32>,
      %get3A_330 = vector.shape_cast %get3A_329 : vector<16xi32> to vector<16xi32>
      %sub3A_331 = vector.broadcast %mul3A_41 : i32 to vector<16xi32>
      %sub3A_332 = arith.subi %get3A_330, %sub3A_331 : vector<16xi32>
      %ge3A_333 = arith.constant 0 : i32
      %ge3A_334 = vector.broadcast %ge3A_333 : i32 to vector<16xi32>
      %ge3A_335 = arith.cmpi sge, %sub3A_332, %ge3A_334 : vector<16xi32>
      %lt3A_336 = arith.constant 10240 : i32
      %lt3A_337 = vector.broadcast %lt3A_336 : i32 to vector<16xi32>
      %lt3A_338 = arith.cmpi slt, %sub3A_332, %lt3A_337 : vector<16xi32>
      %and3A_339 = arith.andi %ge3A_335, %lt3A_338 : vector<16xi1>
      %select_n3A_340 = arith.select %and3A_339, %sub3A_332, %broadcast_in_dim3A_89 : vector<16xi1>, vector<16xi32>
      %swap3A_341 = arith.constant 64 : index
      %swap3A_342 = tpu.vector_load %arg15[%swap3A_341] {strides = array<i32>} : memref<96xi32, #tpu.memory_space<vmem>>, vector<16xi32>,
      %swap3A_343 = vector.shape_cast %swap3A_342 : vector<16xi32> to vector<16xi32>
      %swap3A_344 = vector.shape_cast %select_n3A_340 : vector<16xi32> to vector<16xi32>
      tpu.vector_store %arg15[%swap3A_341], %swap3A_344 {strides = array<i32>} : memref<96xi32, #tpu.memory_space<vmem>>, vector<16xi32>,
      %get3A_345 = arith.constant 80 : index
      %get3A_346 = tpu.vector_load %arg14[%get3A_345] {strides = array<i32>} : memref<96xi32, #tpu.memory_space<vmem>>, vector<16xi32>,
      %get3A_347 = vector.shape_cast %get3A_346 : vector<16xi32> to vector<16xi32>
      %sub3A_348 = vector.broadcast %mul3A_41 : i32 to vector<16xi32>
      %sub3A_349 = arith.subi %get3A_347, %sub3A_348 : vector<16xi32>
      %ge3A_350 = arith.constant 0 : i32
      %ge3A_351 = vector.broadcast %ge3A_350 : i32 to vector<16xi32>
      %ge3A_352 = arith.cmpi sge, %sub3A_349, %ge3A_351 : vector<16xi32>
      %lt3A_353 = arith.constant 10240 : i32
      %lt3A_354 = vector.broadcast %lt3A_353 : i32 to vector<16xi32>
      %lt3A_355 = arith.cmpi slt, %sub3A_349, %lt3A_354 : vector<16xi32>
      %and3A_356 = arith.andi %ge3A_352, %lt3A_355 : vector<16xi1>
      %select_n3A_357 = arith.select %and3A_356, %sub3A_349, %broadcast_in_dim3A_89 : vector<16xi1>, vector<16xi32>
      %swap3A_358 = arith.constant 80 : index
      %swap3A_359 = tpu.vector_load %arg15[%swap3A_358] {strides = array<i32>} : memref<96xi32, #tpu.memory_space<vmem>>, vector<16xi32>,
      %swap3A_360 = vector.shape_cast %swap3A_359 : vector<16xi32> to vector<16xi32>
      %swap3A_361 = vector.shape_cast %select_n3A_357 : vector<16xi32> to vector<16xi32>
      tpu.vector_store %arg15[%swap3A_358], %swap3A_361 {strides = array<i32>} : memref<96xi32, #tpu.memory_space<vmem>>, vector<16xi32>,
      %dma_wait3A_362 = arith.constant 0 : i32
      %dma_wait3A_363 = arith.constant 0 : i32
      %dma_wait3A_364 = tpu.memref_slice %arg2[%dma_wait3A_362, %dma_wait3A_363] : memref<10000x128xf32, #tpu.memory_space<hbm>> -> memref<10000x128xf32, #tpu.memory_space<hbm>>
      tpu.wait_indirect_dma semaphore(%arg16 : memref<!tpu.dma_semaphore, #tpu.memory_space<semaphore_mem>>) src(%dma_wait3A_364 : memref<10000x128xf32, #tpu.memory_space<hbm>>) dst(%arg8 : memref<96x128xf32, #tpu.memory_space<vmem>>)
      %dma_start3A_365 = arith.constant 0 : i32
      %dma_start3A_366 = arith.constant 0 : i32
      %dma_start3A_367 = tpu.memref_slice %arg6[%dma_start3A_365, %dma_start3A_366] : memref<10368x128xf32, #tpu.memory_space<vmem_shared>> -> memref<10368x128xf32, #tpu.memory_space<vmem_shared>>
      tpu.enqueue_indirect_dma source(%arg8 : memref<96x128xf32, #tpu.memory_space<vmem>>) target(%dma_start3A_367 : memref<10368x128xf32, #tpu.memory_space<vmem_shared>>) offsets(%arg12 : memref<96xi32, #tpu.memory_space<vmem>>) semaphore(%arg18 : memref<!tpu.dma_semaphore, #tpu.memory_space<semaphore_mem>>) {add = true}
      %dma_wait3A_368 = arith.constant 0 : i32
      %dma_wait3A_369 = arith.constant 0 : i32
      %dma_wait3A_370 = tpu.memref_slice %arg2[%dma_wait3A_368, %dma_wait3A_369] : memref<10000x128xf32, #tpu.memory_space<hbm>> -> memref<10000x128xf32, #tpu.memory_space<hbm>>
      tpu.wait_indirect_dma semaphore(%arg17 : memref<!tpu.dma_semaphore, #tpu.memory_space<semaphore_mem>>) src(%dma_wait3A_370 : memref<10000x128xf32, #tpu.memory_space<hbm>>) dst(%arg9 : memref<96x128xf32, #tpu.memory_space<vmem>>)
      %dma_start3A_371 = arith.constant 0 : i32
      %dma_start3A_372 = arith.constant 0 : i32
      %dma_start3A_373 = tpu.memref_slice %arg6[%dma_start3A_371, %dma_start3A_372] : memref<10368x128xf32, #tpu.memory_space<vmem_shared>> -> memref<10368x128xf32, #tpu.memory_space<vmem_shared>>
      tpu.enqueue_indirect_dma source(%arg9 : memref<96x128xf32, #tpu.memory_space<vmem>>) target(%dma_start3A_373 : memref<10368x128xf32, #tpu.memory_space<vmem_shared>>) offsets(%arg15 : memref<96xi32, #tpu.memory_space<vmem>>) semaphore(%arg19 : memref<!tpu.dma_semaphore, #tpu.memory_space<semaphore_mem>>) {add = true}
      %dma_wait3A_374 = arith.constant 0 : i32
      %dma_wait3A_375 = arith.constant 0 : i32
      %dma_wait3A_376 = tpu.memref_slice %arg6[%dma_wait3A_374, %dma_wait3A_375] : memref<10368x128xf32, #tpu.memory_space<vmem_shared>> -> memref<10368x128xf32, #tpu.memory_space<vmem_shared>>
      tpu.wait_indirect_dma semaphore(%arg18 : memref<!tpu.dma_semaphore, #tpu.memory_space<semaphore_mem>>) src(%arg8 : memref<96x128xf32, #tpu.memory_space<vmem>>) dst(%dma_wait3A_376 : memref<10368x128xf32, #tpu.memory_space<vmem_shared>>)
      %dma_wait3A_377 = arith.constant 0 : i32
      %dma_wait3A_378 = arith.constant 0 : i32
      %dma_wait3A_379 = tpu.memref_slice %arg6[%dma_wait3A_377, %dma_wait3A_378] : memref<10368x128xf32, #tpu.memory_space<vmem_shared>> -> memref<10368x128xf32, #tpu.memory_space<vmem_shared>>
      tpu.wait_indirect_dma semaphore(%arg19 : memref<!tpu.dma_semaphore, #tpu.memory_space<semaphore_mem>>) src(%arg9 : memref<96x128xf32, #tpu.memory_space<vmem>>) dst(%dma_wait3A_379 : memref<10368x128xf32, #tpu.memory_space<vmem_shared>>)
    }
    %jit3A_99 = arith.constant 2 : i32
    %eq3A = arith.constant 0 : i32
    %eq3A_100 = arith.cmpi eq, %jit3A_99, %eq3A : i32
    %jit3A_101 = arith.constant 1 : i32
    %select_n3A_102 = arith.select %eq3A_100, %jit3A_101, %jit3A_99 : i32
    %rem3A_103 = arith.remsi %select_n3A, %select_n3A_102 : i32
    %ne3A_104 = arith.constant 0 : i32
    %ne3A_105 = arith.cmpi ne, %rem3A_103, %ne3A_104 : i32
    %lt3A = arith.constant 0 : i32
    %lt3A_106 = arith.cmpi slt, %rem3A_103, %lt3A : i32
    %lt3A_107 = arith.constant 0 : i32
    %lt3A_108 = arith.cmpi slt, %select_n3A_102, %lt3A_107 : i32
    %ne3A_109 = arith.xori %lt3A_106, %lt3A_108 : i1
    %and3A_110 = arith.andi %ne3A_109, %ne3A_105 : i1
    %add3A_111 = arith.addi %rem3A_103, %select_n3A_102 : i32
    %select_n3A_112 = arith.select %and3A_110, %add3A_111, %rem3A_103 : i32
    %eq3A_113 = arith.constant 1 : i32
    %eq3A_114 = arith.cmpi eq, %select_n3A_112, %eq3A_113 : i32
    %convert_element_type3A = arith.extui %eq3A_114 : i1 to i32
    %cond3A = arith.constant 0 : i32
    %cond3A_115 = arith.cmpi ne, %convert_element_type3A, %cond3A : i32
    scf.if %cond3A_115 {
      %sub3A_124 = arith.constant 1 : i32
      %sub3A_125 = arith.subi %select_n3A, %sub3A_124 : i32
      %mul3A_126 = arith.constant 16 : i32
      %mul3A_127 = arith.muli %mul3A_126, %sub3A_125 : i32
      %add3A_128 = arith.addi %arg1, %mul3A_127 : i32
      %mul3A_129 = arith.constant 96 : i32
      %mul3A_130 = arith.muli %add3A_128, %mul3A_129 : i32
      "tpu.region"() ({
        %run_scoped3A = tpu.sem_alloc : memref<!tpu.dma_semaphore, #tpu.memory_space<semaphore_mem>>
        %dma_start3A_234 = tpu.memref_slice %arg3[%mul3A_130] : memref<60000xi32, #tpu.memory_space<hbm>> -> memref<96xi32, #tpu.memory_space<hbm>>
        %dma_start3A_235 = tpu.memref_slice %arg3[%mul3A_130] : memref<60000xi32, #tpu.memory_space<hbm>> -> memref<96xi32, #tpu.memory_space<hbm>>
        tpu.enqueue_dma source(%dma_start3A_235 : memref<96xi32, #tpu.memory_space<hbm>>) target(%arg10 : memref<96xi32, #tpu.memory_space<vmem>>) target_semaphore(%run_scoped3A : memref<!tpu.dma_semaphore, #tpu.memory_space<semaphore_mem>>)
        %dma_wait3A_236 = tpu.memref_slice %arg3[%mul3A_130] : memref<60000xi32, #tpu.memory_space<hbm>> -> memref<96xi32, #tpu.memory_space<hbm>>
        %dma_wait3A_237 = tpu.memref_slice %arg3[%mul3A_130] : memref<60000xi32, #tpu.memory_space<hbm>> -> memref<96xi32, #tpu.memory_space<hbm>>
        tpu.wait_dma2 semaphore(%run_scoped3A : memref<!tpu.dma_semaphore, #tpu.memory_space<semaphore_mem>>) src(%dma_wait3A_237 : memref<96xi32, #tpu.memory_space<hbm>>) dst(%arg10 : memref<96xi32, #tpu.memory_space<vmem>>)
        tpu.yield
      }) : () -> ()
      "tpu.region"() ({
        %run_scoped3A = tpu.sem_alloc : memref<!tpu.dma_semaphore, #tpu.memory_space<semaphore_mem>>
        %dma_start3A_234 = tpu.memref_slice %arg4[%mul3A_130] : memref<60000xi32, #tpu.memory_space<hbm>> -> memref<96xi32, #tpu.memory_space<hbm>>
        %dma_start3A_235 = tpu.memref_slice %arg4[%mul3A_130] : memref<60000xi32, #tpu.memory_space<hbm>> -> memref<96xi32, #tpu.memory_space<hbm>>
        tpu.enqueue_dma source(%dma_start3A_235 : memref<96xi32, #tpu.memory_space<hbm>>) target(%arg11 : memref<96xi32, #tpu.memory_space<vmem>>) target_semaphore(%run_scoped3A : memref<!tpu.dma_semaphore, #tpu.memory_space<semaphore_mem>>)
        %dma_wait3A_236 = tpu.memref_slice %arg4[%mul3A_130] : memref<60000xi32, #tpu.memory_space<hbm>> -> memref<96xi32, #tpu.memory_space<hbm>>
        %dma_wait3A_237 = tpu.memref_slice %arg4[%mul3A_130] : memref<60000xi32, #tpu.memory_space<hbm>> -> memref<96xi32, #tpu.memory_space<hbm>>
        tpu.wait_dma2 semaphore(%run_scoped3A : memref<!tpu.dma_semaphore, #tpu.memory_space<semaphore_mem>>) src(%dma_wait3A_237 : memref<96xi32, #tpu.memory_space<hbm>>) dst(%arg11 : memref<96xi32, #tpu.memory_space<vmem>>)
        tpu.yield
      }) : () -> ()
      %dma_start3A = arith.constant 0 : i32
      %dma_start3A_131 = arith.constant 0 : i32
      %dma_start3A_132 = tpu.memref_slice %arg2[%dma_start3A, %dma_start3A_131] : memref<10000x128xf32, #tpu.memory_space<hbm>> -> memref<10000x128xf32, #tpu.memory_space<hbm>>
      tpu.enqueue_indirect_dma source(%dma_start3A_132 : memref<10000x128xf32, #tpu.memory_space<hbm>>) target(%arg8 : memref<96x128xf32, #tpu.memory_space<vmem>>) offsets(%arg10 : memref<96xi32, #tpu.memory_space<vmem>>) semaphore(%arg16 : memref<!tpu.dma_semaphore, #tpu.memory_space<semaphore_mem>>)
      %dma_wait3A = arith.constant 0 : i32
      %dma_wait3A_133 = arith.constant 0 : i32
      %dma_wait3A_134 = tpu.memref_slice %arg2[%dma_wait3A, %dma_wait3A_133] : memref<10000x128xf32, #tpu.memory_space<hbm>> -> memref<10000x128xf32, #tpu.memory_space<hbm>>
      tpu.wait_indirect_dma semaphore(%arg16 : memref<!tpu.dma_semaphore, #tpu.memory_space<semaphore_mem>>) src(%dma_wait3A_134 : memref<10000x128xf32, #tpu.memory_space<hbm>>) dst(%arg8 : memref<96x128xf32, #tpu.memory_space<vmem>>)
      %get3A = arith.constant 0 : index
      %get3A_135 = tpu.vector_load %arg11[%get3A] {strides = array<i32>} : memref<96xi32, #tpu.memory_space<vmem>>, vector<16xi32>,
      %get3A_136 = vector.shape_cast %get3A_135 : vector<16xi32> to vector<16xi32>
      %sub3A_137 = vector.broadcast %mul3A_41 : i32 to vector<16xi32>
      %sub3A_138 = arith.subi %get3A_136, %sub3A_137 : vector<16xi32>
      %ge3A = arith.constant 0 : i32
      %ge3A_139 = vector.broadcast %ge3A : i32 to vector<16xi32>
      %ge3A_140 = arith.cmpi sge, %sub3A_138, %ge3A_139 : vector<16xi32>
      %lt3A_141 = arith.constant 10240 : i32
      %lt3A_142 = vector.broadcast %lt3A_141 : i32 to vector<16xi32>
      %lt3A_143 = arith.cmpi slt, %sub3A_138, %lt3A_142 : vector<16xi32>
      %and3A_144 = arith.andi %ge3A_140, %lt3A_143 : vector<16xi1>
      %select_n3A_145 = arith.select %and3A_144, %sub3A_138, %broadcast_in_dim3A_89 : vector<16xi1>, vector<16xi32>
      %swap3A = arith.constant 0 : index
      %swap3A_146 = tpu.vector_load %arg12[%swap3A] {strides = array<i32>} : memref<96xi32, #tpu.memory_space<vmem>>, vector<16xi32>,
      %swap3A_147 = vector.shape_cast %swap3A_146 : vector<16xi32> to vector<16xi32>
      %swap3A_148 = vector.shape_cast %select_n3A_145 : vector<16xi32> to vector<16xi32>
      tpu.vector_store %arg12[%swap3A], %swap3A_148 {strides = array<i32>} : memref<96xi32, #tpu.memory_space<vmem>>, vector<16xi32>,
      %get3A_149 = arith.constant 16 : index
      %get3A_150 = tpu.vector_load %arg11[%get3A_149] {strides = array<i32>} : memref<96xi32, #tpu.memory_space<vmem>>, vector<16xi32>,
      %get3A_151 = vector.shape_cast %get3A_150 : vector<16xi32> to vector<16xi32>
      %sub3A_152 = vector.broadcast %mul3A_41 : i32 to vector<16xi32>
      %sub3A_153 = arith.subi %get3A_151, %sub3A_152 : vector<16xi32>
      %ge3A_154 = arith.constant 0 : i32
      %ge3A_155 = vector.broadcast %ge3A_154 : i32 to vector<16xi32>
      %ge3A_156 = arith.cmpi sge, %sub3A_153, %ge3A_155 : vector<16xi32>
      %lt3A_157 = arith.constant 10240 : i32
      %lt3A_158 = vector.broadcast %lt3A_157 : i32 to vector<16xi32>
      %lt3A_159 = arith.cmpi slt, %sub3A_153, %lt3A_158 : vector<16xi32>
      %and3A_160 = arith.andi %ge3A_156, %lt3A_159 : vector<16xi1>
      %select_n3A_161 = arith.select %and3A_160, %sub3A_153, %broadcast_in_dim3A_89 : vector<16xi1>, vector<16xi32>
      %swap3A_162 = arith.constant 16 : index
      %swap3A_163 = tpu.vector_load %arg12[%swap3A_162] {strides = array<i32>} : memref<96xi32, #tpu.memory_space<vmem>>, vector<16xi32>,
      %swap3A_164 = vector.shape_cast %swap3A_163 : vector<16xi32> to vector<16xi32>
      %swap3A_165 = vector.shape_cast %select_n3A_161 : vector<16xi32> to vector<16xi32>
      tpu.vector_store %arg12[%swap3A_162], %swap3A_165 {strides = array<i32>} : memref<96xi32, #tpu.memory_space<vmem>>, vector<16xi32>,
      %get3A_166 = arith.constant 32 : index
      %get3A_167 = tpu.vector_load %arg11[%get3A_166] {strides = array<i32>} : memref<96xi32, #tpu.memory_space<vmem>>, vector<16xi32>,
      %get3A_168 = vector.shape_cast %get3A_167 : vector<16xi32> to vector<16xi32>
      %sub3A_169 = vector.broadcast %mul3A_41 : i32 to vector<16xi32>
      %sub3A_170 = arith.subi %get3A_168, %sub3A_169 : vector<16xi32>
      %ge3A_171 = arith.constant 0 : i32
      %ge3A_172 = vector.broadcast %ge3A_171 : i32 to vector<16xi32>
      %ge3A_173 = arith.cmpi sge, %sub3A_170, %ge3A_172 : vector<16xi32>
      %lt3A_174 = arith.constant 10240 : i32
      %lt3A_175 = vector.broadcast %lt3A_174 : i32 to vector<16xi32>
      %lt3A_176 = arith.cmpi slt, %sub3A_170, %lt3A_175 : vector<16xi32>
      %and3A_177 = arith.andi %ge3A_173, %lt3A_176 : vector<16xi1>
      %select_n3A_178 = arith.select %and3A_177, %sub3A_170, %broadcast_in_dim3A_89 : vector<16xi1>, vector<16xi32>
      %swap3A_179 = arith.constant 32 : index
      %swap3A_180 = tpu.vector_load %arg12[%swap3A_179] {strides = array<i32>} : memref<96xi32, #tpu.memory_space<vmem>>, vector<16xi32>,
      %swap3A_181 = vector.shape_cast %swap3A_180 : vector<16xi32> to vector<16xi32>
      %swap3A_182 = vector.shape_cast %select_n3A_178 : vector<16xi32> to vector<16xi32>
      tpu.vector_store %arg12[%swap3A_179], %swap3A_182 {strides = array<i32>} : memref<96xi32, #tpu.memory_space<vmem>>, vector<16xi32>,
      %get3A_183 = arith.constant 48 : index
      %get3A_184 = tpu.vector_load %arg11[%get3A_183] {strides = array<i32>} : memref<96xi32, #tpu.memory_space<vmem>>, vector<16xi32>,
      %get3A_185 = vector.shape_cast %get3A_184 : vector<16xi32> to vector<16xi32>
      %sub3A_186 = vector.broadcast %mul3A_41 : i32 to vector<16xi32>
      %sub3A_187 = arith.subi %get3A_185, %sub3A_186 : vector<16xi32>
      %ge3A_188 = arith.constant 0 : i32
      %ge3A_189 = vector.broadcast %ge3A_188 : i32 to vector<16xi32>
      %ge3A_190 = arith.cmpi sge, %sub3A_187, %ge3A_189 : vector<16xi32>
      %lt3A_191 = arith.constant 10240 : i32
      %lt3A_192 = vector.broadcast %lt3A_191 : i32 to vector<16xi32>
      %lt3A_193 = arith.cmpi slt, %sub3A_187, %lt3A_192 : vector<16xi32>
      %and3A_194 = arith.andi %ge3A_190, %lt3A_193 : vector<16xi1>
      %select_n3A_195 = arith.select %and3A_194, %sub3A_187, %broadcast_in_dim3A_89 : vector<16xi1>, vector<16xi32>
      %swap3A_196 = arith.constant 48 : index
      %swap3A_197 = tpu.vector_load %arg12[%swap3A_196] {strides = array<i32>} : memref<96xi32, #tpu.memory_space<vmem>>, vector<16xi32>,
      %swap3A_198 = vector.shape_cast %swap3A_197 : vector<16xi32> to vector<16xi32>
      %swap3A_199 = vector.shape_cast %select_n3A_195 : vector<16xi32> to vector<16xi32>
      tpu.vector_store %arg12[%swap3A_196], %swap3A_199 {strides = array<i32>} : memref<96xi32, #tpu.memory_space<vmem>>, vector<16xi32>,
      %get3A_200 = arith.constant 64 : index
      %get3A_201 = tpu.vector_load %arg11[%get3A_200] {strides = array<i32>} : memref<96xi32, #tpu.memory_space<vmem>>, vector<16xi32>,
      %get3A_202 = vector.shape_cast %get3A_201 : vector<16xi32> to vector<16xi32>
      %sub3A_203 = vector.broadcast %mul3A_41 : i32 to vector<16xi32>
      %sub3A_204 = arith.subi %get3A_202, %sub3A_203 : vector<16xi32>
      %ge3A_205 = arith.constant 0 : i32
      %ge3A_206 = vector.broadcast %ge3A_205 : i32 to vector<16xi32>
      %ge3A_207 = arith.cmpi sge, %sub3A_204, %ge3A_206 : vector<16xi32>
      %lt3A_208 = arith.constant 10240 : i32
      %lt3A_209 = vector.broadcast %lt3A_208 : i32 to vector<16xi32>
      %lt3A_210 = arith.cmpi slt, %sub3A_204, %lt3A_209 : vector<16xi32>
      %and3A_211 = arith.andi %ge3A_207, %lt3A_210 : vector<16xi1>
      %select_n3A_212 = arith.select %and3A_211, %sub3A_204, %broadcast_in_dim3A_89 : vector<16xi1>, vector<16xi32>
      %swap3A_213 = arith.constant 64 : index
      %swap3A_214 = tpu.vector_load %arg12[%swap3A_213] {strides = array<i32>} : memref<96xi32, #tpu.memory_space<vmem>>, vector<16xi32>,
      %swap3A_215 = vector.shape_cast %swap3A_214 : vector<16xi32> to vector<16xi32>
      %swap3A_216 = vector.shape_cast %select_n3A_212 : vector<16xi32> to vector<16xi32>
      tpu.vector_store %arg12[%swap3A_213], %swap3A_216 {strides = array<i32>} : memref<96xi32, #tpu.memory_space<vmem>>, vector<16xi32>,
      %get3A_217 = arith.constant 80 : index
      %get3A_218 = tpu.vector_load %arg11[%get3A_217] {strides = array<i32>} : memref<96xi32, #tpu.memory_space<vmem>>, vector<16xi32>,
      %get3A_219 = vector.shape_cast %get3A_218 : vector<16xi32> to vector<16xi32>
      %sub3A_220 = vector.broadcast %mul3A_41 : i32 to vector<16xi32>
      %sub3A_221 = arith.subi %get3A_219, %sub3A_220 : vector<16xi32>
      %ge3A_222 = arith.constant 0 : i32
      %ge3A_223 = vector.broadcast %ge3A_222 : i32 to vector<16xi32>
      %ge3A_224 = arith.cmpi sge, %sub3A_221, %ge3A_223 : vector<16xi32>
      %lt3A_225 = arith.constant 10240 : i32
      %lt3A_226 = vector.broadcast %lt3A_225 : i32 to vector<16xi32>
      %lt3A_227 = arith.cmpi slt, %sub3A_221, %lt3A_226 : vector<16xi32>
      %and3A_228 = arith.andi %ge3A_224, %lt3A_227 : vector<16xi1>
      %select_n3A_229 = arith.select %and3A_228, %sub3A_221, %broadcast_in_dim3A_89 : vector<16xi1>, vector<16xi32>
      %swap3A_230 = arith.constant 80 : index
      %swap3A_231 = tpu.vector_load %arg12[%swap3A_230] {strides = array<i32>} : memref<96xi32, #tpu.memory_space<vmem>>, vector<16xi32>,
      %swap3A_232 = vector.shape_cast %swap3A_231 : vector<16xi32> to vector<16xi32>
      %swap3A_233 = vector.shape_cast %select_n3A_229 : vector<16xi32> to vector<16xi32>
      tpu.vector_store %arg12[%swap3A_230], %swap3A_233 {strides = array<i32>} : memref<96xi32, #tpu.memory_space<vmem>>, vector<16xi32>,
      "tpu.region"() ({
        %run_scoped3A = tpu.sem_alloc : memref<!tpu.dma_semaphore, #tpu.memory_space<semaphore_mem>>
        %dma_start3A_234 = arith.constant 0 : i32
        %dma_start3A_235 = arith.constant 0 : i32
        %dma_start3A_236 = tpu.memref_slice %arg6[%dma_start3A_234, %dma_start3A_235] : memref<10368x128xf32, #tpu.memory_space<vmem_shared>> -> memref<10368x128xf32, #tpu.memory_space<vmem_shared>>
        tpu.enqueue_indirect_dma source(%arg8 : memref<96x128xf32, #tpu.memory_space<vmem>>) target(%dma_start3A_236 : memref<10368x128xf32, #tpu.memory_space<vmem_shared>>) offsets(%arg12 : memref<96xi32, #tpu.memory_space<vmem>>) semaphore(%run_scoped3A : memref<!tpu.dma_semaphore, #tpu.memory_space<semaphore_mem>>) {add = true}
        %dma_wait3A_237 = arith.constant 0 : i32
        %dma_wait3A_238 = arith.constant 0 : i32
        %dma_wait3A_239 = tpu.memref_slice %arg6[%dma_wait3A_237, %dma_wait3A_238] : memref<10368x128xf32, #tpu.memory_space<vmem_shared>> -> memref<10368x128xf32, #tpu.memory_space<vmem_shared>>
        tpu.wait_indirect_dma semaphore(%run_scoped3A : memref<!tpu.dma_semaphore, #tpu.memory_space<semaphore_mem>>) src(%arg8 : memref<96x128xf32, #tpu.memory_space<vmem>>) dst(%dma_wait3A_239 : memref<10368x128xf32, #tpu.memory_space<vmem_shared>>)
        tpu.yield
      }) : () -> ()
    } else {
    }
    %barrier3A_116 = arith.constant 0 : index
    tpu.barrier barrier_id(%barrier3A_116)
    %mul3A_117 = arith.constant 640 : i32
    %mul3A_118 = arith.muli %arg1, %mul3A_117 : i32
    %mul3A_119 = arith.constant 10240 : i32
    %mul3A_120 = arith.muli %arg0, %mul3A_119 : i32
    %mul3A_121 = arith.constant 640 : i32
    %mul3A_122 = arith.muli %arg1, %mul3A_121 : i32
    %add3A_123 = arith.addi %mul3A_120, %mul3A_122 : i32
    "tpu.region"() ({
      %run_scoped3A = tpu.sem_alloc : memref<!tpu.dma_semaphore, #tpu.memory_space<semaphore_mem>>
      %dma_start3A = arith.constant 0 : i32
      %dma_start3A_124 = tpu.memref_slice %arg5[%add3A_123, %dma_start3A] : memref<20480x128xf32, #tpu.memory_space<hbm>> -> memref<640x128xf32, #tpu.memory_space<hbm>>
      %dma_start3A_125 = arith.constant 0 : i32
      %dma_start3A_126 = tpu.memref_slice %arg6[%mul3A_118, %dma_start3A_125] : memref<10368x128xf32, #tpu.memory_space<vmem_shared>> -> memref<640x128xf32, #tpu.memory_space<vmem_shared>>
      tpu.enqueue_dma source(%dma_start3A_126 : memref<640x128xf32, #tpu.memory_space<vmem_shared>>) target(%dma_start3A_124 : memref<640x128xf32, #tpu.memory_space<hbm>>) target_semaphore(%run_scoped3A : memref<!tpu.dma_semaphore, #tpu.memory_space<semaphore_mem>>)
      %dma_wait3A = arith.constant 0 : i32
      %dma_wait3A_127 = tpu.memref_slice %arg5[%add3A_123, %dma_wait3A] : memref<20480x128xf32, #tpu.memory_space<hbm>> -> memref<640x128xf32, #tpu.memory_space<hbm>>
      %dma_wait3A_128 = arith.constant 0 : i32
      %dma_wait3A_129 = tpu.memref_slice %arg6[%mul3A_118, %dma_wait3A_128] : memref<10368x128xf32, #tpu.memory_space<vmem_shared>> -> memref<640x128xf32, #tpu.memory_space<vmem_shared>>
      tpu.wait_dma2 semaphore(%run_scoped3A : memref<!tpu.dma_semaphore, #tpu.memory_space<semaphore_mem>>) src(%dma_wait3A_129 : memref<640x128xf32, #tpu.memory_space<vmem_shared>>) dst(%dma_wait3A_127 : memref<640x128xf32, #tpu.memory_space<hbm>>)
      tpu.yield
    }) : () -> ()
    return
  }
}

#map = affine_map<(d0, d1) -> (0, 0)>
#map1 = affine_map<(d0, d1) -> (0)>
module attributes {stable_mosaic.version = 14 : i64} {
  func.func @_edge_gather(%arg0: i32, %arg1: i32, %arg2: memref<40960x128xf32, #tpu.memory_space<hbm>>, %arg3: memref<320000xi32, #tpu.memory_space<hbm>>, %arg4: memref<320000xi32, #tpu.memory_space<hbm>>, %arg5: memref<320000x128xf32, #tpu.memory_space<hbm>>, %arg6: memref<320000x128xf32, #tpu.memory_space<hbm>>, %arg7: memref<128x128xf32, #tpu.memory_space<vmem>>, %arg8: memref<128x128xf32, #tpu.memory_space<vmem>>, %arg9: memref<128x128xf32, #tpu.memory_space<vmem>>, %arg10: memref<128x128xf32, #tpu.memory_space<vmem>>, %arg11: memref<128x128xf32, #tpu.memory_space<vmem>>, %arg12: memref<128x128xf32, #tpu.memory_space<vmem>>, %arg13: memref<128xi32, #tpu.memory_space<vmem>>, %arg14: memref<128xi32, #tpu.memory_space<vmem>>, %arg15: memref<128xi32, #tpu.memory_space<vmem>>, %arg16: memref<128xi32, #tpu.memory_space<vmem>>, %arg17: memref<128xi32, #tpu.memory_space<vmem>>, %arg18: memref<128xi32, #tpu.memory_space<vmem>>, %arg19: memref<128xi32, #tpu.memory_space<vmem>>, %arg20: memref<128xi32, #tpu.memory_space<vmem>>, %arg21: memref<!tpu.dma_semaphore, #tpu.memory_space<semaphore_mem>>, %arg22: memref<!tpu.dma_semaphore, #tpu.memory_space<semaphore_mem>>, %arg23: memref<!tpu.dma_semaphore, #tpu.memory_space<semaphore_mem>>, %arg24: memref<!tpu.dma_semaphore, #tpu.memory_space<semaphore_mem>>, %arg25: memref<!tpu.dma_semaphore, #tpu.memory_space<semaphore_mem>>, %arg26: memref<!tpu.dma_semaphore, #tpu.memory_space<semaphore_mem>>, %arg27: memref<!tpu.dma_semaphore, #tpu.memory_space<semaphore_mem>>, %arg28: memref<!tpu.dma_semaphore, #tpu.memory_space<semaphore_mem>>, %arg29: memref<!tpu.dma_semaphore, #tpu.memory_space<semaphore_mem>>, %arg30: memref<!tpu.dma_semaphore, #tpu.memory_space<semaphore_mem>>) attributes {dimension_semantics = [#tpu.dimension_semantics<core_parallel>, #tpu.dimension_semantics<subcore_parallel>], iteration_bounds = array<i64: 2, 16>, scalar_prefetch = 0 : i64, scratch_operands = 24 : i64, tpu.core_type = #tpu.core_type<sc_vector_subcore>, window_params = [{transform_indices = #map}, {transform_indices = #map1}, {transform_indices = #map1}, {transform_indices = #map}, {transform_indices = #map}]} {
    %mul3A = arith.constant 2 : i32
    %mul3A_0 = arith.muli %arg1, %mul3A : i32
    %add3A = arith.addi %mul3A_0, %arg0 : i32
    %sub3A = arith.constant 2500 : i32
    %sub3A_1 = arith.subi %sub3A, %add3A : i32
    %add3A_2 = arith.constant 32 : i32
    %add3A_3 = arith.addi %sub3A_1, %add3A_2 : i32
    %sub3A_4 = arith.constant 1 : i32
    %sub3A_5 = arith.subi %add3A_3, %sub3A_4 : i32
    %jit3A = arith.constant 32 : i32
    %div3A = arith.divsi %sub3A_5, %jit3A : i32
    %sign3A = arith.constant 0 : i32
    %sign3A_6 = arith.cmpi sgt, %sub3A_5, %sign3A : i32
    %sign3A_7 = arith.extui %sign3A_6 : i1 to i32
    %sign3A_8 = arith.constant 0 : i32
    %sign3A_9 = arith.cmpi slt, %sub3A_5, %sign3A_8 : i32
    %sign3A_10 = arith.extui %sign3A_9 : i1 to i32
    %sign3A_11 = arith.subi %sign3A_7, %sign3A_10 : i32
    %sign3A_12 = arith.constant 0 : i32
    %sign3A_13 = arith.cmpi sgt, %jit3A, %sign3A_12 : i32
    %sign3A_14 = arith.extui %sign3A_13 : i1 to i32
    %sign3A_15 = arith.constant 0 : i32
    %sign3A_16 = arith.cmpi slt, %jit3A, %sign3A_15 : i32
    %sign3A_17 = arith.extui %sign3A_16 : i1 to i32
    %sign3A_18 = arith.subi %sign3A_14, %sign3A_17 : i32
    %ne3A = arith.cmpi ne, %sign3A_11, %sign3A_18 : i32
    %rem3A = arith.remsi %sub3A_5, %jit3A : i32
    %ne3A_19 = arith.constant 0 : i32
    %ne3A_20 = arith.cmpi ne, %rem3A, %ne3A_19 : i32
    %and3A = arith.andi %ne3A, %ne3A_20 : i1
    %sub3A_21 = arith.constant 1 : i32
    %sub3A_22 = arith.subi %div3A, %sub3A_21 : i32
    %select_n3A = arith.select %and3A, %sub3A_22, %div3A : i32
    %jit3A_23 = arith.constant 2 : i32
    %div3A_24 = arith.divsi %select_n3A, %jit3A_23 : i32
    %sign3A_25 = arith.constant 0 : i32
    %sign3A_26 = arith.cmpi sgt, %select_n3A, %sign3A_25 : i32
    %sign3A_27 = arith.extui %sign3A_26 : i1 to i32
    %sign3A_28 = arith.constant 0 : i32
    %sign3A_29 = arith.cmpi slt, %select_n3A, %sign3A_28 : i32
    %sign3A_30 = arith.extui %sign3A_29 : i1 to i32
    %sign3A_31 = arith.subi %sign3A_27, %sign3A_30 : i32
    %sign3A_32 = arith.constant 0 : i32
    %sign3A_33 = arith.cmpi sgt, %jit3A_23, %sign3A_32 : i32
    %sign3A_34 = arith.extui %sign3A_33 : i1 to i32
    %sign3A_35 = arith.constant 0 : i32
    %sign3A_36 = arith.cmpi slt, %jit3A_23, %sign3A_35 : i32
    %sign3A_37 = arith.extui %sign3A_36 : i1 to i32
    %sign3A_38 = arith.subi %sign3A_34, %sign3A_37 : i32
    %ne3A_39 = arith.cmpi ne, %sign3A_31, %sign3A_38 : i32
    %rem3A_40 = arith.remsi %select_n3A, %jit3A_23 : i32
    %ne3A_41 = arith.constant 0 : i32
    %ne3A_42 = arith.cmpi ne, %rem3A_40, %ne3A_41 : i32
    %and3A_43 = arith.andi %ne3A_39, %ne3A_42 : i1
    %sub3A_44 = arith.constant 1 : i32
    %sub3A_45 = arith.subi %div3A_24, %sub3A_44 : i32
    %select_n3A_46 = arith.select %and3A_43, %sub3A_45, %div3A_24 : i32
    %broadcast_in_dim3A = arith.constant 40000 : i32
    %broadcast_in_dim3A_47 = vector.broadcast %broadcast_in_dim3A : i32 to vector<16xi32>
    %while3A = arith.constant 0 : i32
    %while3A_48 = arith.constant 0 : i32
    %while3A_49 = arith.subi %select_n3A_46, %while3A_48 : i32
    %while3A_50 = arith.addi %while3A_48, %while3A_49 : i32
    %while3A_51 = arith.constant 1 : i32
    %while3A_52 = arith.divsi %while3A_49, %while3A_51 : i32
    %while3A_53 = arith.muli %while3A_52, %while3A_51 : i32
    %while3A_54 = arith.addi %while3A_48, %while3A_53 : i32
    %while3A_55 = arith.constant 1 : i32
    scf.for %while3A_74 = %while3A_48 to %while3A_54 step %while3A_55  : i32 {
      %mul3A_75 = arith.constant 2 : i32
      %mul3A_76 = arith.muli %mul3A_75, %while3A_74 : i32
      %mul3A_77 = arith.constant 32 : i32
      %mul3A_78 = arith.muli %mul3A_77, %mul3A_76 : i32
      %add3A_79 = arith.addi %add3A, %mul3A_78 : i32
      %mul3A_80 = arith.constant 128 : i32
      %mul3A_81 = arith.muli %add3A_79, %mul3A_80 : i32
      %mul3A_82 = arith.constant 2 : i32
      %mul3A_83 = arith.muli %mul3A_82, %while3A_74 : i32
      %add3A_84 = arith.constant 1 : i32
      %add3A_85 = arith.addi %mul3A_83, %add3A_84 : i32
      %mul3A_86 = arith.constant 32 : i32
      %mul3A_87 = arith.muli %mul3A_86, %add3A_85 : i32
      %add3A_88 = arith.addi %add3A, %mul3A_87 : i32
      %mul3A_89 = arith.constant 128 : i32
      %mul3A_90 = arith.muli %add3A_88, %mul3A_89 : i32
      %dma_start3A = tpu.memref_slice %arg3[%mul3A_81] : memref<320000xi32, #tpu.memory_space<hbm>> -> memref<128xi32, #tpu.memory_space<hbm>>
      %dma_start3A_91 = tpu.memref_slice %arg3[%mul3A_81] : memref<320000xi32, #tpu.memory_space<hbm>> -> memref<128xi32, #tpu.memory_space<hbm>>
      tpu.enqueue_dma source(%dma_start3A_91 : memref<128xi32, #tpu.memory_space<hbm>>) target(%arg13 : memref<128xi32, #tpu.memory_space<vmem>>) target_semaphore(%arg27 : memref<!tpu.dma_semaphore, #tpu.memory_space<semaphore_mem>>)
      %dma_start3A_92 = tpu.memref_slice %arg4[%mul3A_81] : memref<320000xi32, #tpu.memory_space<hbm>> -> memref<128xi32, #tpu.memory_space<hbm>>
      %dma_start3A_93 = tpu.memref_slice %arg4[%mul3A_81] : memref<320000xi32, #tpu.memory_space<hbm>> -> memref<128xi32, #tpu.memory_space<hbm>>
      tpu.enqueue_dma source(%dma_start3A_93 : memref<128xi32, #tpu.memory_space<hbm>>) target(%arg14 : memref<128xi32, #tpu.memory_space<vmem>>) target_semaphore(%arg28 : memref<!tpu.dma_semaphore, #tpu.memory_space<semaphore_mem>>)
      %dma_start3A_94 = tpu.memref_slice %arg3[%mul3A_90] : memref<320000xi32, #tpu.memory_space<hbm>> -> memref<128xi32, #tpu.memory_space<hbm>>
      %dma_start3A_95 = tpu.memref_slice %arg3[%mul3A_90] : memref<320000xi32, #tpu.memory_space<hbm>> -> memref<128xi32, #tpu.memory_space<hbm>>
      tpu.enqueue_dma source(%dma_start3A_95 : memref<128xi32, #tpu.memory_space<hbm>>) target(%arg17 : memref<128xi32, #tpu.memory_space<vmem>>) target_semaphore(%arg29 : memref<!tpu.dma_semaphore, #tpu.memory_space<semaphore_mem>>)
      %dma_start3A_96 = tpu.memref_slice %arg4[%mul3A_90] : memref<320000xi32, #tpu.memory_space<hbm>> -> memref<128xi32, #tpu.memory_space<hbm>>
      %dma_start3A_97 = tpu.memref_slice %arg4[%mul3A_90] : memref<320000xi32, #tpu.memory_space<hbm>> -> memref<128xi32, #tpu.memory_space<hbm>>
      tpu.enqueue_dma source(%dma_start3A_97 : memref<128xi32, #tpu.memory_space<hbm>>) target(%arg18 : memref<128xi32, #tpu.memory_space<vmem>>) target_semaphore(%arg30 : memref<!tpu.dma_semaphore, #tpu.memory_space<semaphore_mem>>)
      %dma_start3A_98 = arith.constant 0 : i32
      %dma_start3A_99 = tpu.memref_slice %arg5[%mul3A_81, %dma_start3A_98] : memref<320000x128xf32, #tpu.memory_space<hbm>> -> memref<128x128xf32, #tpu.memory_space<hbm>>
      %dma_start3A_100 = arith.constant 0 : i32
      %dma_start3A_101 = tpu.memref_slice %arg5[%mul3A_81, %dma_start3A_100] : memref<320000x128xf32, #tpu.memory_space<hbm>> -> memref<128x128xf32, #tpu.memory_space<hbm>>
      tpu.enqueue_dma source(%dma_start3A_101 : memref<128x128xf32, #tpu.memory_space<hbm>>) target(%arg9 : memref<128x128xf32, #tpu.memory_space<vmem>>) target_semaphore(%arg23 : memref<!tpu.dma_semaphore, #tpu.memory_space<semaphore_mem>>)
      %dma_start3A_102 = arith.constant 0 : i32
      %dma_start3A_103 = tpu.memref_slice %arg5[%mul3A_90, %dma_start3A_102] : memref<320000x128xf32, #tpu.memory_space<hbm>> -> memref<128x128xf32, #tpu.memory_space<hbm>>
      %dma_start3A_104 = arith.constant 0 : i32
      %dma_start3A_105 = tpu.memref_slice %arg5[%mul3A_90, %dma_start3A_104] : memref<320000x128xf32, #tpu.memory_space<hbm>> -> memref<128x128xf32, #tpu.memory_space<hbm>>
      tpu.enqueue_dma source(%dma_start3A_105 : memref<128x128xf32, #tpu.memory_space<hbm>>) target(%arg12 : memref<128x128xf32, #tpu.memory_space<vmem>>) target_semaphore(%arg26 : memref<!tpu.dma_semaphore, #tpu.memory_space<semaphore_mem>>)
      %dma_wait3A = tpu.memref_slice %arg3[%mul3A_81] : memref<320000xi32, #tpu.memory_space<hbm>> -> memref<128xi32, #tpu.memory_space<hbm>>
      %dma_wait3A_106 = tpu.memref_slice %arg3[%mul3A_81] : memref<320000xi32, #tpu.memory_space<hbm>> -> memref<128xi32, #tpu.memory_space<hbm>>
      tpu.wait_dma2 semaphore(%arg27 : memref<!tpu.dma_semaphore, #tpu.memory_space<semaphore_mem>>) src(%dma_wait3A_106 : memref<128xi32, #tpu.memory_space<hbm>>) dst(%arg13 : memref<128xi32, #tpu.memory_space<vmem>>)
      %dma_wait3A_107 = tpu.memref_slice %arg4[%mul3A_81] : memref<320000xi32, #tpu.memory_space<hbm>> -> memref<128xi32, #tpu.memory_space<hbm>>
      %dma_wait3A_108 = tpu.memref_slice %arg4[%mul3A_81] : memref<320000xi32, #tpu.memory_space<hbm>> -> memref<128xi32, #tpu.memory_space<hbm>>
      tpu.wait_dma2 semaphore(%arg28 : memref<!tpu.dma_semaphore, #tpu.memory_space<semaphore_mem>>) src(%dma_wait3A_108 : memref<128xi32, #tpu.memory_space<hbm>>) dst(%arg14 : memref<128xi32, #tpu.memory_space<vmem>>)
      %get3A = arith.constant 0 : index
      %get3A_109 = tpu.vector_load %arg13[%get3A] {strides = array<i32>} : memref<128xi32, #tpu.memory_space<vmem>>, vector<16xi32>,
      %get3A_110 = vector.shape_cast %get3A_109 : vector<16xi32> to vector<16xi32>
      %get3A_111 = arith.constant 0 : index
      %get3A_112 = tpu.vector_load %arg14[%get3A_111] {strides = array<i32>} : memref<128xi32, #tpu.memory_space<vmem>>, vector<16xi32>,
      %get3A_113 = vector.shape_cast %get3A_112 : vector<16xi32> to vector<16xi32>
      %mul3A_114 = arith.constant 2 : i32
      %mul3A_115 = vector.broadcast %mul3A_114 : i32 to vector<16xi32>
      %mul3A_116 = arith.muli %get3A_110, %mul3A_115 : vector<16xi32>
      %swap3A = arith.constant 0 : index
      %swap3A_117 = tpu.vector_load %arg15[%swap3A] {strides = array<i32>} : memref<128xi32, #tpu.memory_space<vmem>>, vector<16xi32>,
      %swap3A_118 = vector.shape_cast %swap3A_117 : vector<16xi32> to vector<16xi32>
      %swap3A_119 = vector.shape_cast %mul3A_116 : vector<16xi32> to vector<16xi32>
      tpu.vector_store %arg15[%swap3A], %swap3A_119 {strides = array<i32>} : memref<128xi32, #tpu.memory_space<vmem>>, vector<16xi32>,
      %eq3A_120 = arith.cmpi eq, %get3A_110, %get3A_113 : vector<16xi32>
      %mul3A_121 = arith.constant 2 : i32
      %mul3A_122 = vector.broadcast %mul3A_121 : i32 to vector<16xi32>
      %mul3A_123 = arith.muli %get3A_113, %mul3A_122 : vector<16xi32>
      %add3A_124 = arith.constant 1 : i32
      %add3A_125 = vector.broadcast %add3A_124 : i32 to vector<16xi32>
      %add3A_126 = arith.addi %mul3A_123, %add3A_125 : vector<16xi32>
      %select_n3A_127 = arith.select %eq3A_120, %broadcast_in_dim3A_47, %add3A_126 : vector<16xi1>, vector<16xi32>
      %swap3A_128 = arith.constant 0 : index
      %swap3A_129 = tpu.vector_load %arg16[%swap3A_128] {strides = array<i32>} : memref<128xi32, #tpu.memory_space<vmem>>, vector<16xi32>,
      %swap3A_130 = vector.shape_cast %swap3A_129 : vector<16xi32> to vector<16xi32>
      %swap3A_131 = vector.shape_cast %select_n3A_127 : vector<16xi32> to vector<16xi32>
      tpu.vector_store %arg16[%swap3A_128], %swap3A_131 {strides = array<i32>} : memref<128xi32, #tpu.memory_space<vmem>>, vector<16xi32>,
      %get3A_132 = arith.constant 16 : index
      %get3A_133 = tpu.vector_load %arg13[%get3A_132] {strides = array<i32>} : memref<128xi32, #tpu.memory_space<vmem>>, vector<16xi32>,
      %get3A_134 = vector.shape_cast %get3A_133 : vector<16xi32> to vector<16xi32>
      %get3A_135 = arith.constant 16 : index
      %get3A_136 = tpu.vector_load %arg14[%get3A_135] {strides = array<i32>} : memref<128xi32, #tpu.memory_space<vmem>>, vector<16xi32>,
      %get3A_137 = vector.shape_cast %get3A_136 : vector<16xi32> to vector<16xi32>
      %mul3A_138 = arith.constant 2 : i32
      %mul3A_139 = vector.broadcast %mul3A_138 : i32 to vector<16xi32>
      %mul3A_140 = arith.muli %get3A_134, %mul3A_139 : vector<16xi32>
      %swap3A_141 = arith.constant 16 : index
      %swap3A_142 = tpu.vector_load %arg15[%swap3A_141] {strides = array<i32>} : memref<128xi32, #tpu.memory_space<vmem>>, vector<16xi32>,
      %swap3A_143 = vector.shape_cast %swap3A_142 : vector<16xi32> to vector<16xi32>
      %swap3A_144 = vector.shape_cast %mul3A_140 : vector<16xi32> to vector<16xi32>
      tpu.vector_store %arg15[%swap3A_141], %swap3A_144 {strides = array<i32>} : memref<128xi32, #tpu.memory_space<vmem>>, vector<16xi32>,
      %eq3A_145 = arith.cmpi eq, %get3A_134, %get3A_137 : vector<16xi32>
      %mul3A_146 = arith.constant 2 : i32
      %mul3A_147 = vector.broadcast %mul3A_146 : i32 to vector<16xi32>
      %mul3A_148 = arith.muli %get3A_137, %mul3A_147 : vector<16xi32>
      %add3A_149 = arith.constant 1 : i32
      %add3A_150 = vector.broadcast %add3A_149 : i32 to vector<16xi32>
      %add3A_151 = arith.addi %mul3A_148, %add3A_150 : vector<16xi32>
      %select_n3A_152 = arith.select %eq3A_145, %broadcast_in_dim3A_47, %add3A_151 : vector<16xi1>, vector<16xi32>
      %swap3A_153 = arith.constant 16 : index
      %swap3A_154 = tpu.vector_load %arg16[%swap3A_153] {strides = array<i32>} : memref<128xi32, #tpu.memory_space<vmem>>, vector<16xi32>,
      %swap3A_155 = vector.shape_cast %swap3A_154 : vector<16xi32> to vector<16xi32>
      %swap3A_156 = vector.shape_cast %select_n3A_152 : vector<16xi32> to vector<16xi32>
      tpu.vector_store %arg16[%swap3A_153], %swap3A_156 {strides = array<i32>} : memref<128xi32, #tpu.memory_space<vmem>>, vector<16xi32>,
      %get3A_157 = arith.constant 32 : index
      %get3A_158 = tpu.vector_load %arg13[%get3A_157] {strides = array<i32>} : memref<128xi32, #tpu.memory_space<vmem>>, vector<16xi32>,
      %get3A_159 = vector.shape_cast %get3A_158 : vector<16xi32> to vector<16xi32>
      %get3A_160 = arith.constant 32 : index
      %get3A_161 = tpu.vector_load %arg14[%get3A_160] {strides = array<i32>} : memref<128xi32, #tpu.memory_space<vmem>>, vector<16xi32>,
      %get3A_162 = vector.shape_cast %get3A_161 : vector<16xi32> to vector<16xi32>
      %mul3A_163 = arith.constant 2 : i32
      %mul3A_164 = vector.broadcast %mul3A_163 : i32 to vector<16xi32>
      %mul3A_165 = arith.muli %get3A_159, %mul3A_164 : vector<16xi32>
      %swap3A_166 = arith.constant 32 : index
      %swap3A_167 = tpu.vector_load %arg15[%swap3A_166] {strides = array<i32>} : memref<128xi32, #tpu.memory_space<vmem>>, vector<16xi32>,
      %swap3A_168 = vector.shape_cast %swap3A_167 : vector<16xi32> to vector<16xi32>
      %swap3A_169 = vector.shape_cast %mul3A_165 : vector<16xi32> to vector<16xi32>
      tpu.vector_store %arg15[%swap3A_166], %swap3A_169 {strides = array<i32>} : memref<128xi32, #tpu.memory_space<vmem>>, vector<16xi32>,
      %eq3A_170 = arith.cmpi eq, %get3A_159, %get3A_162 : vector<16xi32>
      %mul3A_171 = arith.constant 2 : i32
      %mul3A_172 = vector.broadcast %mul3A_171 : i32 to vector<16xi32>
      %mul3A_173 = arith.muli %get3A_162, %mul3A_172 : vector<16xi32>
      %add3A_174 = arith.constant 1 : i32
      %add3A_175 = vector.broadcast %add3A_174 : i32 to vector<16xi32>
      %add3A_176 = arith.addi %mul3A_173, %add3A_175 : vector<16xi32>
      %select_n3A_177 = arith.select %eq3A_170, %broadcast_in_dim3A_47, %add3A_176 : vector<16xi1>, vector<16xi32>
      %swap3A_178 = arith.constant 32 : index
      %swap3A_179 = tpu.vector_load %arg16[%swap3A_178] {strides = array<i32>} : memref<128xi32, #tpu.memory_space<vmem>>, vector<16xi32>,
      %swap3A_180 = vector.shape_cast %swap3A_179 : vector<16xi32> to vector<16xi32>
      %swap3A_181 = vector.shape_cast %select_n3A_177 : vector<16xi32> to vector<16xi32>
      tpu.vector_store %arg16[%swap3A_178], %swap3A_181 {strides = array<i32>} : memref<128xi32, #tpu.memory_space<vmem>>, vector<16xi32>,
      %get3A_182 = arith.constant 48 : index
      %get3A_183 = tpu.vector_load %arg13[%get3A_182] {strides = array<i32>} : memref<128xi32, #tpu.memory_space<vmem>>, vector<16xi32>,
      %get3A_184 = vector.shape_cast %get3A_183 : vector<16xi32> to vector<16xi32>
      %get3A_185 = arith.constant 48 : index
      %get3A_186 = tpu.vector_load %arg14[%get3A_185] {strides = array<i32>} : memref<128xi32, #tpu.memory_space<vmem>>, vector<16xi32>,
      %get3A_187 = vector.shape_cast %get3A_186 : vector<16xi32> to vector<16xi32>
      %mul3A_188 = arith.constant 2 : i32
      %mul3A_189 = vector.broadcast %mul3A_188 : i32 to vector<16xi32>
      %mul3A_190 = arith.muli %get3A_184, %mul3A_189 : vector<16xi32>
      %swap3A_191 = arith.constant 48 : index
      %swap3A_192 = tpu.vector_load %arg15[%swap3A_191] {strides = array<i32>} : memref<128xi32, #tpu.memory_space<vmem>>, vector<16xi32>,
      %swap3A_193 = vector.shape_cast %swap3A_192 : vector<16xi32> to vector<16xi32>
      %swap3A_194 = vector.shape_cast %mul3A_190 : vector<16xi32> to vector<16xi32>
      tpu.vector_store %arg15[%swap3A_191], %swap3A_194 {strides = array<i32>} : memref<128xi32, #tpu.memory_space<vmem>>, vector<16xi32>,
      %eq3A_195 = arith.cmpi eq, %get3A_184, %get3A_187 : vector<16xi32>
      %mul3A_196 = arith.constant 2 : i32
      %mul3A_197 = vector.broadcast %mul3A_196 : i32 to vector<16xi32>
      %mul3A_198 = arith.muli %get3A_187, %mul3A_197 : vector<16xi32>
      %add3A_199 = arith.constant 1 : i32
      %add3A_200 = vector.broadcast %add3A_199 : i32 to vector<16xi32>
      %add3A_201 = arith.addi %mul3A_198, %add3A_200 : vector<16xi32>
      %select_n3A_202 = arith.select %eq3A_195, %broadcast_in_dim3A_47, %add3A_201 : vector<16xi1>, vector<16xi32>
      %swap3A_203 = arith.constant 48 : index
      %swap3A_204 = tpu.vector_load %arg16[%swap3A_203] {strides = array<i32>} : memref<128xi32, #tpu.memory_space<vmem>>, vector<16xi32>,
      %swap3A_205 = vector.shape_cast %swap3A_204 : vector<16xi32> to vector<16xi32>
      %swap3A_206 = vector.shape_cast %select_n3A_202 : vector<16xi32> to vector<16xi32>
      tpu.vector_store %arg16[%swap3A_203], %swap3A_206 {strides = array<i32>} : memref<128xi32, #tpu.memory_space<vmem>>, vector<16xi32>,
      %get3A_207 = arith.constant 64 : index
      %get3A_208 = tpu.vector_load %arg13[%get3A_207] {strides = array<i32>} : memref<128xi32, #tpu.memory_space<vmem>>, vector<16xi32>,
      %get3A_209 = vector.shape_cast %get3A_208 : vector<16xi32> to vector<16xi32>
      %get3A_210 = arith.constant 64 : index
      %get3A_211 = tpu.vector_load %arg14[%get3A_210] {strides = array<i32>} : memref<128xi32, #tpu.memory_space<vmem>>, vector<16xi32>,
      %get3A_212 = vector.shape_cast %get3A_211 : vector<16xi32> to vector<16xi32>
      %mul3A_213 = arith.constant 2 : i32
      %mul3A_214 = vector.broadcast %mul3A_213 : i32 to vector<16xi32>
      %mul3A_215 = arith.muli %get3A_209, %mul3A_214 : vector<16xi32>
      %swap3A_216 = arith.constant 64 : index
      %swap3A_217 = tpu.vector_load %arg15[%swap3A_216] {strides = array<i32>} : memref<128xi32, #tpu.memory_space<vmem>>, vector<16xi32>,
      %swap3A_218 = vector.shape_cast %swap3A_217 : vector<16xi32> to vector<16xi32>
      %swap3A_219 = vector.shape_cast %mul3A_215 : vector<16xi32> to vector<16xi32>
      tpu.vector_store %arg15[%swap3A_216], %swap3A_219 {strides = array<i32>} : memref<128xi32, #tpu.memory_space<vmem>>, vector<16xi32>,
      %eq3A_220 = arith.cmpi eq, %get3A_209, %get3A_212 : vector<16xi32>
      %mul3A_221 = arith.constant 2 : i32
      %mul3A_222 = vector.broadcast %mul3A_221 : i32 to vector<16xi32>
      %mul3A_223 = arith.muli %get3A_212, %mul3A_222 : vector<16xi32>
      %add3A_224 = arith.constant 1 : i32
      %add3A_225 = vector.broadcast %add3A_224 : i32 to vector<16xi32>
      %add3A_226 = arith.addi %mul3A_223, %add3A_225 : vector<16xi32>
      %select_n3A_227 = arith.select %eq3A_220, %broadcast_in_dim3A_47, %add3A_226 : vector<16xi1>, vector<16xi32>
      %swap3A_228 = arith.constant 64 : index
      %swap3A_229 = tpu.vector_load %arg16[%swap3A_228] {strides = array<i32>} : memref<128xi32, #tpu.memory_space<vmem>>, vector<16xi32>,
      %swap3A_230 = vector.shape_cast %swap3A_229 : vector<16xi32> to vector<16xi32>
      %swap3A_231 = vector.shape_cast %select_n3A_227 : vector<16xi32> to vector<16xi32>
      tpu.vector_store %arg16[%swap3A_228], %swap3A_231 {strides = array<i32>} : memref<128xi32, #tpu.memory_space<vmem>>, vector<16xi32>,
      %get3A_232 = arith.constant 80 : index
      %get3A_233 = tpu.vector_load %arg13[%get3A_232] {strides = array<i32>} : memref<128xi32, #tpu.memory_space<vmem>>, vector<16xi32>,
      %get3A_234 = vector.shape_cast %get3A_233 : vector<16xi32> to vector<16xi32>
      %get3A_235 = arith.constant 80 : index
      %get3A_236 = tpu.vector_load %arg14[%get3A_235] {strides = array<i32>} : memref<128xi32, #tpu.memory_space<vmem>>, vector<16xi32>,
      %get3A_237 = vector.shape_cast %get3A_236 : vector<16xi32> to vector<16xi32>
      %mul3A_238 = arith.constant 2 : i32
      %mul3A_239 = vector.broadcast %mul3A_238 : i32 to vector<16xi32>
      %mul3A_240 = arith.muli %get3A_234, %mul3A_239 : vector<16xi32>
      %swap3A_241 = arith.constant 80 : index
      %swap3A_242 = tpu.vector_load %arg15[%swap3A_241] {strides = array<i32>} : memref<128xi32, #tpu.memory_space<vmem>>, vector<16xi32>,
      %swap3A_243 = vector.shape_cast %swap3A_242 : vector<16xi32> to vector<16xi32>
      %swap3A_244 = vector.shape_cast %mul3A_240 : vector<16xi32> to vector<16xi32>
      tpu.vector_store %arg15[%swap3A_241], %swap3A_244 {strides = array<i32>} : memref<128xi32, #tpu.memory_space<vmem>>, vector<16xi32>,
      %eq3A_245 = arith.cmpi eq, %get3A_234, %get3A_237 : vector<16xi32>
      %mul3A_246 = arith.constant 2 : i32
      %mul3A_247 = vector.broadcast %mul3A_246 : i32 to vector<16xi32>
      %mul3A_248 = arith.muli %get3A_237, %mul3A_247 : vector<16xi32>
      %add3A_249 = arith.constant 1 : i32
      %add3A_250 = vector.broadcast %add3A_249 : i32 to vector<16xi32>
      %add3A_251 = arith.addi %mul3A_248, %add3A_250 : vector<16xi32>
      %select_n3A_252 = arith.select %eq3A_245, %broadcast_in_dim3A_47, %add3A_251 : vector<16xi1>, vector<16xi32>
      %swap3A_253 = arith.constant 80 : index
      %swap3A_254 = tpu.vector_load %arg16[%swap3A_253] {strides = array<i32>} : memref<128xi32, #tpu.memory_space<vmem>>, vector<16xi32>,
      %swap3A_255 = vector.shape_cast %swap3A_254 : vector<16xi32> to vector<16xi32>
      %swap3A_256 = vector.shape_cast %select_n3A_252 : vector<16xi32> to vector<16xi32>
      tpu.vector_store %arg16[%swap3A_253], %swap3A_256 {strides = array<i32>} : memref<128xi32, #tpu.memory_space<vmem>>, vector<16xi32>,
      %get3A_257 = arith.constant 96 : index
      %get3A_258 = tpu.vector_load %arg13[%get3A_257] {strides = array<i32>} : memref<128xi32, #tpu.memory_space<vmem>>, vector<16xi32>,
      %get3A_259 = vector.shape_cast %get3A_258 : vector<16xi32> to vector<16xi32>
      %get3A_260 = arith.constant 96 : index
      %get3A_261 = tpu.vector_load %arg14[%get3A_260] {strides = array<i32>} : memref<128xi32, #tpu.memory_space<vmem>>, vector<16xi32>,
      %get3A_262 = vector.shape_cast %get3A_261 : vector<16xi32> to vector<16xi32>
      %mul3A_263 = arith.constant 2 : i32
      %mul3A_264 = vector.broadcast %mul3A_263 : i32 to vector<16xi32>
      %mul3A_265 = arith.muli %get3A_259, %mul3A_264 : vector<16xi32>
      %swap3A_266 = arith.constant 96 : index
      %swap3A_267 = tpu.vector_load %arg15[%swap3A_266] {strides = array<i32>} : memref<128xi32, #tpu.memory_space<vmem>>, vector<16xi32>,
      %swap3A_268 = vector.shape_cast %swap3A_267 : vector<16xi32> to vector<16xi32>
      %swap3A_269 = vector.shape_cast %mul3A_265 : vector<16xi32> to vector<16xi32>
      tpu.vector_store %arg15[%swap3A_266], %swap3A_269 {strides = array<i32>} : memref<128xi32, #tpu.memory_space<vmem>>, vector<16xi32>,
      %eq3A_270 = arith.cmpi eq, %get3A_259, %get3A_262 : vector<16xi32>
      %mul3A_271 = arith.constant 2 : i32
      %mul3A_272 = vector.broadcast %mul3A_271 : i32 to vector<16xi32>
      %mul3A_273 = arith.muli %get3A_262, %mul3A_272 : vector<16xi32>
      %add3A_274 = arith.constant 1 : i32
      %add3A_275 = vector.broadcast %add3A_274 : i32 to vector<16xi32>
      %add3A_276 = arith.addi %mul3A_273, %add3A_275 : vector<16xi32>
      %select_n3A_277 = arith.select %eq3A_270, %broadcast_in_dim3A_47, %add3A_276 : vector<16xi1>, vector<16xi32>
      %swap3A_278 = arith.constant 96 : index
      %swap3A_279 = tpu.vector_load %arg16[%swap3A_278] {strides = array<i32>} : memref<128xi32, #tpu.memory_space<vmem>>, vector<16xi32>,
      %swap3A_280 = vector.shape_cast %swap3A_279 : vector<16xi32> to vector<16xi32>
      %swap3A_281 = vector.shape_cast %select_n3A_277 : vector<16xi32> to vector<16xi32>
      tpu.vector_store %arg16[%swap3A_278], %swap3A_281 {strides = array<i32>} : memref<128xi32, #tpu.memory_space<vmem>>, vector<16xi32>,
      %get3A_282 = arith.constant 112 : index
      %get3A_283 = tpu.vector_load %arg13[%get3A_282] {strides = array<i32>} : memref<128xi32, #tpu.memory_space<vmem>>, vector<16xi32>,
      %get3A_284 = vector.shape_cast %get3A_283 : vector<16xi32> to vector<16xi32>
      %get3A_285 = arith.constant 112 : index
      %get3A_286 = tpu.vector_load %arg14[%get3A_285] {strides = array<i32>} : memref<128xi32, #tpu.memory_space<vmem>>, vector<16xi32>,
      %get3A_287 = vector.shape_cast %get3A_286 : vector<16xi32> to vector<16xi32>
      %mul3A_288 = arith.constant 2 : i32
      %mul3A_289 = vector.broadcast %mul3A_288 : i32 to vector<16xi32>
      %mul3A_290 = arith.muli %get3A_284, %mul3A_289 : vector<16xi32>
      %swap3A_291 = arith.constant 112 : index
      %swap3A_292 = tpu.vector_load %arg15[%swap3A_291] {strides = array<i32>} : memref<128xi32, #tpu.memory_space<vmem>>, vector<16xi32>,
      %swap3A_293 = vector.shape_cast %swap3A_292 : vector<16xi32> to vector<16xi32>
      %swap3A_294 = vector.shape_cast %mul3A_290 : vector<16xi32> to vector<16xi32>
      tpu.vector_store %arg15[%swap3A_291], %swap3A_294 {strides = array<i32>} : memref<128xi32, #tpu.memory_space<vmem>>, vector<16xi32>,
      %eq3A_295 = arith.cmpi eq, %get3A_284, %get3A_287 : vector<16xi32>
      %mul3A_296 = arith.constant 2 : i32
      %mul3A_297 = vector.broadcast %mul3A_296 : i32 to vector<16xi32>
      %mul3A_298 = arith.muli %get3A_287, %mul3A_297 : vector<16xi32>
      %add3A_299 = arith.constant 1 : i32
      %add3A_300 = vector.broadcast %add3A_299 : i32 to vector<16xi32>
      %add3A_301 = arith.addi %mul3A_298, %add3A_300 : vector<16xi32>
      %select_n3A_302 = arith.select %eq3A_295, %broadcast_in_dim3A_47, %add3A_301 : vector<16xi1>, vector<16xi32>
      %swap3A_303 = arith.constant 112 : index
      %swap3A_304 = tpu.vector_load %arg16[%swap3A_303] {strides = array<i32>} : memref<128xi32, #tpu.memory_space<vmem>>, vector<16xi32>,
      %swap3A_305 = vector.shape_cast %swap3A_304 : vector<16xi32> to vector<16xi32>
      %swap3A_306 = vector.shape_cast %select_n3A_302 : vector<16xi32> to vector<16xi32>
      tpu.vector_store %arg16[%swap3A_303], %swap3A_306 {strides = array<i32>} : memref<128xi32, #tpu.memory_space<vmem>>, vector<16xi32>,
      %dma_start3A_307 = arith.constant 0 : i32
      %dma_start3A_308 = arith.constant 0 : i32
      %dma_start3A_309 = tpu.memref_slice %arg2[%dma_start3A_307, %dma_start3A_308] : memref<40960x128xf32, #tpu.memory_space<hbm>> -> memref<40960x128xf32, #tpu.memory_space<hbm>>
      tpu.enqueue_indirect_dma source(%dma_start3A_309 : memref<40960x128xf32, #tpu.memory_space<hbm>>) target(%arg7 : memref<128x128xf32, #tpu.memory_space<vmem>>) offsets(%arg15 : memref<128xi32, #tpu.memory_space<vmem>>) semaphore(%arg21 : memref<!tpu.dma_semaphore, #tpu.memory_space<semaphore_mem>>)
      %dma_start3A_310 = arith.constant 0 : i32
      %dma_start3A_311 = arith.constant 0 : i32
      %dma_start3A_312 = tpu.memref_slice %arg2[%dma_start3A_310, %dma_start3A_311] : memref<40960x128xf32, #tpu.memory_space<hbm>> -> memref<40960x128xf32, #tpu.memory_space<hbm>>
      tpu.enqueue_indirect_dma source(%dma_start3A_312 : memref<40960x128xf32, #tpu.memory_space<hbm>>) target(%arg8 : memref<128x128xf32, #tpu.memory_space<vmem>>) offsets(%arg16 : memref<128xi32, #tpu.memory_space<vmem>>) semaphore(%arg22 : memref<!tpu.dma_semaphore, #tpu.memory_space<semaphore_mem>>)
      %dma_wait3A_313 = tpu.memref_slice %arg3[%mul3A_90] : memref<320000xi32, #tpu.memory_space<hbm>> -> memref<128xi32, #tpu.memory_space<hbm>>
      %dma_wait3A_314 = tpu.memref_slice %arg3[%mul3A_90] : memref<320000xi32, #tpu.memory_space<hbm>> -> memref<128xi32, #tpu.memory_space<hbm>>
      tpu.wait_dma2 semaphore(%arg29 : memref<!tpu.dma_semaphore, #tpu.memory_space<semaphore_mem>>) src(%dma_wait3A_314 : memref<128xi32, #tpu.memory_space<hbm>>) dst(%arg17 : memref<128xi32, #tpu.memory_space<vmem>>)
      %dma_wait3A_315 = tpu.memref_slice %arg4[%mul3A_90] : memref<320000xi32, #tpu.memory_space<hbm>> -> memref<128xi32, #tpu.memory_space<hbm>>
      %dma_wait3A_316 = tpu.memref_slice %arg4[%mul3A_90] : memref<320000xi32, #tpu.memory_space<hbm>> -> memref<128xi32, #tpu.memory_space<hbm>>
      tpu.wait_dma2 semaphore(%arg30 : memref<!tpu.dma_semaphore, #tpu.memory_space<semaphore_mem>>) src(%dma_wait3A_316 : memref<128xi32, #tpu.memory_space<hbm>>) dst(%arg18 : memref<128xi32, #tpu.memory_space<vmem>>)
      %get3A_317 = arith.constant 0 : index
      %get3A_318 = tpu.vector_load %arg17[%get3A_317] {strides = array<i32>} : memref<128xi32, #tpu.memory_space<vmem>>, vector<16xi32>,
      %get3A_319 = vector.shape_cast %get3A_318 : vector<16xi32> to vector<16xi32>
      %get3A_320 = arith.constant 0 : index
      %get3A_321 = tpu.vector_load %arg18[%get3A_320] {strides = array<i32>} : memref<128xi32, #tpu.memory_space<vmem>>, vector<16xi32>,
      %get3A_322 = vector.shape_cast %get3A_321 : vector<16xi32> to vector<16xi32>
      %mul3A_323 = arith.constant 2 : i32
      %mul3A_324 = vector.broadcast %mul3A_323 : i32 to vector<16xi32>
      %mul3A_325 = arith.muli %get3A_319, %mul3A_324 : vector<16xi32>
      %swap3A_326 = arith.constant 0 : index
      %swap3A_327 = tpu.vector_load %arg19[%swap3A_326] {strides = array<i32>} : memref<128xi32, #tpu.memory_space<vmem>>, vector<16xi32>,
      %swap3A_328 = vector.shape_cast %swap3A_327 : vector<16xi32> to vector<16xi32>
      %swap3A_329 = vector.shape_cast %mul3A_325 : vector<16xi32> to vector<16xi32>
      tpu.vector_store %arg19[%swap3A_326], %swap3A_329 {strides = array<i32>} : memref<128xi32, #tpu.memory_space<vmem>>, vector<16xi32>,
      %eq3A_330 = arith.cmpi eq, %get3A_319, %get3A_322 : vector<16xi32>
      %mul3A_331 = arith.constant 2 : i32
      %mul3A_332 = vector.broadcast %mul3A_331 : i32 to vector<16xi32>
      %mul3A_333 = arith.muli %get3A_322, %mul3A_332 : vector<16xi32>
      %add3A_334 = arith.constant 1 : i32
      %add3A_335 = vector.broadcast %add3A_334 : i32 to vector<16xi32>
      %add3A_336 = arith.addi %mul3A_333, %add3A_335 : vector<16xi32>
      %select_n3A_337 = arith.select %eq3A_330, %broadcast_in_dim3A_47, %add3A_336 : vector<16xi1>, vector<16xi32>
      %swap3A_338 = arith.constant 0 : index
      %swap3A_339 = tpu.vector_load %arg20[%swap3A_338] {strides = array<i32>} : memref<128xi32, #tpu.memory_space<vmem>>, vector<16xi32>,
      %swap3A_340 = vector.shape_cast %swap3A_339 : vector<16xi32> to vector<16xi32>
      %swap3A_341 = vector.shape_cast %select_n3A_337 : vector<16xi32> to vector<16xi32>
      tpu.vector_store %arg20[%swap3A_338], %swap3A_341 {strides = array<i32>} : memref<128xi32, #tpu.memory_space<vmem>>, vector<16xi32>,
      %get3A_342 = arith.constant 16 : index
      %get3A_343 = tpu.vector_load %arg17[%get3A_342] {strides = array<i32>} : memref<128xi32, #tpu.memory_space<vmem>>, vector<16xi32>,
      %get3A_344 = vector.shape_cast %get3A_343 : vector<16xi32> to vector<16xi32>
      %get3A_345 = arith.constant 16 : index
      %get3A_346 = tpu.vector_load %arg18[%get3A_345] {strides = array<i32>} : memref<128xi32, #tpu.memory_space<vmem>>, vector<16xi32>,
      %get3A_347 = vector.shape_cast %get3A_346 : vector<16xi32> to vector<16xi32>
      %mul3A_348 = arith.constant 2 : i32
      %mul3A_349 = vector.broadcast %mul3A_348 : i32 to vector<16xi32>
      %mul3A_350 = arith.muli %get3A_344, %mul3A_349 : vector<16xi32>
      %swap3A_351 = arith.constant 16 : index
      %swap3A_352 = tpu.vector_load %arg19[%swap3A_351] {strides = array<i32>} : memref<128xi32, #tpu.memory_space<vmem>>, vector<16xi32>,
      %swap3A_353 = vector.shape_cast %swap3A_352 : vector<16xi32> to vector<16xi32>
      %swap3A_354 = vector.shape_cast %mul3A_350 : vector<16xi32> to vector<16xi32>
      tpu.vector_store %arg19[%swap3A_351], %swap3A_354 {strides = array<i32>} : memref<128xi32, #tpu.memory_space<vmem>>, vector<16xi32>,
      %eq3A_355 = arith.cmpi eq, %get3A_344, %get3A_347 : vector<16xi32>
      %mul3A_356 = arith.constant 2 : i32
      %mul3A_357 = vector.broadcast %mul3A_356 : i32 to vector<16xi32>
      %mul3A_358 = arith.muli %get3A_347, %mul3A_357 : vector<16xi32>
      %add3A_359 = arith.constant 1 : i32
      %add3A_360 = vector.broadcast %add3A_359 : i32 to vector<16xi32>
      %add3A_361 = arith.addi %mul3A_358, %add3A_360 : vector<16xi32>
      %select_n3A_362 = arith.select %eq3A_355, %broadcast_in_dim3A_47, %add3A_361 : vector<16xi1>, vector<16xi32>
      %swap3A_363 = arith.constant 16 : index
      %swap3A_364 = tpu.vector_load %arg20[%swap3A_363] {strides = array<i32>} : memref<128xi32, #tpu.memory_space<vmem>>, vector<16xi32>,
      %swap3A_365 = vector.shape_cast %swap3A_364 : vector<16xi32> to vector<16xi32>
      %swap3A_366 = vector.shape_cast %select_n3A_362 : vector<16xi32> to vector<16xi32>
      tpu.vector_store %arg20[%swap3A_363], %swap3A_366 {strides = array<i32>} : memref<128xi32, #tpu.memory_space<vmem>>, vector<16xi32>,
      %get3A_367 = arith.constant 32 : index
      %get3A_368 = tpu.vector_load %arg17[%get3A_367] {strides = array<i32>} : memref<128xi32, #tpu.memory_space<vmem>>, vector<16xi32>,
      %get3A_369 = vector.shape_cast %get3A_368 : vector<16xi32> to vector<16xi32>
      %get3A_370 = arith.constant 32 : index
      %get3A_371 = tpu.vector_load %arg18[%get3A_370] {strides = array<i32>} : memref<128xi32, #tpu.memory_space<vmem>>, vector<16xi32>,
      %get3A_372 = vector.shape_cast %get3A_371 : vector<16xi32> to vector<16xi32>
      %mul3A_373 = arith.constant 2 : i32
      %mul3A_374 = vector.broadcast %mul3A_373 : i32 to vector<16xi32>
      %mul3A_375 = arith.muli %get3A_369, %mul3A_374 : vector<16xi32>
      %swap3A_376 = arith.constant 32 : index
      %swap3A_377 = tpu.vector_load %arg19[%swap3A_376] {strides = array<i32>} : memref<128xi32, #tpu.memory_space<vmem>>, vector<16xi32>,
      %swap3A_378 = vector.shape_cast %swap3A_377 : vector<16xi32> to vector<16xi32>
      %swap3A_379 = vector.shape_cast %mul3A_375 : vector<16xi32> to vector<16xi32>
      tpu.vector_store %arg19[%swap3A_376], %swap3A_379 {strides = array<i32>} : memref<128xi32, #tpu.memory_space<vmem>>, vector<16xi32>,
      %eq3A_380 = arith.cmpi eq, %get3A_369, %get3A_372 : vector<16xi32>
      %mul3A_381 = arith.constant 2 : i32
      %mul3A_382 = vector.broadcast %mul3A_381 : i32 to vector<16xi32>
      %mul3A_383 = arith.muli %get3A_372, %mul3A_382 : vector<16xi32>
      %add3A_384 = arith.constant 1 : i32
      %add3A_385 = vector.broadcast %add3A_384 : i32 to vector<16xi32>
      %add3A_386 = arith.addi %mul3A_383, %add3A_385 : vector<16xi32>
      %select_n3A_387 = arith.select %eq3A_380, %broadcast_in_dim3A_47, %add3A_386 : vector<16xi1>, vector<16xi32>
      %swap3A_388 = arith.constant 32 : index
      %swap3A_389 = tpu.vector_load %arg20[%swap3A_388] {strides = array<i32>} : memref<128xi32, #tpu.memory_space<vmem>>, vector<16xi32>,
      %swap3A_390 = vector.shape_cast %swap3A_389 : vector<16xi32> to vector<16xi32>
      %swap3A_391 = vector.shape_cast %select_n3A_387 : vector<16xi32> to vector<16xi32>
      tpu.vector_store %arg20[%swap3A_388], %swap3A_391 {strides = array<i32>} : memref<128xi32, #tpu.memory_space<vmem>>, vector<16xi32>,
      %get3A_392 = arith.constant 48 : index
      %get3A_393 = tpu.vector_load %arg17[%get3A_392] {strides = array<i32>} : memref<128xi32, #tpu.memory_space<vmem>>, vector<16xi32>,
      %get3A_394 = vector.shape_cast %get3A_393 : vector<16xi32> to vector<16xi32>
      %get3A_395 = arith.constant 48 : index
      %get3A_396 = tpu.vector_load %arg18[%get3A_395] {strides = array<i32>} : memref<128xi32, #tpu.memory_space<vmem>>, vector<16xi32>,
      %get3A_397 = vector.shape_cast %get3A_396 : vector<16xi32> to vector<16xi32>
      %mul3A_398 = arith.constant 2 : i32
      %mul3A_399 = vector.broadcast %mul3A_398 : i32 to vector<16xi32>
      %mul3A_400 = arith.muli %get3A_394, %mul3A_399 : vector<16xi32>
      %swap3A_401 = arith.constant 48 : index
      %swap3A_402 = tpu.vector_load %arg19[%swap3A_401] {strides = array<i32>} : memref<128xi32, #tpu.memory_space<vmem>>, vector<16xi32>,
      %swap3A_403 = vector.shape_cast %swap3A_402 : vector<16xi32> to vector<16xi32>
      %swap3A_404 = vector.shape_cast %mul3A_400 : vector<16xi32> to vector<16xi32>
      tpu.vector_store %arg19[%swap3A_401], %swap3A_404 {strides = array<i32>} : memref<128xi32, #tpu.memory_space<vmem>>, vector<16xi32>,
      %eq3A_405 = arith.cmpi eq, %get3A_394, %get3A_397 : vector<16xi32>
      %mul3A_406 = arith.constant 2 : i32
      %mul3A_407 = vector.broadcast %mul3A_406 : i32 to vector<16xi32>
      %mul3A_408 = arith.muli %get3A_397, %mul3A_407 : vector<16xi32>
      %add3A_409 = arith.constant 1 : i32
      %add3A_410 = vector.broadcast %add3A_409 : i32 to vector<16xi32>
      %add3A_411 = arith.addi %mul3A_408, %add3A_410 : vector<16xi32>
      %select_n3A_412 = arith.select %eq3A_405, %broadcast_in_dim3A_47, %add3A_411 : vector<16xi1>, vector<16xi32>
      %swap3A_413 = arith.constant 48 : index
      %swap3A_414 = tpu.vector_load %arg20[%swap3A_413] {strides = array<i32>} : memref<128xi32, #tpu.memory_space<vmem>>, vector<16xi32>,
      %swap3A_415 = vector.shape_cast %swap3A_414 : vector<16xi32> to vector<16xi32>
      %swap3A_416 = vector.shape_cast %select_n3A_412 : vector<16xi32> to vector<16xi32>
      tpu.vector_store %arg20[%swap3A_413], %swap3A_416 {strides = array<i32>} : memref<128xi32, #tpu.memory_space<vmem>>, vector<16xi32>,
      %get3A_417 = arith.constant 64 : index
      %get3A_418 = tpu.vector_load %arg17[%get3A_417] {strides = array<i32>} : memref<128xi32, #tpu.memory_space<vmem>>, vector<16xi32>,
      %get3A_419 = vector.shape_cast %get3A_418 : vector<16xi32> to vector<16xi32>
      %get3A_420 = arith.constant 64 : index
      %get3A_421 = tpu.vector_load %arg18[%get3A_420] {strides = array<i32>} : memref<128xi32, #tpu.memory_space<vmem>>, vector<16xi32>,
      %get3A_422 = vector.shape_cast %get3A_421 : vector<16xi32> to vector<16xi32>
      %mul3A_423 = arith.constant 2 : i32
      %mul3A_424 = vector.broadcast %mul3A_423 : i32 to vector<16xi32>
      %mul3A_425 = arith.muli %get3A_419, %mul3A_424 : vector<16xi32>
      %swap3A_426 = arith.constant 64 : index
      %swap3A_427 = tpu.vector_load %arg19[%swap3A_426] {strides = array<i32>} : memref<128xi32, #tpu.memory_space<vmem>>, vector<16xi32>,
      %swap3A_428 = vector.shape_cast %swap3A_427 : vector<16xi32> to vector<16xi32>
      %swap3A_429 = vector.shape_cast %mul3A_425 : vector<16xi32> to vector<16xi32>
      tpu.vector_store %arg19[%swap3A_426], %swap3A_429 {strides = array<i32>} : memref<128xi32, #tpu.memory_space<vmem>>, vector<16xi32>,
      %eq3A_430 = arith.cmpi eq, %get3A_419, %get3A_422 : vector<16xi32>
      %mul3A_431 = arith.constant 2 : i32
      %mul3A_432 = vector.broadcast %mul3A_431 : i32 to vector<16xi32>
      %mul3A_433 = arith.muli %get3A_422, %mul3A_432 : vector<16xi32>
      %add3A_434 = arith.constant 1 : i32
      %add3A_435 = vector.broadcast %add3A_434 : i32 to vector<16xi32>
      %add3A_436 = arith.addi %mul3A_433, %add3A_435 : vector<16xi32>
      %select_n3A_437 = arith.select %eq3A_430, %broadcast_in_dim3A_47, %add3A_436 : vector<16xi1>, vector<16xi32>
      %swap3A_438 = arith.constant 64 : index
      %swap3A_439 = tpu.vector_load %arg20[%swap3A_438] {strides = array<i32>} : memref<128xi32, #tpu.memory_space<vmem>>, vector<16xi32>,
      %swap3A_440 = vector.shape_cast %swap3A_439 : vector<16xi32> to vector<16xi32>
      %swap3A_441 = vector.shape_cast %select_n3A_437 : vector<16xi32> to vector<16xi32>
      tpu.vector_store %arg20[%swap3A_438], %swap3A_441 {strides = array<i32>} : memref<128xi32, #tpu.memory_space<vmem>>, vector<16xi32>,
      %get3A_442 = arith.constant 80 : index
      %get3A_443 = tpu.vector_load %arg17[%get3A_442] {strides = array<i32>} : memref<128xi32, #tpu.memory_space<vmem>>, vector<16xi32>,
      %get3A_444 = vector.shape_cast %get3A_443 : vector<16xi32> to vector<16xi32>
      %get3A_445 = arith.constant 80 : index
      %get3A_446 = tpu.vector_load %arg18[%get3A_445] {strides = array<i32>} : memref<128xi32, #tpu.memory_space<vmem>>, vector<16xi32>,
      %get3A_447 = vector.shape_cast %get3A_446 : vector<16xi32> to vector<16xi32>
      %mul3A_448 = arith.constant 2 : i32
      %mul3A_449 = vector.broadcast %mul3A_448 : i32 to vector<16xi32>
      %mul3A_450 = arith.muli %get3A_444, %mul3A_449 : vector<16xi32>
      %swap3A_451 = arith.constant 80 : index
      %swap3A_452 = tpu.vector_load %arg19[%swap3A_451] {strides = array<i32>} : memref<128xi32, #tpu.memory_space<vmem>>, vector<16xi32>,
      %swap3A_453 = vector.shape_cast %swap3A_452 : vector<16xi32> to vector<16xi32>
      %swap3A_454 = vector.shape_cast %mul3A_450 : vector<16xi32> to vector<16xi32>
      tpu.vector_store %arg19[%swap3A_451], %swap3A_454 {strides = array<i32>} : memref<128xi32, #tpu.memory_space<vmem>>, vector<16xi32>,
      %eq3A_455 = arith.cmpi eq, %get3A_444, %get3A_447 : vector<16xi32>
      %mul3A_456 = arith.constant 2 : i32
      %mul3A_457 = vector.broadcast %mul3A_456 : i32 to vector<16xi32>
      %mul3A_458 = arith.muli %get3A_447, %mul3A_457 : vector<16xi32>
      %add3A_459 = arith.constant 1 : i32
      %add3A_460 = vector.broadcast %add3A_459 : i32 to vector<16xi32>
      %add3A_461 = arith.addi %mul3A_458, %add3A_460 : vector<16xi32>
      %select_n3A_462 = arith.select %eq3A_455, %broadcast_in_dim3A_47, %add3A_461 : vector<16xi1>, vector<16xi32>
      %swap3A_463 = arith.constant 80 : index
      %swap3A_464 = tpu.vector_load %arg20[%swap3A_463] {strides = array<i32>} : memref<128xi32, #tpu.memory_space<vmem>>, vector<16xi32>,
      %swap3A_465 = vector.shape_cast %swap3A_464 : vector<16xi32> to vector<16xi32>
      %swap3A_466 = vector.shape_cast %select_n3A_462 : vector<16xi32> to vector<16xi32>
      tpu.vector_store %arg20[%swap3A_463], %swap3A_466 {strides = array<i32>} : memref<128xi32, #tpu.memory_space<vmem>>, vector<16xi32>,
      %get3A_467 = arith.constant 96 : index
      %get3A_468 = tpu.vector_load %arg17[%get3A_467] {strides = array<i32>} : memref<128xi32, #tpu.memory_space<vmem>>, vector<16xi32>,
      %get3A_469 = vector.shape_cast %get3A_468 : vector<16xi32> to vector<16xi32>
      %get3A_470 = arith.constant 96 : index
      %get3A_471 = tpu.vector_load %arg18[%get3A_470] {strides = array<i32>} : memref<128xi32, #tpu.memory_space<vmem>>, vector<16xi32>,
      %get3A_472 = vector.shape_cast %get3A_471 : vector<16xi32> to vector<16xi32>
      %mul3A_473 = arith.constant 2 : i32
      %mul3A_474 = vector.broadcast %mul3A_473 : i32 to vector<16xi32>
      %mul3A_475 = arith.muli %get3A_469, %mul3A_474 : vector<16xi32>
      %swap3A_476 = arith.constant 96 : index
      %swap3A_477 = tpu.vector_load %arg19[%swap3A_476] {strides = array<i32>} : memref<128xi32, #tpu.memory_space<vmem>>, vector<16xi32>,
      %swap3A_478 = vector.shape_cast %swap3A_477 : vector<16xi32> to vector<16xi32>
      %swap3A_479 = vector.shape_cast %mul3A_475 : vector<16xi32> to vector<16xi32>
      tpu.vector_store %arg19[%swap3A_476], %swap3A_479 {strides = array<i32>} : memref<128xi32, #tpu.memory_space<vmem>>, vector<16xi32>,
      %eq3A_480 = arith.cmpi eq, %get3A_469, %get3A_472 : vector<16xi32>
      %mul3A_481 = arith.constant 2 : i32
      %mul3A_482 = vector.broadcast %mul3A_481 : i32 to vector<16xi32>
      %mul3A_483 = arith.muli %get3A_472, %mul3A_482 : vector<16xi32>
      %add3A_484 = arith.constant 1 : i32
      %add3A_485 = vector.broadcast %add3A_484 : i32 to vector<16xi32>
      %add3A_486 = arith.addi %mul3A_483, %add3A_485 : vector<16xi32>
      %select_n3A_487 = arith.select %eq3A_480, %broadcast_in_dim3A_47, %add3A_486 : vector<16xi1>, vector<16xi32>
      %swap3A_488 = arith.constant 96 : index
      %swap3A_489 = tpu.vector_load %arg20[%swap3A_488] {strides = array<i32>} : memref<128xi32, #tpu.memory_space<vmem>>, vector<16xi32>,
      %swap3A_490 = vector.shape_cast %swap3A_489 : vector<16xi32> to vector<16xi32>
      %swap3A_491 = vector.shape_cast %select_n3A_487 : vector<16xi32> to vector<16xi32>
      tpu.vector_store %arg20[%swap3A_488], %swap3A_491 {strides = array<i32>} : memref<128xi32, #tpu.memory_space<vmem>>, vector<16xi32>,
      %get3A_492 = arith.constant 112 : index
      %get3A_493 = tpu.vector_load %arg17[%get3A_492] {strides = array<i32>} : memref<128xi32, #tpu.memory_space<vmem>>, vector<16xi32>,
      %get3A_494 = vector.shape_cast %get3A_493 : vector<16xi32> to vector<16xi32>
      %get3A_495 = arith.constant 112 : index
      %get3A_496 = tpu.vector_load %arg18[%get3A_495] {strides = array<i32>} : memref<128xi32, #tpu.memory_space<vmem>>, vector<16xi32>,
      %get3A_497 = vector.shape_cast %get3A_496 : vector<16xi32> to vector<16xi32>
      %mul3A_498 = arith.constant 2 : i32
      %mul3A_499 = vector.broadcast %mul3A_498 : i32 to vector<16xi32>
      %mul3A_500 = arith.muli %get3A_494, %mul3A_499 : vector<16xi32>
      %swap3A_501 = arith.constant 112 : index
      %swap3A_502 = tpu.vector_load %arg19[%swap3A_501] {strides = array<i32>} : memref<128xi32, #tpu.memory_space<vmem>>, vector<16xi32>,
      %swap3A_503 = vector.shape_cast %swap3A_502 : vector<16xi32> to vector<16xi32>
      %swap3A_504 = vector.shape_cast %mul3A_500 : vector<16xi32> to vector<16xi32>
      tpu.vector_store %arg19[%swap3A_501], %swap3A_504 {strides = array<i32>} : memref<128xi32, #tpu.memory_space<vmem>>, vector<16xi32>,
      %eq3A_505 = arith.cmpi eq, %get3A_494, %get3A_497 : vector<16xi32>
      %mul3A_506 = arith.constant 2 : i32
      %mul3A_507 = vector.broadcast %mul3A_506 : i32 to vector<16xi32>
      %mul3A_508 = arith.muli %get3A_497, %mul3A_507 : vector<16xi32>
      %add3A_509 = arith.constant 1 : i32
      %add3A_510 = vector.broadcast %add3A_509 : i32 to vector<16xi32>
      %add3A_511 = arith.addi %mul3A_508, %add3A_510 : vector<16xi32>
      %select_n3A_512 = arith.select %eq3A_505, %broadcast_in_dim3A_47, %add3A_511 : vector<16xi1>, vector<16xi32>
      %swap3A_513 = arith.constant 112 : index
      %swap3A_514 = tpu.vector_load %arg20[%swap3A_513] {strides = array<i32>} : memref<128xi32, #tpu.memory_space<vmem>>, vector<16xi32>,
      %swap3A_515 = vector.shape_cast %swap3A_514 : vector<16xi32> to vector<16xi32>
      %swap3A_516 = vector.shape_cast %select_n3A_512 : vector<16xi32> to vector<16xi32>
      tpu.vector_store %arg20[%swap3A_513], %swap3A_516 {strides = array<i32>} : memref<128xi32, #tpu.memory_space<vmem>>, vector<16xi32>,
      %dma_start3A_517 = arith.constant 0 : i32
      %dma_start3A_518 = arith.constant 0 : i32
      %dma_start3A_519 = tpu.memref_slice %arg2[%dma_start3A_517, %dma_start3A_518] : memref<40960x128xf32, #tpu.memory_space<hbm>> -> memref<40960x128xf32, #tpu.memory_space<hbm>>
      tpu.enqueue_indirect_dma source(%dma_start3A_519 : memref<40960x128xf32, #tpu.memory_space<hbm>>) target(%arg10 : memref<128x128xf32, #tpu.memory_space<vmem>>) offsets(%arg19 : memref<128xi32, #tpu.memory_space<vmem>>) semaphore(%arg24 : memref<!tpu.dma_semaphore, #tpu.memory_space<semaphore_mem>>)
      %dma_start3A_520 = arith.constant 0 : i32
      %dma_start3A_521 = arith.constant 0 : i32
      %dma_start3A_522 = tpu.memref_slice %arg2[%dma_start3A_520, %dma_start3A_521] : memref<40960x128xf32, #tpu.memory_space<hbm>> -> memref<40960x128xf32, #tpu.memory_space<hbm>>
      tpu.enqueue_indirect_dma source(%dma_start3A_522 : memref<40960x128xf32, #tpu.memory_space<hbm>>) target(%arg11 : memref<128x128xf32, #tpu.memory_space<vmem>>) offsets(%arg20 : memref<128xi32, #tpu.memory_space<vmem>>) semaphore(%arg25 : memref<!tpu.dma_semaphore, #tpu.memory_space<semaphore_mem>>)
      %dma_wait3A_523 = arith.constant 0 : i32
      %dma_wait3A_524 = arith.constant 0 : i32
      %dma_wait3A_525 = tpu.memref_slice %arg2[%dma_wait3A_523, %dma_wait3A_524] : memref<40960x128xf32, #tpu.memory_space<hbm>> -> memref<40960x128xf32, #tpu.memory_space<hbm>>
      tpu.wait_indirect_dma semaphore(%arg21 : memref<!tpu.dma_semaphore, #tpu.memory_space<semaphore_mem>>) src(%dma_wait3A_525 : memref<40960x128xf32, #tpu.memory_space<hbm>>) dst(%arg7 : memref<128x128xf32, #tpu.memory_space<vmem>>)
      %dma_wait3A_526 = arith.constant 0 : i32
      %dma_wait3A_527 = arith.constant 0 : i32
      %dma_wait3A_528 = tpu.memref_slice %arg2[%dma_wait3A_526, %dma_wait3A_527] : memref<40960x128xf32, #tpu.memory_space<hbm>> -> memref<40960x128xf32, #tpu.memory_space<hbm>>
      tpu.wait_indirect_dma semaphore(%arg22 : memref<!tpu.dma_semaphore, #tpu.memory_space<semaphore_mem>>) src(%dma_wait3A_528 : memref<40960x128xf32, #tpu.memory_space<hbm>>) dst(%arg8 : memref<128x128xf32, #tpu.memory_space<vmem>>)
      %dma_wait3A_529 = arith.constant 0 : i32
      %dma_wait3A_530 = tpu.memref_slice %arg5[%mul3A_81, %dma_wait3A_529] : memref<320000x128xf32, #tpu.memory_space<hbm>> -> memref<128x128xf32, #tpu.memory_space<hbm>>
      %dma_wait3A_531 = arith.constant 0 : i32
      %dma_wait3A_532 = tpu.memref_slice %arg5[%mul3A_81, %dma_wait3A_531] : memref<320000x128xf32, #tpu.memory_space<hbm>> -> memref<128x128xf32, #tpu.memory_space<hbm>>
      tpu.wait_dma2 semaphore(%arg23 : memref<!tpu.dma_semaphore, #tpu.memory_space<semaphore_mem>>) src(%dma_wait3A_532 : memref<128x128xf32, #tpu.memory_space<hbm>>) dst(%arg9 : memref<128x128xf32, #tpu.memory_space<vmem>>)
      %scan3A = arith.constant 0 : i32
      %scan3A_533 = arith.constant 0 : i32
      %scan3A_534 = arith.constant 128 : i32
      %scan3A_535 = arith.addi %scan3A_533, %scan3A_534 : i32
      %scan3A_536 = arith.constant 1 : i32
      scf.for %scan3A_554 = %scan3A_533 to %scan3A_535 step %scan3A_536  : i32 {
        %get3A_555 = arith.index_cast %scan3A_554 : i32 to index
        %get3A_556 = arith.constant 0 : index
        %get3A_557 = tpu.vector_load %arg7[%get3A_555, %get3A_556] {strides = array<i32>} : memref<128x128xf32, #tpu.memory_space<vmem>>, vector<1x16xf32>,
        %get3A_558 = vector.shape_cast %get3A_557 : vector<1x16xf32> to vector<16xf32>
        %get3A_559 = arith.index_cast %scan3A_554 : i32 to index
        %get3A_560 = arith.constant 0 : index
        %get3A_561 = tpu.vector_load %arg8[%get3A_559, %get3A_560] {strides = array<i32>} : memref<128x128xf32, #tpu.memory_space<vmem>>, vector<1x16xf32>,
        %get3A_562 = vector.shape_cast %get3A_561 : vector<1x16xf32> to vector<16xf32>
        %add3A_563 = arith.addf %get3A_558, %get3A_562 : vector<16xf32>
        %swap3A_564 = arith.index_cast %scan3A_554 : i32 to index
        %swap3A_565 = arith.constant 0 : index
        %swap3A_566 = tpu.vector_load %arg9[%swap3A_564, %swap3A_565] {strides = array<i32>} : memref<128x128xf32, #tpu.memory_space<vmem>>, vector<1x16xf32>,
        %swap3A_567 = vector.shape_cast %swap3A_566 : vector<1x16xf32> to vector<16xf32>
        %swap3A_568 = vector.shape_cast %add3A_563 : vector<16xf32> to vector<1x16xf32>
        tpu.vector_store %arg9[%swap3A_564, %swap3A_565], %swap3A_568 {add = true, strides = array<i32>} : memref<128x128xf32, #tpu.memory_space<vmem>>, vector<1x16xf32>,
        %get3A_569 = arith.index_cast %scan3A_554 : i32 to index
        %get3A_570 = arith.constant 16 : index
        %get3A_571 = tpu.vector_load %arg7[%get3A_569, %get3A_570] {strides = array<i32>} : memref<128x128xf32, #tpu.memory_space<vmem>>, vector<1x16xf32>,
        %get3A_572 = vector.shape_cast %get3A_571 : vector<1x16xf32> to vector<16xf32>
        %get3A_573 = arith.index_cast %scan3A_554 : i32 to index
        %get3A_574 = arith.constant 16 : index
        %get3A_575 = tpu.vector_load %arg8[%get3A_573, %get3A_574] {strides = array<i32>} : memref<128x128xf32, #tpu.memory_space<vmem>>, vector<1x16xf32>,
        %get3A_576 = vector.shape_cast %get3A_575 : vector<1x16xf32> to vector<16xf32>
        %add3A_577 = arith.addf %get3A_572, %get3A_576 : vector<16xf32>
        %swap3A_578 = arith.index_cast %scan3A_554 : i32 to index
        %swap3A_579 = arith.constant 16 : index
        %swap3A_580 = tpu.vector_load %arg9[%swap3A_578, %swap3A_579] {strides = array<i32>} : memref<128x128xf32, #tpu.memory_space<vmem>>, vector<1x16xf32>,
        %swap3A_581 = vector.shape_cast %swap3A_580 : vector<1x16xf32> to vector<16xf32>
        %swap3A_582 = vector.shape_cast %add3A_577 : vector<16xf32> to vector<1x16xf32>
        tpu.vector_store %arg9[%swap3A_578, %swap3A_579], %swap3A_582 {add = true, strides = array<i32>} : memref<128x128xf32, #tpu.memory_space<vmem>>, vector<1x16xf32>,
        %get3A_583 = arith.index_cast %scan3A_554 : i32 to index
        %get3A_584 = arith.constant 32 : index
        %get3A_585 = tpu.vector_load %arg7[%get3A_583, %get3A_584] {strides = array<i32>} : memref<128x128xf32, #tpu.memory_space<vmem>>, vector<1x16xf32>,
        %get3A_586 = vector.shape_cast %get3A_585 : vector<1x16xf32> to vector<16xf32>
        %get3A_587 = arith.index_cast %scan3A_554 : i32 to index
        %get3A_588 = arith.constant 32 : index
        %get3A_589 = tpu.vector_load %arg8[%get3A_587, %get3A_588] {strides = array<i32>} : memref<128x128xf32, #tpu.memory_space<vmem>>, vector<1x16xf32>,
        %get3A_590 = vector.shape_cast %get3A_589 : vector<1x16xf32> to vector<16xf32>
        %add3A_591 = arith.addf %get3A_586, %get3A_590 : vector<16xf32>
        %swap3A_592 = arith.index_cast %scan3A_554 : i32 to index
        %swap3A_593 = arith.constant 32 : index
        %swap3A_594 = tpu.vector_load %arg9[%swap3A_592, %swap3A_593] {strides = array<i32>} : memref<128x128xf32, #tpu.memory_space<vmem>>, vector<1x16xf32>,
        %swap3A_595 = vector.shape_cast %swap3A_594 : vector<1x16xf32> to vector<16xf32>
        %swap3A_596 = vector.shape_cast %add3A_591 : vector<16xf32> to vector<1x16xf32>
        tpu.vector_store %arg9[%swap3A_592, %swap3A_593], %swap3A_596 {add = true, strides = array<i32>} : memref<128x128xf32, #tpu.memory_space<vmem>>, vector<1x16xf32>,
        %get3A_597 = arith.index_cast %scan3A_554 : i32 to index
        %get3A_598 = arith.constant 48 : index
        %get3A_599 = tpu.vector_load %arg7[%get3A_597, %get3A_598] {strides = array<i32>} : memref<128x128xf32, #tpu.memory_space<vmem>>, vector<1x16xf32>,
        %get3A_600 = vector.shape_cast %get3A_599 : vector<1x16xf32> to vector<16xf32>
        %get3A_601 = arith.index_cast %scan3A_554 : i32 to index
        %get3A_602 = arith.constant 48 : index
        %get3A_603 = tpu.vector_load %arg8[%get3A_601, %get3A_602] {strides = array<i32>} : memref<128x128xf32, #tpu.memory_space<vmem>>, vector<1x16xf32>,
        %get3A_604 = vector.shape_cast %get3A_603 : vector<1x16xf32> to vector<16xf32>
        %add3A_605 = arith.addf %get3A_600, %get3A_604 : vector<16xf32>
        %swap3A_606 = arith.index_cast %scan3A_554 : i32 to index
        %swap3A_607 = arith.constant 48 : index
        %swap3A_608 = tpu.vector_load %arg9[%swap3A_606, %swap3A_607] {strides = array<i32>} : memref<128x128xf32, #tpu.memory_space<vmem>>, vector<1x16xf32>,
        %swap3A_609 = vector.shape_cast %swap3A_608 : vector<1x16xf32> to vector<16xf32>
        %swap3A_610 = vector.shape_cast %add3A_605 : vector<16xf32> to vector<1x16xf32>
        tpu.vector_store %arg9[%swap3A_606, %swap3A_607], %swap3A_610 {add = true, strides = array<i32>} : memref<128x128xf32, #tpu.memory_space<vmem>>, vector<1x16xf32>,
        %get3A_611 = arith.index_cast %scan3A_554 : i32 to index
        %get3A_612 = arith.constant 64 : index
        %get3A_613 = tpu.vector_load %arg7[%get3A_611, %get3A_612] {strides = array<i32>} : memref<128x128xf32, #tpu.memory_space<vmem>>, vector<1x16xf32>,
        %get3A_614 = vector.shape_cast %get3A_613 : vector<1x16xf32> to vector<16xf32>
        %get3A_615 = arith.index_cast %scan3A_554 : i32 to index
        %get3A_616 = arith.constant 64 : index
        %get3A_617 = tpu.vector_load %arg8[%get3A_615, %get3A_616] {strides = array<i32>} : memref<128x128xf32, #tpu.memory_space<vmem>>, vector<1x16xf32>,
        %get3A_618 = vector.shape_cast %get3A_617 : vector<1x16xf32> to vector<16xf32>
        %add3A_619 = arith.addf %get3A_614, %get3A_618 : vector<16xf32>
        %swap3A_620 = arith.index_cast %scan3A_554 : i32 to index
        %swap3A_621 = arith.constant 64 : index
        %swap3A_622 = tpu.vector_load %arg9[%swap3A_620, %swap3A_621] {strides = array<i32>} : memref<128x128xf32, #tpu.memory_space<vmem>>, vector<1x16xf32>,
        %swap3A_623 = vector.shape_cast %swap3A_622 : vector<1x16xf32> to vector<16xf32>
        %swap3A_624 = vector.shape_cast %add3A_619 : vector<16xf32> to vector<1x16xf32>
        tpu.vector_store %arg9[%swap3A_620, %swap3A_621], %swap3A_624 {add = true, strides = array<i32>} : memref<128x128xf32, #tpu.memory_space<vmem>>, vector<1x16xf32>,
        %get3A_625 = arith.index_cast %scan3A_554 : i32 to index
        %get3A_626 = arith.constant 80 : index
        %get3A_627 = tpu.vector_load %arg7[%get3A_625, %get3A_626] {strides = array<i32>} : memref<128x128xf32, #tpu.memory_space<vmem>>, vector<1x16xf32>,
        %get3A_628 = vector.shape_cast %get3A_627 : vector<1x16xf32> to vector<16xf32>
        %get3A_629 = arith.index_cast %scan3A_554 : i32 to index
        %get3A_630 = arith.constant 80 : index
        %get3A_631 = tpu.vector_load %arg8[%get3A_629, %get3A_630] {strides = array<i32>} : memref<128x128xf32, #tpu.memory_space<vmem>>, vector<1x16xf32>,
        %get3A_632 = vector.shape_cast %get3A_631 : vector<1x16xf32> to vector<16xf32>
        %add3A_633 = arith.addf %get3A_628, %get3A_632 : vector<16xf32>
        %swap3A_634 = arith.index_cast %scan3A_554 : i32 to index
        %swap3A_635 = arith.constant 80 : index
        %swap3A_636 = tpu.vector_load %arg9[%swap3A_634, %swap3A_635] {strides = array<i32>} : memref<128x128xf32, #tpu.memory_space<vmem>>, vector<1x16xf32>,
        %swap3A_637 = vector.shape_cast %swap3A_636 : vector<1x16xf32> to vector<16xf32>
        %swap3A_638 = vector.shape_cast %add3A_633 : vector<16xf32> to vector<1x16xf32>
        tpu.vector_store %arg9[%swap3A_634, %swap3A_635], %swap3A_638 {add = true, strides = array<i32>} : memref<128x128xf32, #tpu.memory_space<vmem>>, vector<1x16xf32>,
        %get3A_639 = arith.index_cast %scan3A_554 : i32 to index
        %get3A_640 = arith.constant 96 : index
        %get3A_641 = tpu.vector_load %arg7[%get3A_639, %get3A_640] {strides = array<i32>} : memref<128x128xf32, #tpu.memory_space<vmem>>, vector<1x16xf32>,
        %get3A_642 = vector.shape_cast %get3A_641 : vector<1x16xf32> to vector<16xf32>
        %get3A_643 = arith.index_cast %scan3A_554 : i32 to index
        %get3A_644 = arith.constant 96 : index
        %get3A_645 = tpu.vector_load %arg8[%get3A_643, %get3A_644] {strides = array<i32>} : memref<128x128xf32, #tpu.memory_space<vmem>>, vector<1x16xf32>,
        %get3A_646 = vector.shape_cast %get3A_645 : vector<1x16xf32> to vector<16xf32>
        %add3A_647 = arith.addf %get3A_642, %get3A_646 : vector<16xf32>
        %swap3A_648 = arith.index_cast %scan3A_554 : i32 to index
        %swap3A_649 = arith.constant 96 : index
        %swap3A_650 = tpu.vector_load %arg9[%swap3A_648, %swap3A_649] {strides = array<i32>} : memref<128x128xf32, #tpu.memory_space<vmem>>, vector<1x16xf32>,
        %swap3A_651 = vector.shape_cast %swap3A_650 : vector<1x16xf32> to vector<16xf32>
        %swap3A_652 = vector.shape_cast %add3A_647 : vector<16xf32> to vector<1x16xf32>
        tpu.vector_store %arg9[%swap3A_648, %swap3A_649], %swap3A_652 {add = true, strides = array<i32>} : memref<128x128xf32, #tpu.memory_space<vmem>>, vector<1x16xf32>,
        %get3A_653 = arith.index_cast %scan3A_554 : i32 to index
        %get3A_654 = arith.constant 112 : index
        %get3A_655 = tpu.vector_load %arg7[%get3A_653, %get3A_654] {strides = array<i32>} : memref<128x128xf32, #tpu.memory_space<vmem>>, vector<1x16xf32>,
        %get3A_656 = vector.shape_cast %get3A_655 : vector<1x16xf32> to vector<16xf32>
        %get3A_657 = arith.index_cast %scan3A_554 : i32 to index
        %get3A_658 = arith.constant 112 : index
        %get3A_659 = tpu.vector_load %arg8[%get3A_657, %get3A_658] {strides = array<i32>} : memref<128x128xf32, #tpu.memory_space<vmem>>, vector<1x16xf32>,
        %get3A_660 = vector.shape_cast %get3A_659 : vector<1x16xf32> to vector<16xf32>
        %add3A_661 = arith.addf %get3A_656, %get3A_660 : vector<16xf32>
        %swap3A_662 = arith.index_cast %scan3A_554 : i32 to index
        %swap3A_663 = arith.constant 112 : index
        %swap3A_664 = tpu.vector_load %arg9[%swap3A_662, %swap3A_663] {strides = array<i32>} : memref<128x128xf32, #tpu.memory_space<vmem>>, vector<1x16xf32>,
        %swap3A_665 = vector.shape_cast %swap3A_664 : vector<1x16xf32> to vector<16xf32>
        %swap3A_666 = vector.shape_cast %add3A_661 : vector<16xf32> to vector<1x16xf32>
        tpu.vector_store %arg9[%swap3A_662, %swap3A_663], %swap3A_666 {add = true, strides = array<i32>} : memref<128x128xf32, #tpu.memory_space<vmem>>, vector<1x16xf32>,
      }
      %scan3A_537 = arith.constant 128 : i32
      "tpu.region"() ({
        %run_scoped3A = tpu.sem_alloc : memref<!tpu.dma_semaphore, #tpu.memory_space<semaphore_mem>>
        %dma_start3A_554 = arith.constant 0 : i32
        %dma_start3A_555 = tpu.memref_slice %arg6[%mul3A_81, %dma_start3A_554] : memref<320000x128xf32, #tpu.memory_space<hbm>> -> memref<128x128xf32, #tpu.memory_space<hbm>>
        %dma_start3A_556 = arith.constant 0 : i32
        %dma_start3A_557 = tpu.memref_slice %arg6[%mul3A_81, %dma_start3A_556] : memref<320000x128xf32, #tpu.memory_space<hbm>> -> memref<128x128xf32, #tpu.memory_space<hbm>>
        tpu.enqueue_dma source(%arg9 : memref<128x128xf32, #tpu.memory_space<vmem>>) target(%dma_start3A_557 : memref<128x128xf32, #tpu.memory_space<hbm>>) target_semaphore(%run_scoped3A : memref<!tpu.dma_semaphore, #tpu.memory_space<semaphore_mem>>)
        %dma_wait3A_558 = arith.constant 0 : i32
        %dma_wait3A_559 = tpu.memref_slice %arg6[%mul3A_81, %dma_wait3A_558] : memref<320000x128xf32, #tpu.memory_space<hbm>> -> memref<128x128xf32, #tpu.memory_space<hbm>>
        %dma_wait3A_560 = arith.constant 0 : i32
        %dma_wait3A_561 = tpu.memref_slice %arg6[%mul3A_81, %dma_wait3A_560] : memref<320000x128xf32, #tpu.memory_space<hbm>> -> memref<128x128xf32, #tpu.memory_space<hbm>>
        tpu.wait_dma2 semaphore(%run_scoped3A : memref<!tpu.dma_semaphore, #tpu.memory_space<semaphore_mem>>) src(%arg9 : memref<128x128xf32, #tpu.memory_space<vmem>>) dst(%dma_wait3A_561 : memref<128x128xf32, #tpu.memory_space<hbm>>)
        tpu.yield
      }) : () -> ()
      %dma_wait3A_538 = arith.constant 0 : i32
      %dma_wait3A_539 = arith.constant 0 : i32
      %dma_wait3A_540 = tpu.memref_slice %arg2[%dma_wait3A_538, %dma_wait3A_539] : memref<40960x128xf32, #tpu.memory_space<hbm>> -> memref<40960x128xf32, #tpu.memory_space<hbm>>
      tpu.wait_indirect_dma semaphore(%arg24 : memref<!tpu.dma_semaphore, #tpu.memory_space<semaphore_mem>>) src(%dma_wait3A_540 : memref<40960x128xf32, #tpu.memory_space<hbm>>) dst(%arg10 : memref<128x128xf32, #tpu.memory_space<vmem>>)
      %dma_wait3A_541 = arith.constant 0 : i32
      %dma_wait3A_542 = arith.constant 0 : i32
      %dma_wait3A_543 = tpu.memref_slice %arg2[%dma_wait3A_541, %dma_wait3A_542] : memref<40960x128xf32, #tpu.memory_space<hbm>> -> memref<40960x128xf32, #tpu.memory_space<hbm>>
      tpu.wait_indirect_dma semaphore(%arg25 : memref<!tpu.dma_semaphore, #tpu.memory_space<semaphore_mem>>) src(%dma_wait3A_543 : memref<40960x128xf32, #tpu.memory_space<hbm>>) dst(%arg11 : memref<128x128xf32, #tpu.memory_space<vmem>>)
      %dma_wait3A_544 = arith.constant 0 : i32
      %dma_wait3A_545 = tpu.memref_slice %arg5[%mul3A_90, %dma_wait3A_544] : memref<320000x128xf32, #tpu.memory_space<hbm>> -> memref<128x128xf32, #tpu.memory_space<hbm>>
      %dma_wait3A_546 = arith.constant 0 : i32
      %dma_wait3A_547 = tpu.memref_slice %arg5[%mul3A_90, %dma_wait3A_546] : memref<320000x128xf32, #tpu.memory_space<hbm>> -> memref<128x128xf32, #tpu.memory_space<hbm>>
      tpu.wait_dma2 semaphore(%arg26 : memref<!tpu.dma_semaphore, #tpu.memory_space<semaphore_mem>>) src(%dma_wait3A_547 : memref<128x128xf32, #tpu.memory_space<hbm>>) dst(%arg12 : memref<128x128xf32, #tpu.memory_space<vmem>>)
      %scan3A_548 = arith.constant 0 : i32
      %scan3A_549 = arith.constant 0 : i32
      %scan3A_550 = arith.constant 128 : i32
      %scan3A_551 = arith.addi %scan3A_549, %scan3A_550 : i32
      %scan3A_552 = arith.constant 1 : i32
      scf.for %scan3A_554 = %scan3A_549 to %scan3A_551 step %scan3A_552  : i32 {
        %get3A_555 = arith.index_cast %scan3A_554 : i32 to index
        %get3A_556 = arith.constant 0 : index
        %get3A_557 = tpu.vector_load %arg10[%get3A_555, %get3A_556] {strides = array<i32>} : memref<128x128xf32, #tpu.memory_space<vmem>>, vector<1x16xf32>,
        %get3A_558 = vector.shape_cast %get3A_557 : vector<1x16xf32> to vector<16xf32>
        %get3A_559 = arith.index_cast %scan3A_554 : i32 to index
        %get3A_560 = arith.constant 0 : index
        %get3A_561 = tpu.vector_load %arg11[%get3A_559, %get3A_560] {strides = array<i32>} : memref<128x128xf32, #tpu.memory_space<vmem>>, vector<1x16xf32>,
        %get3A_562 = vector.shape_cast %get3A_561 : vector<1x16xf32> to vector<16xf32>
        %add3A_563 = arith.addf %get3A_558, %get3A_562 : vector<16xf32>
        %swap3A_564 = arith.index_cast %scan3A_554 : i32 to index
        %swap3A_565 = arith.constant 0 : index
        %swap3A_566 = tpu.vector_load %arg12[%swap3A_564, %swap3A_565] {strides = array<i32>} : memref<128x128xf32, #tpu.memory_space<vmem>>, vector<1x16xf32>,
        %swap3A_567 = vector.shape_cast %swap3A_566 : vector<1x16xf32> to vector<16xf32>
        %swap3A_568 = vector.shape_cast %add3A_563 : vector<16xf32> to vector<1x16xf32>
        tpu.vector_store %arg12[%swap3A_564, %swap3A_565], %swap3A_568 {add = true, strides = array<i32>} : memref<128x128xf32, #tpu.memory_space<vmem>>, vector<1x16xf32>,
        %get3A_569 = arith.index_cast %scan3A_554 : i32 to index
        %get3A_570 = arith.constant 16 : index
        %get3A_571 = tpu.vector_load %arg10[%get3A_569, %get3A_570] {strides = array<i32>} : memref<128x128xf32, #tpu.memory_space<vmem>>, vector<1x16xf32>,
        %get3A_572 = vector.shape_cast %get3A_571 : vector<1x16xf32> to vector<16xf32>
        %get3A_573 = arith.index_cast %scan3A_554 : i32 to index
        %get3A_574 = arith.constant 16 : index
        %get3A_575 = tpu.vector_load %arg11[%get3A_573, %get3A_574] {strides = array<i32>} : memref<128x128xf32, #tpu.memory_space<vmem>>, vector<1x16xf32>,
        %get3A_576 = vector.shape_cast %get3A_575 : vector<1x16xf32> to vector<16xf32>
        %add3A_577 = arith.addf %get3A_572, %get3A_576 : vector<16xf32>
        %swap3A_578 = arith.index_cast %scan3A_554 : i32 to index
        %swap3A_579 = arith.constant 16 : index
        %swap3A_580 = tpu.vector_load %arg12[%swap3A_578, %swap3A_579] {strides = array<i32>} : memref<128x128xf32, #tpu.memory_space<vmem>>, vector<1x16xf32>,
        %swap3A_581 = vector.shape_cast %swap3A_580 : vector<1x16xf32> to vector<16xf32>
        %swap3A_582 = vector.shape_cast %add3A_577 : vector<16xf32> to vector<1x16xf32>
        tpu.vector_store %arg12[%swap3A_578, %swap3A_579], %swap3A_582 {add = true, strides = array<i32>} : memref<128x128xf32, #tpu.memory_space<vmem>>, vector<1x16xf32>,
        %get3A_583 = arith.index_cast %scan3A_554 : i32 to index
        %get3A_584 = arith.constant 32 : index
        %get3A_585 = tpu.vector_load %arg10[%get3A_583, %get3A_584] {strides = array<i32>} : memref<128x128xf32, #tpu.memory_space<vmem>>, vector<1x16xf32>,
        %get3A_586 = vector.shape_cast %get3A_585 : vector<1x16xf32> to vector<16xf32>
        %get3A_587 = arith.index_cast %scan3A_554 : i32 to index
        %get3A_588 = arith.constant 32 : index
        %get3A_589 = tpu.vector_load %arg11[%get3A_587, %get3A_588] {strides = array<i32>} : memref<128x128xf32, #tpu.memory_space<vmem>>, vector<1x16xf32>,
        %get3A_590 = vector.shape_cast %get3A_589 : vector<1x16xf32> to vector<16xf32>
        %add3A_591 = arith.addf %get3A_586, %get3A_590 : vector<16xf32>
        %swap3A_592 = arith.index_cast %scan3A_554 : i32 to index
        %swap3A_593 = arith.constant 32 : index
        %swap3A_594 = tpu.vector_load %arg12[%swap3A_592, %swap3A_593] {strides = array<i32>} : memref<128x128xf32, #tpu.memory_space<vmem>>, vector<1x16xf32>,
        %swap3A_595 = vector.shape_cast %swap3A_594 : vector<1x16xf32> to vector<16xf32>
        %swap3A_596 = vector.shape_cast %add3A_591 : vector<16xf32> to vector<1x16xf32>
        tpu.vector_store %arg12[%swap3A_592, %swap3A_593], %swap3A_596 {add = true, strides = array<i32>} : memref<128x128xf32, #tpu.memory_space<vmem>>, vector<1x16xf32>,
        %get3A_597 = arith.index_cast %scan3A_554 : i32 to index
        %get3A_598 = arith.constant 48 : index
        %get3A_599 = tpu.vector_load %arg10[%get3A_597, %get3A_598] {strides = array<i32>} : memref<128x128xf32, #tpu.memory_space<vmem>>, vector<1x16xf32>,
        %get3A_600 = vector.shape_cast %get3A_599 : vector<1x16xf32> to vector<16xf32>
        %get3A_601 = arith.index_cast %scan3A_554 : i32 to index
        %get3A_602 = arith.constant 48 : index
        %get3A_603 = tpu.vector_load %arg11[%get3A_601, %get3A_602] {strides = array<i32>} : memref<128x128xf32, #tpu.memory_space<vmem>>, vector<1x16xf32>,
        %get3A_604 = vector.shape_cast %get3A_603 : vector<1x16xf32> to vector<16xf32>
        %add3A_605 = arith.addf %get3A_600, %get3A_604 : vector<16xf32>
        %swap3A_606 = arith.index_cast %scan3A_554 : i32 to index
        %swap3A_607 = arith.constant 48 : index
        %swap3A_608 = tpu.vector_load %arg12[%swap3A_606, %swap3A_607] {strides = array<i32>} : memref<128x128xf32, #tpu.memory_space<vmem>>, vector<1x16xf32>,
        %swap3A_609 = vector.shape_cast %swap3A_608 : vector<1x16xf32> to vector<16xf32>
        %swap3A_610 = vector.shape_cast %add3A_605 : vector<16xf32> to vector<1x16xf32>
        tpu.vector_store %arg12[%swap3A_606, %swap3A_607], %swap3A_610 {add = true, strides = array<i32>} : memref<128x128xf32, #tpu.memory_space<vmem>>, vector<1x16xf32>,
        %get3A_611 = arith.index_cast %scan3A_554 : i32 to index
        %get3A_612 = arith.constant 64 : index
        %get3A_613 = tpu.vector_load %arg10[%get3A_611, %get3A_612] {strides = array<i32>} : memref<128x128xf32, #tpu.memory_space<vmem>>, vector<1x16xf32>,
        %get3A_614 = vector.shape_cast %get3A_613 : vector<1x16xf32> to vector<16xf32>
        %get3A_615 = arith.index_cast %scan3A_554 : i32 to index
        %get3A_616 = arith.constant 64 : index
        %get3A_617 = tpu.vector_load %arg11[%get3A_615, %get3A_616] {strides = array<i32>} : memref<128x128xf32, #tpu.memory_space<vmem>>, vector<1x16xf32>,
        %get3A_618 = vector.shape_cast %get3A_617 : vector<1x16xf32> to vector<16xf32>
        %add3A_619 = arith.addf %get3A_614, %get3A_618 : vector<16xf32>
        %swap3A_620 = arith.index_cast %scan3A_554 : i32 to index
        %swap3A_621 = arith.constant 64 : index
        %swap3A_622 = tpu.vector_load %arg12[%swap3A_620, %swap3A_621] {strides = array<i32>} : memref<128x128xf32, #tpu.memory_space<vmem>>, vector<1x16xf32>,
        %swap3A_623 = vector.shape_cast %swap3A_622 : vector<1x16xf32> to vector<16xf32>
        %swap3A_624 = vector.shape_cast %add3A_619 : vector<16xf32> to vector<1x16xf32>
        tpu.vector_store %arg12[%swap3A_620, %swap3A_621], %swap3A_624 {add = true, strides = array<i32>} : memref<128x128xf32, #tpu.memory_space<vmem>>, vector<1x16xf32>,
        %get3A_625 = arith.index_cast %scan3A_554 : i32 to index
        %get3A_626 = arith.constant 80 : index
        %get3A_627 = tpu.vector_load %arg10[%get3A_625, %get3A_626] {strides = array<i32>} : memref<128x128xf32, #tpu.memory_space<vmem>>, vector<1x16xf32>,
        %get3A_628 = vector.shape_cast %get3A_627 : vector<1x16xf32> to vector<16xf32>
        %get3A_629 = arith.index_cast %scan3A_554 : i32 to index
        %get3A_630 = arith.constant 80 : index
        %get3A_631 = tpu.vector_load %arg11[%get3A_629, %get3A_630] {strides = array<i32>} : memref<128x128xf32, #tpu.memory_space<vmem>>, vector<1x16xf32>,
        %get3A_632 = vector.shape_cast %get3A_631 : vector<1x16xf32> to vector<16xf32>
        %add3A_633 = arith.addf %get3A_628, %get3A_632 : vector<16xf32>
        %swap3A_634 = arith.index_cast %scan3A_554 : i32 to index
        %swap3A_635 = arith.constant 80 : index
        %swap3A_636 = tpu.vector_load %arg12[%swap3A_634, %swap3A_635] {strides = array<i32>} : memref<128x128xf32, #tpu.memory_space<vmem>>, vector<1x16xf32>,
        %swap3A_637 = vector.shape_cast %swap3A_636 : vector<1x16xf32> to vector<16xf32>
        %swap3A_638 = vector.shape_cast %add3A_633 : vector<16xf32> to vector<1x16xf32>
        tpu.vector_store %arg12[%swap3A_634, %swap3A_635], %swap3A_638 {add = true, strides = array<i32>} : memref<128x128xf32, #tpu.memory_space<vmem>>, vector<1x16xf32>,
        %get3A_639 = arith.index_cast %scan3A_554 : i32 to index
        %get3A_640 = arith.constant 96 : index
        %get3A_641 = tpu.vector_load %arg10[%get3A_639, %get3A_640] {strides = array<i32>} : memref<128x128xf32, #tpu.memory_space<vmem>>, vector<1x16xf32>,
        %get3A_642 = vector.shape_cast %get3A_641 : vector<1x16xf32> to vector<16xf32>
        %get3A_643 = arith.index_cast %scan3A_554 : i32 to index
        %get3A_644 = arith.constant 96 : index
        %get3A_645 = tpu.vector_load %arg11[%get3A_643, %get3A_644] {strides = array<i32>} : memref<128x128xf32, #tpu.memory_space<vmem>>, vector<1x16xf32>,
        %get3A_646 = vector.shape_cast %get3A_645 : vector<1x16xf32> to vector<16xf32>
        %add3A_647 = arith.addf %get3A_642, %get3A_646 : vector<16xf32>
        %swap3A_648 = arith.index_cast %scan3A_554 : i32 to index
        %swap3A_649 = arith.constant 96 : index
        %swap3A_650 = tpu.vector_load %arg12[%swap3A_648, %swap3A_649] {strides = array<i32>} : memref<128x128xf32, #tpu.memory_space<vmem>>, vector<1x16xf32>,
        %swap3A_651 = vector.shape_cast %swap3A_650 : vector<1x16xf32> to vector<16xf32>
        %swap3A_652 = vector.shape_cast %add3A_647 : vector<16xf32> to vector<1x16xf32>
        tpu.vector_store %arg12[%swap3A_648, %swap3A_649], %swap3A_652 {add = true, strides = array<i32>} : memref<128x128xf32, #tpu.memory_space<vmem>>, vector<1x16xf32>,
        %get3A_653 = arith.index_cast %scan3A_554 : i32 to index
        %get3A_654 = arith.constant 112 : index
        %get3A_655 = tpu.vector_load %arg10[%get3A_653, %get3A_654] {strides = array<i32>} : memref<128x128xf32, #tpu.memory_space<vmem>>, vector<1x16xf32>,
        %get3A_656 = vector.shape_cast %get3A_655 : vector<1x16xf32> to vector<16xf32>
        %get3A_657 = arith.index_cast %scan3A_554 : i32 to index
        %get3A_658 = arith.constant 112 : index
        %get3A_659 = tpu.vector_load %arg11[%get3A_657, %get3A_658] {strides = array<i32>} : memref<128x128xf32, #tpu.memory_space<vmem>>, vector<1x16xf32>,
        %get3A_660 = vector.shape_cast %get3A_659 : vector<1x16xf32> to vector<16xf32>
        %add3A_661 = arith.addf %get3A_656, %get3A_660 : vector<16xf32>
        %swap3A_662 = arith.index_cast %scan3A_554 : i32 to index
        %swap3A_663 = arith.constant 112 : index
        %swap3A_664 = tpu.vector_load %arg12[%swap3A_662, %swap3A_663] {strides = array<i32>} : memref<128x128xf32, #tpu.memory_space<vmem>>, vector<1x16xf32>,
        %swap3A_665 = vector.shape_cast %swap3A_664 : vector<1x16xf32> to vector<16xf32>
        %swap3A_666 = vector.shape_cast %add3A_661 : vector<16xf32> to vector<1x16xf32>
        tpu.vector_store %arg12[%swap3A_662, %swap3A_663], %swap3A_666 {add = true, strides = array<i32>} : memref<128x128xf32, #tpu.memory_space<vmem>>, vector<1x16xf32>,
      }
      %scan3A_553 = arith.constant 128 : i32
      "tpu.region"() ({
        %run_scoped3A = tpu.sem_alloc : memref<!tpu.dma_semaphore, #tpu.memory_space<semaphore_mem>>
        %dma_start3A_554 = arith.constant 0 : i32
        %dma_start3A_555 = tpu.memref_slice %arg6[%mul3A_90, %dma_start3A_554] : memref<320000x128xf32, #tpu.memory_space<hbm>> -> memref<128x128xf32, #tpu.memory_space<hbm>>
        %dma_start3A_556 = arith.constant 0 : i32
        %dma_start3A_557 = tpu.memref_slice %arg6[%mul3A_90, %dma_start3A_556] : memref<320000x128xf32, #tpu.memory_space<hbm>> -> memref<128x128xf32, #tpu.memory_space<hbm>>
        tpu.enqueue_dma source(%arg12 : memref<128x128xf32, #tpu.memory_space<vmem>>) target(%dma_start3A_557 : memref<128x128xf32, #tpu.memory_space<hbm>>) target_semaphore(%run_scoped3A : memref<!tpu.dma_semaphore, #tpu.memory_space<semaphore_mem>>)
        %dma_wait3A_558 = arith.constant 0 : i32
        %dma_wait3A_559 = tpu.memref_slice %arg6[%mul3A_90, %dma_wait3A_558] : memref<320000x128xf32, #tpu.memory_space<hbm>> -> memref<128x128xf32, #tpu.memory_space<hbm>>
        %dma_wait3A_560 = arith.constant 0 : i32
        %dma_wait3A_561 = tpu.memref_slice %arg6[%mul3A_90, %dma_wait3A_560] : memref<320000x128xf32, #tpu.memory_space<hbm>> -> memref<128x128xf32, #tpu.memory_space<hbm>>
        tpu.wait_dma2 semaphore(%run_scoped3A : memref<!tpu.dma_semaphore, #tpu.memory_space<semaphore_mem>>) src(%arg12 : memref<128x128xf32, #tpu.memory_space<vmem>>) dst(%dma_wait3A_561 : memref<128x128xf32, #tpu.memory_space<hbm>>)
        tpu.yield
      }) : () -> ()
    }
    %while3A_56 = arith.constant 1 : i32
    scf.for %while3A_74 = %while3A_54 to %while3A_50 step %while3A_56  : i32 {
      %mul3A_75 = arith.constant 2 : i32
      %mul3A_76 = arith.muli %mul3A_75, %while3A_74 : i32
      %mul3A_77 = arith.constant 32 : i32
      %mul3A_78 = arith.muli %mul3A_77, %mul3A_76 : i32
      %add3A_79 = arith.addi %add3A, %mul3A_78 : i32
      %mul3A_80 = arith.constant 128 : i32
      %mul3A_81 = arith.muli %add3A_79, %mul3A_80 : i32
      %mul3A_82 = arith.constant 2 : i32
      %mul3A_83 = arith.muli %mul3A_82, %while3A_74 : i32
      %add3A_84 = arith.constant 1 : i32
      %add3A_85 = arith.addi %mul3A_83, %add3A_84 : i32
      %mul3A_86 = arith.constant 32 : i32
      %mul3A_87 = arith.muli %mul3A_86, %add3A_85 : i32
      %add3A_88 = arith.addi %add3A, %mul3A_87 : i32
      %mul3A_89 = arith.constant 128 : i32
      %mul3A_90 = arith.muli %add3A_88, %mul3A_89 : i32
      %dma_start3A = tpu.memref_slice %arg3[%mul3A_81] : memref<320000xi32, #tpu.memory_space<hbm>> -> memref<128xi32, #tpu.memory_space<hbm>>
      %dma_start3A_91 = tpu.memref_slice %arg3[%mul3A_81] : memref<320000xi32, #tpu.memory_space<hbm>> -> memref<128xi32, #tpu.memory_space<hbm>>
      tpu.enqueue_dma source(%dma_start3A_91 : memref<128xi32, #tpu.memory_space<hbm>>) target(%arg13 : memref<128xi32, #tpu.memory_space<vmem>>) target_semaphore(%arg27 : memref<!tpu.dma_semaphore, #tpu.memory_space<semaphore_mem>>)
      %dma_start3A_92 = tpu.memref_slice %arg4[%mul3A_81] : memref<320000xi32, #tpu.memory_space<hbm>> -> memref<128xi32, #tpu.memory_space<hbm>>
      %dma_start3A_93 = tpu.memref_slice %arg4[%mul3A_81] : memref<320000xi32, #tpu.memory_space<hbm>> -> memref<128xi32, #tpu.memory_space<hbm>>
      tpu.enqueue_dma source(%dma_start3A_93 : memref<128xi32, #tpu.memory_space<hbm>>) target(%arg14 : memref<128xi32, #tpu.memory_space<vmem>>) target_semaphore(%arg28 : memref<!tpu.dma_semaphore, #tpu.memory_space<semaphore_mem>>)
      %dma_start3A_94 = tpu.memref_slice %arg3[%mul3A_90] : memref<320000xi32, #tpu.memory_space<hbm>> -> memref<128xi32, #tpu.memory_space<hbm>>
      %dma_start3A_95 = tpu.memref_slice %arg3[%mul3A_90] : memref<320000xi32, #tpu.memory_space<hbm>> -> memref<128xi32, #tpu.memory_space<hbm>>
      tpu.enqueue_dma source(%dma_start3A_95 : memref<128xi32, #tpu.memory_space<hbm>>) target(%arg17 : memref<128xi32, #tpu.memory_space<vmem>>) target_semaphore(%arg29 : memref<!tpu.dma_semaphore, #tpu.memory_space<semaphore_mem>>)
      %dma_start3A_96 = tpu.memref_slice %arg4[%mul3A_90] : memref<320000xi32, #tpu.memory_space<hbm>> -> memref<128xi32, #tpu.memory_space<hbm>>
      %dma_start3A_97 = tpu.memref_slice %arg4[%mul3A_90] : memref<320000xi32, #tpu.memory_space<hbm>> -> memref<128xi32, #tpu.memory_space<hbm>>
      tpu.enqueue_dma source(%dma_start3A_97 : memref<128xi32, #tpu.memory_space<hbm>>) target(%arg18 : memref<128xi32, #tpu.memory_space<vmem>>) target_semaphore(%arg30 : memref<!tpu.dma_semaphore, #tpu.memory_space<semaphore_mem>>)
      %dma_start3A_98 = arith.constant 0 : i32
      %dma_start3A_99 = tpu.memref_slice %arg5[%mul3A_81, %dma_start3A_98] : memref<320000x128xf32, #tpu.memory_space<hbm>> -> memref<128x128xf32, #tpu.memory_space<hbm>>
      %dma_start3A_100 = arith.constant 0 : i32
      %dma_start3A_101 = tpu.memref_slice %arg5[%mul3A_81, %dma_start3A_100] : memref<320000x128xf32, #tpu.memory_space<hbm>> -> memref<128x128xf32, #tpu.memory_space<hbm>>
      tpu.enqueue_dma source(%dma_start3A_101 : memref<128x128xf32, #tpu.memory_space<hbm>>) target(%arg9 : memref<128x128xf32, #tpu.memory_space<vmem>>) target_semaphore(%arg23 : memref<!tpu.dma_semaphore, #tpu.memory_space<semaphore_mem>>)
      %dma_start3A_102 = arith.constant 0 : i32
      %dma_start3A_103 = tpu.memref_slice %arg5[%mul3A_90, %dma_start3A_102] : memref<320000x128xf32, #tpu.memory_space<hbm>> -> memref<128x128xf32, #tpu.memory_space<hbm>>
      %dma_start3A_104 = arith.constant 0 : i32
      %dma_start3A_105 = tpu.memref_slice %arg5[%mul3A_90, %dma_start3A_104] : memref<320000x128xf32, #tpu.memory_space<hbm>> -> memref<128x128xf32, #tpu.memory_space<hbm>>
      tpu.enqueue_dma source(%dma_start3A_105 : memref<128x128xf32, #tpu.memory_space<hbm>>) target(%arg12 : memref<128x128xf32, #tpu.memory_space<vmem>>) target_semaphore(%arg26 : memref<!tpu.dma_semaphore, #tpu.memory_space<semaphore_mem>>)
      %dma_wait3A = tpu.memref_slice %arg3[%mul3A_81] : memref<320000xi32, #tpu.memory_space<hbm>> -> memref<128xi32, #tpu.memory_space<hbm>>
      %dma_wait3A_106 = tpu.memref_slice %arg3[%mul3A_81] : memref<320000xi32, #tpu.memory_space<hbm>> -> memref<128xi32, #tpu.memory_space<hbm>>
      tpu.wait_dma2 semaphore(%arg27 : memref<!tpu.dma_semaphore, #tpu.memory_space<semaphore_mem>>) src(%dma_wait3A_106 : memref<128xi32, #tpu.memory_space<hbm>>) dst(%arg13 : memref<128xi32, #tpu.memory_space<vmem>>)
      %dma_wait3A_107 = tpu.memref_slice %arg4[%mul3A_81] : memref<320000xi32, #tpu.memory_space<hbm>> -> memref<128xi32, #tpu.memory_space<hbm>>
      %dma_wait3A_108 = tpu.memref_slice %arg4[%mul3A_81] : memref<320000xi32, #tpu.memory_space<hbm>> -> memref<128xi32, #tpu.memory_space<hbm>>
      tpu.wait_dma2 semaphore(%arg28 : memref<!tpu.dma_semaphore, #tpu.memory_space<semaphore_mem>>) src(%dma_wait3A_108 : memref<128xi32, #tpu.memory_space<hbm>>) dst(%arg14 : memref<128xi32, #tpu.memory_space<vmem>>)
      %get3A = arith.constant 0 : index
      %get3A_109 = tpu.vector_load %arg13[%get3A] {strides = array<i32>} : memref<128xi32, #tpu.memory_space<vmem>>, vector<16xi32>,
      %get3A_110 = vector.shape_cast %get3A_109 : vector<16xi32> to vector<16xi32>
      %get3A_111 = arith.constant 0 : index
      %get3A_112 = tpu.vector_load %arg14[%get3A_111] {strides = array<i32>} : memref<128xi32, #tpu.memory_space<vmem>>, vector<16xi32>,
      %get3A_113 = vector.shape_cast %get3A_112 : vector<16xi32> to vector<16xi32>
      %mul3A_114 = arith.constant 2 : i32
      %mul3A_115 = vector.broadcast %mul3A_114 : i32 to vector<16xi32>
      %mul3A_116 = arith.muli %get3A_110, %mul3A_115 : vector<16xi32>
      %swap3A = arith.constant 0 : index
      %swap3A_117 = tpu.vector_load %arg15[%swap3A] {strides = array<i32>} : memref<128xi32, #tpu.memory_space<vmem>>, vector<16xi32>,
      %swap3A_118 = vector.shape_cast %swap3A_117 : vector<16xi32> to vector<16xi32>
      %swap3A_119 = vector.shape_cast %mul3A_116 : vector<16xi32> to vector<16xi32>
      tpu.vector_store %arg15[%swap3A], %swap3A_119 {strides = array<i32>} : memref<128xi32, #tpu.memory_space<vmem>>, vector<16xi32>,
      %eq3A_120 = arith.cmpi eq, %get3A_110, %get3A_113 : vector<16xi32>
      %mul3A_121 = arith.constant 2 : i32
      %mul3A_122 = vector.broadcast %mul3A_121 : i32 to vector<16xi32>
      %mul3A_123 = arith.muli %get3A_113, %mul3A_122 : vector<16xi32>
      %add3A_124 = arith.constant 1 : i32
      %add3A_125 = vector.broadcast %add3A_124 : i32 to vector<16xi32>
      %add3A_126 = arith.addi %mul3A_123, %add3A_125 : vector<16xi32>
      %select_n3A_127 = arith.select %eq3A_120, %broadcast_in_dim3A_47, %add3A_126 : vector<16xi1>, vector<16xi32>
      %swap3A_128 = arith.constant 0 : index
      %swap3A_129 = tpu.vector_load %arg16[%swap3A_128] {strides = array<i32>} : memref<128xi32, #tpu.memory_space<vmem>>, vector<16xi32>,
      %swap3A_130 = vector.shape_cast %swap3A_129 : vector<16xi32> to vector<16xi32>
      %swap3A_131 = vector.shape_cast %select_n3A_127 : vector<16xi32> to vector<16xi32>
      tpu.vector_store %arg16[%swap3A_128], %swap3A_131 {strides = array<i32>} : memref<128xi32, #tpu.memory_space<vmem>>, vector<16xi32>,
      %get3A_132 = arith.constant 16 : index
      %get3A_133 = tpu.vector_load %arg13[%get3A_132] {strides = array<i32>} : memref<128xi32, #tpu.memory_space<vmem>>, vector<16xi32>,
      %get3A_134 = vector.shape_cast %get3A_133 : vector<16xi32> to vector<16xi32>
      %get3A_135 = arith.constant 16 : index
      %get3A_136 = tpu.vector_load %arg14[%get3A_135] {strides = array<i32>} : memref<128xi32, #tpu.memory_space<vmem>>, vector<16xi32>,
      %get3A_137 = vector.shape_cast %get3A_136 : vector<16xi32> to vector<16xi32>
      %mul3A_138 = arith.constant 2 : i32
      %mul3A_139 = vector.broadcast %mul3A_138 : i32 to vector<16xi32>
      %mul3A_140 = arith.muli %get3A_134, %mul3A_139 : vector<16xi32>
      %swap3A_141 = arith.constant 16 : index
      %swap3A_142 = tpu.vector_load %arg15[%swap3A_141] {strides = array<i32>} : memref<128xi32, #tpu.memory_space<vmem>>, vector<16xi32>,
      %swap3A_143 = vector.shape_cast %swap3A_142 : vector<16xi32> to vector<16xi32>
      %swap3A_144 = vector.shape_cast %mul3A_140 : vector<16xi32> to vector<16xi32>
      tpu.vector_store %arg15[%swap3A_141], %swap3A_144 {strides = array<i32>} : memref<128xi32, #tpu.memory_space<vmem>>, vector<16xi32>,
      %eq3A_145 = arith.cmpi eq, %get3A_134, %get3A_137 : vector<16xi32>
      %mul3A_146 = arith.constant 2 : i32
      %mul3A_147 = vector.broadcast %mul3A_146 : i32 to vector<16xi32>
      %mul3A_148 = arith.muli %get3A_137, %mul3A_147 : vector<16xi32>
      %add3A_149 = arith.constant 1 : i32
      %add3A_150 = vector.broadcast %add3A_149 : i32 to vector<16xi32>
      %add3A_151 = arith.addi %mul3A_148, %add3A_150 : vector<16xi32>
      %select_n3A_152 = arith.select %eq3A_145, %broadcast_in_dim3A_47, %add3A_151 : vector<16xi1>, vector<16xi32>
      %swap3A_153 = arith.constant 16 : index
      %swap3A_154 = tpu.vector_load %arg16[%swap3A_153] {strides = array<i32>} : memref<128xi32, #tpu.memory_space<vmem>>, vector<16xi32>,
      %swap3A_155 = vector.shape_cast %swap3A_154 : vector<16xi32> to vector<16xi32>
      %swap3A_156 = vector.shape_cast %select_n3A_152 : vector<16xi32> to vector<16xi32>
      tpu.vector_store %arg16[%swap3A_153], %swap3A_156 {strides = array<i32>} : memref<128xi32, #tpu.memory_space<vmem>>, vector<16xi32>,
      %get3A_157 = arith.constant 32 : index
      %get3A_158 = tpu.vector_load %arg13[%get3A_157] {strides = array<i32>} : memref<128xi32, #tpu.memory_space<vmem>>, vector<16xi32>,
      %get3A_159 = vector.shape_cast %get3A_158 : vector<16xi32> to vector<16xi32>
      %get3A_160 = arith.constant 32 : index
      %get3A_161 = tpu.vector_load %arg14[%get3A_160] {strides = array<i32>} : memref<128xi32, #tpu.memory_space<vmem>>, vector<16xi32>,
      %get3A_162 = vector.shape_cast %get3A_161 : vector<16xi32> to vector<16xi32>
      %mul3A_163 = arith.constant 2 : i32
      %mul3A_164 = vector.broadcast %mul3A_163 : i32 to vector<16xi32>
      %mul3A_165 = arith.muli %get3A_159, %mul3A_164 : vector<16xi32>
      %swap3A_166 = arith.constant 32 : index
      %swap3A_167 = tpu.vector_load %arg15[%swap3A_166] {strides = array<i32>} : memref<128xi32, #tpu.memory_space<vmem>>, vector<16xi32>,
      %swap3A_168 = vector.shape_cast %swap3A_167 : vector<16xi32> to vector<16xi32>
      %swap3A_169 = vector.shape_cast %mul3A_165 : vector<16xi32> to vector<16xi32>
      tpu.vector_store %arg15[%swap3A_166], %swap3A_169 {strides = array<i32>} : memref<128xi32, #tpu.memory_space<vmem>>, vector<16xi32>,
      %eq3A_170 = arith.cmpi eq, %get3A_159, %get3A_162 : vector<16xi32>
      %mul3A_171 = arith.constant 2 : i32
      %mul3A_172 = vector.broadcast %mul3A_171 : i32 to vector<16xi32>
      %mul3A_173 = arith.muli %get3A_162, %mul3A_172 : vector<16xi32>
      %add3A_174 = arith.constant 1 : i32
      %add3A_175 = vector.broadcast %add3A_174 : i32 to vector<16xi32>
      %add3A_176 = arith.addi %mul3A_173, %add3A_175 : vector<16xi32>
      %select_n3A_177 = arith.select %eq3A_170, %broadcast_in_dim3A_47, %add3A_176 : vector<16xi1>, vector<16xi32>
      %swap3A_178 = arith.constant 32 : index
      %swap3A_179 = tpu.vector_load %arg16[%swap3A_178] {strides = array<i32>} : memref<128xi32, #tpu.memory_space<vmem>>, vector<16xi32>,
      %swap3A_180 = vector.shape_cast %swap3A_179 : vector<16xi32> to vector<16xi32>
      %swap3A_181 = vector.shape_cast %select_n3A_177 : vector<16xi32> to vector<16xi32>
      tpu.vector_store %arg16[%swap3A_178], %swap3A_181 {strides = array<i32>} : memref<128xi32, #tpu.memory_space<vmem>>, vector<16xi32>,
      %get3A_182 = arith.constant 48 : index
      %get3A_183 = tpu.vector_load %arg13[%get3A_182] {strides = array<i32>} : memref<128xi32, #tpu.memory_space<vmem>>, vector<16xi32>,
      %get3A_184 = vector.shape_cast %get3A_183 : vector<16xi32> to vector<16xi32>
      %get3A_185 = arith.constant 48 : index
      %get3A_186 = tpu.vector_load %arg14[%get3A_185] {strides = array<i32>} : memref<128xi32, #tpu.memory_space<vmem>>, vector<16xi32>,
      %get3A_187 = vector.shape_cast %get3A_186 : vector<16xi32> to vector<16xi32>
      %mul3A_188 = arith.constant 2 : i32
      %mul3A_189 = vector.broadcast %mul3A_188 : i32 to vector<16xi32>
      %mul3A_190 = arith.muli %get3A_184, %mul3A_189 : vector<16xi32>
      %swap3A_191 = arith.constant 48 : index
      %swap3A_192 = tpu.vector_load %arg15[%swap3A_191] {strides = array<i32>} : memref<128xi32, #tpu.memory_space<vmem>>, vector<16xi32>,
      %swap3A_193 = vector.shape_cast %swap3A_192 : vector<16xi32> to vector<16xi32>
      %swap3A_194 = vector.shape_cast %mul3A_190 : vector<16xi32> to vector<16xi32>
      tpu.vector_store %arg15[%swap3A_191], %swap3A_194 {strides = array<i32>} : memref<128xi32, #tpu.memory_space<vmem>>, vector<16xi32>,
      %eq3A_195 = arith.cmpi eq, %get3A_184, %get3A_187 : vector<16xi32>
      %mul3A_196 = arith.constant 2 : i32
      %mul3A_197 = vector.broadcast %mul3A_196 : i32 to vector<16xi32>
      %mul3A_198 = arith.muli %get3A_187, %mul3A_197 : vector<16xi32>
      %add3A_199 = arith.constant 1 : i32
      %add3A_200 = vector.broadcast %add3A_199 : i32 to vector<16xi32>
      %add3A_201 = arith.addi %mul3A_198, %add3A_200 : vector<16xi32>
      %select_n3A_202 = arith.select %eq3A_195, %broadcast_in_dim3A_47, %add3A_201 : vector<16xi1>, vector<16xi32>
      %swap3A_203 = arith.constant 48 : index
      %swap3A_204 = tpu.vector_load %arg16[%swap3A_203] {strides = array<i32>} : memref<128xi32, #tpu.memory_space<vmem>>, vector<16xi32>,
      %swap3A_205 = vector.shape_cast %swap3A_204 : vector<16xi32> to vector<16xi32>
      %swap3A_206 = vector.shape_cast %select_n3A_202 : vector<16xi32> to vector<16xi32>
      tpu.vector_store %arg16[%swap3A_203], %swap3A_206 {strides = array<i32>} : memref<128xi32, #tpu.memory_space<vmem>>, vector<16xi32>,
      %get3A_207 = arith.constant 64 : index
      %get3A_208 = tpu.vector_load %arg13[%get3A_207] {strides = array<i32>} : memref<128xi32, #tpu.memory_space<vmem>>, vector<16xi32>,
      %get3A_209 = vector.shape_cast %get3A_208 : vector<16xi32> to vector<16xi32>
      %get3A_210 = arith.constant 64 : index
      %get3A_211 = tpu.vector_load %arg14[%get3A_210] {strides = array<i32>} : memref<128xi32, #tpu.memory_space<vmem>>, vector<16xi32>,
      %get3A_212 = vector.shape_cast %get3A_211 : vector<16xi32> to vector<16xi32>
      %mul3A_213 = arith.constant 2 : i32
      %mul3A_214 = vector.broadcast %mul3A_213 : i32 to vector<16xi32>
      %mul3A_215 = arith.muli %get3A_209, %mul3A_214 : vector<16xi32>
      %swap3A_216 = arith.constant 64 : index
      %swap3A_217 = tpu.vector_load %arg15[%swap3A_216] {strides = array<i32>} : memref<128xi32, #tpu.memory_space<vmem>>, vector<16xi32>,
      %swap3A_218 = vector.shape_cast %swap3A_217 : vector<16xi32> to vector<16xi32>
      %swap3A_219 = vector.shape_cast %mul3A_215 : vector<16xi32> to vector<16xi32>
      tpu.vector_store %arg15[%swap3A_216], %swap3A_219 {strides = array<i32>} : memref<128xi32, #tpu.memory_space<vmem>>, vector<16xi32>,
      %eq3A_220 = arith.cmpi eq, %get3A_209, %get3A_212 : vector<16xi32>
      %mul3A_221 = arith.constant 2 : i32
      %mul3A_222 = vector.broadcast %mul3A_221 : i32 to vector<16xi32>
      %mul3A_223 = arith.muli %get3A_212, %mul3A_222 : vector<16xi32>
      %add3A_224 = arith.constant 1 : i32
      %add3A_225 = vector.broadcast %add3A_224 : i32 to vector<16xi32>
      %add3A_226 = arith.addi %mul3A_223, %add3A_225 : vector<16xi32>
      %select_n3A_227 = arith.select %eq3A_220, %broadcast_in_dim3A_47, %add3A_226 : vector<16xi1>, vector<16xi32>
      %swap3A_228 = arith.constant 64 : index
      %swap3A_229 = tpu.vector_load %arg16[%swap3A_228] {strides = array<i32>} : memref<128xi32, #tpu.memory_space<vmem>>, vector<16xi32>,
      %swap3A_230 = vector.shape_cast %swap3A_229 : vector<16xi32> to vector<16xi32>
      %swap3A_231 = vector.shape_cast %select_n3A_227 : vector<16xi32> to vector<16xi32>
      tpu.vector_store %arg16[%swap3A_228], %swap3A_231 {strides = array<i32>} : memref<128xi32, #tpu.memory_space<vmem>>, vector<16xi32>,
      %get3A_232 = arith.constant 80 : index
      %get3A_233 = tpu.vector_load %arg13[%get3A_232] {strides = array<i32>} : memref<128xi32, #tpu.memory_space<vmem>>, vector<16xi32>,
      %get3A_234 = vector.shape_cast %get3A_233 : vector<16xi32> to vector<16xi32>
      %get3A_235 = arith.constant 80 : index
      %get3A_236 = tpu.vector_load %arg14[%get3A_235] {strides = array<i32>} : memref<128xi32, #tpu.memory_space<vmem>>, vector<16xi32>,
      %get3A_237 = vector.shape_cast %get3A_236 : vector<16xi32> to vector<16xi32>
      %mul3A_238 = arith.constant 2 : i32
      %mul3A_239 = vector.broadcast %mul3A_238 : i32 to vector<16xi32>
      %mul3A_240 = arith.muli %get3A_234, %mul3A_239 : vector<16xi32>
      %swap3A_241 = arith.constant 80 : index
      %swap3A_242 = tpu.vector_load %arg15[%swap3A_241] {strides = array<i32>} : memref<128xi32, #tpu.memory_space<vmem>>, vector<16xi32>,
      %swap3A_243 = vector.shape_cast %swap3A_242 : vector<16xi32> to vector<16xi32>
      %swap3A_244 = vector.shape_cast %mul3A_240 : vector<16xi32> to vector<16xi32>
      tpu.vector_store %arg15[%swap3A_241], %swap3A_244 {strides = array<i32>} : memref<128xi32, #tpu.memory_space<vmem>>, vector<16xi32>,
      %eq3A_245 = arith.cmpi eq, %get3A_234, %get3A_237 : vector<16xi32>
      %mul3A_246 = arith.constant 2 : i32
      %mul3A_247 = vector.broadcast %mul3A_246 : i32 to vector<16xi32>
      %mul3A_248 = arith.muli %get3A_237, %mul3A_247 : vector<16xi32>
      %add3A_249 = arith.constant 1 : i32
      %add3A_250 = vector.broadcast %add3A_249 : i32 to vector<16xi32>
      %add3A_251 = arith.addi %mul3A_248, %add3A_250 : vector<16xi32>
      %select_n3A_252 = arith.select %eq3A_245, %broadcast_in_dim3A_47, %add3A_251 : vector<16xi1>, vector<16xi32>
      %swap3A_253 = arith.constant 80 : index
      %swap3A_254 = tpu.vector_load %arg16[%swap3A_253] {strides = array<i32>} : memref<128xi32, #tpu.memory_space<vmem>>, vector<16xi32>,
      %swap3A_255 = vector.shape_cast %swap3A_254 : vector<16xi32> to vector<16xi32>
      %swap3A_256 = vector.shape_cast %select_n3A_252 : vector<16xi32> to vector<16xi32>
      tpu.vector_store %arg16[%swap3A_253], %swap3A_256 {strides = array<i32>} : memref<128xi32, #tpu.memory_space<vmem>>, vector<16xi32>,
      %get3A_257 = arith.constant 96 : index
      %get3A_258 = tpu.vector_load %arg13[%get3A_257] {strides = array<i32>} : memref<128xi32, #tpu.memory_space<vmem>>, vector<16xi32>,
      %get3A_259 = vector.shape_cast %get3A_258 : vector<16xi32> to vector<16xi32>
      %get3A_260 = arith.constant 96 : index
      %get3A_261 = tpu.vector_load %arg14[%get3A_260] {strides = array<i32>} : memref<128xi32, #tpu.memory_space<vmem>>, vector<16xi32>,
      %get3A_262 = vector.shape_cast %get3A_261 : vector<16xi32> to vector<16xi32>
      %mul3A_263 = arith.constant 2 : i32
      %mul3A_264 = vector.broadcast %mul3A_263 : i32 to vector<16xi32>
      %mul3A_265 = arith.muli %get3A_259, %mul3A_264 : vector<16xi32>
      %swap3A_266 = arith.constant 96 : index
      %swap3A_267 = tpu.vector_load %arg15[%swap3A_266] {strides = array<i32>} : memref<128xi32, #tpu.memory_space<vmem>>, vector<16xi32>,
      %swap3A_268 = vector.shape_cast %swap3A_267 : vector<16xi32> to vector<16xi32>
      %swap3A_269 = vector.shape_cast %mul3A_265 : vector<16xi32> to vector<16xi32>
      tpu.vector_store %arg15[%swap3A_266], %swap3A_269 {strides = array<i32>} : memref<128xi32, #tpu.memory_space<vmem>>, vector<16xi32>,
      %eq3A_270 = arith.cmpi eq, %get3A_259, %get3A_262 : vector<16xi32>
      %mul3A_271 = arith.constant 2 : i32
      %mul3A_272 = vector.broadcast %mul3A_271 : i32 to vector<16xi32>
      %mul3A_273 = arith.muli %get3A_262, %mul3A_272 : vector<16xi32>
      %add3A_274 = arith.constant 1 : i32
      %add3A_275 = vector.broadcast %add3A_274 : i32 to vector<16xi32>
      %add3A_276 = arith.addi %mul3A_273, %add3A_275 : vector<16xi32>
      %select_n3A_277 = arith.select %eq3A_270, %broadcast_in_dim3A_47, %add3A_276 : vector<16xi1>, vector<16xi32>
      %swap3A_278 = arith.constant 96 : index
      %swap3A_279 = tpu.vector_load %arg16[%swap3A_278] {strides = array<i32>} : memref<128xi32, #tpu.memory_space<vmem>>, vector<16xi32>,
      %swap3A_280 = vector.shape_cast %swap3A_279 : vector<16xi32> to vector<16xi32>
      %swap3A_281 = vector.shape_cast %select_n3A_277 : vector<16xi32> to vector<16xi32>
      tpu.vector_store %arg16[%swap3A_278], %swap3A_281 {strides = array<i32>} : memref<128xi32, #tpu.memory_space<vmem>>, vector<16xi32>,
      %get3A_282 = arith.constant 112 : index
      %get3A_283 = tpu.vector_load %arg13[%get3A_282] {strides = array<i32>} : memref<128xi32, #tpu.memory_space<vmem>>, vector<16xi32>,
      %get3A_284 = vector.shape_cast %get3A_283 : vector<16xi32> to vector<16xi32>
      %get3A_285 = arith.constant 112 : index
      %get3A_286 = tpu.vector_load %arg14[%get3A_285] {strides = array<i32>} : memref<128xi32, #tpu.memory_space<vmem>>, vector<16xi32>,
      %get3A_287 = vector.shape_cast %get3A_286 : vector<16xi32> to vector<16xi32>
      %mul3A_288 = arith.constant 2 : i32
      %mul3A_289 = vector.broadcast %mul3A_288 : i32 to vector<16xi32>
      %mul3A_290 = arith.muli %get3A_284, %mul3A_289 : vector<16xi32>
      %swap3A_291 = arith.constant 112 : index
      %swap3A_292 = tpu.vector_load %arg15[%swap3A_291] {strides = array<i32>} : memref<128xi32, #tpu.memory_space<vmem>>, vector<16xi32>,
      %swap3A_293 = vector.shape_cast %swap3A_292 : vector<16xi32> to vector<16xi32>
      %swap3A_294 = vector.shape_cast %mul3A_290 : vector<16xi32> to vector<16xi32>
      tpu.vector_store %arg15[%swap3A_291], %swap3A_294 {strides = array<i32>} : memref<128xi32, #tpu.memory_space<vmem>>, vector<16xi32>,
      %eq3A_295 = arith.cmpi eq, %get3A_284, %get3A_287 : vector<16xi32>
      %mul3A_296 = arith.constant 2 : i32
      %mul3A_297 = vector.broadcast %mul3A_296 : i32 to vector<16xi32>
      %mul3A_298 = arith.muli %get3A_287, %mul3A_297 : vector<16xi32>
      %add3A_299 = arith.constant 1 : i32
      %add3A_300 = vector.broadcast %add3A_299 : i32 to vector<16xi32>
      %add3A_301 = arith.addi %mul3A_298, %add3A_300 : vector<16xi32>
      %select_n3A_302 = arith.select %eq3A_295, %broadcast_in_dim3A_47, %add3A_301 : vector<16xi1>, vector<16xi32>
      %swap3A_303 = arith.constant 112 : index
      %swap3A_304 = tpu.vector_load %arg16[%swap3A_303] {strides = array<i32>} : memref<128xi32, #tpu.memory_space<vmem>>, vector<16xi32>,
      %swap3A_305 = vector.shape_cast %swap3A_304 : vector<16xi32> to vector<16xi32>
      %swap3A_306 = vector.shape_cast %select_n3A_302 : vector<16xi32> to vector<16xi32>
      tpu.vector_store %arg16[%swap3A_303], %swap3A_306 {strides = array<i32>} : memref<128xi32, #tpu.memory_space<vmem>>, vector<16xi32>,
      %dma_start3A_307 = arith.constant 0 : i32
      %dma_start3A_308 = arith.constant 0 : i32
      %dma_start3A_309 = tpu.memref_slice %arg2[%dma_start3A_307, %dma_start3A_308] : memref<40960x128xf32, #tpu.memory_space<hbm>> -> memref<40960x128xf32, #tpu.memory_space<hbm>>
      tpu.enqueue_indirect_dma source(%dma_start3A_309 : memref<40960x128xf32, #tpu.memory_space<hbm>>) target(%arg7 : memref<128x128xf32, #tpu.memory_space<vmem>>) offsets(%arg15 : memref<128xi32, #tpu.memory_space<vmem>>) semaphore(%arg21 : memref<!tpu.dma_semaphore, #tpu.memory_space<semaphore_mem>>)
      %dma_start3A_310 = arith.constant 0 : i32
      %dma_start3A_311 = arith.constant 0 : i32
      %dma_start3A_312 = tpu.memref_slice %arg2[%dma_start3A_310, %dma_start3A_311] : memref<40960x128xf32, #tpu.memory_space<hbm>> -> memref<40960x128xf32, #tpu.memory_space<hbm>>
      tpu.enqueue_indirect_dma source(%dma_start3A_312 : memref<40960x128xf32, #tpu.memory_space<hbm>>) target(%arg8 : memref<128x128xf32, #tpu.memory_space<vmem>>) offsets(%arg16 : memref<128xi32, #tpu.memory_space<vmem>>) semaphore(%arg22 : memref<!tpu.dma_semaphore, #tpu.memory_space<semaphore_mem>>)
      %dma_wait3A_313 = tpu.memref_slice %arg3[%mul3A_90] : memref<320000xi32, #tpu.memory_space<hbm>> -> memref<128xi32, #tpu.memory_space<hbm>>
      %dma_wait3A_314 = tpu.memref_slice %arg3[%mul3A_90] : memref<320000xi32, #tpu.memory_space<hbm>> -> memref<128xi32, #tpu.memory_space<hbm>>
      tpu.wait_dma2 semaphore(%arg29 : memref<!tpu.dma_semaphore, #tpu.memory_space<semaphore_mem>>) src(%dma_wait3A_314 : memref<128xi32, #tpu.memory_space<hbm>>) dst(%arg17 : memref<128xi32, #tpu.memory_space<vmem>>)
      %dma_wait3A_315 = tpu.memref_slice %arg4[%mul3A_90] : memref<320000xi32, #tpu.memory_space<hbm>> -> memref<128xi32, #tpu.memory_space<hbm>>
      %dma_wait3A_316 = tpu.memref_slice %arg4[%mul3A_90] : memref<320000xi32, #tpu.memory_space<hbm>> -> memref<128xi32, #tpu.memory_space<hbm>>
      tpu.wait_dma2 semaphore(%arg30 : memref<!tpu.dma_semaphore, #tpu.memory_space<semaphore_mem>>) src(%dma_wait3A_316 : memref<128xi32, #tpu.memory_space<hbm>>) dst(%arg18 : memref<128xi32, #tpu.memory_space<vmem>>)
      %get3A_317 = arith.constant 0 : index
      %get3A_318 = tpu.vector_load %arg17[%get3A_317] {strides = array<i32>} : memref<128xi32, #tpu.memory_space<vmem>>, vector<16xi32>,
      %get3A_319 = vector.shape_cast %get3A_318 : vector<16xi32> to vector<16xi32>
      %get3A_320 = arith.constant 0 : index
      %get3A_321 = tpu.vector_load %arg18[%get3A_320] {strides = array<i32>} : memref<128xi32, #tpu.memory_space<vmem>>, vector<16xi32>,
      %get3A_322 = vector.shape_cast %get3A_321 : vector<16xi32> to vector<16xi32>
      %mul3A_323 = arith.constant 2 : i32
      %mul3A_324 = vector.broadcast %mul3A_323 : i32 to vector<16xi32>
      %mul3A_325 = arith.muli %get3A_319, %mul3A_324 : vector<16xi32>
      %swap3A_326 = arith.constant 0 : index
      %swap3A_327 = tpu.vector_load %arg19[%swap3A_326] {strides = array<i32>} : memref<128xi32, #tpu.memory_space<vmem>>, vector<16xi32>,
      %swap3A_328 = vector.shape_cast %swap3A_327 : vector<16xi32> to vector<16xi32>
      %swap3A_329 = vector.shape_cast %mul3A_325 : vector<16xi32> to vector<16xi32>
      tpu.vector_store %arg19[%swap3A_326], %swap3A_329 {strides = array<i32>} : memref<128xi32, #tpu.memory_space<vmem>>, vector<16xi32>,
      %eq3A_330 = arith.cmpi eq, %get3A_319, %get3A_322 : vector<16xi32>
      %mul3A_331 = arith.constant 2 : i32
      %mul3A_332 = vector.broadcast %mul3A_331 : i32 to vector<16xi32>
      %mul3A_333 = arith.muli %get3A_322, %mul3A_332 : vector<16xi32>
      %add3A_334 = arith.constant 1 : i32
      %add3A_335 = vector.broadcast %add3A_334 : i32 to vector<16xi32>
      %add3A_336 = arith.addi %mul3A_333, %add3A_335 : vector<16xi32>
      %select_n3A_337 = arith.select %eq3A_330, %broadcast_in_dim3A_47, %add3A_336 : vector<16xi1>, vector<16xi32>
      %swap3A_338 = arith.constant 0 : index
      %swap3A_339 = tpu.vector_load %arg20[%swap3A_338] {strides = array<i32>} : memref<128xi32, #tpu.memory_space<vmem>>, vector<16xi32>,
      %swap3A_340 = vector.shape_cast %swap3A_339 : vector<16xi32> to vector<16xi32>
      %swap3A_341 = vector.shape_cast %select_n3A_337 : vector<16xi32> to vector<16xi32>
      tpu.vector_store %arg20[%swap3A_338], %swap3A_341 {strides = array<i32>} : memref<128xi32, #tpu.memory_space<vmem>>, vector<16xi32>,
      %get3A_342 = arith.constant 16 : index
      %get3A_343 = tpu.vector_load %arg17[%get3A_342] {strides = array<i32>} : memref<128xi32, #tpu.memory_space<vmem>>, vector<16xi32>,
      %get3A_344 = vector.shape_cast %get3A_343 : vector<16xi32> to vector<16xi32>
      %get3A_345 = arith.constant 16 : index
      %get3A_346 = tpu.vector_load %arg18[%get3A_345] {strides = array<i32>} : memref<128xi32, #tpu.memory_space<vmem>>, vector<16xi32>,
      %get3A_347 = vector.shape_cast %get3A_346 : vector<16xi32> to vector<16xi32>
      %mul3A_348 = arith.constant 2 : i32
      %mul3A_349 = vector.broadcast %mul3A_348 : i32 to vector<16xi32>
      %mul3A_350 = arith.muli %get3A_344, %mul3A_349 : vector<16xi32>
      %swap3A_351 = arith.constant 16 : index
      %swap3A_352 = tpu.vector_load %arg19[%swap3A_351] {strides = array<i32>} : memref<128xi32, #tpu.memory_space<vmem>>, vector<16xi32>,
      %swap3A_353 = vector.shape_cast %swap3A_352 : vector<16xi32> to vector<16xi32>
      %swap3A_354 = vector.shape_cast %mul3A_350 : vector<16xi32> to vector<16xi32>
      tpu.vector_store %arg19[%swap3A_351], %swap3A_354 {strides = array<i32>} : memref<128xi32, #tpu.memory_space<vmem>>, vector<16xi32>,
      %eq3A_355 = arith.cmpi eq, %get3A_344, %get3A_347 : vector<16xi32>
      %mul3A_356 = arith.constant 2 : i32
      %mul3A_357 = vector.broadcast %mul3A_356 : i32 to vector<16xi32>
      %mul3A_358 = arith.muli %get3A_347, %mul3A_357 : vector<16xi32>
      %add3A_359 = arith.constant 1 : i32
      %add3A_360 = vector.broadcast %add3A_359 : i32 to vector<16xi32>
      %add3A_361 = arith.addi %mul3A_358, %add3A_360 : vector<16xi32>
      %select_n3A_362 = arith.select %eq3A_355, %broadcast_in_dim3A_47, %add3A_361 : vector<16xi1>, vector<16xi32>
      %swap3A_363 = arith.constant 16 : index
      %swap3A_364 = tpu.vector_load %arg20[%swap3A_363] {strides = array<i32>} : memref<128xi32, #tpu.memory_space<vmem>>, vector<16xi32>,
      %swap3A_365 = vector.shape_cast %swap3A_364 : vector<16xi32> to vector<16xi32>
      %swap3A_366 = vector.shape_cast %select_n3A_362 : vector<16xi32> to vector<16xi32>
      tpu.vector_store %arg20[%swap3A_363], %swap3A_366 {strides = array<i32>} : memref<128xi32, #tpu.memory_space<vmem>>, vector<16xi32>,
      %get3A_367 = arith.constant 32 : index
      %get3A_368 = tpu.vector_load %arg17[%get3A_367] {strides = array<i32>} : memref<128xi32, #tpu.memory_space<vmem>>, vector<16xi32>,
      %get3A_369 = vector.shape_cast %get3A_368 : vector<16xi32> to vector<16xi32>
      %get3A_370 = arith.constant 32 : index
      %get3A_371 = tpu.vector_load %arg18[%get3A_370] {strides = array<i32>} : memref<128xi32, #tpu.memory_space<vmem>>, vector<16xi32>,
      %get3A_372 = vector.shape_cast %get3A_371 : vector<16xi32> to vector<16xi32>
      %mul3A_373 = arith.constant 2 : i32
      %mul3A_374 = vector.broadcast %mul3A_373 : i32 to vector<16xi32>
      %mul3A_375 = arith.muli %get3A_369, %mul3A_374 : vector<16xi32>
      %swap3A_376 = arith.constant 32 : index
      %swap3A_377 = tpu.vector_load %arg19[%swap3A_376] {strides = array<i32>} : memref<128xi32, #tpu.memory_space<vmem>>, vector<16xi32>,
      %swap3A_378 = vector.shape_cast %swap3A_377 : vector<16xi32> to vector<16xi32>
      %swap3A_379 = vector.shape_cast %mul3A_375 : vector<16xi32> to vector<16xi32>
      tpu.vector_store %arg19[%swap3A_376], %swap3A_379 {strides = array<i32>} : memref<128xi32, #tpu.memory_space<vmem>>, vector<16xi32>,
      %eq3A_380 = arith.cmpi eq, %get3A_369, %get3A_372 : vector<16xi32>
      %mul3A_381 = arith.constant 2 : i32
      %mul3A_382 = vector.broadcast %mul3A_381 : i32 to vector<16xi32>
      %mul3A_383 = arith.muli %get3A_372, %mul3A_382 : vector<16xi32>
      %add3A_384 = arith.constant 1 : i32
      %add3A_385 = vector.broadcast %add3A_384 : i32 to vector<16xi32>
      %add3A_386 = arith.addi %mul3A_383, %add3A_385 : vector<16xi32>
      %select_n3A_387 = arith.select %eq3A_380, %broadcast_in_dim3A_47, %add3A_386 : vector<16xi1>, vector<16xi32>
      %swap3A_388 = arith.constant 32 : index
      %swap3A_389 = tpu.vector_load %arg20[%swap3A_388] {strides = array<i32>} : memref<128xi32, #tpu.memory_space<vmem>>, vector<16xi32>,
      %swap3A_390 = vector.shape_cast %swap3A_389 : vector<16xi32> to vector<16xi32>
      %swap3A_391 = vector.shape_cast %select_n3A_387 : vector<16xi32> to vector<16xi32>
      tpu.vector_store %arg20[%swap3A_388], %swap3A_391 {strides = array<i32>} : memref<128xi32, #tpu.memory_space<vmem>>, vector<16xi32>,
      %get3A_392 = arith.constant 48 : index
      %get3A_393 = tpu.vector_load %arg17[%get3A_392] {strides = array<i32>} : memref<128xi32, #tpu.memory_space<vmem>>, vector<16xi32>,
      %get3A_394 = vector.shape_cast %get3A_393 : vector<16xi32> to vector<16xi32>
      %get3A_395 = arith.constant 48 : index
      %get3A_396 = tpu.vector_load %arg18[%get3A_395] {strides = array<i32>} : memref<128xi32, #tpu.memory_space<vmem>>, vector<16xi32>,
      %get3A_397 = vector.shape_cast %get3A_396 : vector<16xi32> to vector<16xi32>
      %mul3A_398 = arith.constant 2 : i32
      %mul3A_399 = vector.broadcast %mul3A_398 : i32 to vector<16xi32>
      %mul3A_400 = arith.muli %get3A_394, %mul3A_399 : vector<16xi32>
      %swap3A_401 = arith.constant 48 : index
      %swap3A_402 = tpu.vector_load %arg19[%swap3A_401] {strides = array<i32>} : memref<128xi32, #tpu.memory_space<vmem>>, vector<16xi32>,
      %swap3A_403 = vector.shape_cast %swap3A_402 : vector<16xi32> to vector<16xi32>
      %swap3A_404 = vector.shape_cast %mul3A_400 : vector<16xi32> to vector<16xi32>
      tpu.vector_store %arg19[%swap3A_401], %swap3A_404 {strides = array<i32>} : memref<128xi32, #tpu.memory_space<vmem>>, vector<16xi32>,
      %eq3A_405 = arith.cmpi eq, %get3A_394, %get3A_397 : vector<16xi32>
      %mul3A_406 = arith.constant 2 : i32
      %mul3A_407 = vector.broadcast %mul3A_406 : i32 to vector<16xi32>
      %mul3A_408 = arith.muli %get3A_397, %mul3A_407 : vector<16xi32>
      %add3A_409 = arith.constant 1 : i32
      %add3A_410 = vector.broadcast %add3A_409 : i32 to vector<16xi32>
      %add3A_411 = arith.addi %mul3A_408, %add3A_410 : vector<16xi32>
      %select_n3A_412 = arith.select %eq3A_405, %broadcast_in_dim3A_47, %add3A_411 : vector<16xi1>, vector<16xi32>
      %swap3A_413 = arith.constant 48 : index
      %swap3A_414 = tpu.vector_load %arg20[%swap3A_413] {strides = array<i32>} : memref<128xi32, #tpu.memory_space<vmem>>, vector<16xi32>,
      %swap3A_415 = vector.shape_cast %swap3A_414 : vector<16xi32> to vector<16xi32>
      %swap3A_416 = vector.shape_cast %select_n3A_412 : vector<16xi32> to vector<16xi32>
      tpu.vector_store %arg20[%swap3A_413], %swap3A_416 {strides = array<i32>} : memref<128xi32, #tpu.memory_space<vmem>>, vector<16xi32>,
      %get3A_417 = arith.constant 64 : index
      %get3A_418 = tpu.vector_load %arg17[%get3A_417] {strides = array<i32>} : memref<128xi32, #tpu.memory_space<vmem>>, vector<16xi32>,
      %get3A_419 = vector.shape_cast %get3A_418 : vector<16xi32> to vector<16xi32>
      %get3A_420 = arith.constant 64 : index
      %get3A_421 = tpu.vector_load %arg18[%get3A_420] {strides = array<i32>} : memref<128xi32, #tpu.memory_space<vmem>>, vector<16xi32>,
      %get3A_422 = vector.shape_cast %get3A_421 : vector<16xi32> to vector<16xi32>
      %mul3A_423 = arith.constant 2 : i32
      %mul3A_424 = vector.broadcast %mul3A_423 : i32 to vector<16xi32>
      %mul3A_425 = arith.muli %get3A_419, %mul3A_424 : vector<16xi32>
      %swap3A_426 = arith.constant 64 : index
      %swap3A_427 = tpu.vector_load %arg19[%swap3A_426] {strides = array<i32>} : memref<128xi32, #tpu.memory_space<vmem>>, vector<16xi32>,
      %swap3A_428 = vector.shape_cast %swap3A_427 : vector<16xi32> to vector<16xi32>
      %swap3A_429 = vector.shape_cast %mul3A_425 : vector<16xi32> to vector<16xi32>
      tpu.vector_store %arg19[%swap3A_426], %swap3A_429 {strides = array<i32>} : memref<128xi32, #tpu.memory_space<vmem>>, vector<16xi32>,
      %eq3A_430 = arith.cmpi eq, %get3A_419, %get3A_422 : vector<16xi32>
      %mul3A_431 = arith.constant 2 : i32
      %mul3A_432 = vector.broadcast %mul3A_431 : i32 to vector<16xi32>
      %mul3A_433 = arith.muli %get3A_422, %mul3A_432 : vector<16xi32>
      %add3A_434 = arith.constant 1 : i32
      %add3A_435 = vector.broadcast %add3A_434 : i32 to vector<16xi32>
      %add3A_436 = arith.addi %mul3A_433, %add3A_435 : vector<16xi32>
      %select_n3A_437 = arith.select %eq3A_430, %broadcast_in_dim3A_47, %add3A_436 : vector<16xi1>, vector<16xi32>
      %swap3A_438 = arith.constant 64 : index
      %swap3A_439 = tpu.vector_load %arg20[%swap3A_438] {strides = array<i32>} : memref<128xi32, #tpu.memory_space<vmem>>, vector<16xi32>,
      %swap3A_440 = vector.shape_cast %swap3A_439 : vector<16xi32> to vector<16xi32>
      %swap3A_441 = vector.shape_cast %select_n3A_437 : vector<16xi32> to vector<16xi32>
      tpu.vector_store %arg20[%swap3A_438], %swap3A_441 {strides = array<i32>} : memref<128xi32, #tpu.memory_space<vmem>>, vector<16xi32>,
      %get3A_442 = arith.constant 80 : index
      %get3A_443 = tpu.vector_load %arg17[%get3A_442] {strides = array<i32>} : memref<128xi32, #tpu.memory_space<vmem>>, vector<16xi32>,
      %get3A_444 = vector.shape_cast %get3A_443 : vector<16xi32> to vector<16xi32>
      %get3A_445 = arith.constant 80 : index
      %get3A_446 = tpu.vector_load %arg18[%get3A_445] {strides = array<i32>} : memref<128xi32, #tpu.memory_space<vmem>>, vector<16xi32>,
      %get3A_447 = vector.shape_cast %get3A_446 : vector<16xi32> to vector<16xi32>
      %mul3A_448 = arith.constant 2 : i32
      %mul3A_449 = vector.broadcast %mul3A_448 : i32 to vector<16xi32>
      %mul3A_450 = arith.muli %get3A_444, %mul3A_449 : vector<16xi32>
      %swap3A_451 = arith.constant 80 : index
      %swap3A_452 = tpu.vector_load %arg19[%swap3A_451] {strides = array<i32>} : memref<128xi32, #tpu.memory_space<vmem>>, vector<16xi32>,
      %swap3A_453 = vector.shape_cast %swap3A_452 : vector<16xi32> to vector<16xi32>
      %swap3A_454 = vector.shape_cast %mul3A_450 : vector<16xi32> to vector<16xi32>
      tpu.vector_store %arg19[%swap3A_451], %swap3A_454 {strides = array<i32>} : memref<128xi32, #tpu.memory_space<vmem>>, vector<16xi32>,
      %eq3A_455 = arith.cmpi eq, %get3A_444, %get3A_447 : vector<16xi32>
      %mul3A_456 = arith.constant 2 : i32
      %mul3A_457 = vector.broadcast %mul3A_456 : i32 to vector<16xi32>
      %mul3A_458 = arith.muli %get3A_447, %mul3A_457 : vector<16xi32>
      %add3A_459 = arith.constant 1 : i32
      %add3A_460 = vector.broadcast %add3A_459 : i32 to vector<16xi32>
      %add3A_461 = arith.addi %mul3A_458, %add3A_460 : vector<16xi32>
      %select_n3A_462 = arith.select %eq3A_455, %broadcast_in_dim3A_47, %add3A_461 : vector<16xi1>, vector<16xi32>
      %swap3A_463 = arith.constant 80 : index
      %swap3A_464 = tpu.vector_load %arg20[%swap3A_463] {strides = array<i32>} : memref<128xi32, #tpu.memory_space<vmem>>, vector<16xi32>,
      %swap3A_465 = vector.shape_cast %swap3A_464 : vector<16xi32> to vector<16xi32>
      %swap3A_466 = vector.shape_cast %select_n3A_462 : vector<16xi32> to vector<16xi32>
      tpu.vector_store %arg20[%swap3A_463], %swap3A_466 {strides = array<i32>} : memref<128xi32, #tpu.memory_space<vmem>>, vector<16xi32>,
      %get3A_467 = arith.constant 96 : index
      %get3A_468 = tpu.vector_load %arg17[%get3A_467] {strides = array<i32>} : memref<128xi32, #tpu.memory_space<vmem>>, vector<16xi32>,
      %get3A_469 = vector.shape_cast %get3A_468 : vector<16xi32> to vector<16xi32>
      %get3A_470 = arith.constant 96 : index
      %get3A_471 = tpu.vector_load %arg18[%get3A_470] {strides = array<i32>} : memref<128xi32, #tpu.memory_space<vmem>>, vector<16xi32>,
      %get3A_472 = vector.shape_cast %get3A_471 : vector<16xi32> to vector<16xi32>
      %mul3A_473 = arith.constant 2 : i32
      %mul3A_474 = vector.broadcast %mul3A_473 : i32 to vector<16xi32>
      %mul3A_475 = arith.muli %get3A_469, %mul3A_474 : vector<16xi32>
      %swap3A_476 = arith.constant 96 : index
      %swap3A_477 = tpu.vector_load %arg19[%swap3A_476] {strides = array<i32>} : memref<128xi32, #tpu.memory_space<vmem>>, vector<16xi32>,
      %swap3A_478 = vector.shape_cast %swap3A_477 : vector<16xi32> to vector<16xi32>
      %swap3A_479 = vector.shape_cast %mul3A_475 : vector<16xi32> to vector<16xi32>
      tpu.vector_store %arg19[%swap3A_476], %swap3A_479 {strides = array<i32>} : memref<128xi32, #tpu.memory_space<vmem>>, vector<16xi32>,
      %eq3A_480 = arith.cmpi eq, %get3A_469, %get3A_472 : vector<16xi32>
      %mul3A_481 = arith.constant 2 : i32
      %mul3A_482 = vector.broadcast %mul3A_481 : i32 to vector<16xi32>
      %mul3A_483 = arith.muli %get3A_472, %mul3A_482 : vector<16xi32>
      %add3A_484 = arith.constant 1 : i32
      %add3A_485 = vector.broadcast %add3A_484 : i32 to vector<16xi32>
      %add3A_486 = arith.addi %mul3A_483, %add3A_485 : vector<16xi32>
      %select_n3A_487 = arith.select %eq3A_480, %broadcast_in_dim3A_47, %add3A_486 : vector<16xi1>, vector<16xi32>
      %swap3A_488 = arith.constant 96 : index
      %swap3A_489 = tpu.vector_load %arg20[%swap3A_488] {strides = array<i32>} : memref<128xi32, #tpu.memory_space<vmem>>, vector<16xi32>,
      %swap3A_490 = vector.shape_cast %swap3A_489 : vector<16xi32> to vector<16xi32>
      %swap3A_491 = vector.shape_cast %select_n3A_487 : vector<16xi32> to vector<16xi32>
      tpu.vector_store %arg20[%swap3A_488], %swap3A_491 {strides = array<i32>} : memref<128xi32, #tpu.memory_space<vmem>>, vector<16xi32>,
      %get3A_492 = arith.constant 112 : index
      %get3A_493 = tpu.vector_load %arg17[%get3A_492] {strides = array<i32>} : memref<128xi32, #tpu.memory_space<vmem>>, vector<16xi32>,
      %get3A_494 = vector.shape_cast %get3A_493 : vector<16xi32> to vector<16xi32>
      %get3A_495 = arith.constant 112 : index
      %get3A_496 = tpu.vector_load %arg18[%get3A_495] {strides = array<i32>} : memref<128xi32, #tpu.memory_space<vmem>>, vector<16xi32>,
      %get3A_497 = vector.shape_cast %get3A_496 : vector<16xi32> to vector<16xi32>
      %mul3A_498 = arith.constant 2 : i32
      %mul3A_499 = vector.broadcast %mul3A_498 : i32 to vector<16xi32>
      %mul3A_500 = arith.muli %get3A_494, %mul3A_499 : vector<16xi32>
      %swap3A_501 = arith.constant 112 : index
      %swap3A_502 = tpu.vector_load %arg19[%swap3A_501] {strides = array<i32>} : memref<128xi32, #tpu.memory_space<vmem>>, vector<16xi32>,
      %swap3A_503 = vector.shape_cast %swap3A_502 : vector<16xi32> to vector<16xi32>
      %swap3A_504 = vector.shape_cast %mul3A_500 : vector<16xi32> to vector<16xi32>
      tpu.vector_store %arg19[%swap3A_501], %swap3A_504 {strides = array<i32>} : memref<128xi32, #tpu.memory_space<vmem>>, vector<16xi32>,
      %eq3A_505 = arith.cmpi eq, %get3A_494, %get3A_497 : vector<16xi32>
      %mul3A_506 = arith.constant 2 : i32
      %mul3A_507 = vector.broadcast %mul3A_506 : i32 to vector<16xi32>
      %mul3A_508 = arith.muli %get3A_497, %mul3A_507 : vector<16xi32>
      %add3A_509 = arith.constant 1 : i32
      %add3A_510 = vector.broadcast %add3A_509 : i32 to vector<16xi32>
      %add3A_511 = arith.addi %mul3A_508, %add3A_510 : vector<16xi32>
      %select_n3A_512 = arith.select %eq3A_505, %broadcast_in_dim3A_47, %add3A_511 : vector<16xi1>, vector<16xi32>
      %swap3A_513 = arith.constant 112 : index
      %swap3A_514 = tpu.vector_load %arg20[%swap3A_513] {strides = array<i32>} : memref<128xi32, #tpu.memory_space<vmem>>, vector<16xi32>,
      %swap3A_515 = vector.shape_cast %swap3A_514 : vector<16xi32> to vector<16xi32>
      %swap3A_516 = vector.shape_cast %select_n3A_512 : vector<16xi32> to vector<16xi32>
      tpu.vector_store %arg20[%swap3A_513], %swap3A_516 {strides = array<i32>} : memref<128xi32, #tpu.memory_space<vmem>>, vector<16xi32>,
      %dma_start3A_517 = arith.constant 0 : i32
      %dma_start3A_518 = arith.constant 0 : i32
      %dma_start3A_519 = tpu.memref_slice %arg2[%dma_start3A_517, %dma_start3A_518] : memref<40960x128xf32, #tpu.memory_space<hbm>> -> memref<40960x128xf32, #tpu.memory_space<hbm>>
      tpu.enqueue_indirect_dma source(%dma_start3A_519 : memref<40960x128xf32, #tpu.memory_space<hbm>>) target(%arg10 : memref<128x128xf32, #tpu.memory_space<vmem>>) offsets(%arg19 : memref<128xi32, #tpu.memory_space<vmem>>) semaphore(%arg24 : memref<!tpu.dma_semaphore, #tpu.memory_space<semaphore_mem>>)
      %dma_start3A_520 = arith.constant 0 : i32
      %dma_start3A_521 = arith.constant 0 : i32
      %dma_start3A_522 = tpu.memref_slice %arg2[%dma_start3A_520, %dma_start3A_521] : memref<40960x128xf32, #tpu.memory_space<hbm>> -> memref<40960x128xf32, #tpu.memory_space<hbm>>
      tpu.enqueue_indirect_dma source(%dma_start3A_522 : memref<40960x128xf32, #tpu.memory_space<hbm>>) target(%arg11 : memref<128x128xf32, #tpu.memory_space<vmem>>) offsets(%arg20 : memref<128xi32, #tpu.memory_space<vmem>>) semaphore(%arg25 : memref<!tpu.dma_semaphore, #tpu.memory_space<semaphore_mem>>)
      %dma_wait3A_523 = arith.constant 0 : i32
      %dma_wait3A_524 = arith.constant 0 : i32
      %dma_wait3A_525 = tpu.memref_slice %arg2[%dma_wait3A_523, %dma_wait3A_524] : memref<40960x128xf32, #tpu.memory_space<hbm>> -> memref<40960x128xf32, #tpu.memory_space<hbm>>
      tpu.wait_indirect_dma semaphore(%arg21 : memref<!tpu.dma_semaphore, #tpu.memory_space<semaphore_mem>>) src(%dma_wait3A_525 : memref<40960x128xf32, #tpu.memory_space<hbm>>) dst(%arg7 : memref<128x128xf32, #tpu.memory_space<vmem>>)
      %dma_wait3A_526 = arith.constant 0 : i32
      %dma_wait3A_527 = arith.constant 0 : i32
      %dma_wait3A_528 = tpu.memref_slice %arg2[%dma_wait3A_526, %dma_wait3A_527] : memref<40960x128xf32, #tpu.memory_space<hbm>> -> memref<40960x128xf32, #tpu.memory_space<hbm>>
      tpu.wait_indirect_dma semaphore(%arg22 : memref<!tpu.dma_semaphore, #tpu.memory_space<semaphore_mem>>) src(%dma_wait3A_528 : memref<40960x128xf32, #tpu.memory_space<hbm>>) dst(%arg8 : memref<128x128xf32, #tpu.memory_space<vmem>>)
      %dma_wait3A_529 = arith.constant 0 : i32
      %dma_wait3A_530 = tpu.memref_slice %arg5[%mul3A_81, %dma_wait3A_529] : memref<320000x128xf32, #tpu.memory_space<hbm>> -> memref<128x128xf32, #tpu.memory_space<hbm>>
      %dma_wait3A_531 = arith.constant 0 : i32
      %dma_wait3A_532 = tpu.memref_slice %arg5[%mul3A_81, %dma_wait3A_531] : memref<320000x128xf32, #tpu.memory_space<hbm>> -> memref<128x128xf32, #tpu.memory_space<hbm>>
      tpu.wait_dma2 semaphore(%arg23 : memref<!tpu.dma_semaphore, #tpu.memory_space<semaphore_mem>>) src(%dma_wait3A_532 : memref<128x128xf32, #tpu.memory_space<hbm>>) dst(%arg9 : memref<128x128xf32, #tpu.memory_space<vmem>>)
      %scan3A = arith.constant 0 : i32
      %scan3A_533 = arith.constant 0 : i32
      %scan3A_534 = arith.constant 128 : i32
      %scan3A_535 = arith.addi %scan3A_533, %scan3A_534 : i32
      %scan3A_536 = arith.constant 1 : i32
      scf.for %scan3A_554 = %scan3A_533 to %scan3A_535 step %scan3A_536  : i32 {
        %get3A_555 = arith.index_cast %scan3A_554 : i32 to index
        %get3A_556 = arith.constant 0 : index
        %get3A_557 = tpu.vector_load %arg7[%get3A_555, %get3A_556] {strides = array<i32>} : memref<128x128xf32, #tpu.memory_space<vmem>>, vector<1x16xf32>,
        %get3A_558 = vector.shape_cast %get3A_557 : vector<1x16xf32> to vector<16xf32>
        %get3A_559 = arith.index_cast %scan3A_554 : i32 to index
        %get3A_560 = arith.constant 0 : index
        %get3A_561 = tpu.vector_load %arg8[%get3A_559, %get3A_560] {strides = array<i32>} : memref<128x128xf32, #tpu.memory_space<vmem>>, vector<1x16xf32>,
        %get3A_562 = vector.shape_cast %get3A_561 : vector<1x16xf32> to vector<16xf32>
        %add3A_563 = arith.addf %get3A_558, %get3A_562 : vector<16xf32>
        %swap3A_564 = arith.index_cast %scan3A_554 : i32 to index
        %swap3A_565 = arith.constant 0 : index
        %swap3A_566 = tpu.vector_load %arg9[%swap3A_564, %swap3A_565] {strides = array<i32>} : memref<128x128xf32, #tpu.memory_space<vmem>>, vector<1x16xf32>,
        %swap3A_567 = vector.shape_cast %swap3A_566 : vector<1x16xf32> to vector<16xf32>
        %swap3A_568 = vector.shape_cast %add3A_563 : vector<16xf32> to vector<1x16xf32>
        tpu.vector_store %arg9[%swap3A_564, %swap3A_565], %swap3A_568 {add = true, strides = array<i32>} : memref<128x128xf32, #tpu.memory_space<vmem>>, vector<1x16xf32>,
        %get3A_569 = arith.index_cast %scan3A_554 : i32 to index
        %get3A_570 = arith.constant 16 : index
        %get3A_571 = tpu.vector_load %arg7[%get3A_569, %get3A_570] {strides = array<i32>} : memref<128x128xf32, #tpu.memory_space<vmem>>, vector<1x16xf32>,
        %get3A_572 = vector.shape_cast %get3A_571 : vector<1x16xf32> to vector<16xf32>
        %get3A_573 = arith.index_cast %scan3A_554 : i32 to index
        %get3A_574 = arith.constant 16 : index
        %get3A_575 = tpu.vector_load %arg8[%get3A_573, %get3A_574] {strides = array<i32>} : memref<128x128xf32, #tpu.memory_space<vmem>>, vector<1x16xf32>,
        %get3A_576 = vector.shape_cast %get3A_575 : vector<1x16xf32> to vector<16xf32>
        %add3A_577 = arith.addf %get3A_572, %get3A_576 : vector<16xf32>
        %swap3A_578 = arith.index_cast %scan3A_554 : i32 to index
        %swap3A_579 = arith.constant 16 : index
        %swap3A_580 = tpu.vector_load %arg9[%swap3A_578, %swap3A_579] {strides = array<i32>} : memref<128x128xf32, #tpu.memory_space<vmem>>, vector<1x16xf32>,
        %swap3A_581 = vector.shape_cast %swap3A_580 : vector<1x16xf32> to vector<16xf32>
        %swap3A_582 = vector.shape_cast %add3A_577 : vector<16xf32> to vector<1x16xf32>
        tpu.vector_store %arg9[%swap3A_578, %swap3A_579], %swap3A_582 {add = true, strides = array<i32>} : memref<128x128xf32, #tpu.memory_space<vmem>>, vector<1x16xf32>,
        %get3A_583 = arith.index_cast %scan3A_554 : i32 to index
        %get3A_584 = arith.constant 32 : index
        %get3A_585 = tpu.vector_load %arg7[%get3A_583, %get3A_584] {strides = array<i32>} : memref<128x128xf32, #tpu.memory_space<vmem>>, vector<1x16xf32>,
        %get3A_586 = vector.shape_cast %get3A_585 : vector<1x16xf32> to vector<16xf32>
        %get3A_587 = arith.index_cast %scan3A_554 : i32 to index
        %get3A_588 = arith.constant 32 : index
        %get3A_589 = tpu.vector_load %arg8[%get3A_587, %get3A_588] {strides = array<i32>} : memref<128x128xf32, #tpu.memory_space<vmem>>, vector<1x16xf32>,
        %get3A_590 = vector.shape_cast %get3A_589 : vector<1x16xf32> to vector<16xf32>
        %add3A_591 = arith.addf %get3A_586, %get3A_590 : vector<16xf32>
        %swap3A_592 = arith.index_cast %scan3A_554 : i32 to index
        %swap3A_593 = arith.constant 32 : index
        %swap3A_594 = tpu.vector_load %arg9[%swap3A_592, %swap3A_593] {strides = array<i32>} : memref<128x128xf32, #tpu.memory_space<vmem>>, vector<1x16xf32>,
        %swap3A_595 = vector.shape_cast %swap3A_594 : vector<1x16xf32> to vector<16xf32>
        %swap3A_596 = vector.shape_cast %add3A_591 : vector<16xf32> to vector<1x16xf32>
        tpu.vector_store %arg9[%swap3A_592, %swap3A_593], %swap3A_596 {add = true, strides = array<i32>} : memref<128x128xf32, #tpu.memory_space<vmem>>, vector<1x16xf32>,
        %get3A_597 = arith.index_cast %scan3A_554 : i32 to index
        %get3A_598 = arith.constant 48 : index
        %get3A_599 = tpu.vector_load %arg7[%get3A_597, %get3A_598] {strides = array<i32>} : memref<128x128xf32, #tpu.memory_space<vmem>>, vector<1x16xf32>,
        %get3A_600 = vector.shape_cast %get3A_599 : vector<1x16xf32> to vector<16xf32>
        %get3A_601 = arith.index_cast %scan3A_554 : i32 to index
        %get3A_602 = arith.constant 48 : index
        %get3A_603 = tpu.vector_load %arg8[%get3A_601, %get3A_602] {strides = array<i32>} : memref<128x128xf32, #tpu.memory_space<vmem>>, vector<1x16xf32>,
        %get3A_604 = vector.shape_cast %get3A_603 : vector<1x16xf32> to vector<16xf32>
        %add3A_605 = arith.addf %get3A_600, %get3A_604 : vector<16xf32>
        %swap3A_606 = arith.index_cast %scan3A_554 : i32 to index
        %swap3A_607 = arith.constant 48 : index
        %swap3A_608 = tpu.vector_load %arg9[%swap3A_606, %swap3A_607] {strides = array<i32>} : memref<128x128xf32, #tpu.memory_space<vmem>>, vector<1x16xf32>,
        %swap3A_609 = vector.shape_cast %swap3A_608 : vector<1x16xf32> to vector<16xf32>
        %swap3A_610 = vector.shape_cast %add3A_605 : vector<16xf32> to vector<1x16xf32>
        tpu.vector_store %arg9[%swap3A_606, %swap3A_607], %swap3A_610 {add = true, strides = array<i32>} : memref<128x128xf32, #tpu.memory_space<vmem>>, vector<1x16xf32>,
        %get3A_611 = arith.index_cast %scan3A_554 : i32 to index
        %get3A_612 = arith.constant 64 : index
        %get3A_613 = tpu.vector_load %arg7[%get3A_611, %get3A_612] {strides = array<i32>} : memref<128x128xf32, #tpu.memory_space<vmem>>, vector<1x16xf32>,
        %get3A_614 = vector.shape_cast %get3A_613 : vector<1x16xf32> to vector<16xf32>
        %get3A_615 = arith.index_cast %scan3A_554 : i32 to index
        %get3A_616 = arith.constant 64 : index
        %get3A_617 = tpu.vector_load %arg8[%get3A_615, %get3A_616] {strides = array<i32>} : memref<128x128xf32, #tpu.memory_space<vmem>>, vector<1x16xf32>,
        %get3A_618 = vector.shape_cast %get3A_617 : vector<1x16xf32> to vector<16xf32>
        %add3A_619 = arith.addf %get3A_614, %get3A_618 : vector<16xf32>
        %swap3A_620 = arith.index_cast %scan3A_554 : i32 to index
        %swap3A_621 = arith.constant 64 : index
        %swap3A_622 = tpu.vector_load %arg9[%swap3A_620, %swap3A_621] {strides = array<i32>} : memref<128x128xf32, #tpu.memory_space<vmem>>, vector<1x16xf32>,
        %swap3A_623 = vector.shape_cast %swap3A_622 : vector<1x16xf32> to vector<16xf32>
        %swap3A_624 = vector.shape_cast %add3A_619 : vector<16xf32> to vector<1x16xf32>
        tpu.vector_store %arg9[%swap3A_620, %swap3A_621], %swap3A_624 {add = true, strides = array<i32>} : memref<128x128xf32, #tpu.memory_space<vmem>>, vector<1x16xf32>,
        %get3A_625 = arith.index_cast %scan3A_554 : i32 to index
        %get3A_626 = arith.constant 80 : index
        %get3A_627 = tpu.vector_load %arg7[%get3A_625, %get3A_626] {strides = array<i32>} : memref<128x128xf32, #tpu.memory_space<vmem>>, vector<1x16xf32>,
        %get3A_628 = vector.shape_cast %get3A_627 : vector<1x16xf32> to vector<16xf32>
        %get3A_629 = arith.index_cast %scan3A_554 : i32 to index
        %get3A_630 = arith.constant 80 : index
        %get3A_631 = tpu.vector_load %arg8[%get3A_629, %get3A_630] {strides = array<i32>} : memref<128x128xf32, #tpu.memory_space<vmem>>, vector<1x16xf32>,
        %get3A_632 = vector.shape_cast %get3A_631 : vector<1x16xf32> to vector<16xf32>
        %add3A_633 = arith.addf %get3A_628, %get3A_632 : vector<16xf32>
        %swap3A_634 = arith.index_cast %scan3A_554 : i32 to index
        %swap3A_635 = arith.constant 80 : index
        %swap3A_636 = tpu.vector_load %arg9[%swap3A_634, %swap3A_635] {strides = array<i32>} : memref<128x128xf32, #tpu.memory_space<vmem>>, vector<1x16xf32>,
        %swap3A_637 = vector.shape_cast %swap3A_636 : vector<1x16xf32> to vector<16xf32>
        %swap3A_638 = vector.shape_cast %add3A_633 : vector<16xf32> to vector<1x16xf32>
        tpu.vector_store %arg9[%swap3A_634, %swap3A_635], %swap3A_638 {add = true, strides = array<i32>} : memref<128x128xf32, #tpu.memory_space<vmem>>, vector<1x16xf32>,
        %get3A_639 = arith.index_cast %scan3A_554 : i32 to index
        %get3A_640 = arith.constant 96 : index
        %get3A_641 = tpu.vector_load %arg7[%get3A_639, %get3A_640] {strides = array<i32>} : memref<128x128xf32, #tpu.memory_space<vmem>>, vector<1x16xf32>,
        %get3A_642 = vector.shape_cast %get3A_641 : vector<1x16xf32> to vector<16xf32>
        %get3A_643 = arith.index_cast %scan3A_554 : i32 to index
        %get3A_644 = arith.constant 96 : index
        %get3A_645 = tpu.vector_load %arg8[%get3A_643, %get3A_644] {strides = array<i32>} : memref<128x128xf32, #tpu.memory_space<vmem>>, vector<1x16xf32>,
        %get3A_646 = vector.shape_cast %get3A_645 : vector<1x16xf32> to vector<16xf32>
        %add3A_647 = arith.addf %get3A_642, %get3A_646 : vector<16xf32>
        %swap3A_648 = arith.index_cast %scan3A_554 : i32 to index
        %swap3A_649 = arith.constant 96 : index
        %swap3A_650 = tpu.vector_load %arg9[%swap3A_648, %swap3A_649] {strides = array<i32>} : memref<128x128xf32, #tpu.memory_space<vmem>>, vector<1x16xf32>,
        %swap3A_651 = vector.shape_cast %swap3A_650 : vector<1x16xf32> to vector<16xf32>
        %swap3A_652 = vector.shape_cast %add3A_647 : vector<16xf32> to vector<1x16xf32>
        tpu.vector_store %arg9[%swap3A_648, %swap3A_649], %swap3A_652 {add = true, strides = array<i32>} : memref<128x128xf32, #tpu.memory_space<vmem>>, vector<1x16xf32>,
        %get3A_653 = arith.index_cast %scan3A_554 : i32 to index
        %get3A_654 = arith.constant 112 : index
        %get3A_655 = tpu.vector_load %arg7[%get3A_653, %get3A_654] {strides = array<i32>} : memref<128x128xf32, #tpu.memory_space<vmem>>, vector<1x16xf32>,
        %get3A_656 = vector.shape_cast %get3A_655 : vector<1x16xf32> to vector<16xf32>
        %get3A_657 = arith.index_cast %scan3A_554 : i32 to index
        %get3A_658 = arith.constant 112 : index
        %get3A_659 = tpu.vector_load %arg8[%get3A_657, %get3A_658] {strides = array<i32>} : memref<128x128xf32, #tpu.memory_space<vmem>>, vector<1x16xf32>,
        %get3A_660 = vector.shape_cast %get3A_659 : vector<1x16xf32> to vector<16xf32>
        %add3A_661 = arith.addf %get3A_656, %get3A_660 : vector<16xf32>
        %swap3A_662 = arith.index_cast %scan3A_554 : i32 to index
        %swap3A_663 = arith.constant 112 : index
        %swap3A_664 = tpu.vector_load %arg9[%swap3A_662, %swap3A_663] {strides = array<i32>} : memref<128x128xf32, #tpu.memory_space<vmem>>, vector<1x16xf32>,
        %swap3A_665 = vector.shape_cast %swap3A_664 : vector<1x16xf32> to vector<16xf32>
        %swap3A_666 = vector.shape_cast %add3A_661 : vector<16xf32> to vector<1x16xf32>
        tpu.vector_store %arg9[%swap3A_662, %swap3A_663], %swap3A_666 {add = true, strides = array<i32>} : memref<128x128xf32, #tpu.memory_space<vmem>>, vector<1x16xf32>,
      }
      %scan3A_537 = arith.constant 128 : i32
      "tpu.region"() ({
        %run_scoped3A = tpu.sem_alloc : memref<!tpu.dma_semaphore, #tpu.memory_space<semaphore_mem>>
        %dma_start3A_554 = arith.constant 0 : i32
        %dma_start3A_555 = tpu.memref_slice %arg6[%mul3A_81, %dma_start3A_554] : memref<320000x128xf32, #tpu.memory_space<hbm>> -> memref<128x128xf32, #tpu.memory_space<hbm>>
        %dma_start3A_556 = arith.constant 0 : i32
        %dma_start3A_557 = tpu.memref_slice %arg6[%mul3A_81, %dma_start3A_556] : memref<320000x128xf32, #tpu.memory_space<hbm>> -> memref<128x128xf32, #tpu.memory_space<hbm>>
        tpu.enqueue_dma source(%arg9 : memref<128x128xf32, #tpu.memory_space<vmem>>) target(%dma_start3A_557 : memref<128x128xf32, #tpu.memory_space<hbm>>) target_semaphore(%run_scoped3A : memref<!tpu.dma_semaphore, #tpu.memory_space<semaphore_mem>>)
        %dma_wait3A_558 = arith.constant 0 : i32
        %dma_wait3A_559 = tpu.memref_slice %arg6[%mul3A_81, %dma_wait3A_558] : memref<320000x128xf32, #tpu.memory_space<hbm>> -> memref<128x128xf32, #tpu.memory_space<hbm>>
        %dma_wait3A_560 = arith.constant 0 : i32
        %dma_wait3A_561 = tpu.memref_slice %arg6[%mul3A_81, %dma_wait3A_560] : memref<320000x128xf32, #tpu.memory_space<hbm>> -> memref<128x128xf32, #tpu.memory_space<hbm>>
        tpu.wait_dma2 semaphore(%run_scoped3A : memref<!tpu.dma_semaphore, #tpu.memory_space<semaphore_mem>>) src(%arg9 : memref<128x128xf32, #tpu.memory_space<vmem>>) dst(%dma_wait3A_561 : memref<128x128xf32, #tpu.memory_space<hbm>>)
        tpu.yield
      }) : () -> ()
      %dma_wait3A_538 = arith.constant 0 : i32
      %dma_wait3A_539 = arith.constant 0 : i32
      %dma_wait3A_540 = tpu.memref_slice %arg2[%dma_wait3A_538, %dma_wait3A_539] : memref<40960x128xf32, #tpu.memory_space<hbm>> -> memref<40960x128xf32, #tpu.memory_space<hbm>>
      tpu.wait_indirect_dma semaphore(%arg24 : memref<!tpu.dma_semaphore, #tpu.memory_space<semaphore_mem>>) src(%dma_wait3A_540 : memref<40960x128xf32, #tpu.memory_space<hbm>>) dst(%arg10 : memref<128x128xf32, #tpu.memory_space<vmem>>)
      %dma_wait3A_541 = arith.constant 0 : i32
      %dma_wait3A_542 = arith.constant 0 : i32
      %dma_wait3A_543 = tpu.memref_slice %arg2[%dma_wait3A_541, %dma_wait3A_542] : memref<40960x128xf32, #tpu.memory_space<hbm>> -> memref<40960x128xf32, #tpu.memory_space<hbm>>
      tpu.wait_indirect_dma semaphore(%arg25 : memref<!tpu.dma_semaphore, #tpu.memory_space<semaphore_mem>>) src(%dma_wait3A_543 : memref<40960x128xf32, #tpu.memory_space<hbm>>) dst(%arg11 : memref<128x128xf32, #tpu.memory_space<vmem>>)
      %dma_wait3A_544 = arith.constant 0 : i32
      %dma_wait3A_545 = tpu.memref_slice %arg5[%mul3A_90, %dma_wait3A_544] : memref<320000x128xf32, #tpu.memory_space<hbm>> -> memref<128x128xf32, #tpu.memory_space<hbm>>
      %dma_wait3A_546 = arith.constant 0 : i32
      %dma_wait3A_547 = tpu.memref_slice %arg5[%mul3A_90, %dma_wait3A_546] : memref<320000x128xf32, #tpu.memory_space<hbm>> -> memref<128x128xf32, #tpu.memory_space<hbm>>
      tpu.wait_dma2 semaphore(%arg26 : memref<!tpu.dma_semaphore, #tpu.memory_space<semaphore_mem>>) src(%dma_wait3A_547 : memref<128x128xf32, #tpu.memory_space<hbm>>) dst(%arg12 : memref<128x128xf32, #tpu.memory_space<vmem>>)
      %scan3A_548 = arith.constant 0 : i32
      %scan3A_549 = arith.constant 0 : i32
      %scan3A_550 = arith.constant 128 : i32
      %scan3A_551 = arith.addi %scan3A_549, %scan3A_550 : i32
      %scan3A_552 = arith.constant 1 : i32
      scf.for %scan3A_554 = %scan3A_549 to %scan3A_551 step %scan3A_552  : i32 {
        %get3A_555 = arith.index_cast %scan3A_554 : i32 to index
        %get3A_556 = arith.constant 0 : index
        %get3A_557 = tpu.vector_load %arg10[%get3A_555, %get3A_556] {strides = array<i32>} : memref<128x128xf32, #tpu.memory_space<vmem>>, vector<1x16xf32>,
        %get3A_558 = vector.shape_cast %get3A_557 : vector<1x16xf32> to vector<16xf32>
        %get3A_559 = arith.index_cast %scan3A_554 : i32 to index
        %get3A_560 = arith.constant 0 : index
        %get3A_561 = tpu.vector_load %arg11[%get3A_559, %get3A_560] {strides = array<i32>} : memref<128x128xf32, #tpu.memory_space<vmem>>, vector<1x16xf32>,
        %get3A_562 = vector.shape_cast %get3A_561 : vector<1x16xf32> to vector<16xf32>
        %add3A_563 = arith.addf %get3A_558, %get3A_562 : vector<16xf32>
        %swap3A_564 = arith.index_cast %scan3A_554 : i32 to index
        %swap3A_565 = arith.constant 0 : index
        %swap3A_566 = tpu.vector_load %arg12[%swap3A_564, %swap3A_565] {strides = array<i32>} : memref<128x128xf32, #tpu.memory_space<vmem>>, vector<1x16xf32>,
        %swap3A_567 = vector.shape_cast %swap3A_566 : vector<1x16xf32> to vector<16xf32>
        %swap3A_568 = vector.shape_cast %add3A_563 : vector<16xf32> to vector<1x16xf32>
        tpu.vector_store %arg12[%swap3A_564, %swap3A_565], %swap3A_568 {add = true, strides = array<i32>} : memref<128x128xf32, #tpu.memory_space<vmem>>, vector<1x16xf32>,
        %get3A_569 = arith.index_cast %scan3A_554 : i32 to index
        %get3A_570 = arith.constant 16 : index
        %get3A_571 = tpu.vector_load %arg10[%get3A_569, %get3A_570] {strides = array<i32>} : memref<128x128xf32, #tpu.memory_space<vmem>>, vector<1x16xf32>,
        %get3A_572 = vector.shape_cast %get3A_571 : vector<1x16xf32> to vector<16xf32>
        %get3A_573 = arith.index_cast %scan3A_554 : i32 to index
        %get3A_574 = arith.constant 16 : index
        %get3A_575 = tpu.vector_load %arg11[%get3A_573, %get3A_574] {strides = array<i32>} : memref<128x128xf32, #tpu.memory_space<vmem>>, vector<1x16xf32>,
        %get3A_576 = vector.shape_cast %get3A_575 : vector<1x16xf32> to vector<16xf32>
        %add3A_577 = arith.addf %get3A_572, %get3A_576 : vector<16xf32>
        %swap3A_578 = arith.index_cast %scan3A_554 : i32 to index
        %swap3A_579 = arith.constant 16 : index
        %swap3A_580 = tpu.vector_load %arg12[%swap3A_578, %swap3A_579] {strides = array<i32>} : memref<128x128xf32, #tpu.memory_space<vmem>>, vector<1x16xf32>,
        %swap3A_581 = vector.shape_cast %swap3A_580 : vector<1x16xf32> to vector<16xf32>
        %swap3A_582 = vector.shape_cast %add3A_577 : vector<16xf32> to vector<1x16xf32>
        tpu.vector_store %arg12[%swap3A_578, %swap3A_579], %swap3A_582 {add = true, strides = array<i32>} : memref<128x128xf32, #tpu.memory_space<vmem>>, vector<1x16xf32>,
        %get3A_583 = arith.index_cast %scan3A_554 : i32 to index
        %get3A_584 = arith.constant 32 : index
        %get3A_585 = tpu.vector_load %arg10[%get3A_583, %get3A_584] {strides = array<i32>} : memref<128x128xf32, #tpu.memory_space<vmem>>, vector<1x16xf32>,
        %get3A_586 = vector.shape_cast %get3A_585 : vector<1x16xf32> to vector<16xf32>
        %get3A_587 = arith.index_cast %scan3A_554 : i32 to index
        %get3A_588 = arith.constant 32 : index
        %get3A_589 = tpu.vector_load %arg11[%get3A_587, %get3A_588] {strides = array<i32>} : memref<128x128xf32, #tpu.memory_space<vmem>>, vector<1x16xf32>,
        %get3A_590 = vector.shape_cast %get3A_589 : vector<1x16xf32> to vector<16xf32>
        %add3A_591 = arith.addf %get3A_586, %get3A_590 : vector<16xf32>
        %swap3A_592 = arith.index_cast %scan3A_554 : i32 to index
        %swap3A_593 = arith.constant 32 : index
        %swap3A_594 = tpu.vector_load %arg12[%swap3A_592, %swap3A_593] {strides = array<i32>} : memref<128x128xf32, #tpu.memory_space<vmem>>, vector<1x16xf32>,
        %swap3A_595 = vector.shape_cast %swap3A_594 : vector<1x16xf32> to vector<16xf32>
        %swap3A_596 = vector.shape_cast %add3A_591 : vector<16xf32> to vector<1x16xf32>
        tpu.vector_store %arg12[%swap3A_592, %swap3A_593], %swap3A_596 {add = true, strides = array<i32>} : memref<128x128xf32, #tpu.memory_space<vmem>>, vector<1x16xf32>,
        %get3A_597 = arith.index_cast %scan3A_554 : i32 to index
        %get3A_598 = arith.constant 48 : index
        %get3A_599 = tpu.vector_load %arg10[%get3A_597, %get3A_598] {strides = array<i32>} : memref<128x128xf32, #tpu.memory_space<vmem>>, vector<1x16xf32>,
        %get3A_600 = vector.shape_cast %get3A_599 : vector<1x16xf32> to vector<16xf32>
        %get3A_601 = arith.index_cast %scan3A_554 : i32 to index
        %get3A_602 = arith.constant 48 : index
        %get3A_603 = tpu.vector_load %arg11[%get3A_601, %get3A_602] {strides = array<i32>} : memref<128x128xf32, #tpu.memory_space<vmem>>, vector<1x16xf32>,
        %get3A_604 = vector.shape_cast %get3A_603 : vector<1x16xf32> to vector<16xf32>
        %add3A_605 = arith.addf %get3A_600, %get3A_604 : vector<16xf32>
        %swap3A_606 = arith.index_cast %scan3A_554 : i32 to index
        %swap3A_607 = arith.constant 48 : index
        %swap3A_608 = tpu.vector_load %arg12[%swap3A_606, %swap3A_607] {strides = array<i32>} : memref<128x128xf32, #tpu.memory_space<vmem>>, vector<1x16xf32>,
        %swap3A_609 = vector.shape_cast %swap3A_608 : vector<1x16xf32> to vector<16xf32>
        %swap3A_610 = vector.shape_cast %add3A_605 : vector<16xf32> to vector<1x16xf32>
        tpu.vector_store %arg12[%swap3A_606, %swap3A_607], %swap3A_610 {add = true, strides = array<i32>} : memref<128x128xf32, #tpu.memory_space<vmem>>, vector<1x16xf32>,
        %get3A_611 = arith.index_cast %scan3A_554 : i32 to index
        %get3A_612 = arith.constant 64 : index
        %get3A_613 = tpu.vector_load %arg10[%get3A_611, %get3A_612] {strides = array<i32>} : memref<128x128xf32, #tpu.memory_space<vmem>>, vector<1x16xf32>,
        %get3A_614 = vector.shape_cast %get3A_613 : vector<1x16xf32> to vector<16xf32>
        %get3A_615 = arith.index_cast %scan3A_554 : i32 to index
        %get3A_616 = arith.constant 64 : index
        %get3A_617 = tpu.vector_load %arg11[%get3A_615, %get3A_616] {strides = array<i32>} : memref<128x128xf32, #tpu.memory_space<vmem>>, vector<1x16xf32>,
        %get3A_618 = vector.shape_cast %get3A_617 : vector<1x16xf32> to vector<16xf32>
        %add3A_619 = arith.addf %get3A_614, %get3A_618 : vector<16xf32>
        %swap3A_620 = arith.index_cast %scan3A_554 : i32 to index
        %swap3A_621 = arith.constant 64 : index
        %swap3A_622 = tpu.vector_load %arg12[%swap3A_620, %swap3A_621] {strides = array<i32>} : memref<128x128xf32, #tpu.memory_space<vmem>>, vector<1x16xf32>,
        %swap3A_623 = vector.shape_cast %swap3A_622 : vector<1x16xf32> to vector<16xf32>
        %swap3A_624 = vector.shape_cast %add3A_619 : vector<16xf32> to vector<1x16xf32>
        tpu.vector_store %arg12[%swap3A_620, %swap3A_621], %swap3A_624 {add = true, strides = array<i32>} : memref<128x128xf32, #tpu.memory_space<vmem>>, vector<1x16xf32>,
        %get3A_625 = arith.index_cast %scan3A_554 : i32 to index
        %get3A_626 = arith.constant 80 : index
        %get3A_627 = tpu.vector_load %arg10[%get3A_625, %get3A_626] {strides = array<i32>} : memref<128x128xf32, #tpu.memory_space<vmem>>, vector<1x16xf32>,
        %get3A_628 = vector.shape_cast %get3A_627 : vector<1x16xf32> to vector<16xf32>
        %get3A_629 = arith.index_cast %scan3A_554 : i32 to index
        %get3A_630 = arith.constant 80 : index
        %get3A_631 = tpu.vector_load %arg11[%get3A_629, %get3A_630] {strides = array<i32>} : memref<128x128xf32, #tpu.memory_space<vmem>>, vector<1x16xf32>,
        %get3A_632 = vector.shape_cast %get3A_631 : vector<1x16xf32> to vector<16xf32>
        %add3A_633 = arith.addf %get3A_628, %get3A_632 : vector<16xf32>
        %swap3A_634 = arith.index_cast %scan3A_554 : i32 to index
        %swap3A_635 = arith.constant 80 : index
        %swap3A_636 = tpu.vector_load %arg12[%swap3A_634, %swap3A_635] {strides = array<i32>} : memref<128x128xf32, #tpu.memory_space<vmem>>, vector<1x16xf32>,
        %swap3A_637 = vector.shape_cast %swap3A_636 : vector<1x16xf32> to vector<16xf32>
        %swap3A_638 = vector.shape_cast %add3A_633 : vector<16xf32> to vector<1x16xf32>
        tpu.vector_store %arg12[%swap3A_634, %swap3A_635], %swap3A_638 {add = true, strides = array<i32>} : memref<128x128xf32, #tpu.memory_space<vmem>>, vector<1x16xf32>,
        %get3A_639 = arith.index_cast %scan3A_554 : i32 to index
        %get3A_640 = arith.constant 96 : index
        %get3A_641 = tpu.vector_load %arg10[%get3A_639, %get3A_640] {strides = array<i32>} : memref<128x128xf32, #tpu.memory_space<vmem>>, vector<1x16xf32>,
        %get3A_642 = vector.shape_cast %get3A_641 : vector<1x16xf32> to vector<16xf32>
        %get3A_643 = arith.index_cast %scan3A_554 : i32 to index
        %get3A_644 = arith.constant 96 : index
        %get3A_645 = tpu.vector_load %arg11[%get3A_643, %get3A_644] {strides = array<i32>} : memref<128x128xf32, #tpu.memory_space<vmem>>, vector<1x16xf32>,
        %get3A_646 = vector.shape_cast %get3A_645 : vector<1x16xf32> to vector<16xf32>
        %add3A_647 = arith.addf %get3A_642, %get3A_646 : vector<16xf32>
        %swap3A_648 = arith.index_cast %scan3A_554 : i32 to index
        %swap3A_649 = arith.constant 96 : index
        %swap3A_650 = tpu.vector_load %arg12[%swap3A_648, %swap3A_649] {strides = array<i32>} : memref<128x128xf32, #tpu.memory_space<vmem>>, vector<1x16xf32>,
        %swap3A_651 = vector.shape_cast %swap3A_650 : vector<1x16xf32> to vector<16xf32>
        %swap3A_652 = vector.shape_cast %add3A_647 : vector<16xf32> to vector<1x16xf32>
        tpu.vector_store %arg12[%swap3A_648, %swap3A_649], %swap3A_652 {add = true, strides = array<i32>} : memref<128x128xf32, #tpu.memory_space<vmem>>, vector<1x16xf32>,
        %get3A_653 = arith.index_cast %scan3A_554 : i32 to index
        %get3A_654 = arith.constant 112 : index
        %get3A_655 = tpu.vector_load %arg10[%get3A_653, %get3A_654] {strides = array<i32>} : memref<128x128xf32, #tpu.memory_space<vmem>>, vector<1x16xf32>,
        %get3A_656 = vector.shape_cast %get3A_655 : vector<1x16xf32> to vector<16xf32>
        %get3A_657 = arith.index_cast %scan3A_554 : i32 to index
        %get3A_658 = arith.constant 112 : index
        %get3A_659 = tpu.vector_load %arg11[%get3A_657, %get3A_658] {strides = array<i32>} : memref<128x128xf32, #tpu.memory_space<vmem>>, vector<1x16xf32>,
        %get3A_660 = vector.shape_cast %get3A_659 : vector<1x16xf32> to vector<16xf32>
        %add3A_661 = arith.addf %get3A_656, %get3A_660 : vector<16xf32>
        %swap3A_662 = arith.index_cast %scan3A_554 : i32 to index
        %swap3A_663 = arith.constant 112 : index
        %swap3A_664 = tpu.vector_load %arg12[%swap3A_662, %swap3A_663] {strides = array<i32>} : memref<128x128xf32, #tpu.memory_space<vmem>>, vector<1x16xf32>,
        %swap3A_665 = vector.shape_cast %swap3A_664 : vector<1x16xf32> to vector<16xf32>
        %swap3A_666 = vector.shape_cast %add3A_661 : vector<16xf32> to vector<1x16xf32>
        tpu.vector_store %arg12[%swap3A_662, %swap3A_663], %swap3A_666 {add = true, strides = array<i32>} : memref<128x128xf32, #tpu.memory_space<vmem>>, vector<1x16xf32>,
      }
      %scan3A_553 = arith.constant 128 : i32
      "tpu.region"() ({
        %run_scoped3A = tpu.sem_alloc : memref<!tpu.dma_semaphore, #tpu.memory_space<semaphore_mem>>
        %dma_start3A_554 = arith.constant 0 : i32
        %dma_start3A_555 = tpu.memref_slice %arg6[%mul3A_90, %dma_start3A_554] : memref<320000x128xf32, #tpu.memory_space<hbm>> -> memref<128x128xf32, #tpu.memory_space<hbm>>
        %dma_start3A_556 = arith.constant 0 : i32
        %dma_start3A_557 = tpu.memref_slice %arg6[%mul3A_90, %dma_start3A_556] : memref<320000x128xf32, #tpu.memory_space<hbm>> -> memref<128x128xf32, #tpu.memory_space<hbm>>
        tpu.enqueue_dma source(%arg12 : memref<128x128xf32, #tpu.memory_space<vmem>>) target(%dma_start3A_557 : memref<128x128xf32, #tpu.memory_space<hbm>>) target_semaphore(%run_scoped3A : memref<!tpu.dma_semaphore, #tpu.memory_space<semaphore_mem>>)
        %dma_wait3A_558 = arith.constant 0 : i32
        %dma_wait3A_559 = tpu.memref_slice %arg6[%mul3A_90, %dma_wait3A_558] : memref<320000x128xf32, #tpu.memory_space<hbm>> -> memref<128x128xf32, #tpu.memory_space<hbm>>
        %dma_wait3A_560 = arith.constant 0 : i32
        %dma_wait3A_561 = tpu.memref_slice %arg6[%mul3A_90, %dma_wait3A_560] : memref<320000x128xf32, #tpu.memory_space<hbm>> -> memref<128x128xf32, #tpu.memory_space<hbm>>
        tpu.wait_dma2 semaphore(%run_scoped3A : memref<!tpu.dma_semaphore, #tpu.memory_space<semaphore_mem>>) src(%arg12 : memref<128x128xf32, #tpu.memory_space<vmem>>) dst(%dma_wait3A_561 : memref<128x128xf32, #tpu.memory_space<hbm>>)
        tpu.yield
      }) : () -> ()
    }
    %jit3A_57 = arith.constant 2 : i32
    %eq3A = arith.constant 0 : i32
    %eq3A_58 = arith.cmpi eq, %jit3A_57, %eq3A : i32
    %jit3A_59 = arith.constant 1 : i32
    %select_n3A_60 = arith.select %eq3A_58, %jit3A_59, %jit3A_57 : i32
    %rem3A_61 = arith.remsi %select_n3A, %select_n3A_60 : i32
    %ne3A_62 = arith.constant 0 : i32
    %ne3A_63 = arith.cmpi ne, %rem3A_61, %ne3A_62 : i32
    %lt3A = arith.constant 0 : i32
    %lt3A_64 = arith.cmpi slt, %rem3A_61, %lt3A : i32
    %lt3A_65 = arith.constant 0 : i32
    %lt3A_66 = arith.cmpi slt, %select_n3A_60, %lt3A_65 : i32
    %ne3A_67 = arith.xori %lt3A_64, %lt3A_66 : i1
    %and3A_68 = arith.andi %ne3A_67, %ne3A_63 : i1
    %add3A_69 = arith.addi %rem3A_61, %select_n3A_60 : i32
    %select_n3A_70 = arith.select %and3A_68, %add3A_69, %rem3A_61 : i32
    %eq3A_71 = arith.constant 1 : i32
    %eq3A_72 = arith.cmpi eq, %select_n3A_70, %eq3A_71 : i32
    %convert_element_type3A = arith.extui %eq3A_72 : i1 to i32
    %cond3A = arith.constant 0 : i32
    %cond3A_73 = arith.cmpi ne, %convert_element_type3A, %cond3A : i32
    scf.if %cond3A_73 {
      %sub3A_74 = arith.constant 1 : i32
      %sub3A_75 = arith.subi %select_n3A, %sub3A_74 : i32
      %mul3A_76 = arith.constant 32 : i32
      %mul3A_77 = arith.muli %mul3A_76, %sub3A_75 : i32
      %add3A_78 = arith.addi %add3A, %mul3A_77 : i32
      %mul3A_79 = arith.constant 128 : i32
      %mul3A_80 = arith.muli %add3A_78, %mul3A_79 : i32
      "tpu.region"() ({
        %run_scoped3A = tpu.sem_alloc : memref<!tpu.dma_semaphore, #tpu.memory_space<semaphore_mem>>
        %dma_start3A_302 = tpu.memref_slice %arg3[%mul3A_80] : memref<320000xi32, #tpu.memory_space<hbm>> -> memref<128xi32, #tpu.memory_space<hbm>>
        %dma_start3A_303 = tpu.memref_slice %arg3[%mul3A_80] : memref<320000xi32, #tpu.memory_space<hbm>> -> memref<128xi32, #tpu.memory_space<hbm>>
        tpu.enqueue_dma source(%dma_start3A_303 : memref<128xi32, #tpu.memory_space<hbm>>) target(%arg13 : memref<128xi32, #tpu.memory_space<vmem>>) target_semaphore(%run_scoped3A : memref<!tpu.dma_semaphore, #tpu.memory_space<semaphore_mem>>)
        %dma_wait3A_304 = tpu.memref_slice %arg3[%mul3A_80] : memref<320000xi32, #tpu.memory_space<hbm>> -> memref<128xi32, #tpu.memory_space<hbm>>
        %dma_wait3A_305 = tpu.memref_slice %arg3[%mul3A_80] : memref<320000xi32, #tpu.memory_space<hbm>> -> memref<128xi32, #tpu.memory_space<hbm>>
        tpu.wait_dma2 semaphore(%run_scoped3A : memref<!tpu.dma_semaphore, #tpu.memory_space<semaphore_mem>>) src(%dma_wait3A_305 : memref<128xi32, #tpu.memory_space<hbm>>) dst(%arg13 : memref<128xi32, #tpu.memory_space<vmem>>)
        tpu.yield
      }) : () -> ()
      "tpu.region"() ({
        %run_scoped3A = tpu.sem_alloc : memref<!tpu.dma_semaphore, #tpu.memory_space<semaphore_mem>>
        %dma_start3A_302 = tpu.memref_slice %arg4[%mul3A_80] : memref<320000xi32, #tpu.memory_space<hbm>> -> memref<128xi32, #tpu.memory_space<hbm>>
        %dma_start3A_303 = tpu.memref_slice %arg4[%mul3A_80] : memref<320000xi32, #tpu.memory_space<hbm>> -> memref<128xi32, #tpu.memory_space<hbm>>
        tpu.enqueue_dma source(%dma_start3A_303 : memref<128xi32, #tpu.memory_space<hbm>>) target(%arg14 : memref<128xi32, #tpu.memory_space<vmem>>) target_semaphore(%run_scoped3A : memref<!tpu.dma_semaphore, #tpu.memory_space<semaphore_mem>>)
        %dma_wait3A_304 = tpu.memref_slice %arg4[%mul3A_80] : memref<320000xi32, #tpu.memory_space<hbm>> -> memref<128xi32, #tpu.memory_space<hbm>>
        %dma_wait3A_305 = tpu.memref_slice %arg4[%mul3A_80] : memref<320000xi32, #tpu.memory_space<hbm>> -> memref<128xi32, #tpu.memory_space<hbm>>
        tpu.wait_dma2 semaphore(%run_scoped3A : memref<!tpu.dma_semaphore, #tpu.memory_space<semaphore_mem>>) src(%dma_wait3A_305 : memref<128xi32, #tpu.memory_space<hbm>>) dst(%arg14 : memref<128xi32, #tpu.memory_space<vmem>>)
        tpu.yield
      }) : () -> ()
      %dma_start3A = arith.constant 0 : i32
      %dma_start3A_81 = tpu.memref_slice %arg5[%mul3A_80, %dma_start3A] : memref<320000x128xf32, #tpu.memory_space<hbm>> -> memref<128x128xf32, #tpu.memory_space<hbm>>
      %dma_start3A_82 = arith.constant 0 : i32
      %dma_start3A_83 = tpu.memref_slice %arg5[%mul3A_80, %dma_start3A_82] : memref<320000x128xf32, #tpu.memory_space<hbm>> -> memref<128x128xf32, #tpu.memory_space<hbm>>
      tpu.enqueue_dma source(%dma_start3A_83 : memref<128x128xf32, #tpu.memory_space<hbm>>) target(%arg9 : memref<128x128xf32, #tpu.memory_space<vmem>>) target_semaphore(%arg23 : memref<!tpu.dma_semaphore, #tpu.memory_space<semaphore_mem>>)
      %get3A = arith.constant 0 : index
      %get3A_84 = tpu.vector_load %arg13[%get3A] {strides = array<i32>} : memref<128xi32, #tpu.memory_space<vmem>>, vector<16xi32>,
      %get3A_85 = vector.shape_cast %get3A_84 : vector<16xi32> to vector<16xi32>
      %get3A_86 = arith.constant 0 : index
      %get3A_87 = tpu.vector_load %arg14[%get3A_86] {strides = array<i32>} : memref<128xi32, #tpu.memory_space<vmem>>, vector<16xi32>,
      %get3A_88 = vector.shape_cast %get3A_87 : vector<16xi32> to vector<16xi32>
      %mul3A_89 = arith.constant 2 : i32
      %mul3A_90 = vector.broadcast %mul3A_89 : i32 to vector<16xi32>
      %mul3A_91 = arith.muli %get3A_85, %mul3A_90 : vector<16xi32>
      %swap3A = arith.constant 0 : index
      %swap3A_92 = tpu.vector_load %arg15[%swap3A] {strides = array<i32>} : memref<128xi32, #tpu.memory_space<vmem>>, vector<16xi32>,
      %swap3A_93 = vector.shape_cast %swap3A_92 : vector<16xi32> to vector<16xi32>
      %swap3A_94 = vector.shape_cast %mul3A_91 : vector<16xi32> to vector<16xi32>
      tpu.vector_store %arg15[%swap3A], %swap3A_94 {strides = array<i32>} : memref<128xi32, #tpu.memory_space<vmem>>, vector<16xi32>,
      %eq3A_95 = arith.cmpi eq, %get3A_85, %get3A_88 : vector<16xi32>
      %mul3A_96 = arith.constant 2 : i32
      %mul3A_97 = vector.broadcast %mul3A_96 : i32 to vector<16xi32>
      %mul3A_98 = arith.muli %get3A_88, %mul3A_97 : vector<16xi32>
      %add3A_99 = arith.constant 1 : i32
      %add3A_100 = vector.broadcast %add3A_99 : i32 to vector<16xi32>
      %add3A_101 = arith.addi %mul3A_98, %add3A_100 : vector<16xi32>
      %select_n3A_102 = arith.select %eq3A_95, %broadcast_in_dim3A_47, %add3A_101 : vector<16xi1>, vector<16xi32>
      %swap3A_103 = arith.constant 0 : index
      %swap3A_104 = tpu.vector_load %arg16[%swap3A_103] {strides = array<i32>} : memref<128xi32, #tpu.memory_space<vmem>>, vector<16xi32>,
      %swap3A_105 = vector.shape_cast %swap3A_104 : vector<16xi32> to vector<16xi32>
      %swap3A_106 = vector.shape_cast %select_n3A_102 : vector<16xi32> to vector<16xi32>
      tpu.vector_store %arg16[%swap3A_103], %swap3A_106 {strides = array<i32>} : memref<128xi32, #tpu.memory_space<vmem>>, vector<16xi32>,
      %get3A_107 = arith.constant 16 : index
      %get3A_108 = tpu.vector_load %arg13[%get3A_107] {strides = array<i32>} : memref<128xi32, #tpu.memory_space<vmem>>, vector<16xi32>,
      %get3A_109 = vector.shape_cast %get3A_108 : vector<16xi32> to vector<16xi32>
      %get3A_110 = arith.constant 16 : index
      %get3A_111 = tpu.vector_load %arg14[%get3A_110] {strides = array<i32>} : memref<128xi32, #tpu.memory_space<vmem>>, vector<16xi32>,
      %get3A_112 = vector.shape_cast %get3A_111 : vector<16xi32> to vector<16xi32>
      %mul3A_113 = arith.constant 2 : i32
      %mul3A_114 = vector.broadcast %mul3A_113 : i32 to vector<16xi32>
      %mul3A_115 = arith.muli %get3A_109, %mul3A_114 : vector<16xi32>
      %swap3A_116 = arith.constant 16 : index
      %swap3A_117 = tpu.vector_load %arg15[%swap3A_116] {strides = array<i32>} : memref<128xi32, #tpu.memory_space<vmem>>, vector<16xi32>,
      %swap3A_118 = vector.shape_cast %swap3A_117 : vector<16xi32> to vector<16xi32>
      %swap3A_119 = vector.shape_cast %mul3A_115 : vector<16xi32> to vector<16xi32>
      tpu.vector_store %arg15[%swap3A_116], %swap3A_119 {strides = array<i32>} : memref<128xi32, #tpu.memory_space<vmem>>, vector<16xi32>,
      %eq3A_120 = arith.cmpi eq, %get3A_109, %get3A_112 : vector<16xi32>
      %mul3A_121 = arith.constant 2 : i32
      %mul3A_122 = vector.broadcast %mul3A_121 : i32 to vector<16xi32>
      %mul3A_123 = arith.muli %get3A_112, %mul3A_122 : vector<16xi32>
      %add3A_124 = arith.constant 1 : i32
      %add3A_125 = vector.broadcast %add3A_124 : i32 to vector<16xi32>
      %add3A_126 = arith.addi %mul3A_123, %add3A_125 : vector<16xi32>
      %select_n3A_127 = arith.select %eq3A_120, %broadcast_in_dim3A_47, %add3A_126 : vector<16xi1>, vector<16xi32>
      %swap3A_128 = arith.constant 16 : index
      %swap3A_129 = tpu.vector_load %arg16[%swap3A_128] {strides = array<i32>} : memref<128xi32, #tpu.memory_space<vmem>>, vector<16xi32>,
      %swap3A_130 = vector.shape_cast %swap3A_129 : vector<16xi32> to vector<16xi32>
      %swap3A_131 = vector.shape_cast %select_n3A_127 : vector<16xi32> to vector<16xi32>
      tpu.vector_store %arg16[%swap3A_128], %swap3A_131 {strides = array<i32>} : memref<128xi32, #tpu.memory_space<vmem>>, vector<16xi32>,
      %get3A_132 = arith.constant 32 : index
      %get3A_133 = tpu.vector_load %arg13[%get3A_132] {strides = array<i32>} : memref<128xi32, #tpu.memory_space<vmem>>, vector<16xi32>,
      %get3A_134 = vector.shape_cast %get3A_133 : vector<16xi32> to vector<16xi32>
      %get3A_135 = arith.constant 32 : index
      %get3A_136 = tpu.vector_load %arg14[%get3A_135] {strides = array<i32>} : memref<128xi32, #tpu.memory_space<vmem>>, vector<16xi32>,
      %get3A_137 = vector.shape_cast %get3A_136 : vector<16xi32> to vector<16xi32>
      %mul3A_138 = arith.constant 2 : i32
      %mul3A_139 = vector.broadcast %mul3A_138 : i32 to vector<16xi32>
      %mul3A_140 = arith.muli %get3A_134, %mul3A_139 : vector<16xi32>
      %swap3A_141 = arith.constant 32 : index
      %swap3A_142 = tpu.vector_load %arg15[%swap3A_141] {strides = array<i32>} : memref<128xi32, #tpu.memory_space<vmem>>, vector<16xi32>,
      %swap3A_143 = vector.shape_cast %swap3A_142 : vector<16xi32> to vector<16xi32>
      %swap3A_144 = vector.shape_cast %mul3A_140 : vector<16xi32> to vector<16xi32>
      tpu.vector_store %arg15[%swap3A_141], %swap3A_144 {strides = array<i32>} : memref<128xi32, #tpu.memory_space<vmem>>, vector<16xi32>,
      %eq3A_145 = arith.cmpi eq, %get3A_134, %get3A_137 : vector<16xi32>
      %mul3A_146 = arith.constant 2 : i32
      %mul3A_147 = vector.broadcast %mul3A_146 : i32 to vector<16xi32>
      %mul3A_148 = arith.muli %get3A_137, %mul3A_147 : vector<16xi32>
      %add3A_149 = arith.constant 1 : i32
      %add3A_150 = vector.broadcast %add3A_149 : i32 to vector<16xi32>
      %add3A_151 = arith.addi %mul3A_148, %add3A_150 : vector<16xi32>
      %select_n3A_152 = arith.select %eq3A_145, %broadcast_in_dim3A_47, %add3A_151 : vector<16xi1>, vector<16xi32>
      %swap3A_153 = arith.constant 32 : index
      %swap3A_154 = tpu.vector_load %arg16[%swap3A_153] {strides = array<i32>} : memref<128xi32, #tpu.memory_space<vmem>>, vector<16xi32>,
      %swap3A_155 = vector.shape_cast %swap3A_154 : vector<16xi32> to vector<16xi32>
      %swap3A_156 = vector.shape_cast %select_n3A_152 : vector<16xi32> to vector<16xi32>
      tpu.vector_store %arg16[%swap3A_153], %swap3A_156 {strides = array<i32>} : memref<128xi32, #tpu.memory_space<vmem>>, vector<16xi32>,
      %get3A_157 = arith.constant 48 : index
      %get3A_158 = tpu.vector_load %arg13[%get3A_157] {strides = array<i32>} : memref<128xi32, #tpu.memory_space<vmem>>, vector<16xi32>,
      %get3A_159 = vector.shape_cast %get3A_158 : vector<16xi32> to vector<16xi32>
      %get3A_160 = arith.constant 48 : index
      %get3A_161 = tpu.vector_load %arg14[%get3A_160] {strides = array<i32>} : memref<128xi32, #tpu.memory_space<vmem>>, vector<16xi32>,
      %get3A_162 = vector.shape_cast %get3A_161 : vector<16xi32> to vector<16xi32>
      %mul3A_163 = arith.constant 2 : i32
      %mul3A_164 = vector.broadcast %mul3A_163 : i32 to vector<16xi32>
      %mul3A_165 = arith.muli %get3A_159, %mul3A_164 : vector<16xi32>
      %swap3A_166 = arith.constant 48 : index
      %swap3A_167 = tpu.vector_load %arg15[%swap3A_166] {strides = array<i32>} : memref<128xi32, #tpu.memory_space<vmem>>, vector<16xi32>,
      %swap3A_168 = vector.shape_cast %swap3A_167 : vector<16xi32> to vector<16xi32>
      %swap3A_169 = vector.shape_cast %mul3A_165 : vector<16xi32> to vector<16xi32>
      tpu.vector_store %arg15[%swap3A_166], %swap3A_169 {strides = array<i32>} : memref<128xi32, #tpu.memory_space<vmem>>, vector<16xi32>,
      %eq3A_170 = arith.cmpi eq, %get3A_159, %get3A_162 : vector<16xi32>
      %mul3A_171 = arith.constant 2 : i32
      %mul3A_172 = vector.broadcast %mul3A_171 : i32 to vector<16xi32>
      %mul3A_173 = arith.muli %get3A_162, %mul3A_172 : vector<16xi32>
      %add3A_174 = arith.constant 1 : i32
      %add3A_175 = vector.broadcast %add3A_174 : i32 to vector<16xi32>
      %add3A_176 = arith.addi %mul3A_173, %add3A_175 : vector<16xi32>
      %select_n3A_177 = arith.select %eq3A_170, %broadcast_in_dim3A_47, %add3A_176 : vector<16xi1>, vector<16xi32>
      %swap3A_178 = arith.constant 48 : index
      %swap3A_179 = tpu.vector_load %arg16[%swap3A_178] {strides = array<i32>} : memref<128xi32, #tpu.memory_space<vmem>>, vector<16xi32>,
      %swap3A_180 = vector.shape_cast %swap3A_179 : vector<16xi32> to vector<16xi32>
      %swap3A_181 = vector.shape_cast %select_n3A_177 : vector<16xi32> to vector<16xi32>
      tpu.vector_store %arg16[%swap3A_178], %swap3A_181 {strides = array<i32>} : memref<128xi32, #tpu.memory_space<vmem>>, vector<16xi32>,
      %get3A_182 = arith.constant 64 : index
      %get3A_183 = tpu.vector_load %arg13[%get3A_182] {strides = array<i32>} : memref<128xi32, #tpu.memory_space<vmem>>, vector<16xi32>,
      %get3A_184 = vector.shape_cast %get3A_183 : vector<16xi32> to vector<16xi32>
      %get3A_185 = arith.constant 64 : index
      %get3A_186 = tpu.vector_load %arg14[%get3A_185] {strides = array<i32>} : memref<128xi32, #tpu.memory_space<vmem>>, vector<16xi32>,
      %get3A_187 = vector.shape_cast %get3A_186 : vector<16xi32> to vector<16xi32>
      %mul3A_188 = arith.constant 2 : i32
      %mul3A_189 = vector.broadcast %mul3A_188 : i32 to vector<16xi32>
      %mul3A_190 = arith.muli %get3A_184, %mul3A_189 : vector<16xi32>
      %swap3A_191 = arith.constant 64 : index
      %swap3A_192 = tpu.vector_load %arg15[%swap3A_191] {strides = array<i32>} : memref<128xi32, #tpu.memory_space<vmem>>, vector<16xi32>,
      %swap3A_193 = vector.shape_cast %swap3A_192 : vector<16xi32> to vector<16xi32>
      %swap3A_194 = vector.shape_cast %mul3A_190 : vector<16xi32> to vector<16xi32>
      tpu.vector_store %arg15[%swap3A_191], %swap3A_194 {strides = array<i32>} : memref<128xi32, #tpu.memory_space<vmem>>, vector<16xi32>,
      %eq3A_195 = arith.cmpi eq, %get3A_184, %get3A_187 : vector<16xi32>
      %mul3A_196 = arith.constant 2 : i32
      %mul3A_197 = vector.broadcast %mul3A_196 : i32 to vector<16xi32>
      %mul3A_198 = arith.muli %get3A_187, %mul3A_197 : vector<16xi32>
      %add3A_199 = arith.constant 1 : i32
      %add3A_200 = vector.broadcast %add3A_199 : i32 to vector<16xi32>
      %add3A_201 = arith.addi %mul3A_198, %add3A_200 : vector<16xi32>
      %select_n3A_202 = arith.select %eq3A_195, %broadcast_in_dim3A_47, %add3A_201 : vector<16xi1>, vector<16xi32>
      %swap3A_203 = arith.constant 64 : index
      %swap3A_204 = tpu.vector_load %arg16[%swap3A_203] {strides = array<i32>} : memref<128xi32, #tpu.memory_space<vmem>>, vector<16xi32>,
      %swap3A_205 = vector.shape_cast %swap3A_204 : vector<16xi32> to vector<16xi32>
      %swap3A_206 = vector.shape_cast %select_n3A_202 : vector<16xi32> to vector<16xi32>
      tpu.vector_store %arg16[%swap3A_203], %swap3A_206 {strides = array<i32>} : memref<128xi32, #tpu.memory_space<vmem>>, vector<16xi32>,
      %get3A_207 = arith.constant 80 : index
      %get3A_208 = tpu.vector_load %arg13[%get3A_207] {strides = array<i32>} : memref<128xi32, #tpu.memory_space<vmem>>, vector<16xi32>,
      %get3A_209 = vector.shape_cast %get3A_208 : vector<16xi32> to vector<16xi32>
      %get3A_210 = arith.constant 80 : index
      %get3A_211 = tpu.vector_load %arg14[%get3A_210] {strides = array<i32>} : memref<128xi32, #tpu.memory_space<vmem>>, vector<16xi32>,
      %get3A_212 = vector.shape_cast %get3A_211 : vector<16xi32> to vector<16xi32>
      %mul3A_213 = arith.constant 2 : i32
      %mul3A_214 = vector.broadcast %mul3A_213 : i32 to vector<16xi32>
      %mul3A_215 = arith.muli %get3A_209, %mul3A_214 : vector<16xi32>
      %swap3A_216 = arith.constant 80 : index
      %swap3A_217 = tpu.vector_load %arg15[%swap3A_216] {strides = array<i32>} : memref<128xi32, #tpu.memory_space<vmem>>, vector<16xi32>,
      %swap3A_218 = vector.shape_cast %swap3A_217 : vector<16xi32> to vector<16xi32>
      %swap3A_219 = vector.shape_cast %mul3A_215 : vector<16xi32> to vector<16xi32>
      tpu.vector_store %arg15[%swap3A_216], %swap3A_219 {strides = array<i32>} : memref<128xi32, #tpu.memory_space<vmem>>, vector<16xi32>,
      %eq3A_220 = arith.cmpi eq, %get3A_209, %get3A_212 : vector<16xi32>
      %mul3A_221 = arith.constant 2 : i32
      %mul3A_222 = vector.broadcast %mul3A_221 : i32 to vector<16xi32>
      %mul3A_223 = arith.muli %get3A_212, %mul3A_222 : vector<16xi32>
      %add3A_224 = arith.constant 1 : i32
      %add3A_225 = vector.broadcast %add3A_224 : i32 to vector<16xi32>
      %add3A_226 = arith.addi %mul3A_223, %add3A_225 : vector<16xi32>
      %select_n3A_227 = arith.select %eq3A_220, %broadcast_in_dim3A_47, %add3A_226 : vector<16xi1>, vector<16xi32>
      %swap3A_228 = arith.constant 80 : index
      %swap3A_229 = tpu.vector_load %arg16[%swap3A_228] {strides = array<i32>} : memref<128xi32, #tpu.memory_space<vmem>>, vector<16xi32>,
      %swap3A_230 = vector.shape_cast %swap3A_229 : vector<16xi32> to vector<16xi32>
      %swap3A_231 = vector.shape_cast %select_n3A_227 : vector<16xi32> to vector<16xi32>
      tpu.vector_store %arg16[%swap3A_228], %swap3A_231 {strides = array<i32>} : memref<128xi32, #tpu.memory_space<vmem>>, vector<16xi32>,
      %get3A_232 = arith.constant 96 : index
      %get3A_233 = tpu.vector_load %arg13[%get3A_232] {strides = array<i32>} : memref<128xi32, #tpu.memory_space<vmem>>, vector<16xi32>,
      %get3A_234 = vector.shape_cast %get3A_233 : vector<16xi32> to vector<16xi32>
      %get3A_235 = arith.constant 96 : index
      %get3A_236 = tpu.vector_load %arg14[%get3A_235] {strides = array<i32>} : memref<128xi32, #tpu.memory_space<vmem>>, vector<16xi32>,
      %get3A_237 = vector.shape_cast %get3A_236 : vector<16xi32> to vector<16xi32>
      %mul3A_238 = arith.constant 2 : i32
      %mul3A_239 = vector.broadcast %mul3A_238 : i32 to vector<16xi32>
      %mul3A_240 = arith.muli %get3A_234, %mul3A_239 : vector<16xi32>
      %swap3A_241 = arith.constant 96 : index
      %swap3A_242 = tpu.vector_load %arg15[%swap3A_241] {strides = array<i32>} : memref<128xi32, #tpu.memory_space<vmem>>, vector<16xi32>,
      %swap3A_243 = vector.shape_cast %swap3A_242 : vector<16xi32> to vector<16xi32>
      %swap3A_244 = vector.shape_cast %mul3A_240 : vector<16xi32> to vector<16xi32>
      tpu.vector_store %arg15[%swap3A_241], %swap3A_244 {strides = array<i32>} : memref<128xi32, #tpu.memory_space<vmem>>, vector<16xi32>,
      %eq3A_245 = arith.cmpi eq, %get3A_234, %get3A_237 : vector<16xi32>
      %mul3A_246 = arith.constant 2 : i32
      %mul3A_247 = vector.broadcast %mul3A_246 : i32 to vector<16xi32>
      %mul3A_248 = arith.muli %get3A_237, %mul3A_247 : vector<16xi32>
      %add3A_249 = arith.constant 1 : i32
      %add3A_250 = vector.broadcast %add3A_249 : i32 to vector<16xi32>
      %add3A_251 = arith.addi %mul3A_248, %add3A_250 : vector<16xi32>
      %select_n3A_252 = arith.select %eq3A_245, %broadcast_in_dim3A_47, %add3A_251 : vector<16xi1>, vector<16xi32>
      %swap3A_253 = arith.constant 96 : index
      %swap3A_254 = tpu.vector_load %arg16[%swap3A_253] {strides = array<i32>} : memref<128xi32, #tpu.memory_space<vmem>>, vector<16xi32>,
      %swap3A_255 = vector.shape_cast %swap3A_254 : vector<16xi32> to vector<16xi32>
      %swap3A_256 = vector.shape_cast %select_n3A_252 : vector<16xi32> to vector<16xi32>
      tpu.vector_store %arg16[%swap3A_253], %swap3A_256 {strides = array<i32>} : memref<128xi32, #tpu.memory_space<vmem>>, vector<16xi32>,
      %get3A_257 = arith.constant 112 : index
      %get3A_258 = tpu.vector_load %arg13[%get3A_257] {strides = array<i32>} : memref<128xi32, #tpu.memory_space<vmem>>, vector<16xi32>,
      %get3A_259 = vector.shape_cast %get3A_258 : vector<16xi32> to vector<16xi32>
      %get3A_260 = arith.constant 112 : index
      %get3A_261 = tpu.vector_load %arg14[%get3A_260] {strides = array<i32>} : memref<128xi32, #tpu.memory_space<vmem>>, vector<16xi32>,
      %get3A_262 = vector.shape_cast %get3A_261 : vector<16xi32> to vector<16xi32>
      %mul3A_263 = arith.constant 2 : i32
      %mul3A_264 = vector.broadcast %mul3A_263 : i32 to vector<16xi32>
      %mul3A_265 = arith.muli %get3A_259, %mul3A_264 : vector<16xi32>
      %swap3A_266 = arith.constant 112 : index
      %swap3A_267 = tpu.vector_load %arg15[%swap3A_266] {strides = array<i32>} : memref<128xi32, #tpu.memory_space<vmem>>, vector<16xi32>,
      %swap3A_268 = vector.shape_cast %swap3A_267 : vector<16xi32> to vector<16xi32>
      %swap3A_269 = vector.shape_cast %mul3A_265 : vector<16xi32> to vector<16xi32>
      tpu.vector_store %arg15[%swap3A_266], %swap3A_269 {strides = array<i32>} : memref<128xi32, #tpu.memory_space<vmem>>, vector<16xi32>,
      %eq3A_270 = arith.cmpi eq, %get3A_259, %get3A_262 : vector<16xi32>
      %mul3A_271 = arith.constant 2 : i32
      %mul3A_272 = vector.broadcast %mul3A_271 : i32 to vector<16xi32>
      %mul3A_273 = arith.muli %get3A_262, %mul3A_272 : vector<16xi32>
      %add3A_274 = arith.constant 1 : i32
      %add3A_275 = vector.broadcast %add3A_274 : i32 to vector<16xi32>
      %add3A_276 = arith.addi %mul3A_273, %add3A_275 : vector<16xi32>
      %select_n3A_277 = arith.select %eq3A_270, %broadcast_in_dim3A_47, %add3A_276 : vector<16xi1>, vector<16xi32>
      %swap3A_278 = arith.constant 112 : index
      %swap3A_279 = tpu.vector_load %arg16[%swap3A_278] {strides = array<i32>} : memref<128xi32, #tpu.memory_space<vmem>>, vector<16xi32>,
      %swap3A_280 = vector.shape_cast %swap3A_279 : vector<16xi32> to vector<16xi32>
      %swap3A_281 = vector.shape_cast %select_n3A_277 : vector<16xi32> to vector<16xi32>
      tpu.vector_store %arg16[%swap3A_278], %swap3A_281 {strides = array<i32>} : memref<128xi32, #tpu.memory_space<vmem>>, vector<16xi32>,
      %dma_start3A_282 = arith.constant 0 : i32
      %dma_start3A_283 = arith.constant 0 : i32
      %dma_start3A_284 = tpu.memref_slice %arg2[%dma_start3A_282, %dma_start3A_283] : memref<40960x128xf32, #tpu.memory_space<hbm>> -> memref<40960x128xf32, #tpu.memory_space<hbm>>
      tpu.enqueue_indirect_dma source(%dma_start3A_284 : memref<40960x128xf32, #tpu.memory_space<hbm>>) target(%arg7 : memref<128x128xf32, #tpu.memory_space<vmem>>) offsets(%arg15 : memref<128xi32, #tpu.memory_space<vmem>>) semaphore(%arg21 : memref<!tpu.dma_semaphore, #tpu.memory_space<semaphore_mem>>)
      %dma_start3A_285 = arith.constant 0 : i32
      %dma_start3A_286 = arith.constant 0 : i32
      %dma_start3A_287 = tpu.memref_slice %arg2[%dma_start3A_285, %dma_start3A_286] : memref<40960x128xf32, #tpu.memory_space<hbm>> -> memref<40960x128xf32, #tpu.memory_space<hbm>>
      tpu.enqueue_indirect_dma source(%dma_start3A_287 : memref<40960x128xf32, #tpu.memory_space<hbm>>) target(%arg8 : memref<128x128xf32, #tpu.memory_space<vmem>>) offsets(%arg16 : memref<128xi32, #tpu.memory_space<vmem>>) semaphore(%arg22 : memref<!tpu.dma_semaphore, #tpu.memory_space<semaphore_mem>>)
      %dma_wait3A = arith.constant 0 : i32
      %dma_wait3A_288 = arith.constant 0 : i32
      %dma_wait3A_289 = tpu.memref_slice %arg2[%dma_wait3A, %dma_wait3A_288] : memref<40960x128xf32, #tpu.memory_space<hbm>> -> memref<40960x128xf32, #tpu.memory_space<hbm>>
      tpu.wait_indirect_dma semaphore(%arg21 : memref<!tpu.dma_semaphore, #tpu.memory_space<semaphore_mem>>) src(%dma_wait3A_289 : memref<40960x128xf32, #tpu.memory_space<hbm>>) dst(%arg7 : memref<128x128xf32, #tpu.memory_space<vmem>>)
      %dma_wait3A_290 = arith.constant 0 : i32
      %dma_wait3A_291 = arith.constant 0 : i32
      %dma_wait3A_292 = tpu.memref_slice %arg2[%dma_wait3A_290, %dma_wait3A_291] : memref<40960x128xf32, #tpu.memory_space<hbm>> -> memref<40960x128xf32, #tpu.memory_space<hbm>>
      tpu.wait_indirect_dma semaphore(%arg22 : memref<!tpu.dma_semaphore, #tpu.memory_space<semaphore_mem>>) src(%dma_wait3A_292 : memref<40960x128xf32, #tpu.memory_space<hbm>>) dst(%arg8 : memref<128x128xf32, #tpu.memory_space<vmem>>)
      %dma_wait3A_293 = arith.constant 0 : i32
      %dma_wait3A_294 = tpu.memref_slice %arg5[%mul3A_80, %dma_wait3A_293] : memref<320000x128xf32, #tpu.memory_space<hbm>> -> memref<128x128xf32, #tpu.memory_space<hbm>>
      %dma_wait3A_295 = arith.constant 0 : i32
      %dma_wait3A_296 = tpu.memref_slice %arg5[%mul3A_80, %dma_wait3A_295] : memref<320000x128xf32, #tpu.memory_space<hbm>> -> memref<128x128xf32, #tpu.memory_space<hbm>>
      tpu.wait_dma2 semaphore(%arg23 : memref<!tpu.dma_semaphore, #tpu.memory_space<semaphore_mem>>) src(%dma_wait3A_296 : memref<128x128xf32, #tpu.memory_space<hbm>>) dst(%arg9 : memref<128x128xf32, #tpu.memory_space<vmem>>)
      %scan3A = arith.constant 0 : i32
      %scan3A_297 = arith.constant 0 : i32
      %scan3A_298 = arith.constant 128 : i32
      %scan3A_299 = arith.addi %scan3A_297, %scan3A_298 : i32
      %scan3A_300 = arith.constant 1 : i32
      scf.for %scan3A_302 = %scan3A_297 to %scan3A_299 step %scan3A_300  : i32 {
        %get3A_303 = arith.index_cast %scan3A_302 : i32 to index
        %get3A_304 = arith.constant 0 : index
        %get3A_305 = tpu.vector_load %arg7[%get3A_303, %get3A_304] {strides = array<i32>} : memref<128x128xf32, #tpu.memory_space<vmem>>, vector<1x16xf32>,
        %get3A_306 = vector.shape_cast %get3A_305 : vector<1x16xf32> to vector<16xf32>
        %get3A_307 = arith.index_cast %scan3A_302 : i32 to index
        %get3A_308 = arith.constant 0 : index
        %get3A_309 = tpu.vector_load %arg8[%get3A_307, %get3A_308] {strides = array<i32>} : memref<128x128xf32, #tpu.memory_space<vmem>>, vector<1x16xf32>,
        %get3A_310 = vector.shape_cast %get3A_309 : vector<1x16xf32> to vector<16xf32>
        %add3A_311 = arith.addf %get3A_306, %get3A_310 : vector<16xf32>
        %swap3A_312 = arith.index_cast %scan3A_302 : i32 to index
        %swap3A_313 = arith.constant 0 : index
        %swap3A_314 = tpu.vector_load %arg9[%swap3A_312, %swap3A_313] {strides = array<i32>} : memref<128x128xf32, #tpu.memory_space<vmem>>, vector<1x16xf32>,
        %swap3A_315 = vector.shape_cast %swap3A_314 : vector<1x16xf32> to vector<16xf32>
        %swap3A_316 = vector.shape_cast %add3A_311 : vector<16xf32> to vector<1x16xf32>
        tpu.vector_store %arg9[%swap3A_312, %swap3A_313], %swap3A_316 {add = true, strides = array<i32>} : memref<128x128xf32, #tpu.memory_space<vmem>>, vector<1x16xf32>,
        %get3A_317 = arith.index_cast %scan3A_302 : i32 to index
        %get3A_318 = arith.constant 16 : index
        %get3A_319 = tpu.vector_load %arg7[%get3A_317, %get3A_318] {strides = array<i32>} : memref<128x128xf32, #tpu.memory_space<vmem>>, vector<1x16xf32>,
        %get3A_320 = vector.shape_cast %get3A_319 : vector<1x16xf32> to vector<16xf32>
        %get3A_321 = arith.index_cast %scan3A_302 : i32 to index
        %get3A_322 = arith.constant 16 : index
        %get3A_323 = tpu.vector_load %arg8[%get3A_321, %get3A_322] {strides = array<i32>} : memref<128x128xf32, #tpu.memory_space<vmem>>, vector<1x16xf32>,
        %get3A_324 = vector.shape_cast %get3A_323 : vector<1x16xf32> to vector<16xf32>
        %add3A_325 = arith.addf %get3A_320, %get3A_324 : vector<16xf32>
        %swap3A_326 = arith.index_cast %scan3A_302 : i32 to index
        %swap3A_327 = arith.constant 16 : index
        %swap3A_328 = tpu.vector_load %arg9[%swap3A_326, %swap3A_327] {strides = array<i32>} : memref<128x128xf32, #tpu.memory_space<vmem>>, vector<1x16xf32>,
        %swap3A_329 = vector.shape_cast %swap3A_328 : vector<1x16xf32> to vector<16xf32>
        %swap3A_330 = vector.shape_cast %add3A_325 : vector<16xf32> to vector<1x16xf32>
        tpu.vector_store %arg9[%swap3A_326, %swap3A_327], %swap3A_330 {add = true, strides = array<i32>} : memref<128x128xf32, #tpu.memory_space<vmem>>, vector<1x16xf32>,
        %get3A_331 = arith.index_cast %scan3A_302 : i32 to index
        %get3A_332 = arith.constant 32 : index
        %get3A_333 = tpu.vector_load %arg7[%get3A_331, %get3A_332] {strides = array<i32>} : memref<128x128xf32, #tpu.memory_space<vmem>>, vector<1x16xf32>,
        %get3A_334 = vector.shape_cast %get3A_333 : vector<1x16xf32> to vector<16xf32>
        %get3A_335 = arith.index_cast %scan3A_302 : i32 to index
        %get3A_336 = arith.constant 32 : index
        %get3A_337 = tpu.vector_load %arg8[%get3A_335, %get3A_336] {strides = array<i32>} : memref<128x128xf32, #tpu.memory_space<vmem>>, vector<1x16xf32>,
        %get3A_338 = vector.shape_cast %get3A_337 : vector<1x16xf32> to vector<16xf32>
        %add3A_339 = arith.addf %get3A_334, %get3A_338 : vector<16xf32>
        %swap3A_340 = arith.index_cast %scan3A_302 : i32 to index
        %swap3A_341 = arith.constant 32 : index
        %swap3A_342 = tpu.vector_load %arg9[%swap3A_340, %swap3A_341] {strides = array<i32>} : memref<128x128xf32, #tpu.memory_space<vmem>>, vector<1x16xf32>,
        %swap3A_343 = vector.shape_cast %swap3A_342 : vector<1x16xf32> to vector<16xf32>
        %swap3A_344 = vector.shape_cast %add3A_339 : vector<16xf32> to vector<1x16xf32>
        tpu.vector_store %arg9[%swap3A_340, %swap3A_341], %swap3A_344 {add = true, strides = array<i32>} : memref<128x128xf32, #tpu.memory_space<vmem>>, vector<1x16xf32>,
        %get3A_345 = arith.index_cast %scan3A_302 : i32 to index
        %get3A_346 = arith.constant 48 : index
        %get3A_347 = tpu.vector_load %arg7[%get3A_345, %get3A_346] {strides = array<i32>} : memref<128x128xf32, #tpu.memory_space<vmem>>, vector<1x16xf32>,
        %get3A_348 = vector.shape_cast %get3A_347 : vector<1x16xf32> to vector<16xf32>
        %get3A_349 = arith.index_cast %scan3A_302 : i32 to index
        %get3A_350 = arith.constant 48 : index
        %get3A_351 = tpu.vector_load %arg8[%get3A_349, %get3A_350] {strides = array<i32>} : memref<128x128xf32, #tpu.memory_space<vmem>>, vector<1x16xf32>,
        %get3A_352 = vector.shape_cast %get3A_351 : vector<1x16xf32> to vector<16xf32>
        %add3A_353 = arith.addf %get3A_348, %get3A_352 : vector<16xf32>
        %swap3A_354 = arith.index_cast %scan3A_302 : i32 to index
        %swap3A_355 = arith.constant 48 : index
        %swap3A_356 = tpu.vector_load %arg9[%swap3A_354, %swap3A_355] {strides = array<i32>} : memref<128x128xf32, #tpu.memory_space<vmem>>, vector<1x16xf32>,
        %swap3A_357 = vector.shape_cast %swap3A_356 : vector<1x16xf32> to vector<16xf32>
        %swap3A_358 = vector.shape_cast %add3A_353 : vector<16xf32> to vector<1x16xf32>
        tpu.vector_store %arg9[%swap3A_354, %swap3A_355], %swap3A_358 {add = true, strides = array<i32>} : memref<128x128xf32, #tpu.memory_space<vmem>>, vector<1x16xf32>,
        %get3A_359 = arith.index_cast %scan3A_302 : i32 to index
        %get3A_360 = arith.constant 64 : index
        %get3A_361 = tpu.vector_load %arg7[%get3A_359, %get3A_360] {strides = array<i32>} : memref<128x128xf32, #tpu.memory_space<vmem>>, vector<1x16xf32>,
        %get3A_362 = vector.shape_cast %get3A_361 : vector<1x16xf32> to vector<16xf32>
        %get3A_363 = arith.index_cast %scan3A_302 : i32 to index
        %get3A_364 = arith.constant 64 : index
        %get3A_365 = tpu.vector_load %arg8[%get3A_363, %get3A_364] {strides = array<i32>} : memref<128x128xf32, #tpu.memory_space<vmem>>, vector<1x16xf32>,
        %get3A_366 = vector.shape_cast %get3A_365 : vector<1x16xf32> to vector<16xf32>
        %add3A_367 = arith.addf %get3A_362, %get3A_366 : vector<16xf32>
        %swap3A_368 = arith.index_cast %scan3A_302 : i32 to index
        %swap3A_369 = arith.constant 64 : index
        %swap3A_370 = tpu.vector_load %arg9[%swap3A_368, %swap3A_369] {strides = array<i32>} : memref<128x128xf32, #tpu.memory_space<vmem>>, vector<1x16xf32>,
        %swap3A_371 = vector.shape_cast %swap3A_370 : vector<1x16xf32> to vector<16xf32>
        %swap3A_372 = vector.shape_cast %add3A_367 : vector<16xf32> to vector<1x16xf32>
        tpu.vector_store %arg9[%swap3A_368, %swap3A_369], %swap3A_372 {add = true, strides = array<i32>} : memref<128x128xf32, #tpu.memory_space<vmem>>, vector<1x16xf32>,
        %get3A_373 = arith.index_cast %scan3A_302 : i32 to index
        %get3A_374 = arith.constant 80 : index
        %get3A_375 = tpu.vector_load %arg7[%get3A_373, %get3A_374] {strides = array<i32>} : memref<128x128xf32, #tpu.memory_space<vmem>>, vector<1x16xf32>,
        %get3A_376 = vector.shape_cast %get3A_375 : vector<1x16xf32> to vector<16xf32>
        %get3A_377 = arith.index_cast %scan3A_302 : i32 to index
        %get3A_378 = arith.constant 80 : index
        %get3A_379 = tpu.vector_load %arg8[%get3A_377, %get3A_378] {strides = array<i32>} : memref<128x128xf32, #tpu.memory_space<vmem>>, vector<1x16xf32>,
        %get3A_380 = vector.shape_cast %get3A_379 : vector<1x16xf32> to vector<16xf32>
        %add3A_381 = arith.addf %get3A_376, %get3A_380 : vector<16xf32>
        %swap3A_382 = arith.index_cast %scan3A_302 : i32 to index
        %swap3A_383 = arith.constant 80 : index
        %swap3A_384 = tpu.vector_load %arg9[%swap3A_382, %swap3A_383] {strides = array<i32>} : memref<128x128xf32, #tpu.memory_space<vmem>>, vector<1x16xf32>,
        %swap3A_385 = vector.shape_cast %swap3A_384 : vector<1x16xf32> to vector<16xf32>
        %swap3A_386 = vector.shape_cast %add3A_381 : vector<16xf32> to vector<1x16xf32>
        tpu.vector_store %arg9[%swap3A_382, %swap3A_383], %swap3A_386 {add = true, strides = array<i32>} : memref<128x128xf32, #tpu.memory_space<vmem>>, vector<1x16xf32>,
        %get3A_387 = arith.index_cast %scan3A_302 : i32 to index
        %get3A_388 = arith.constant 96 : index
        %get3A_389 = tpu.vector_load %arg7[%get3A_387, %get3A_388] {strides = array<i32>} : memref<128x128xf32, #tpu.memory_space<vmem>>, vector<1x16xf32>,
        %get3A_390 = vector.shape_cast %get3A_389 : vector<1x16xf32> to vector<16xf32>
        %get3A_391 = arith.index_cast %scan3A_302 : i32 to index
        %get3A_392 = arith.constant 96 : index
        %get3A_393 = tpu.vector_load %arg8[%get3A_391, %get3A_392] {strides = array<i32>} : memref<128x128xf32, #tpu.memory_space<vmem>>, vector<1x16xf32>,
        %get3A_394 = vector.shape_cast %get3A_393 : vector<1x16xf32> to vector<16xf32>
        %add3A_395 = arith.addf %get3A_390, %get3A_394 : vector<16xf32>
        %swap3A_396 = arith.index_cast %scan3A_302 : i32 to index
        %swap3A_397 = arith.constant 96 : index
        %swap3A_398 = tpu.vector_load %arg9[%swap3A_396, %swap3A_397] {strides = array<i32>} : memref<128x128xf32, #tpu.memory_space<vmem>>, vector<1x16xf32>,
        %swap3A_399 = vector.shape_cast %swap3A_398 : vector<1x16xf32> to vector<16xf32>
        %swap3A_400 = vector.shape_cast %add3A_395 : vector<16xf32> to vector<1x16xf32>
        tpu.vector_store %arg9[%swap3A_396, %swap3A_397], %swap3A_400 {add = true, strides = array<i32>} : memref<128x128xf32, #tpu.memory_space<vmem>>, vector<1x16xf32>,
        %get3A_401 = arith.index_cast %scan3A_302 : i32 to index
        %get3A_402 = arith.constant 112 : index
        %get3A_403 = tpu.vector_load %arg7[%get3A_401, %get3A_402] {strides = array<i32>} : memref<128x128xf32, #tpu.memory_space<vmem>>, vector<1x16xf32>,
        %get3A_404 = vector.shape_cast %get3A_403 : vector<1x16xf32> to vector<16xf32>
        %get3A_405 = arith.index_cast %scan3A_302 : i32 to index
        %get3A_406 = arith.constant 112 : index
        %get3A_407 = tpu.vector_load %arg8[%get3A_405, %get3A_406] {strides = array<i32>} : memref<128x128xf32, #tpu.memory_space<vmem>>, vector<1x16xf32>,
        %get3A_408 = vector.shape_cast %get3A_407 : vector<1x16xf32> to vector<16xf32>
        %add3A_409 = arith.addf %get3A_404, %get3A_408 : vector<16xf32>
        %swap3A_410 = arith.index_cast %scan3A_302 : i32 to index
        %swap3A_411 = arith.constant 112 : index
        %swap3A_412 = tpu.vector_load %arg9[%swap3A_410, %swap3A_411] {strides = array<i32>} : memref<128x128xf32, #tpu.memory_space<vmem>>, vector<1x16xf32>,
        %swap3A_413 = vector.shape_cast %swap3A_412 : vector<1x16xf32> to vector<16xf32>
        %swap3A_414 = vector.shape_cast %add3A_409 : vector<16xf32> to vector<1x16xf32>
        tpu.vector_store %arg9[%swap3A_410, %swap3A_411], %swap3A_414 {add = true, strides = array<i32>} : memref<128x128xf32, #tpu.memory_space<vmem>>, vector<1x16xf32>,
      }
      %scan3A_301 = arith.constant 128 : i32
      "tpu.region"() ({
        %run_scoped3A = tpu.sem_alloc : memref<!tpu.dma_semaphore, #tpu.memory_space<semaphore_mem>>
        %dma_start3A_302 = arith.constant 0 : i32
        %dma_start3A_303 = tpu.memref_slice %arg6[%mul3A_80, %dma_start3A_302] : memref<320000x128xf32, #tpu.memory_space<hbm>> -> memref<128x128xf32, #tpu.memory_space<hbm>>
        %dma_start3A_304 = arith.constant 0 : i32
        %dma_start3A_305 = tpu.memref_slice %arg6[%mul3A_80, %dma_start3A_304] : memref<320000x128xf32, #tpu.memory_space<hbm>> -> memref<128x128xf32, #tpu.memory_space<hbm>>
        tpu.enqueue_dma source(%arg9 : memref<128x128xf32, #tpu.memory_space<vmem>>) target(%dma_start3A_305 : memref<128x128xf32, #tpu.memory_space<hbm>>) target_semaphore(%run_scoped3A : memref<!tpu.dma_semaphore, #tpu.memory_space<semaphore_mem>>)
        %dma_wait3A_306 = arith.constant 0 : i32
        %dma_wait3A_307 = tpu.memref_slice %arg6[%mul3A_80, %dma_wait3A_306] : memref<320000x128xf32, #tpu.memory_space<hbm>> -> memref<128x128xf32, #tpu.memory_space<hbm>>
        %dma_wait3A_308 = arith.constant 0 : i32
        %dma_wait3A_309 = tpu.memref_slice %arg6[%mul3A_80, %dma_wait3A_308] : memref<320000x128xf32, #tpu.memory_space<hbm>> -> memref<128x128xf32, #tpu.memory_space<hbm>>
        tpu.wait_dma2 semaphore(%run_scoped3A : memref<!tpu.dma_semaphore, #tpu.memory_space<semaphore_mem>>) src(%arg9 : memref<128x128xf32, #tpu.memory_space<vmem>>) dst(%dma_wait3A_309 : memref<128x128xf32, #tpu.memory_space<hbm>>)
        tpu.yield
      }) : () -> ()
    } else {
    }
    return
  }
}

module attributes {stable_mosaic.version = 14 : i64} {
  func.func @_tc_body(%arg0: i32, %arg1: memref<512x128xf32, #tpu.memory_space<vmem>>, %arg2: memref<128x256xf32, #tpu.memory_space<vmem>>, %arg3: memref<8000x16xf32, #tpu.memory_space<vmem>>, %arg4: memref<16x128xf32, #tpu.memory_space<vmem>>, %arg5: memref<1x128xf32, #tpu.memory_space<vmem>>, %arg6: memref<512x256xf32, #tpu.memory_space<vmem>>, %arg7: memref<8000x128xf32, #tpu.memory_space<vmem>>) attributes {dimension_semantics = [#tpu.dimension_semantics<arbitrary>], iteration_bounds = array<i64: 40>, scalar_prefetch = 0 : i64, scratch_operands = 0 : i64, tpu.core_type = #tpu.core_type<tc>, window_params = [{transform_indices = @transform_0, window_bounds = array<i64: 512, 128>}, {pipeline_mode = #tpu.pipeline_mode<synchronous>, transform_indices = @transform_1, window_bounds = array<i64: 128, 256>}, {transform_indices = @transform_2, window_bounds = array<i64: 8000, 16>}, {pipeline_mode = #tpu.pipeline_mode<synchronous>, transform_indices = @transform_3, window_bounds = array<i64: 16, 128>}, {pipeline_mode = #tpu.pipeline_mode<synchronous>, transform_indices = @transform_4, window_bounds = array<i64: 1, 128>}, {transform_indices = @transform_5, window_bounds = array<i64: 512, 256>}, {transform_indices = @transform_6, window_bounds = array<i64: 8000, 128>}]} {
    %get3A = arith.constant 0 : index
    %get3A_0 = arith.constant 0 : index
    %get3A_1 = vector.load %arg1[%get3A, %get3A_0] : memref<512x128xf32, #tpu.memory_space<vmem>>, vector<512x128xf32>
    %get3A_2 = arith.constant 0 : index
    %get3A_3 = arith.constant 0 : index
    %get3A_4 = vector.load %arg2[%get3A_2, %get3A_3] : memref<128x256xf32, #tpu.memory_space<vmem>>, vector<128x256xf32>
    %dot_general3A = arith.constant dense<0.000000e+00> : vector<512x256xf32>
    %dot_general3A_5 = tpu.matmul %get3A_1, %get3A_4, %dot_general3A {dimension_numbers = #tpu.dot_dimension_numbers<[1], [0], [0], [1], [0, 0, 1, 1], [], []>, transpose_lhs_hint = false} : vector<512x128xf32>, vector<128x256xf32>, vector<512x256xf32> -> vector<512x256xf32>
    %swap3A = arith.constant 0 : index
    %swap3A_6 = arith.constant 0 : index
    %swap3A_7 = vector.load %arg6[%swap3A, %swap3A_6] : memref<512x256xf32, #tpu.memory_space<vmem>>, vector<512x256xf32>
    tpu.vector_store %arg6[%swap3A, %swap3A_6], %dot_general3A_5 {strides = array<i32>} : memref<512x256xf32, #tpu.memory_space<vmem>>, vector<512x256xf32>,
    %get3A_8 = arith.constant 0 : index
    %get3A_9 = arith.constant 0 : index
    %get3A_10 = vector.load %arg3[%get3A_8, %get3A_9] : memref<8000x16xf32, #tpu.memory_space<vmem>>, vector<8000x16xf32>
    %get3A_11 = arith.constant 0 : index
    %get3A_12 = arith.constant 0 : index
    %get3A_13 = vector.load %arg4[%get3A_11, %get3A_12] : memref<16x128xf32, #tpu.memory_space<vmem>>, vector<16x128xf32>
    %dot_general3A_14 = arith.constant dense<0.000000e+00> : vector<8000x128xf32>
    %dot_general3A_15 = tpu.matmul %get3A_10, %get3A_13, %dot_general3A_14 {dimension_numbers = #tpu.dot_dimension_numbers<[1], [0], [0], [1], [0, 0, 1, 1], [], []>, transpose_lhs_hint = false} : vector<8000x16xf32>, vector<16x128xf32>, vector<8000x128xf32> -> vector<8000x128xf32>
    %get3A_16 = arith.constant 0 : index
    %get3A_17 = arith.constant 0 : index
    %get3A_18 = vector.load %arg5[%get3A_16, %get3A_17] : memref<1x128xf32, #tpu.memory_space<vmem>>, vector<1x128xf32>
    %add3A = vector.broadcast %get3A_18 : vector<1x128xf32> to vector<8000x128xf32>
    %add3A_19 = arith.addf %dot_general3A_15, %add3A : vector<8000x128xf32>
    %swap3A_20 = arith.constant 0 : index
    %swap3A_21 = arith.constant 0 : index
    %swap3A_22 = vector.load %arg7[%swap3A_20, %swap3A_21] : memref<8000x128xf32, #tpu.memory_space<vmem>>, vector<8000x128xf32>
    tpu.vector_store %arg7[%swap3A_20, %swap3A_21], %add3A_19 {strides = array<i32>} : memref<8000x128xf32, #tpu.memory_space<vmem>>, vector<8000x128xf32>,
    return
  }
  func.func @transform_0(%arg0: i32) -> (i32, i32) {
    %c0_i32 = arith.constant 0 : i32
    %c0_i32_0 = arith.constant 0 : i32
    return %arg0, %c0_i32 : i32, i32
  }
  func.func @transform_1(%arg0: i32) -> (i32, i32) {
    %c0_i32 = arith.constant 0 : i32
    %c0_i32_0 = arith.constant 0 : i32
    %c0_i32_1 = arith.constant 0 : i32
    return %c0_i32, %c0_i32_0 : i32, i32
  }
  func.func @transform_2(%arg0: i32) -> (i32, i32) {
    %c0_i32 = arith.constant 0 : i32
    %c0_i32_0 = arith.constant 0 : i32
    return %arg0, %c0_i32 : i32, i32
  }
  func.func @transform_3(%arg0: i32) -> (i32, i32) {
    %c0_i32 = arith.constant 0 : i32
    %c0_i32_0 = arith.constant 0 : i32
    %c0_i32_1 = arith.constant 0 : i32
    return %c0_i32, %c0_i32_0 : i32, i32
  }
  func.func @transform_4(%arg0: i32) -> (i32, i32) {
    %c0_i32 = arith.constant 0 : i32
    %c0_i32_0 = arith.constant 0 : i32
    %c0_i32_1 = arith.constant 0 : i32
    return %c0_i32, %c0_i32_0 : i32, i32
  }
  func.func @transform_5(%arg0: i32) -> (i32, i32) {
    %c0_i32 = arith.constant 0 : i32
    %c0_i32_0 = arith.constant 0 : i32
    return %arg0, %c0_i32 : i32, i32
  }
  func.func @transform_6(%arg0: i32) -> (i32, i32) {
    %c0_i32 = arith.constant 0 : i32
    %c0_i32_0 = arith.constant 0 : i32
    return %arg0, %c0_i32 : i32, i32
  }
}

</mosaic_0001>

<sc_bundles>
// kernel: kernel.5.cloned.1.call-start
scs
__scs_entry_jumppad:
0x0: {  	(pc) =	sbr.rel $0x88, $3  }
0x1: {  	(tag) =	ssettag $0x0;
	lr =	simm.s32 $0x1  }
0x2: {  	[smem:$0x3F99] =	sst lr;
	_ =	strace $0xD0000000  }
0x3: {  	_ = 	snop  }
0x4: {  	_ = 	snop  }
0x5: {  	_ = 	snop  }
0x6: {  	_ = 	snop  }
0x7: {  	_ = 	snop  }
__scs_overlays_trampoline_lowered:
0x8: {  	[smem:$0x3FA8] =	sst s0  }
0x9: {  	[smem:$0x3FA9] =	sst s1  }
0xa: {  	[smem:$0x3FAA] =	sst s2  }
0xb: {  	[smem:$0x3FAB] =	sst s3  }
0xc: {  	[smem:$0x3FAC] =	sst s4  }
0xd: {  	[smem:$0x3FAD] =	sst s5  }
0xe: {  	[smem:$0x3FAE] =	sst s6  }
0xf: {  	[smem:$0x3FAF] =	sst s7  }
0x10: {  	[smem:$0x3FB0] =	sst s8  }
0x11: {  	[smem:$0x3FB1] =	sst s9;
	s0 =	simm.s32 @!p0 $0x0  }
0x12: {  	s1 =	sld [smem:$0x3F97];
	s0 =	simm.s32 @p0 $0x1  }
0x13: {  	[smem:$0x3FB2] =	sst s0;
	s0 =	simm.s32 @!p1 $0x0  }
0x14: {  	s2 =	sld [smem:$0x3F96];
	s0 =	simm.s32 @p1 $0x1  }
0x15: {  	[smem:$0x3FB3] =	sst s0;
	s0 =	simm.s32 @!p2 $0x0  }
0x16: {  	s3 =	sld [smem:$0x3FDB];
	s0 =	simm.s32 @p2 $0x1  }
0x17: {  	s4 =	simm.s32 $0x1BF5;
	[smem:$0x3FB5] =	sst s0  }
0x18: {  	s0 =	sld [smem:$0x3F98];
	_ =	swait.ge [sflag:s4], $0x0  }
0x19: {  	s7 =	sld [smem:$0x3F99]  }
0x1a: {  	s8 =	sadd.s32 $0xFFFFE003, lr  }
0x1b: {  	s9 =	sadd.s32 $0xFFFFFEF7, lr;
	s5 =	simm.s32 $0xFFFFFFFF;
	p2 =	slt.u32 s8, $0xFFFFF086  }
0x1c: {  	p1 =	slt.u32 s9, $0xF7A;
	s5 =	simm.s32 @!p2 $0x0  }
0x1d: {  	s5 =	simm.s32 @p1 $0x1;
	p0 =	seq.s32 s7, s2  }
0x1e: {  	s7 =	smul.u32 @!p0 $0xF7A, s2;
	p2 =	seq.s32 @!p0 s5, $0x0  }
0x1f: {  	s9 =	smul.u32 $0xF7A, s1;
	s8 =	simm.s32 @!p0 $0x1BF5;
	p2 =	por !p2, p0  }
0x20: {  	[sflag:s8] =	ssyncset.s32 @!p0 $0xFFFFF086;
	s6 =	sadd.s32 @!p0 s3, s7;
	s7 =	simm.s32 @!p0 $0x108  }
0x21: {  	s3 =	sadd.s32 s3, s9;
	s6 =	sadd.s32 @!p0 $0x88, s6;
	s7 =	simm.s32 @p2 $0x1082  }
0x22: {  	[simem:s7], [sflag:s8] =	dma.local @!p0 [hbm:s6], $0xF7A  }
0x23: {  	s9 =	sor.u32 $0xD0000000, s2;
	s6 =	simm.s32 $0x108;
	_ =	swait.ge @!p0 [sflag:s8], $0x0  }
0x24: {  	s3 =	sadd.s32 $0x88, s3;
	s6 =	simm.s32 @!p1 $0x1082;
	[sflag:s4] =	ssyncset.s32 $0xFFFFF086  }
0x25: {  	[simem:s6], [sflag:s4] =	dma.local [hbm:s3], $0xF7A  }
0x26: {  	[smem:$0x3F99] =	sst s1;
	(tag) =	ssettag s2;
	_ =	strace s9  }
0x27: {  	s1 =	sld [smem:$0x3FA9]  }
0x28: {  	s2 =	sld [smem:$0x3FAA]  }
0x29: {  	s4 =	sld [smem:$0x3FAC]  }
0x2a: {  	p0 =	seq.s32 s5, $0x0;
	s5 =	sld [smem:$0x3FAD]  }
0x2b: {  	s6 =	sld [smem:$0x3FAE]  }
0x2c: {  	s7 =	sld [smem:$0x3FAF]  }
0x2d: {  	s3 =	simm.s32 $0x108;
	s8 =	sld [smem:$0x3FB0]  }
0x2e: {  	s3 =	simm.s32 @!p0 $0x1082;
	s9 =	sld [smem:$0x3FB1]  }
0x2f: {  	lr =	sadd.s32 s0, s3;
	s0 =	sld [smem:$0x3FA8]  }
0x30: {  	s3 =	sld [smem:$0x3FAB]  }
0x31: {  	[smem:$0x3FB4] =	sst s10  }
0x32: {  	s10 =	sld [smem:$0x3FB2];
	_ =	sdelay $0x3  }
0x33: {  	p0 =	seq.s32 s10, $0x1;
	s10 =	sld [smem:$0x3FB4];
	_ =	sdelay $0x3  }
0x34: {  	[smem:$0x3FB4] =	sst s10  }
0x35: {  	s10 =	sld [smem:$0x3FB3];
	_ =	sdelay $0x3  }
0x36: {  	p1 =	seq.s32 s10, $0x1;
	s10 =	sld [smem:$0x3FB4];
	_ =	sdelay $0x3  }
0x37: {  	[smem:$0x3FB4] =	sst s10  }
0x38: {  	s10 =	sld [smem:$0x3FB5]  }
0x39: {  	_ = 	snop;
	(pc) =	sbr.ind lr, $3  }
0x3a: {  	_ = 	snop  }
0x3b: {  	_ = 	snop  }
0x3c: {  	p2 =	seq.s32 s10, $0x1;
	s10 =	sld [smem:$0x3FB4]  }
0x3d: {  	_ =	shalt  }
0x3e: {  	_ =	shalt  }
0x3f: {  	_ =	shalt  }
0x40: {  	_ =	shalt  }
0x41: {  	_ =	shalt  }
0x42: {  	_ =	shalt  }
0x43: {  	_ =	shalt  }
0x44: {  	_ =	shalt  }
0x45: {  	_ =	shalt  }
0x46: {  	_ =	shalt  }
0x47: {  	_ =	shalt  }
0x48: {  	_ =	shalt  }
0x49: {  	_ =	shalt  }
0x4a: {  	_ =	shalt  }
0x4b: {  	_ =	shalt  }
0x4c: {  	_ =	shalt  }
0x4d: {  	_ =	shalt  }
0x4e: {  	_ =	shalt  }
0x4f: {  	_ =	shalt  }
0x50: {  	_ =	shalt  }
0x51: {  	_ =	shalt  }
0x52: {  	_ =	shalt  }
0x53: {  	_ =	shalt  }
0x54: {  	_ =	shalt  }
0x55: {  	_ =	shalt  }
0x56: {  	_ =	shalt  }
0x57: {  	_ =	shalt  }
0x58: {  	_ =	shalt  }
0x59: {  	_ =	shalt  }
0x5a: {  	_ =	shalt  }
0x5b: {  	_ =	shalt  }
0x5c: {  	_ =	shalt  }
0x5d: {  	_ =	shalt  }
0x5e: {  	_ =	shalt  }
0x5f: {  	_ =	shalt  }
0x60: {  	_ =	shalt  }
0x61: {  	_ =	shalt  }
0x62: {  	_ =	shalt  }
0x63: {  	_ =	shalt  }
0x64: {  	_ =	shalt  }
0x65: {  	_ =	shalt  }
0x66: {  	_ =	shalt  }
0x67: {  	_ =	shalt  }
0x68: {  	_ =	shalt  }
0x69: {  	_ =	shalt  }
0x6a: {  	_ =	shalt  }
0x6b: {  	_ =	shalt  }
0x6c: {  	_ =	shalt  }
0x6d: {  	_ =	shalt  }
0x6e: {  	_ =	shalt  }
0x6f: {  	_ =	shalt  }
0x70: {  	_ =	shalt  }
0x71: {  	_ =	shalt  }
0x72: {  	_ =	shalt  }
0x73: {  	_ =	shalt  }
0x74: {  	_ =	shalt  }
0x75: {  	_ =	shalt  }
0x76: {  	_ =	shalt  }
0x77: {  	_ =	shalt  }
0x78: {  	_ =	shalt  }
0x79: {  	_ =	shalt  }
0x7a: {  	_ =	shalt  }
0x7b: {  	_ =	shalt  }
0x7c: {  	_ =	shalt  }
0x7d: {  	_ =	shalt  }
0x7e: {  	_ =	shalt  }
0x7f: {  	_ =	shalt  }
0x80: {  	_ =	shalt  }
0x81: {  	_ =	shalt  }
0x82: {  	_ =	shalt  }
0x83: {  	_ =	shalt  }
0x84: {  	_ =	shalt  }
0x85: {  	_ =	shalt  }
0x86: {  	_ =	shalt  }
0x87: {  	_ =	shalt  }
.Lfunc_end0:
.L_simem_size_0:
called_computation_lowered:
.L_overlay_start_0:
0x88: {  	s2 =	sld [smem:$0x3FD9]  }
0x89: {  	s3 =	sld [smem:$0x3FFE];
	_ =	sdelay $0x1  }
0x8a: {  	s1 =	srdreg.scid  }
0x8b: {  	s0 =	sand.u32 $0x1, s1  }
0x8c: {  	s17 =	sshll.u32 s0, $0xA;
	s2 =	sadd.s32 s3, s2  }
0x8d: {  	s2 =	sadd.s32 s2, s17  }
0x8e: {  	[smem:$0x3FC0] =	sst s2  }
0x8f: {  	_ = 	snop  }
0x90: {  	s2 =	sld [smem:$0x3FC9]  }
0x91: {  	s18 =	sld [smem:$0x3FC7]  }
0x92: {  	s4 =	sld [smem:$0x3FC6];
	(tm) =	ssettm $0x1  }
0x93: {  	s5 =	sld [smem:$0x3FFB];
	_ =	sdelay $0x3  }
0x94: {  	_ =	strace s5  }
0x95: {  	s5 =	sld [smem:$0x3FFC];
	_ =	sdelay $0x3  }
0x96: {  	_ =	strace s5  }
0x97: {  	s5 =	sld [smem:$0x3FFD];
	_ =	sdelay $0x3  }
0x98: {  	_ =	strace s5  }
0x99: {  	_ =	strace $0x8FFFFFFF  }
0x9a: {  	s19 =	sld [smem:$0x3FDB];
	_ =	sdelay $0x1  }
0x9b: {  	s6 =	simm.s32 $_scs_section_size  }
0x9c: {  	s7 =	simm.s32 $_size__tile_overlayer_lowered;
	s8 =	simm.s32 $_tile_overlayer_lowered  }
0x9d: {  	s22 =	simm.s32 $0x1BFF;
	s21 =	sshll.u32 s8, $0x1;
	s5 =	sadd.s32 s6, s19  }
0x9e: {  	s9 =	simm.s32 $0x0;
	s20 =	sshll.u32 s7, $0x1;
	s7 =	sadd.s32 s21, s5  }
0x9f: {  	[timem:s9], [sflag:s22] =	dma.local [hbm:s7], s20  }
0xa0: {  	_ =	swait.ge [sflag:s22], s20  }
0xa1: {  	s6 =	ssub.s32 $0x0, s20;
	[sflag:s22] =	ssyncset.done $0x0  }
0xa2: {  	[sflag:s22] =	ssyncadd.s32 s6;
	_ =	sdelay $0x1  }
0xa3: {  	s23 =	simm.s32 $0x1B8B  }
0xa4: {  	_ =	swait.ge [sflag:s23], $0x1  }
0xa5: {  	[sflag:s23] =	ssyncset.done $0x0  }
0xa6: {  	s25 =	simm.s32 $0x1B8E;
	s24 =	sld [smem:$0x3FFE];
	[sflag:s23] =	ssyncadd.s32 $0xFFFFFFFF  }
0xa7: {  	s26 =	simm.s32 $execute0_lowered;
	[smem:$0x3FD2] =	sst s25  }
0xa8: {  	s7 =	sshll.u32 s26, $0x1;
	_ =	strace $0x80000046;
	[dreg:$0x1] =	wrdreg $0xFFFFFFFF  }
0xa9: {  	s28 =	simm.s32 $_size_execute0_lowered;
	s5 =	sadd.s32 s5, s7;
	[dreg:$0x0] =	wrdreg $0x0  }
0xaa: {  	s7 =	sshll.u32 s28, $0x1;
	[dreg:$0x2] =	wrdreg s5  }
0xab: {  	[dreg:$0x3] =	wrdreg s7  }
0xac: {  	[dreg:$0x4] =	wrdreg $0xC0  }
0xad: {  	_ =	task [dreg:s9], $0x5FFFF  }
0xae: {  	[dreg:$0x1] =	wrdreg $0xFFFFFFFF  }
0xaf: {  	[dreg:$0x0] =	wrdreg $0x60  }
0xb0: {  	[dreg:$0x2] =	wrdreg s2  }
0xb1: {  	[dreg:$0x3] =	wrdreg s18  }
0xb2: {  	[dreg:$0x4] =	wrdreg s4  }
0xb3: {  	[dreg:$0x5] =	wrdreg s24  }
0xb4: {  	[dreg:$0x6] =	wrdreg $0x0  }
0xb5: {  	[dreg:$0x7] =	wrdreg $0x9  }
0xb6: {  	_ =	task.clear_ibuf [dreg:s9], $0x8FFFF;
	_ =	strace $0x90000046  }
0xb7: {  	s29 =	simm.s32 $0x9;
	_ =	strace $0x80000048  }
0xb8: {  	_ =	swait.ge [sflag:s29], $0x1  }
0xb9: {  	[sflag:s29] =	ssyncadd.s32 $0xFFFFFFFF  }
0xba: {  	_ =	strace $0x90000048  }
0xbb: {  	_ =	sfence  }
0xbc: {  	s30 =	sld [smem:$0x0];
	_ =	sdelay $0x2  }
0xbd: {  	s31 =	sshll.u32 s1, $0xD;
	s1 =	sshrl.u32 s1, $0x2  }
0xbe: {  	s3 =	sand.u32 $0x4000, s31;
	s1 =	sadd.s32 s1, s30  }
0xbf: {  	s0 =	sor.u32 s3, s0;
	s1 =	sshll.u32 s1, $0x11  }
0xc0: {  	s0 =	sor.u32 s1, s0  }
0xc1: {  	s0 =	sadd.s32 $0x8F2B, s0  }
0xc2: {  	[sflag:s0] =	ssyncadd.remote.s32 $0x1  }
0xc3: {  	_ =	sfence.sel $0xFFFF  }
0xc4: {  	[dreg:$0x0] =	wrdreg $0xFFFFFFFF;
	(pc) =	sbr.abs _section_cstart, $3  }
0xc5: {  	[dreg:$0x1] =	wrdreg $0xFFFFFFFF  }
0xc6: {  	_ =	task.clear_ibuf [dreg:s9], $0x2FFFF;
	_ =	strace $0x9FFFFFFF  }
0xc7: {  	(tm) =	ssettm $0x7FFFFFFF  }
tec
execute0_lowered:
.L_overlay_start_1:
0x0: {  	(tag) =	ssettag $0x1  }
0x1: {  	s0 =	rddreg [dreg:$0x0]  }
0x2: {  	s1 =	rddreg [dreg:$0x1]  }
0x3: {  	s2 =	srdreg.scid;
	s6 =	rddreg [dreg:$0x2]  }
0x4: {  	s11 =	stileid.u32;
	s5 =	rddreg [dreg:$0x3]  }
0x5: {  	s3 =	rddreg [dreg:$0x4];
	s7 =	smul.u32 $0x280, s11  }
0x6: {  	s4 =	simm.s32 $0x0;
	s28 =	simm.s32 $0x1CA00;
	s8 =	smul.u32 $0x51000, s11  }
0x7: {  	s29 =	simm.s32 $0x5;
	s30 =	simm.s32 $0x60;
	s22 =	smul.u32 $0x50000, s11  }
0x8: {  	s31 =	simm.s32 $0x16800;
	s2 =	sand.u32 $0x1, s2;
	s24 =	smul.u32 $0xC, s11  }
0x9: {  	[smem:$0x7FF] =	sst s4;
	s9 =	ssub.s32 $0x280, s11;
	s12 =	smul.u32 $0x2800, s2  }
0xa: {  	_ =	strace $0x80000047;
	s2 =	ssub.s32 $0x2, s2;
	s14 =	sand.u32 $0x2F0, s9  }
0xb: {  	s10 =	sshrl.u32 s2, $0x1;
	s8 =	sshrl.u32 s8, $0x2;
	s23 =	sshrl.u32 s22, $0x2  }
0xc: {  	s22 =	simm.s32 $0x9;
	s7 =	sadd.s32 s7, s12;
	s13 =	sadd.s32 s8, s3  }
0xd: {  	s2 =	ssub.s32 s2, s10;
	s10 =	sadd.s32 $0x2400, s13;
	[dreg:$0x10] =	wrdreg s13  }
0xe: {  	s8 =	sor.u32 s11, s14;
	s15 =	sadd.s32 $0x4800, s13;
	[dreg:$0x6] =	wrdreg s10  }
0xf: {  	s14 =	sshrl.u32 s9, $0x5;
	s16 =	sadd.s32 $0x6C00, s13;
	[dreg:$0x7] =	wrdreg s15  }
0x10: {  	s9 =	sand.u32 $0x10, s9;
	s17 =	sadd.s32 $0x9000, s13;
	[dreg:$0x8] =	wrdreg s16  }
0x11: {  	s11 =	simm.s32 $0x1CA80;
	s18 =	sadd.s32 $0xB400, s13;
	[dreg:$0x9] =	wrdreg s17  }
0x12: {  	v0 =	vmov s12;
	s12 =	simm.s32 $0x3;
	s19 =	sadd.s32 $0xD800, s13;
	[dreg:$0xa] =	wrdreg s18  }
0x13: {  	s7 =	sshll.u32 s7, $0x4;
	s20 =	sadd.s32 $0xFC00, s13;
	[dreg:$0xb] =	wrdreg s19  }
0x14: {  	s8 =	smul.u32 $0xC, s8;
	s21 =	sadd.s32 $0x12000, s13;
	[dreg:$0xc] =	wrdreg s20  }
0x15: {  	s2 =	smax.u32 s2, $0x1;
	p0 =	seq.s32 s9, $0x0;
	[dreg:$0xd] =	wrdreg s21  }
0x16: {  	s9 =	simm.s32 $0x1C900;
	s7 =	sadd.s32 s7, s5;
	[dreg:$0x12] =	wrdreg s2  }
0x17: {  	s17 =	sadd.s32 s24, s6;
	s18 =	sadd.s32 s24, s1;
	s21 =	simm.s32 $0x14400  }
0x18: {  	s2 =	simm.s32 $0x6;
	s10 =	simm.s32 $0x2;
	s15 =	simm.s32 $0x0  }
0x19: {  	s8 =	sadd.s32 $0xFFFFFF40, s8;
	s25 =	sadd.s32 $0x1200, s7;
	s7 =	simm.s32 $0x8  }
0x1a: {  	s13 =	sadd.s32 s1, s8;
	s8 =	sadd.s32 s6, s8;
	[dreg:$0x11] =	wrdreg s25  }
0x1b: {  	s25 =	simm.s32 $0x1C880;
	s1 =	simm.s32 $0x7;
	[dreg:$0xe] =	wrdreg s13  }
0x1c: {  	s6 =	simm.s32 $0x19800;
	[dreg:$0xf] =	wrdreg s8;
	s8 =	sadd.s32 s23, s3  }
0x1d: {  	s23 =	simm.s32 $0x1C800;
	s13 =	simm.s32 $0x4;
	s26 =	sshrl.u32 s8, $0x3  }
0x1e: {  	v1 =	vimm.f32 $0.0e+00;
	s8 =	simm.s32 $0x1;
	[dreg:$0x13] =	wrdreg s26;
	s26 =	simm.s32 $0x1C980  }
.LBB2_1:
0x1f: {  	s16 =	simm.s32 $0x0;
	s19 =	simm.s32 $0x200  }
.LBB2_2:
0x20: {  	p1 =	sne.s32 s19, $0x8E00;
	[tilespmem:s16+$0x14470] =	vst v1  }
0x21: {  	[tilespmem:s16+$0x14400] =	vst v1  }
0x22: {  	[tilespmem:s16+$0x14410] =	vst v1  }
.Ltmp0:
0x23: {  	[tilespmem:s16+$0x14420] =	vst v1;
	(pc) =	sbr.rel @p1 .LBB2_2-.Ltmp0, $4  }
0x24: {  	[tilespmem:s16+$0x14430] =	vst v1  }
0x25: {  	[tilespmem:s16+$0x14440] =	vst v1  }
0x26: {  	[tilespmem:s16+$0x14450] =	vst v1  }
0x27: {  	[tilespmem:s16+$0x14460] =	vst v1;
	s16 =	sshra.s32 s19, $0x2;
	s19 =	sadd.s32 $0x200, s19  }
0x28: {  	[tilespmem:s16+$0x14470] =	vst v1  }
0x29: {  	[tilespmem:s16+$0x14400] =	vst v1  }
0x2a: {  	[tilespmem:s16+$0x14410] =	vst v1  }
0x2b: {  	[tilespmem:s16+$0x14420] =	vst v1  }
0x2c: {  	[tilespmem:s16+$0x14430] =	vst v1  }
0x2d: {  	[tilespmem:s16+$0x14440] =	vst v1  }
0x2e: {  	[tilespmem:s16+$0x14450] =	vst v1  }
0x2f: {  	[tilespmem:s16+$0x14460] =	vst v1;
	s5 =	rddreg [dreg:$0x10]  }
0x30: {  	[spmem:s5] =	stream.linear.scatter [tilespmem:s21], [sflag:$0x9], $0x2400, $0x38;
	[tilespmem:$0x1CB00] =	vst v63  }
0x31: {  	_ =	swait.ge [sflag:s22], $0x2400  }
0x32: {  	[sflag:s22] =	ssyncset.done $0x0  }
0x33: {  	s20 =	rddreg [dreg:$0x6];
	[sflag:s22] =	ssyncadd.s32 $0xFFFFDC00  }
0x34: {  	[spmem:s20] =	stream.linear.scatter [tilespmem:s21], [sflag:$0x9], $0x2400, $0x38;
	[tilespmem:$0x1CB00] =	vst v63  }
0x35: {  	_ =	swait.ge [sflag:s22], $0x2400  }
0x36: {  	[sflag:s22] =	ssyncset.done $0x0  }
0x37: {  	s24 =	rddreg [dreg:$0x7];
	[sflag:s22] =	ssyncadd.s32 $0xFFFFDC00  }
0x38: {  	[spmem:s24] =	stream.linear.scatter [tilespmem:s21], [sflag:$0x9], $0x2400, $0x38;
	[tilespmem:$0x1CB00] =	vst v63  }
0x39: {  	_ =	swait.ge [sflag:s22], $0x2400  }
0x3a: {  	[sflag:s22] =	ssyncset.done $0x0  }
0x3b: {  	s5 =	rddreg [dreg:$0x8];
	[sflag:s22] =	ssyncadd.s32 $0xFFFFDC00  }
0x3c: {  	[spmem:s5] =	stream.linear.scatter [tilespmem:s21], [sflag:$0x9], $0x2400, $0x38;
	[tilespmem:$0x1CB00] =	vst v63  }
0x3d: {  	_ =	swait.ge [sflag:s22], $0x2400  }
0x3e: {  	[sflag:s22] =	ssyncset.done $0x0  }
0x3f: {  	s19 =	rddreg [dreg:$0x9];
	[sflag:s22] =	ssyncadd.s32 $0xFFFFDC00  }
0x40: {  	[spmem:s19] =	stream.linear.scatter [tilespmem:s21], [sflag:$0x9], $0x2400, $0x38;
	[tilespmem:$0x1CB00] =	vst v63  }
0x41: {  	_ =	swait.ge [sflag:s22], $0x2400  }
0x42: {  	[sflag:s22] =	ssyncset.done $0x0  }
0x43: {  	s20 =	rddreg [dreg:$0xa];
	[sflag:s22] =	ssyncadd.s32 $0xFFFFDC00  }
0x44: {  	[spmem:s20] =	stream.linear.scatter [tilespmem:s21], [sflag:$0x9], $0x2400, $0x38;
	[tilespmem:$0x1CB00] =	vst v63  }
0x45: {  	_ =	swait.ge [sflag:s22], $0x2400  }
0x46: {  	[sflag:s22] =	ssyncset.done $0x0  }
0x47: {  	s24 =	rddreg [dreg:$0xb];
	[sflag:s22] =	ssyncadd.s32 $0xFFFFDC00  }
0x48: {  	[spmem:s24] =	stream.linear.scatter [tilespmem:s21], [sflag:$0x9], $0x2400, $0x38;
	[tilespmem:$0x1CB00] =	vst v63  }
0x49: {  	_ =	swait.ge [sflag:s22], $0x2400  }
0x4a: {  	[sflag:s22] =	ssyncset.done $0x0  }
0x4b: {  	s5 =	rddreg [dreg:$0xc];
	[sflag:s22] =	ssyncadd.s32 $0xFFFFDC00  }
0x4c: {  	[spmem:s5] =	stream.linear.scatter [tilespmem:s21], [sflag:$0x9], $0x2400, $0x38;
	[tilespmem:$0x1CB00] =	vst v63  }
0x4d: {  	_ =	swait.ge [sflag:s22], $0x2400  }
0x4e: {  	[sflag:s22] =	ssyncset.done $0x0  }
0x4f: {  	s19 =	rddreg [dreg:$0xd];
	[sflag:s22] =	ssyncadd.s32 $0xFFFFDC00  }
0x50: {  	[spmem:s19] =	stream.linear.scatter [tilespmem:s21], [sflag:$0x9], $0x2400, $0x38;
	[tilespmem:$0x1CB00] =	vst v63  }
0x51: {  	_ =	swait.ge [sflag:s22], $0x2400  }
0x52: {  	[sflag:s22] =	ssyncset.done $0x0  }
0x53: {  	[sflag:s22] =	ssyncadd.s32 $0xFFFFDC00  }
0x54: {  	[bflag:$0x0] =	sbarrier.arrive $0xFFFF  }
0x55: {  	[tilespmem:s23], [sflag:$0x5] =	stream.linear.gather [hbm4b:s18+s4], $0x60, $0x38;
	[tilespmem:$0x1CB00] =	vst v63  }
0x56: {  	_ = 	snop  }
0x57: {  	[tilespmem:s25], [sflag:$0x6] =	stream.linear.gather [hbm4b:s17+s4], $0x60, $0x38;
	[tilespmem:$0x1CB00] =	vst v63  }
0x58: {  	s20 =	sadd.s32 $0xC0, s18  }
0x59: {  	[tilespmem:s26], [sflag:$0x7] =	stream.linear.gather [hbm4b:s20+s4], $0x60, $0x38;
	[tilespmem:$0x1CB00] =	vst v63  }
0x5a: {  	s24 =	sadd.s32 $0xC0, s17  }
0x5b: {  	[tilespmem:s28], [sflag:$0x8] =	stream.linear.gather [hbm4b:s24+s4], $0x60, $0x38;
	[tilespmem:$0x1CB00] =	vst v63  }
0x5c: {  	_ =	swait.ge [sflag:s29], $0x60  }
0x5d: {  	[sflag:s29] =	ssyncset.done $0x0  }
0x5e: {  	[sflag:s29] =	ssyncadd.s32 $0xFFFFFFA0  }
0x5f: {  	[tilespmem:s31], [sflag:$0x1] =	stream.indirect.gather [hbm4b:s0+s30], $0x80, s23, s30, $0xb8;
	[tilespmem:$0x1CB00] =	vst v63  }
0x60: {  	_ =	swait.ge [sflag:s2], $0x60  }
0x61: {  	[sflag:s2] =	ssyncset.done $0x0  }
0x62: {  	[sflag:s2] =	ssyncadd.s32 $0xFFFFFFA0  }
0x63: {  	v2 =	vld [tilespmem:$0x1C8D0]  }
0x64: {  	v3 =	vld [tilespmem:$0x1C8B0]  }
0x65: {  	v4 =	vld [tilespmem:$0x1C8A0]  }
0x66: {  	v5 =	vld [tilespmem:$0x1C890]  }
0x67: {  	v6 =	vld [tilespmem:$0x1C8C0]  }
0x68: {  	v7 =	vld [tilespmem:$0x1C880];
	v2 =	vsub.s32 v2, v0  }
0x69: {  	v3 =	vsub.s32 v3, v0;
	v2 =	vmin.u32 v2, $0x2800  }
0x6a: {  	v4 =	vsub.s32 v4, v0;
	v3 =	vmin.u32 v3, $0x2800;
	[tilespmem:$0x1C950] =	vst v2  }
0x6b: {  	v4 =	vmin.u32 v4, $0x2800;
	v2 =	vsub.s32 v5, v0;
	[tilespmem:$0x1C930] =	vst v3  }
0x6c: {  	[tilespmem:$0x1C920] =	vst v4;
	v3 =	vsub.s32 v6, v0;
	v2 =	vmin.u32 v2, $0x2800  }
0x6d: {  	v4 =	vsub.s32 v7, v0;
	[tilespmem:$0x1C910] =	vst v2;
	v2 =	vmin.u32 v3, $0x2800  }
0x6e: {  	v3 =	vmin.u32 v4, $0x2800;
	[tilespmem:$0x1C940] =	vst v2  }
0x6f: {  	[tilespmem:$0x1C900] =	vst v3  }
0x70: {  	_ =	swait.ge [sflag:s1], $0x60  }
0x71: {  	[sflag:s1] =	ssyncset.done $0x0  }
0x72: {  	[sflag:s1] =	ssyncadd.s32 $0xFFFFFFA0  }
0x73: {  	[tilespmem:s6], [sflag:$0x2] =	stream.indirect.gather [hbm4b:s0+s30], $0x80, s26, s30, $0xb8;
	[tilespmem:$0x1CB00] =	vst v63  }
0x74: {  	_ =	swait.ge [sflag:s7], $0x60  }
0x75: {  	[sflag:s7] =	ssyncset.done $0x0  }
0x76: {  	[sflag:s7] =	ssyncadd.s32 $0xFFFFFFA0  }
0x77: {  	v2 =	vld [tilespmem:$0x1CA00]  }
0x78: {  	v3 =	vld [tilespmem:$0x1CA10]  }
0x79: {  	v4 =	vld [tilespmem:$0x1CA20]  }
0x7a: {  	v5 =	vld [tilespmem:$0x1CA30]  }
0x7b: {  	v62 =	vld [tilespmem:$0x1CA40]  }
0x7c: {  	p1 =	sne.s32 s14, $0x1;
	v63 =	vld [tilespmem:$0x1CA50];
	v2 =	vsub.s32 v2, v0  }
.Ltmp1:
0x7d: {  	v3 =	vsub.s32 v3, v0;
	v2 =	vmin.u32 v2, $0x2800;
	(pc) =	sbr.rel @!p1 .LBB2_5-.Ltmp1, $4  }
0x7e: {  	[tilespmem:$0x1CA80] =	vst v2;
	v2 =	vmin.u32 v3, $0x2800;
	v3 =	vsub.s32 v4, v0  }
0x7f: {  	[tilespmem:$0x1CA90] =	vst v2;
	v2 =	vmin.u32 v3, $0x2800;
	v3 =	vsub.s32 v5, v0  }
0x80: {  	[tilespmem:$0x1CAA0] =	vst v2;
	v2 =	vmin.u32 v3, $0x2800;
	v3 =	vsub.s32 v62, v0  }
0x81: {  	s16 =	sadd.s32 $0xFFFFFFFF, s14;
	s19 =	smov.u32 s17;
	s20 =	smov.u32 s18;
	[tilespmem:$0x1CAB0] =	vst v2;
	v2 =	vmin.u32 v3, $0x2800;
	v3 =	vsub.s32 v63, v0  }
.LBB2_4:
0x82: {  	p1 =	sne.s32 s16, $0x1;
	[tilespmem:$0x1CAC0] =	vst v2;
	v2 =	vmin.u32 v3, $0x2800;
	s19 =	sadd.s32 $0x180, s19;
	s20 =	sadd.s32 $0x180, s20  }
0x83: {  	s16 =	sadd.s32 $0xFFFFFFFF, s16;
	[tilespmem:$0x1CAD0] =	vst v2  }
0x84: {  	_ =	swait.ge [sflag:s8], $0x3000  }
0x85: {  	[sflag:s8] =	ssyncset.done $0x0  }
0x86: {  	[sflag:s8] =	ssyncadd.s32 $0xFFFFD000  }
0x87: {  	[spmem:s3] =	stream.indirect.scatter.add.f32 [tilespmem:s31], [sflag:$0x3], $0x80, s9, s30, $0xb8;
	[tilespmem:$0x1CB00] =	vst v63  }
0x88: {  	_ =	swait.ge [sflag:s10], $0x3000  }
0x89: {  	[sflag:s10] =	ssyncset.done $0x0  }
0x8a: {  	[sflag:s10] =	ssyncadd.s32 $0xFFFFD000  }
0x8b: {  	[spmem:s3] =	stream.indirect.scatter.add.f32 [tilespmem:s6], [sflag:$0x4], $0x80, s11, s30, $0xb8;
	[tilespmem:$0x1CB00] =	vst v63  }
0x8c: {  	_ =	swait.ge [sflag:s12], $0x3000  }
0x8d: {  	[sflag:s12] =	ssyncset.done $0x0  }
0x8e: {  	[sflag:s12] =	ssyncadd.s32 $0xFFFFD000  }
0x8f: {  	_ =	swait.ge [sflag:s13], $0x3000  }
0x90: {  	[sflag:s13] =	ssyncset.done $0x0  }
0x91: {  	[sflag:s13] =	ssyncadd.s32 $0xFFFFD000  }
0x92: {  	[tilespmem:s23], [sflag:$0x5] =	stream.linear.gather [hbm4b:s20+s4], $0x60, $0x38;
	[tilespmem:$0x1CB00] =	vst v63  }
0x93: {  	_ = 	snop  }
0x94: {  	[tilespmem:s25], [sflag:$0x6] =	stream.linear.gather [hbm4b:s19+s4], $0x60, $0x38;
	[tilespmem:$0x1CB00] =	vst v63  }
0x95: {  	s24 =	sadd.s32 $0xC0, s20  }
0x96: {  	[tilespmem:s26], [sflag:$0x7] =	stream.linear.gather [hbm4b:s24+s4], $0x60, $0x38;
	[tilespmem:$0x1CB00] =	vst v63  }
0x97: {  	s24 =	sadd.s32 $0xC0, s19  }
0x98: {  	[tilespmem:s28], [sflag:$0x8] =	stream.linear.gather [hbm4b:s24+s4], $0x60, $0x38;
	[tilespmem:$0x1CB00] =	vst v63  }
0x99: {  	_ =	swait.ge [sflag:s29], $0x60  }
0x9a: {  	[sflag:s29] =	ssyncset.done $0x0  }
0x9b: {  	[sflag:s29] =	ssyncadd.s32 $0xFFFFFFA0  }
0x9c: {  	[tilespmem:s31], [sflag:$0x1] =	stream.indirect.gather [hbm4b:s0+s30], $0x80, s23, s30, $0xb8;
	[tilespmem:$0x1CB00] =	vst v63  }
0x9d: {  	_ =	swait.ge [sflag:s2], $0x60  }
0x9e: {  	[sflag:s2] =	ssyncset.done $0x0  }
0x9f: {  	[sflag:s2] =	ssyncadd.s32 $0xFFFFFFA0  }
0xa0: {  	v2 =	vld [tilespmem:$0x1C8D0]  }
0xa1: {  	v3 =	vld [tilespmem:$0x1C8B0]  }
0xa2: {  	v4 =	vld [tilespmem:$0x1C8A0]  }
0xa3: {  	v5 =	vld [tilespmem:$0x1C890]  }
0xa4: {  	v6 =	vld [tilespmem:$0x1C8C0]  }
0xa5: {  	v7 =	vld [tilespmem:$0x1C880];
	v2 =	vsub.s32 v2, v0  }
0xa6: {  	v3 =	vsub.s32 v3, v0;
	v2 =	vmin.u32 v2, $0x2800  }
0xa7: {  	v4 =	vsub.s32 v4, v0;
	v3 =	vmin.u32 v3, $0x2800;
	[tilespmem:$0x1C950] =	vst v2  }
0xa8: {  	v2 =	vsub.s32 v5, v0;
	v4 =	vmin.u32 v4, $0x2800;
	[tilespmem:$0x1C930] =	vst v3  }
0xa9: {  	v2 =	vmin.u32 v2, $0x2800;
	[tilespmem:$0x1C920] =	vst v4;
	v3 =	vsub.s32 v6, v0  }
0xaa: {  	v4 =	vsub.s32 v7, v0;
	[tilespmem:$0x1C910] =	vst v2;
	v2 =	vmin.u32 v3, $0x2800  }
0xab: {  	v3 =	vmin.u32 v4, $0x2800;
	[tilespmem:$0x1C940] =	vst v2  }
0xac: {  	[tilespmem:$0x1C900] =	vst v3  }
0xad: {  	_ =	swait.ge [sflag:s1], $0x60  }
0xae: {  	[sflag:s1] =	ssyncset.done $0x0  }
0xaf: {  	[sflag:s1] =	ssyncadd.s32 $0xFFFFFFA0  }
0xb0: {  	[tilespmem:s6], [sflag:$0x2] =	stream.indirect.gather [hbm4b:s0+s30], $0x80, s26, s30, $0xb8;
	[tilespmem:$0x1CB00] =	vst v63  }
0xb1: {  	_ =	swait.ge [sflag:s7], $0x60  }
0xb2: {  	[sflag:s7] =	ssyncset.done $0x0  }
0xb3: {  	[sflag:s7] =	ssyncadd.s32 $0xFFFFFFA0  }
0xb4: {  	v2 =	vld [tilespmem:$0x1CA00]  }
0xb5: {  	v3 =	vld [tilespmem:$0x1CA10]  }
0xb6: {  	v4 =	vld [tilespmem:$0x1CA20]  }
0xb7: {  	v5 =	vld [tilespmem:$0x1CA30]  }
0xb8: {  	v6 =	vld [tilespmem:$0x1CA40]  }
0xb9: {  	v2 =	vsub.s32 v2, v0;
	v7 =	vld [tilespmem:$0x1CA50]  }
.Ltmp2:
0xba: {  	v2 =	vmin.u32 v2, $0x2800;
	v3 =	vsub.s32 v3, v0;
	(pc) =	sbr.rel @p1 .LBB2_4-.Ltmp2, $4  }
0xbb: {  	[tilespmem:$0x1CA80] =	vst v2;
	v2 =	vmin.u32 v3, $0x2800;
	v3 =	vsub.s32 v4, v0  }
0xbc: {  	[tilespmem:$0x1CA90] =	vst v2;
	v2 =	vmin.u32 v3, $0x2800;
	v3 =	vsub.s32 v5, v0  }
0xbd: {  	[tilespmem:$0x1CAA0] =	vst v2;
	v2 =	vmin.u32 v3, $0x2800;
	v3 =	vsub.s32 v6, v0  }
0xbe: {  	[tilespmem:$0x1CAB0] =	vst v2;
	v2 =	vmin.u32 v3, $0x2800;
	v3 =	vsub.s32 v7, v0  }
.LBB2_5:
0xbf: {  	[tilespmem:$0x1CAC0] =	vst v2;
	v2 =	vmin.u32 v3, $0x2800  }
0xc0: {  	[tilespmem:$0x1CAD0] =	vst v2  }
0xc1: {  	_ =	swait.ge [sflag:s8], $0x3000  }
0xc2: {  	[sflag:s8] =	ssyncset.done $0x0  }
0xc3: {  	[sflag:s8] =	ssyncadd.s32 $0xFFFFD000  }
0xc4: {  	[spmem:s3] =	stream.indirect.scatter.add.f32 [tilespmem:s31], [sflag:$0x3], $0x80, s9, s30, $0xb8;
	[tilespmem:$0x1CB00] =	vst v63  }
0xc5: {  	_ =	swait.ge [sflag:s10], $0x3000  }
0xc6: {  	[sflag:s10] =	ssyncset.done $0x0  }
0xc7: {  	[sflag:s10] =	ssyncadd.s32 $0xFFFFD000  }
0xc8: {  	[spmem:s3] =	stream.indirect.scatter.add.f32 [tilespmem:s6], [sflag:$0x4], $0x80, s11, s30, $0xb8;
	[tilespmem:$0x1CB00] =	vst v63  }
0xc9: {  	_ =	swait.ge [sflag:s12], $0x3000  }
0xca: {  	[sflag:s12] =	ssyncset.done $0x0  }
0xcb: {  	[sflag:s12] =	ssyncadd.s32 $0xFFFFD000  }
0xcc: {  	_ =	swait.ge [sflag:s13], $0x3000  }
0xcd: {  	s16 =	simm.s32 @!p0 $0x0;
	[sflag:s13] =	ssyncset.done $0x0  }
0xce: {  	s19 =	simm.s32 @!p0 $0x1C800;
	s20 =	rddreg [dreg:$0xe];
	[sflag:s13] =	ssyncadd.s32 $0xFFFFD000  }
0xcf: {  	[tilespmem:s19], [sflag:$0x9] =	stream.linear.gather @!p0 [hbm4b:s20+s16], $0x60, $0x38;
	[tilespmem:$0x1CB00] =	vst v63  }
0xd0: {  	s20 =	simm.s32 @!p0 $0x9  }
0xd1: {  	_ =	swait.ge @!p0 [sflag:s20], $0x60  }
0xd2: {  	[sflag:s20] =	ssyncset.done @!p0 $0x0  }
0xd3: {  	s24 =	simm.s32 @!p0 $0x1C880;
	s5 =	rddreg [dreg:$0xf];
	[sflag:s20] =	ssyncadd.s32 @!p0 $0xFFFFFFA0  }
0xd4: {  	[tilespmem:s24], [sflag:$0x9] =	stream.linear.gather @!p0 [hbm4b:s5+s16], $0x60, $0x38;
	[tilespmem:$0x1CB00] =	vst v63  }
0xd5: {  	_ =	swait.ge @!p0 [sflag:s20], $0x60  }
0xd6: {  	[sflag:s20] =	ssyncset.done @!p0 $0x0  }
0xd7: {  	s16 =	simm.s32 @!p0 $0x60;
	s24 =	simm.s32 @!p0 $0x16800;
	[sflag:s20] =	ssyncadd.s32 @!p0 $0xFFFFFFA0  }
0xd8: {  	[tilespmem:s24], [sflag:$0x1] =	stream.indirect.gather @!p0 [hbm4b:s0+s16], $0x80, s19, s16, $0xb8;
	[tilespmem:$0x1CB00] =	vst v63  }
0xd9: {  	s19 =	simm.s32 @!p0 $0x1  }
0xda: {  	_ =	swait.ge @!p0 [sflag:s19], $0x3000  }
0xdb: {  	[sflag:s19] =	ssyncset.done @!p0 $0x0  }
0xdc: {  	[sflag:s19] =	ssyncadd.s32 @!p0 $0xFFFFD000  }
0xdd: {  	v2 =	vld @!p0 [tilespmem:$0x1C880]  }
0xde: {  	v3 =	vld @!p0 [tilespmem:$0x1C890]  }
0xdf: {  	v4 =	vld @!p0 [tilespmem:$0x1C8A0]  }
0xe0: {  	v5 =	vld @!p0 [tilespmem:$0x1C8B0]  }
0xe1: {  	v6 =	vld @!p0 [tilespmem:$0x1C8C0]  }
0xe2: {  	v7 =	vld @!p0 [tilespmem:$0x1C8D0];
	v2 =	vsub.s32 @!p0 v2, v0  }
0xe3: {  	v3 =	vsub.s32 @!p0 v3, v0;
	v2 =	vmin.u32 @!p0 v2, $0x2800  }
0xe4: {  	[tilespmem:$0x1C900] =	vst @!p0 v2;
	v2 =	vmin.u32 @!p0 v3, $0x2800;
	v3 =	vsub.s32 @!p0 v4, v0  }
0xe5: {  	[tilespmem:$0x1C910] =	vst @!p0 v2;
	v2 =	vmin.u32 @!p0 v3, $0x2800;
	v3 =	vsub.s32 @!p0 v5, v0  }
0xe6: {  	[tilespmem:$0x1C920] =	vst @!p0 v2;
	v2 =	vmin.u32 @!p0 v3, $0x2800;
	v3 =	vsub.s32 @!p0 v6, v0  }
0xe7: {  	[tilespmem:$0x1C930] =	vst @!p0 v2;
	v2 =	vmin.u32 @!p0 v3, $0x2800;
	v3 =	vsub.s32 @!p0 v7, v0  }
0xe8: {  	[tilespmem:$0x1C940] =	vst @!p0 v2;
	v2 =	vmin.u32 @!p0 v3, $0x2800  }
0xe9: {  	s19 =	simm.s32 @!p0 $0x1C900;
	[tilespmem:$0x1C950] =	vst @!p0 v2  }
0xea: {  	[spmem:s3] =	stream.indirect.scatter.add.f32 @!p0 [tilespmem:s24], [sflag:$0x9], $0x80, s19, s16, $0xb8;
	[tilespmem:$0x1CB00] =	vst v63  }
0xeb: {  	_ =	swait.ge @!p0 [sflag:s20], $0x3000  }
0xec: {  	[sflag:s20] =	ssyncset.done @!p0 $0x0  }
0xed: {  	[sflag:s20] =	ssyncadd.s32 @!p0 $0xFFFFD000  }
0xee: {  	s5 =	stileid.u32;
	[bflag:$0x0] =	sbarrier.arrive $0xFFFF  }
0xef: {  	s16 =	sshll.u32 s5, $0x6;
	s19 =	rddreg [dreg:$0x11]  }
0xf0: {  	s16 =	sor.u32 $0x1C09, s16;
	s20 =	rddreg [dreg:$0x13]  }
0xf1: {  	[hbm:s19], [sflag:s16] =	dma.local [spmem:s20], $0x2800  }
0xf2: {  	_ =	swait.ge [sflag:s22], $0x2800  }
0xf3: {  	s15 =	sadd.s32 $0x1, s15;
	s24 =	rddreg [dreg:$0x12]  }
0xf4: {  	p1 =	sne.s32 s15, s24  }
.Ltmp3:
0xf5: {  	_ = 	snop;
	(pc) =	sbr.rel @p1 .LBB2_1-.Ltmp3, $3  }
0xf6: {  	_ =	sdelay $0x1  }
0xf7: {  	[sflag:s22] =	ssyncset.done $0x0  }
0xf8: {  	[sflag:s22] =	ssyncadd.s32 $0xFFFFD800  }
0xf9: {  	_ =	sfence.sel $0x180000  }
0xfa: {  	[bflag:$0x0] =	sbarrier.arrive $0xFFFF  }
0xfb: {  	_ =	strace $0x90000047  }
0xfc: {  	s0 =	stileid.u32;
	[bflag:$0x2] =	sbarrier.arrive $0xFFFF  }
0xfd: {  	p0 =	sne.s32 s0, $0x0;
	s0 =	rddreg [dreg:$0x5]  }
0xfe: {  	s0 =	sadd.s32 @!p0 $0x100000, s0  }
0xff: {  	[sflag:s0] =	ssyncadd.tile.s32 @!p0 $0x1;
	_ =	shalt  }
.Lfunc_end2:
_tile_overlayer_lowered:
.L_overlay_start_2:
0x100: {  	(tag) =	ssettag $0x2  }
0x101: {  	s0 =	rddreg [dreg:$0x0];
	s2 =	stileid.u32  }
0x102: {  	s1 =	rddreg [dreg:$0x1];
	p0 =	sne.s32 s2, $0x0  }
0x103: {  	s3 =	rddreg [dreg:$0x2];
	[bflag:$0x3] =	sbarrier.arrive $0xFFFF;
	s2 =	simm.s32 @!p0 $0x1C09  }
0x104: {  	[timem:s3], [sflag:s2] =	dma.local @!p0 [hbm:s0], s1  }
0x105: {  	s0 =	simm.s32 @!p0 $0x9  }
0x106: {  	_ =	swait.ge @!p0 [sflag:s0], s1  }
0x107: {  	s1 =	ssub.s32 @!p0 $0x0, s1;
	[sflag:s0] =	ssyncset.done @!p0 $0x0  }
0x108: {  	[sflag:s0] =	ssyncadd.s32 @!p0 s1  }
0x109: {  	[bflag:$0x3] =	sbarrier.arrive $0xFFFF  }
0x10a: {  	_ =	shalt  }

// kernel: kernel.8.cloned.1.call-start
scs
__scs_entry_jumppad:
0x0: {  	(pc) =	sbr.rel $0x88, $3  }
0x1: {  	(tag) =	ssettag $0x0;
	lr =	simm.s32 $0x1  }
0x2: {  	[smem:$0x3F99] =	sst lr;
	_ =	strace $0xD0000000  }
0x3: {  	_ = 	snop  }
0x4: {  	_ = 	snop  }
0x5: {  	_ = 	snop  }
0x6: {  	_ = 	snop  }
0x7: {  	_ = 	snop  }
__scs_overlays_trampoline_lowered:
0x8: {  	[smem:$0x3FA8] =	sst s0  }
0x9: {  	[smem:$0x3FA9] =	sst s1  }
0xa: {  	[smem:$0x3FAA] =	sst s2  }
0xb: {  	[smem:$0x3FAB] =	sst s3  }
0xc: {  	[smem:$0x3FAC] =	sst s4  }
0xd: {  	[smem:$0x3FAD] =	sst s5  }
0xe: {  	[smem:$0x3FAE] =	sst s6  }
0xf: {  	[smem:$0x3FAF] =	sst s7  }
0x10: {  	[smem:$0x3FB0] =	sst s8  }
0x11: {  	[smem:$0x3FB1] =	sst s9;
	s0 =	simm.s32 @!p0 $0x0  }
0x12: {  	s1 =	sld [smem:$0x3F97];
	s0 =	simm.s32 @p0 $0x1  }
0x13: {  	[smem:$0x3FB2] =	sst s0;
	s0 =	simm.s32 @!p1 $0x0  }
0x14: {  	s2 =	sld [smem:$0x3F96];
	s0 =	simm.s32 @p1 $0x1  }
0x15: {  	[smem:$0x3FB3] =	sst s0;
	s0 =	simm.s32 @!p2 $0x0  }
0x16: {  	s3 =	sld [smem:$0x3FDB];
	s0 =	simm.s32 @p2 $0x1  }
0x17: {  	s4 =	simm.s32 $0x1BF5;
	[smem:$0x3FB5] =	sst s0  }
0x18: {  	s0 =	sld [smem:$0x3F98];
	_ =	swait.ge [sflag:s4], $0x0  }
0x19: {  	s7 =	sld [smem:$0x3F99]  }
0x1a: {  	s8 =	sadd.s32 $0xFFFFE003, lr  }
0x1b: {  	s9 =	sadd.s32 $0xFFFFFEF7, lr;
	s5 =	simm.s32 $0xFFFFFFFF;
	p2 =	slt.u32 s8, $0xFFFFF086  }
0x1c: {  	p1 =	slt.u32 s9, $0xF7A;
	s5 =	simm.s32 @!p2 $0x0  }
0x1d: {  	s5 =	simm.s32 @p1 $0x1;
	p0 =	seq.s32 s7, s2  }
0x1e: {  	s7 =	smul.u32 @!p0 $0xF7A, s2;
	p2 =	seq.s32 @!p0 s5, $0x0  }
0x1f: {  	s9 =	smul.u32 $0xF7A, s1;
	s8 =	simm.s32 @!p0 $0x1BF5;
	p2 =	por !p2, p0  }
0x20: {  	[sflag:s8] =	ssyncset.s32 @!p0 $0xFFFFF086;
	s6 =	sadd.s32 @!p0 s3, s7;
	s7 =	simm.s32 @!p0 $0x108  }
0x21: {  	s3 =	sadd.s32 s3, s9;
	s6 =	sadd.s32 @!p0 $0x88, s6;
	s7 =	simm.s32 @p2 $0x1082  }
0x22: {  	[simem:s7], [sflag:s8] =	dma.local @!p0 [hbm:s6], $0xF7A  }
0x23: {  	s9 =	sor.u32 $0xD0000000, s2;
	s6 =	simm.s32 $0x108;
	_ =	swait.ge @!p0 [sflag:s8], $0x0  }
0x24: {  	s3 =	sadd.s32 $0x88, s3;
	s6 =	simm.s32 @!p1 $0x1082;
	[sflag:s4] =	ssyncset.s32 $0xFFFFF086  }
0x25: {  	[simem:s6], [sflag:s4] =	dma.local [hbm:s3], $0xF7A  }
0x26: {  	[smem:$0x3F99] =	sst s1;
	(tag) =	ssettag s2;
	_ =	strace s9  }
0x27: {  	s1 =	sld [smem:$0x3FA9]  }
0x28: {  	s2 =	sld [smem:$0x3FAA]  }
0x29: {  	s4 =	sld [smem:$0x3FAC]  }
0x2a: {  	p0 =	seq.s32 s5, $0x0;
	s5 =	sld [smem:$0x3FAD]  }
0x2b: {  	s6 =	sld [smem:$0x3FAE]  }
0x2c: {  	s7 =	sld [smem:$0x3FAF]  }
0x2d: {  	s3 =	simm.s32 $0x108;
	s8 =	sld [smem:$0x3FB0]  }
0x2e: {  	s3 =	simm.s32 @!p0 $0x1082;
	s9 =	sld [smem:$0x3FB1]  }
0x2f: {  	lr =	sadd.s32 s0, s3;
	s0 =	sld [smem:$0x3FA8]  }
0x30: {  	s3 =	sld [smem:$0x3FAB]  }
0x31: {  	[smem:$0x3FB4] =	sst s10  }
0x32: {  	s10 =	sld [smem:$0x3FB2];
	_ =	sdelay $0x3  }
0x33: {  	p0 =	seq.s32 s10, $0x1;
	s10 =	sld [smem:$0x3FB4];
	_ =	sdelay $0x3  }
0x34: {  	[smem:$0x3FB4] =	sst s10  }
0x35: {  	s10 =	sld [smem:$0x3FB3];
	_ =	sdelay $0x3  }
0x36: {  	p1 =	seq.s32 s10, $0x1;
	s10 =	sld [smem:$0x3FB4];
	_ =	sdelay $0x3  }
0x37: {  	[smem:$0x3FB4] =	sst s10  }
0x38: {  	s10 =	sld [smem:$0x3FB5]  }
0x39: {  	_ = 	snop;
	(pc) =	sbr.ind lr, $3  }
0x3a: {  	_ = 	snop  }
0x3b: {  	_ = 	snop  }
0x3c: {  	p2 =	seq.s32 s10, $0x1;
	s10 =	sld [smem:$0x3FB4]  }
0x3d: {  	_ =	shalt  }
0x3e: {  	_ =	shalt  }
0x3f: {  	_ =	shalt  }
0x40: {  	_ =	shalt  }
0x41: {  	_ =	shalt  }
0x42: {  	_ =	shalt  }
0x43: {  	_ =	shalt  }
0x44: {  	_ =	shalt  }
0x45: {  	_ =	shalt  }
0x46: {  	_ =	shalt  }
0x47: {  	_ =	shalt  }
0x48: {  	_ =	shalt  }
0x49: {  	_ =	shalt  }
0x4a: {  	_ =	shalt  }
0x4b: {  	_ =	shalt  }
0x4c: {  	_ =	shalt  }
0x4d: {  	_ =	shalt  }
0x4e: {  	_ =	shalt  }
0x4f: {  	_ =	shalt  }
0x50: {  	_ =	shalt  }
0x51: {  	_ =	shalt  }
0x52: {  	_ =	shalt  }
0x53: {  	_ =	shalt  }
0x54: {  	_ =	shalt  }
0x55: {  	_ =	shalt  }
0x56: {  	_ =	shalt  }
0x57: {  	_ =	shalt  }
0x58: {  	_ =	shalt  }
0x59: {  	_ =	shalt  }
0x5a: {  	_ =	shalt  }
0x5b: {  	_ =	shalt  }
0x5c: {  	_ =	shalt  }
0x5d: {  	_ =	shalt  }
0x5e: {  	_ =	shalt  }
0x5f: {  	_ =	shalt  }
0x60: {  	_ =	shalt  }
0x61: {  	_ =	shalt  }
0x62: {  	_ =	shalt  }
0x63: {  	_ =	shalt  }
0x64: {  	_ =	shalt  }
0x65: {  	_ =	shalt  }
0x66: {  	_ =	shalt  }
0x67: {  	_ =	shalt  }
0x68: {  	_ =	shalt  }
0x69: {  	_ =	shalt  }
0x6a: {  	_ =	shalt  }
0x6b: {  	_ =	shalt  }
0x6c: {  	_ =	shalt  }
0x6d: {  	_ =	shalt  }
0x6e: {  	_ =	shalt  }
0x6f: {  	_ =	shalt  }
0x70: {  	_ =	shalt  }
0x71: {  	_ =	shalt  }
0x72: {  	_ =	shalt  }
0x73: {  	_ =	shalt  }
0x74: {  	_ =	shalt  }
0x75: {  	_ =	shalt  }
0x76: {  	_ =	shalt  }
0x77: {  	_ =	shalt  }
0x78: {  	_ =	shalt  }
0x79: {  	_ =	shalt  }
0x7a: {  	_ =	shalt  }
0x7b: {  	_ =	shalt  }
0x7c: {  	_ =	shalt  }
0x7d: {  	_ =	shalt  }
0x7e: {  	_ =	shalt  }
0x7f: {  	_ =	shalt  }
0x80: {  	_ =	shalt  }
0x81: {  	_ =	shalt  }
0x82: {  	_ =	shalt  }
0x83: {  	_ =	shalt  }
0x84: {  	_ =	shalt  }
0x85: {  	_ =	shalt  }
0x86: {  	_ =	shalt  }
0x87: {  	_ =	shalt  }
.Lfunc_end0:
.L_simem_size_0:
called_computation.1_lowered:
.L_overlay_start_0:
0x88: {  	s2 =	sld [smem:$0x3FD9]  }
0x89: {  	s3 =	sld [smem:$0x3FFE];
	_ =	sdelay $0x1  }
0x8a: {  	s1 =	srdreg.scid  }
0x8b: {  	s0 =	sand.u32 $0x1, s1  }
0x8c: {  	s14 =	sshll.u32 s0, $0xA;
	s2 =	sadd.s32 s3, s2  }
0x8d: {  	s2 =	sadd.s32 s2, s14  }
0x8e: {  	[smem:$0x3FC0] =	sst s2  }
0x8f: {  	_ = 	snop  }
0x90: {  	s2 =	sld [smem:$0x3FD0];
	_ =	sdelay $0x2  }
0x91: {  	s15 =	simm.s32 $0xA;
	s4 =	simm.s32 $0x10  }
0x92: {  	[smem:s4], [sflag:s15] =	dma.local [hbm:s2], $0x1  }
0x93: {  	_ =	swait.eq [sflag:s15], $0x1  }
0x94: {  	s16 =	sld [smem:$0x10];
	[sflag:s15] =	ssyncset.done $0x0  }
0x95: {  	s17 =	sld [smem:$0x11];
	[sflag:s15] =	ssyncadd.s32 $0xFFFFFFFF  }
0x96: {  	s18 =	sld [smem:$0x12];
	(tm) =	ssettm $0x1  }
0x97: {  	s5 =	sld [smem:$0x3FFB];
	_ =	sdelay $0x3  }
0x98: {  	_ =	strace s5  }
0x99: {  	s5 =	sld [smem:$0x3FFC];
	_ =	sdelay $0x3  }
0x9a: {  	_ =	strace s5  }
0x9b: {  	s5 =	sld [smem:$0x3FFD];
	_ =	sdelay $0x3  }
0x9c: {  	_ =	strace s5  }
0x9d: {  	_ =	strace $0x8FFFFFFF  }
0x9e: {  	s19 =	sld [smem:$0x3FDB];
	_ =	sdelay $0x1  }
0x9f: {  	s6 =	simm.s32 $_scs_section_size  }
0xa0: {  	s7 =	simm.s32 $_size__tile_overlayer_lowered;
	s8 =	simm.s32 $_tile_overlayer_lowered  }
0xa1: {  	s22 =	simm.s32 $0x1BFF;
	s21 =	sshll.u32 s8, $0x1;
	s5 =	sadd.s32 s6, s19  }
0xa2: {  	s9 =	simm.s32 $0x0;
	s20 =	sshll.u32 s7, $0x1;
	s7 =	sadd.s32 s21, s5  }
0xa3: {  	[timem:s9], [sflag:s22] =	dma.local [hbm:s7], s20  }
0xa4: {  	_ =	swait.ge [sflag:s22], s20  }
0xa5: {  	s6 =	ssub.s32 $0x0, s20;
	[sflag:s22] =	ssyncset.done $0x0  }
0xa6: {  	[sflag:s22] =	ssyncadd.s32 s6;
	_ =	sdelay $0x1  }
0xa7: {  	s23 =	simm.s32 $0x1B8B  }
0xa8: {  	_ =	swait.ge [sflag:s23], $0x1  }
0xa9: {  	[sflag:s23] =	ssyncset.done $0x0  }
0xaa: {  	s25 =	simm.s32 $0x1B8E;
	s24 =	sld [smem:$0x3FFE];
	[sflag:s23] =	ssyncadd.s32 $0xFFFFFFFF  }
0xab: {  	s26 =	simm.s32 $execute0_lowered;
	[smem:$0x3FD2] =	sst s25  }
0xac: {  	s7 =	sshll.u32 s26, $0x1;
	_ =	strace $0x80000049;
	[dreg:$0x1] =	wrdreg $0xFFFFFFFF  }
0xad: {  	s28 =	simm.s32 $_size_execute0_lowered;
	s5 =	sadd.s32 s5, s7;
	[dreg:$0x0] =	wrdreg $0x0  }
0xae: {  	s7 =	sshll.u32 s28, $0x1;
	[dreg:$0x2] =	wrdreg s5  }
0xaf: {  	[dreg:$0x3] =	wrdreg s7  }
0xb0: {  	[dreg:$0x4] =	wrdreg $0xC0  }
0xb1: {  	_ =	task [dreg:s9], $0x5FFFF  }
0xb2: {  	[dreg:$0x1] =	wrdreg $0xFFFFFFFF  }
0xb3: {  	[dreg:$0x0] =	wrdreg $0x60  }
0xb4: {  	[dreg:$0x2] =	wrdreg s24  }
0xb5: {  	[dreg:$0x3] =	wrdreg s16  }
0xb6: {  	[dreg:$0x4] =	wrdreg s18  }
0xb7: {  	[dreg:$0x5] =	wrdreg s17  }
0xb8: {  	[dreg:$0x6] =	wrdreg $0x9  }
0xb9: {  	_ =	task.clear_ibuf [dreg:s9], $0x7FFFF;
	_ =	strace $0x90000049  }
0xba: {  	s29 =	simm.s32 $0x9;
	_ =	strace $0x8000004B  }
0xbb: {  	_ =	swait.ge [sflag:s29], $0x1  }
0xbc: {  	[sflag:s29] =	ssyncadd.s32 $0xFFFFFFFF  }
0xbd: {  	_ =	strace $0x9000004B  }
0xbe: {  	_ =	sfence  }
0xbf: {  	s30 =	sld [smem:$0x0];
	_ =	sdelay $0x2  }
0xc0: {  	s31 =	sshll.u32 s1, $0xD;
	s1 =	sshrl.u32 s1, $0x2  }
0xc1: {  	s3 =	sand.u32 $0x4000, s31;
	s1 =	sadd.s32 s1, s30  }
0xc2: {  	s0 =	sor.u32 s3, s0;
	s1 =	sshll.u32 s1, $0x11  }
0xc3: {  	s0 =	sor.u32 s1, s0  }
0xc4: {  	s0 =	sadd.s32 $0x8F2B, s0  }
0xc5: {  	[sflag:s0] =	ssyncadd.remote.s32 $0x1  }
0xc6: {  	_ =	sfence.sel $0xFFFF  }
0xc7: {  	[dreg:$0x0] =	wrdreg $0xFFFFFFFF;
	(pc) =	sbr.abs _section_cstart, $3  }
0xc8: {  	[dreg:$0x1] =	wrdreg $0xFFFFFFFF  }
0xc9: {  	_ =	task.clear_ibuf [dreg:s9], $0x2FFFF;
	_ =	strace $0x9FFFFFFF  }
0xca: {  	(tm) =	ssettm $0x7FFFFFFF  }
0xcb: {  	_ =	shalt  }
tec
execute0_lowered:
.L_overlay_start_1:
0x0: {  	(tag) =	ssettag $0x1  }
0x1: {  	s0 =	rddreg [dreg:$0x0]  }
0x2: {  	s1 =	rddreg [dreg:$0x1]  }
0x3: {  	s3 =	rddreg [dreg:$0x2];
	s2 =	srdreg.scid  }
0x4: {  	s5 =	stileid.u32;
	s4 =	rddreg [dreg:$0x3]  }
0x5: {  	s6 =	simm.s32 $0x0;
	s19 =	simm.s32 $0x8000;
	s20 =	simm.s32 $0x14000  }
0x6: {  	s21 =	simm.s32 $0x7;
	s22 =	simm.s32 $0x8;
	s28 =	simm.s32 $0x9  }
0x7: {  	s29 =	simm.s32 $0xA;
	s12 =	simm.s32 $0x3;
	s13 =	simm.s32 $0xB  }
0x8: {  	s14 =	simm.s32 $0x4;
	s17 =	simm.s32 $0x6;
	s2 =	sand.u32 $0x1, s2  }
0x9: {  	s5 =	sshll.u32 s5, $0x1;
	[smem:$0x7FF] =	sst s6;
	s6 =	sadd.s32 $0x583200, s0  }
0xa: {  	s5 =	sor.u32 s2, s5;
	_ =	strace $0x8000004A;
	s2 =	ssub.s32 $0x2, s2  }
0xb: {  	s10 =	ssub.s32 $0x9E3, s5;
	s23 =	sshrl.u32 s2, $0x1;
	s9 =	sor.u32 $0x20, s5  }
0xc: {  	s7 =	sand.u32 $0x9E0, s10;
	s25 =	sand.u32 $0x20, s10;
	s10 =	simm.s32 $0x1  }
0xd: {  	s8 =	sor.u32 s5, s7;
	s7 =	sadd.s32 $0xA1200, s0;
	s0 =	ssub.s32 s2, s23  }
0xe: {  	s23 =	simm.s32 $0x80;
	p0 =	seq.s32 s25, $0x0;
	s25 =	simm.s32 $0x18180  }
0xf: {  	s11 =	sadd.s32 $0x1FFFFE0, s8;
	s8 =	sshll.u32 s5, $0x7;
	s0 =	smax.u32 s0, $0x1  }
0x10: {  	s24 =	sshll.u32 s11, $0x4;
	s30 =	sshll.u32 s11, $0xB;
	[dreg:$0x9] =	wrdreg s0  }
.Ltmp0:
0x11: {  	s2 =	sand.u32 $0x9DF0, s24;
	s31 =	sadd.s32 s7, s30;
	(pc) =	sbr.rel .LBB2_1-.Ltmp0, $4  }
0x12: {  	s5 =	simm.s32 $0x5;
	s26 =	sadd.s32 s1, s2;
	[dreg:$0x7] =	wrdreg s31  }
0x13: {  	s11 =	simm.s32 $0x2;
	s2 =	sadd.s32 s3, s2;
	[dreg:$0x5] =	wrdreg s26  }
0x14: {  	s0 =	simm.s32 $0x0;
	[dreg:$0x6] =	wrdreg s2;
	s2 =	sadd.s32 s4, s30  }
0x15: {  	s24 =	simm.s32 $0x18100;
	s26 =	simm.s32 $0x4000;
	[dreg:$0x8] =	wrdreg s2  }
.LBB2_11:
0x16: {  	s0 =	sadd.s32 $0x1, s0;
	s2 =	rddreg [dreg:$0x9]  }
0x17: {  	p1 =	sne.s32 s0, s2  }
.Ltmp1:
0x18: {  	_ = 	snop;
	(pc) =	sbr.rel @!p1 .LBB2_12-.Ltmp1, $1  }
0x19: {  	_ =	sdelay $0x3  }
.LBB2_1:
0x1a: {  	[dreg:$0xa] =	wrdreg s0;
	s18 =	simm.s32 $0x0  }
.LBB2_2:
0x1b: {  	s15 =	sshll.u32 s18, $0xD  }
0x1c: {  	s15 =	sor.u32 s8, s15  }
0x1d: {  	s31 =	sshll.u32 s18, $0x6;
	s16 =	sshrl.u32 s15, $0x3  }
0x1e: {  	s30 =	simm.s32 $0x0;
	s0 =	simm.s32 $0x18000;
	s2 =	sadd.s32 s1, s16  }
0x1f: {  	[tilespmem:s0], [sflag:$0x7] =	stream.linear.gather [hbm4b:s2+s30], $0x80, $0x38;
	[tilespmem:$0x18400] =	vst v63  }
0x20: {  	s16 =	sadd.s32 s3, s16;
	s2 =	sor.u32 s9, s31;
	s0 =	simm.s32 $0x18080  }
0x21: {  	[tilespmem:s0], [sflag:$0x8] =	stream.linear.gather [hbm4b:s16+s30], $0x80, $0x38;
	[tilespmem:$0x18400] =	vst v63  }
0x22: {  	s16 =	sshll.u32 s2, $0x4  }
0x23: {  	s0 =	simm.s32 $0x18200;
	s31 =	sadd.s32 s1, s16  }
0x24: {  	[tilespmem:s0], [sflag:$0x9] =	stream.linear.gather [hbm4b:s31+s30], $0x80, $0x38;
	[tilespmem:$0x18400] =	vst v63  }
0x25: {  	s16 =	sadd.s32 s3, s16;
	s0 =	simm.s32 $0x18280  }
0x26: {  	[tilespmem:s0], [sflag:$0xA] =	stream.linear.gather [hbm4b:s16+s30], $0x80, $0x38;
	[tilespmem:$0x18400] =	vst v63  }
0x27: {  	s16 =	sshll.u32 s15, $0x4  }
0x28: {  	s15 =	sadd.s32 s7, s16  }
0x29: {  	[tilespmem:s19], [sflag:$0x3] =	stream.linear.gather [hbm4b:s15+s30], $0x4000, $0x38;
	[tilespmem:$0x18400] =	vst v63  }
0x2a: {  	s15 =	sshll.u32 s2, $0xB  }
0x2b: {  	s2 =	sadd.s32 s7, s15  }
0x2c: {  	[tilespmem:s20], [sflag:$0x6] =	stream.linear.gather [hbm4b:s2+s30], $0x4000, $0x38;
	[tilespmem:$0x18400] =	vst v63  }
0x2d: {  	_ =	swait.ge [sflag:s21], $0x80  }
0x2e: {  	[sflag:s21] =	ssyncset.done $0x0  }
0x2f: {  	[sflag:s21] =	ssyncadd.s32 $0xFFFFFF80  }
0x30: {  	_ =	swait.ge [sflag:s22], $0x80  }
0x31: {  	[sflag:s22] =	ssyncset.done $0x0  }
0x32: {  	[sflag:s22] =	ssyncadd.s32 $0xFFFFFF80  }
0x33: {  	v0 =	vld [tilespmem:$0x18080]  }
0x34: {  	v1 =	vld [tilespmem:$0x18000]  }
0x35: {  	v2 =	vld [tilespmem:$0x18090]  }
0x36: {  	v3 =	vld [tilespmem:$0x18010]  }
0x37: {  	v4 =	vld [tilespmem:$0x180A0]  }
0x38: {  	v6 =	vld [tilespmem:$0x18020];
	v5 =	vshll.u32 v0, $0x1  }
0x39: {  	v7 =	vshll.u32 v1, $0x1;
	vm0 =	veq.s32 v1, v0;
	v1 =	vld [tilespmem:$0x180B0];
	v0 =	vor.u32 $0x1, v5  }
0x3a: {  	v47 =	vld [tilespmem:$0x18030];
	v46 =	vshll.u32 v2, $0x1;
	[tilespmem:$0x18100] =	vst v7;
	v0 =	vsel vm0, $0x9C40, v0  }
0x3b: {  	vm13 =	veq.s32 v3, v2;
	v2 =	vor.u32 $0x1, v46;
	[tilespmem:$0x18180] =	vst v0;
	v0 =	vshll.u32 v3, $0x1;
	v3 =	vld [tilespmem:$0x180C0]  }
0x3c: {  	v48 =	vld [tilespmem:$0x18040];
	[tilespmem:$0x18110] =	vst v0;
	v0 =	vsel vm13, $0x9C40, v2;
	v2 =	vshll.u32 v4, $0x1  }
0x3d: {  	v49 =	vld [tilespmem:$0x180D0];
	vm14 =	veq.s32 v6, v4;
	[tilespmem:$0x18190] =	vst v0;
	v0 =	vshll.u32 v6, $0x1;
	v2 =	vor.u32 $0x1, v2  }
0x3e: {  	v50 =	vld [tilespmem:$0x18050];
	[tilespmem:$0x18120] =	vst v0;
	v0 =	vsel vm14, $0x9C40, v2;
	v2 =	vshll.u32 v1, $0x1  }
0x3f: {  	vm15 =	veq.s32 v47, v1;
	[tilespmem:$0x181A0] =	vst v0;
	v0 =	vshll.u32 v47, $0x1;
	v1 =	vor.u32 $0x1, v2;
	v2 =	vld [tilespmem:$0x180E0]  }
0x40: {  	v51 =	vld [tilespmem:$0x18060];
	[tilespmem:$0x18130] =	vst v0;
	v0 =	vsel vm15, $0x9C40, v1;
	v1 =	vshll.u32 v3, $0x1  }
0x41: {  	vm4 =	veq.s32 v48, v3;
	v3 =	vld [tilespmem:$0x180F0];
	[tilespmem:$0x181B0] =	vst v0;
	v0 =	vshll.u32 v48, $0x1;
	v1 =	vor.u32 $0x1, v1  }
0x42: {  	v52 =	vld [tilespmem:$0x18070];
	[tilespmem:$0x18140] =	vst v0;
	v0 =	vsel vm4, $0x9C40, v1;
	v1 =	vshll.u32 v49, $0x1  }
0x43: {  	vm5 =	veq.s32 v50, v49;
	[tilespmem:$0x181C0] =	vst v0;
	v0 =	vshll.u32 v50, $0x1;
	v1 =	vor.u32 $0x1, v1  }
0x44: {  	[tilespmem:$0x18150] =	vst v0;
	v0 =	vsel vm5, $0x9C40, v1;
	v1 =	vshll.u32 v2, $0x1  }
0x45: {  	vm6 =	veq.s32 v51, v2;
	[tilespmem:$0x181D0] =	vst v0;
	v0 =	vshll.u32 v51, $0x1;
	v1 =	vor.u32 $0x1, v1  }
0x46: {  	[tilespmem:$0x18160] =	vst v0;
	v0 =	vsel vm6, $0x9C40, v1;
	v1 =	vshll.u32 v3, $0x1  }
0x47: {  	vm7 =	veq.s32 v52, v3;
	[tilespmem:$0x181E0] =	vst v0;
	v0 =	vshll.u32 v52, $0x1;
	v1 =	vor.u32 $0x1, v1  }
0x48: {  	[tilespmem:$0x18170] =	vst v0;
	v0 =	vsel vm7, $0x9C40, v1  }
0x49: {  	[tilespmem:$0x181F0] =	vst v0  }
0x4a: {  	[tilespmem:s30], [sflag:$0x1] =	stream.indirect.gather [hbm4b:s6+s23], $0x80, s24, s23, $0xb8;
	[tilespmem:$0x18400] =	vst v63  }
0x4b: {  	_ = 	snop  }
0x4c: {  	[tilespmem:s26], [sflag:$0x2] =	stream.indirect.gather [hbm4b:s6+s23], $0x80, s25, s23, $0xb8;
	[tilespmem:$0x18400] =	vst v63  }
0x4d: {  	_ =	swait.ge [sflag:s28], $0x80  }
0x4e: {  	[sflag:s28] =	ssyncset.done $0x0  }
0x4f: {  	[sflag:s28] =	ssyncadd.s32 $0xFFFFFF80  }
0x50: {  	_ =	swait.ge [sflag:s29], $0x80  }
0x51: {  	[sflag:s29] =	ssyncset.done $0x0  }
0x52: {  	[sflag:s29] =	ssyncadd.s32 $0xFFFFFF80  }
0x53: {  	v0 =	vld [tilespmem:$0x18280]  }
0x54: {  	v1 =	vld [tilespmem:$0x18200]  }
0x55: {  	v2 =	vld [tilespmem:$0x18290]  }
0x56: {  	v3 =	vld [tilespmem:$0x18210]  }
0x57: {  	v53 =	vld [tilespmem:$0x182A0]  }
0x58: {  	v55 =	vld [tilespmem:$0x18220];
	v54 =	vshll.u32 v0, $0x1  }
0x59: {  	v56 =	vshll.u32 v1, $0x1;
	vm8 =	veq.s32 v1, v0;
	v1 =	vld [tilespmem:$0x182B0];
	v0 =	vor.u32 $0x1, v54  }
0x5a: {  	v58 =	vld [tilespmem:$0x18230];
	v57 =	vshll.u32 v2, $0x1;
	[tilespmem:$0x18300] =	vst v56;
	v0 =	vsel vm8, $0x9C40, v0  }
0x5b: {  	vm9 =	veq.s32 v3, v2;
	v2 =	vor.u32 $0x1, v57;
	[tilespmem:$0x18380] =	vst v0;
	v0 =	vshll.u32 v3, $0x1;
	v3 =	vld [tilespmem:$0x182C0]  }
0x5c: {  	v59 =	vld [tilespmem:$0x18240];
	[tilespmem:$0x18310] =	vst v0;
	v0 =	vsel vm9, $0x9C40, v2;
	v2 =	vshll.u32 v53, $0x1  }
0x5d: {  	v60 =	vld [tilespmem:$0x182D0];
	vm10 =	veq.s32 v55, v53;
	[tilespmem:$0x18390] =	vst v0;
	v0 =	vshll.u32 v55, $0x1;
	v2 =	vor.u32 $0x1, v2  }
0x5e: {  	v61 =	vld [tilespmem:$0x18250];
	[tilespmem:$0x18320] =	vst v0;
	v0 =	vsel vm10, $0x9C40, v2;
	v2 =	vshll.u32 v1, $0x1  }
0x5f: {  	vm11 =	veq.s32 v58, v1;
	[tilespmem:$0x183A0] =	vst v0;
	v0 =	vshll.u32 v58, $0x1;
	v1 =	vor.u32 $0x1, v2;
	v2 =	vld [tilespmem:$0x182E0]  }
0x60: {  	v62 =	vld [tilespmem:$0x18260];
	[tilespmem:$0x18330] =	vst v0;
	v0 =	vsel vm11, $0x9C40, v1;
	v1 =	vshll.u32 v3, $0x1  }
0x61: {  	vm12 =	veq.s32 v59, v3;
	v3 =	vld [tilespmem:$0x182F0];
	[tilespmem:$0x183B0] =	vst v0;
	v0 =	vshll.u32 v59, $0x1;
	v1 =	vor.u32 $0x1, v1  }
0x62: {  	v63 =	vld [tilespmem:$0x18270];
	[tilespmem:$0x18340] =	vst v0;
	v0 =	vsel vm12, $0x9C40, v1;
	v1 =	vshll.u32 v60, $0x1  }
0x63: {  	vm13 =	veq.s32 v61, v60;
	[tilespmem:$0x183C0] =	vst v0;
	v0 =	vshll.u32 v61, $0x1;
	v1 =	vor.u32 $0x1, v1  }
0x64: {  	[tilespmem:$0x18350] =	vst v0;
	v0 =	vsel vm13, $0x9C40, v1;
	v1 =	vshll.u32 v2, $0x1  }
0x65: {  	vm14 =	veq.s32 v62, v2;
	[tilespmem:$0x183D0] =	vst v0;
	v0 =	vshll.u32 v62, $0x1;
	v1 =	vor.u32 $0x1, v1  }
0x66: {  	[tilespmem:$0x18360] =	vst v0;
	v0 =	vsel vm14, $0x9C40, v1;
	v1 =	vshll.u32 v3, $0x1  }
0x67: {  	vm15 =	veq.s32 v63, v3;
	[tilespmem:$0x183E0] =	vst v0;
	v0 =	vshll.u32 v63, $0x1;
	v1 =	vor.u32 $0x1, v1  }
0x68: {  	[tilespmem:$0x18370] =	vst v0;
	v0 =	vsel vm15, $0x9C40, v1  }
0x69: {  	s0 =	simm.s32 $0x18300;
	s2 =	simm.s32 $0xC000;
	[tilespmem:$0x183F0] =	vst v0  }
0x6a: {  	[tilespmem:s2], [sflag:$0x4] =	stream.indirect.gather [hbm4b:s6+s23], $0x80, s0, s23, $0xb8;
	[tilespmem:$0x18400] =	vst v63  }
0x6b: {  	s0 =	simm.s32 $0x18380;
	s2 =	simm.s32 $0x10000  }
0x6c: {  	[tilespmem:s2], [sflag:$0x5] =	stream.indirect.gather [hbm4b:s6+s23], $0x80, s0, s23, $0xb8;
	[tilespmem:$0x18400] =	vst v63  }
0x6d: {  	_ =	swait.ge [sflag:s10], $0x4000  }
0x6e: {  	[sflag:s10] =	ssyncset.done $0x0  }
0x6f: {  	[sflag:s10] =	ssyncadd.s32 $0xFFFFC000  }
0x70: {  	_ =	swait.ge [sflag:s11], $0x4000  }
0x71: {  	[sflag:s11] =	ssyncset.done $0x0  }
0x72: {  	[sflag:s11] =	ssyncadd.s32 $0xFFFFC000  }
0x73: {  	_ =	swait.ge [sflag:s12], $0x4000  }
0x74: {  	[sflag:s12] =	ssyncset.done $0x0  }
0x75: {  	s30 =	simm.s32 $0x0;
	[sflag:s12] =	ssyncadd.s32 $0xFFFFC000  }
0x76: {  	s31 =	simm.s32 $0x200;
	v0 =	vld [tilespmem:s30+$0x70]  }
.LBB2_3:
0x77: {  	p1 =	sne.s32 s31, $0xFE00;
	v1 =	vld [tilespmem:s30+$0x4070]  }
0x78: {  	v2 =	vld [tilespmem:s30+$0x0]  }
0x79: {  	v3 =	vld [tilespmem:s30+$0x4000]  }
0x7a: {  	v4 =	vld [tilespmem:s30+$0x10]  }
0x7b: {  	v5 =	vld [tilespmem:s30+$0x4010]  }
0x7c: {  	v6 =	vld [tilespmem:s30+$0x20];
	v0 =	vadd.f32 v1, v0  }
0x7d: {  	v1 =	vld [tilespmem:s30+$0x4020]  }
0x7e: {  	v2 =	vadd.f32 v3, v2;
	[tilespmem:s30+$0x8070] =	vst.add.f32.msk $0xffff, v0  }
0x7f: {  	v0 =	vld [tilespmem:s30+$0x30]  }
0x80: {  	v3 =	vadd.f32 v5, v4;
	v4 =	vld [tilespmem:s30+$0x4030]  }
0x81: {  	v5 =	vld [tilespmem:s30+$0x40]  }
0x82: {  	v1 =	vadd.f32 v1, v6;
	v6 =	vld [tilespmem:s30+$0x4040]  }
0x83: {  	v7 =	vld [tilespmem:s30+$0x50]  }
0x84: {  	v8 =	vld [tilespmem:s30+$0x4050]  }
0x85: {  	v0 =	vadd.f32 v4, v0;
	v4 =	vld [tilespmem:s30+$0x60]  }
0x86: {  	v9 =	vld [tilespmem:s30+$0x4060]  }
0x87: {  	[tilespmem:s30+$0x8000] =	vst.add.f32.msk $0xffff, v2;
	v2 =	vadd.f32 v6, v5  }
0x88: {  	[tilespmem:s30+$0x8010] =	vst.add.f32.msk $0xffff, v3  }
0x89: {  	[tilespmem:s30+$0x8020] =	vst.add.f32.msk $0xffff, v1;
	v1 =	vadd.f32 v8, v7  }
.Ltmp2:
0x8a: {  	[tilespmem:s30+$0x8030] =	vst.add.f32.msk $0xffff, v0;
	(pc) =	sbr.rel @p1 .LBB2_3-.Ltmp2, $4  }
0x8b: {  	[tilespmem:s30+$0x8040] =	vst.add.f32.msk $0xffff, v2;
	v0 =	vadd.f32 v9, v4  }
0x8c: {  	[tilespmem:s30+$0x8050] =	vst.add.f32.msk $0xffff, v1  }
0x8d: {  	[tilespmem:s30+$0x8060] =	vst.add.f32.msk $0xffff, v0;
	s30 =	sshra.s32 s31, $0x2  }
0x8e: {  	s31 =	sadd.s32 $0x200, s31;
	v0 =	vld [tilespmem:s30+$0x70]  }
0x8f: {  	v1 =	vld [tilespmem:s30+$0x4070]  }
0x90: {  	v2 =	vld [tilespmem:s30+$0x0]  }
0x91: {  	v3 =	vld [tilespmem:s30+$0x4000]  }
0x92: {  	v4 =	vld [tilespmem:s30+$0x10]  }
0x93: {  	v5 =	vld [tilespmem:s30+$0x4010]  }
0x94: {  	v6 =	vld [tilespmem:s30+$0x20]  }
0x95: {  	v7 =	vld [tilespmem:s30+$0x4030]  }
0x96: {  	v8 =	vld [tilespmem:s30+$0x40]  }
0x97: {  	v9 =	vld [tilespmem:s30+$0x4040]  }
0x98: {  	v10 =	vld [tilespmem:s30+$0x50]  }
0x99: {  	v11 =	vld [tilespmem:s30+$0x4050];
	v0 =	vadd.f32 v1, v0  }
0x9a: {  	v1 =	vld [tilespmem:s30+$0x4020]  }
0x9b: {  	[tilespmem:s30+$0x8070] =	vst.add.f32.msk $0xffff, v0  }
0x9c: {  	v0 =	vld [tilespmem:s30+$0x30]  }
0x9d: {  	v63 =	vld [tilespmem:s30+$0x4060];
	v2 =	vadd.f32 v3, v2  }
0x9e: {  	v3 =	vld [tilespmem:s30+$0x60];
	v4 =	vadd.f32 v5, v4  }
0x9f: {  	[tilespmem:s30+$0x8000] =	vst.add.f32.msk $0xffff, v2;
	v2 =	vadd.f32 v9, v8  }
0xa0: {  	[tilespmem:s30+$0x8010] =	vst.add.f32.msk $0xffff, v4;
	v1 =	vadd.f32 v1, v6  }
0xa1: {  	[tilespmem:s30+$0x8040] =	vst.add.f32.msk $0xffff, v2;
	v0 =	vadd.f32 v7, v0  }
0xa2: {  	[tilespmem:s30+$0x8020] =	vst.add.f32.msk $0xffff, v1;
	v1 =	vadd.f32 v11, v10  }
0xa3: {  	[tilespmem:s30+$0x8030] =	vst.add.f32.msk $0xffff, v0;
	v0 =	vadd.f32 v63, v3  }
0xa4: {  	[tilespmem:s30+$0x8050] =	vst.add.f32.msk $0xffff, v1  }
0xa5: {  	s2 =	sadd.s32 s4, s16;
	s31 =	simm.s32 $0x0;
	[tilespmem:s30+$0x8060] =	vst.add.f32.msk $0xffff, v0  }
0xa6: {  	[hbm4b:s2+s31] =	stream.linear.scatter [tilespmem:s19], [sflag:$0xB], $0x4000, $0x38;
	[tilespmem:$0x18400] =	vst v63  }
0xa7: {  	_ =	swait.ge [sflag:s13], $0x4000  }
0xa8: {  	[sflag:s13] =	ssyncset.done $0x0  }
0xa9: {  	[sflag:s13] =	ssyncadd.s32 $0xFFFFC000  }
0xaa: {  	_ =	swait.ge [sflag:s14], $0x4000  }
0xab: {  	[sflag:s14] =	ssyncset.done $0x0  }
0xac: {  	[sflag:s14] =	ssyncadd.s32 $0xFFFFC000  }
0xad: {  	_ =	swait.ge [sflag:s5], $0x4000  }
0xae: {  	[sflag:s5] =	ssyncset.done $0x0  }
0xaf: {  	[sflag:s5] =	ssyncadd.s32 $0xFFFFC000  }
0xb0: {  	_ =	swait.ge [sflag:s17], $0x4000  }
0xb1: {  	[sflag:s17] =	ssyncset.done $0x0  }
0xb2: {  	s16 =	simm.s32 $0x0;
	[sflag:s17] =	ssyncadd.s32 $0xFFFFC000  }
0xb3: {  	s30 =	simm.s32 $0x200;
	v0 =	vld [tilespmem:s16+$0xC070]  }
.LBB2_5:
0xb4: {  	p1 =	sne.s32 s30, $0xFE00;
	v1 =	vld [tilespmem:s16+$0x10070]  }
0xb5: {  	v2 =	vld [tilespmem:s16+$0xC000]  }
0xb6: {  	v3 =	vld [tilespmem:s16+$0x10000]  }
0xb7: {  	v4 =	vld [tilespmem:s16+$0xC010]  }
0xb8: {  	v5 =	vld [tilespmem:s16+$0x10010]  }
0xb9: {  	v6 =	vld [tilespmem:s16+$0xC020];
	v0 =	vadd.f32 v1, v0  }
0xba: {  	v1 =	vld [tilespmem:s16+$0x10020]  }
0xbb: {  	v2 =	vadd.f32 v3, v2;
	[tilespmem:s16+$0x14070] =	vst.add.f32.msk $0xffff, v0  }
0xbc: {  	v0 =	vld [tilespmem:s16+$0xC030]  }
0xbd: {  	v3 =	vadd.f32 v5, v4;
	v4 =	vld [tilespmem:s16+$0x10030]  }
0xbe: {  	v5 =	vld [tilespmem:s16+$0xC040]  }
0xbf: {  	v1 =	vadd.f32 v1, v6;
	v6 =	vld [tilespmem:s16+$0x10040]  }
0xc0: {  	v7 =	vld [tilespmem:s16+$0xC050]  }
0xc1: {  	v8 =	vld [tilespmem:s16+$0x10050]  }
0xc2: {  	v0 =	vadd.f32 v4, v0;
	v4 =	vld [tilespmem:s16+$0xC060]  }
0xc3: {  	v9 =	vld [tilespmem:s16+$0x10060]  }
0xc4: {  	[tilespmem:s16+$0x14000] =	vst.add.f32.msk $0xffff, v2;
	v2 =	vadd.f32 v6, v5  }
0xc5: {  	[tilespmem:s16+$0x14010] =	vst.add.f32.msk $0xffff, v3  }
0xc6: {  	[tilespmem:s16+$0x14020] =	vst.add.f32.msk $0xffff, v1;
	v1 =	vadd.f32 v8, v7  }
.Ltmp3:
0xc7: {  	[tilespmem:s16+$0x14030] =	vst.add.f32.msk $0xffff, v0;
	(pc) =	sbr.rel @p1 .LBB2_5-.Ltmp3, $4  }
0xc8: {  	[tilespmem:s16+$0x14040] =	vst.add.f32.msk $0xffff, v2;
	v0 =	vadd.f32 v9, v4  }
0xc9: {  	[tilespmem:s16+$0x14050] =	vst.add.f32.msk $0xffff, v1  }
0xca: {  	[tilespmem:s16+$0x14060] =	vst.add.f32.msk $0xffff, v0;
	s16 =	sshra.s32 s30, $0x2  }
0xcb: {  	s30 =	sadd.s32 $0x200, s30;
	v0 =	vld [tilespmem:s16+$0xC070]  }
0xcc: {  	v1 =	vld [tilespmem:s16+$0x10070]  }
0xcd: {  	v2 =	vld [tilespmem:s16+$0xC000]  }
0xce: {  	v3 =	vld [tilespmem:s16+$0x10000]  }
0xcf: {  	v4 =	vld [tilespmem:s16+$0xC010]  }
0xd0: {  	v5 =	vld [tilespmem:s16+$0x10010]  }
0xd1: {  	v6 =	vld [tilespmem:s16+$0xC020]  }
0xd2: {  	v57 =	vld [tilespmem:s16+$0x10020]  }
0xd3: {  	v58 =	vld [tilespmem:s16+$0xC030]  }
0xd4: {  	v7 =	vld [tilespmem:s16+$0x10030]  }
0xd5: {  	v8 =	vld [tilespmem:s16+$0xC040]  }
0xd6: {  	v9 =	vld [tilespmem:s16+$0x10040]  }
0xd7: {  	v10 =	vld [tilespmem:s16+$0xC050]  }
0xd8: {  	v11 =	vld [tilespmem:s16+$0x10050]  }
0xd9: {  	v59 =	vld [tilespmem:s16+$0xC060];
	v0 =	vadd.f32 v1, v0  }
0xda: {  	v60 =	vld [tilespmem:s16+$0x10060];
	v2 =	vadd.f32 v3, v2  }
0xdb: {  	v4 =	vadd.f32 v5, v4;
	[tilespmem:s16+$0x14070] =	vst.add.f32.msk $0xffff, v0  }
0xdc: {  	v1 =	vadd.f32 v57, v6;
	[tilespmem:s16+$0x14000] =	vst.add.f32.msk $0xffff, v2  }
0xdd: {  	v61 =	vadd.f32 v9, v8;
	[tilespmem:s16+$0x14010] =	vst.add.f32.msk $0xffff, v4  }
0xde: {  	v62 =	vadd.f32 v11, v10;
	[tilespmem:s16+$0x14020] =	vst.add.f32.msk $0xffff, v1  }
0xdf: {  	v63 =	vadd.f32 v60, v59;
	[tilespmem:s16+$0x14040] =	vst.add.f32.msk $0xffff, v61  }
0xe0: {  	s18 =	sadd.s32 $0x1, s18;
	v0 =	vadd.f32 v7, v58;
	[tilespmem:s16+$0x14050] =	vst.add.f32.msk $0xffff, v62  }
0xe1: {  	p1 =	sne.s32 s18, $0x27;
	[tilespmem:s16+$0x14060] =	vst.add.f32.msk $0xffff, v63  }
.Ltmp4:
0xe2: {  	s2 =	sadd.s32 s4, s15;
	s31 =	simm.s32 $0x0;
	[tilespmem:s16+$0x14030] =	vst.add.f32.msk $0xffff, v0;
	(pc) =	sbr.rel @p1 .LBB2_2-.Ltmp4, $4  }
0xe3: {  	[hbm4b:s2+s31] =	stream.linear.scatter [tilespmem:s20], [sflag:$0xB], $0x4000, $0x38;
	[tilespmem:$0x18400] =	vst v63  }
0xe4: {  	_ =	swait.ge [sflag:s13], $0x4000  }
0xe5: {  	[sflag:s13] =	ssyncset.done $0x0  }
0xe6: {  	[sflag:s13] =	ssyncadd.s32 $0xFFFFC000  }
.Ltmp5:
0xe7: {  	(pc) =	sbr.rel @p0 .LBB2_11-.Ltmp5, $2  }
0xe8: {  	_ =	sdelay $0x2  }
0xe9: {  	s0 =	rddreg [dreg:$0xa]  }
0xea: {  	s15 =	simm.s32 $0x0;
	s2 =	rddreg [dreg:$0x5];
	s0 =	simm.s32 $0x18000  }
0xeb: {  	[tilespmem:s0], [sflag:$0xB] =	stream.linear.gather [hbm4b:s2+s15], $0x80, $0x38;
	[tilespmem:$0x18400] =	vst v63  }
0xec: {  	_ =	swait.ge [sflag:s13], $0x80  }
0xed: {  	[sflag:s13] =	ssyncset.done $0x0  }
0xee: {  	s30 =	simm.s32 $0x18080;
	s18 =	rddreg [dreg:$0x6];
	[sflag:s13] =	ssyncadd.s32 $0xFFFFFF80  }
0xef: {  	[tilespmem:s30], [sflag:$0xB] =	stream.linear.gather [hbm4b:s18+s15], $0x80, $0x38;
	[tilespmem:$0x18400] =	vst v63  }
0xf0: {  	_ =	swait.ge [sflag:s13], $0x80  }
0xf1: {  	[sflag:s13] =	ssyncset.done $0x0  }
0xf2: {  	s31 =	rddreg [dreg:$0x7];
	[sflag:s13] =	ssyncadd.s32 $0xFFFFFF80  }
0xf3: {  	[tilespmem:s19], [sflag:$0x3] =	stream.linear.gather [hbm4b:s31+s15], $0x4000, $0x38;
	[tilespmem:$0x18400] =	vst v63  }
0xf4: {  	v0 =	vld [tilespmem:$0x18080]  }
0xf5: {  	v1 =	vld [tilespmem:$0x18000]  }
0xf6: {  	v2 =	vld [tilespmem:$0x18090]  }
0xf7: {  	v3 =	vld [tilespmem:$0x18010]  }
0xf8: {  	v4 =	vld [tilespmem:$0x180A0]  }
0xf9: {  	v6 =	vld [tilespmem:$0x18020];
	v5 =	vshll.u32 v0, $0x1  }
0xfa: {  	v7 =	vshll.u32 v1, $0x1;
	vm0 =	veq.s32 v1, v0;
	v1 =	vld [tilespmem:$0x180B0];
	v0 =	vor.u32 $0x1, v5  }
0xfb: {  	v58 =	vld [tilespmem:$0x18030];
	v57 =	vshll.u32 v2, $0x1;
	[tilespmem:$0x18100] =	vst v7;
	v0 =	vsel vm0, $0x9C40, v0  }
0xfc: {  	vm9 =	veq.s32 v3, v2;
	v2 =	vor.u32 $0x1, v57;
	[tilespmem:$0x18180] =	vst v0;
	v0 =	vshll.u32 v3, $0x1;
	v3 =	vld [tilespmem:$0x180C0]  }
0xfd: {  	v59 =	vld [tilespmem:$0x18040];
	[tilespmem:$0x18110] =	vst v0;
	v0 =	vsel vm9, $0x9C40, v2;
	v2 =	vshll.u32 v4, $0x1  }
0xfe: {  	v60 =	vld [tilespmem:$0x180D0];
	vm10 =	veq.s32 v6, v4;
	[tilespmem:$0x18190] =	vst v0;
	v0 =	vshll.u32 v6, $0x1;
	v2 =	vor.u32 $0x1, v2  }
0xff: {  	v61 =	vld [tilespmem:$0x18050];
	[tilespmem:$0x18120] =	vst v0;
	v0 =	vsel vm10, $0x9C40, v2;
	v2 =	vshll.u32 v1, $0x1  }
0x100: {  	vm11 =	veq.s32 v58, v1;
	[tilespmem:$0x181A0] =	vst v0;
	v0 =	vshll.u32 v58, $0x1;
	v1 =	vor.u32 $0x1, v2;
	v2 =	vld [tilespmem:$0x180E0]  }
0x101: {  	v62 =	vld [tilespmem:$0x18060];
	[tilespmem:$0x18130] =	vst v0;
	v0 =	vsel vm11, $0x9C40, v1;
	v1 =	vshll.u32 v3, $0x1  }
0x102: {  	vm12 =	veq.s32 v59, v3;
	v3 =	vld [tilespmem:$0x180F0];
	[tilespmem:$0x181B0] =	vst v0;
	v0 =	vshll.u32 v59, $0x1;
	v1 =	vor.u32 $0x1, v1  }
0x103: {  	v63 =	vld [tilespmem:$0x18070];
	[tilespmem:$0x18140] =	vst v0;
	v0 =	vsel vm12, $0x9C40, v1;
	v1 =	vshll.u32 v60, $0x1  }
0x104: {  	vm13 =	veq.s32 v61, v60;
	[tilespmem:$0x181C0] =	vst v0;
	v0 =	vshll.u32 v61, $0x1;
	v1 =	vor.u32 $0x1, v1  }
0x105: {  	[tilespmem:$0x18150] =	vst v0;
	v0 =	vsel vm13, $0x9C40, v1;
	v1 =	vshll.u32 v2, $0x1  }
0x106: {  	vm14 =	veq.s32 v62, v2;
	[tilespmem:$0x181D0] =	vst v0;
	v0 =	vshll.u32 v62, $0x1;
	v1 =	vor.u32 $0x1, v1  }
0x107: {  	[tilespmem:$0x18160] =	vst v0;
	v0 =	vsel vm14, $0x9C40, v1;
	v1 =	vshll.u32 v3, $0x1  }
0x108: {  	vm15 =	veq.s32 v63, v3;
	[tilespmem:$0x181E0] =	vst v0;
	v0 =	vshll.u32 v63, $0x1;
	v1 =	vor.u32 $0x1, v1  }
0x109: {  	[tilespmem:$0x18170] =	vst v0;
	v0 =	vsel vm15, $0x9C40, v1  }
0x10a: {  	[tilespmem:$0x181F0] =	vst v0  }
0x10b: {  	[tilespmem:s15], [sflag:$0x1] =	stream.indirect.gather [hbm4b:s6+s23], $0x80, s24, s23, $0xb8;
	[tilespmem:$0x18400] =	vst v63  }
0x10c: {  	_ = 	snop  }
0x10d: {  	[tilespmem:s26], [sflag:$0x2] =	stream.indirect.gather [hbm4b:s6+s23], $0x80, s25, s23, $0xb8;
	[tilespmem:$0x18400] =	vst v63  }
0x10e: {  	_ =	swait.ge [sflag:s10], $0x4000  }
0x10f: {  	[sflag:s10] =	ssyncset.done $0x0  }
0x110: {  	[sflag:s10] =	ssyncadd.s32 $0xFFFFC000  }
0x111: {  	_ =	swait.ge [sflag:s11], $0x4000  }
0x112: {  	[sflag:s11] =	ssyncset.done $0x0  }
0x113: {  	[sflag:s11] =	ssyncadd.s32 $0xFFFFC000  }
0x114: {  	_ =	swait.ge [sflag:s12], $0x4000  }
0x115: {  	[sflag:s12] =	ssyncset.done $0x0  }
0x116: {  	s15 =	simm.s32 $0x0;
	[sflag:s12] =	ssyncadd.s32 $0xFFFFC000  }
0x117: {  	s16 =	simm.s32 $0x200;
	v0 =	vld [tilespmem:s15+$0x70]  }
.LBB2_9:
0x118: {  	p1 =	sne.s32 s16, $0xFE00;
	v1 =	vld [tilespmem:s15+$0x4070]  }
0x119: {  	v2 =	vld [tilespmem:s15+$0x0]  }
0x11a: {  	v3 =	vld [tilespmem:s15+$0x4000]  }
0x11b: {  	v4 =	vld [tilespmem:s15+$0x10]  }
0x11c: {  	v5 =	vld [tilespmem:s15+$0x4010]  }
0x11d: {  	v6 =	vld [tilespmem:s15+$0x20];
	v0 =	vadd.f32 v1, v0  }
0x11e: {  	v1 =	vld [tilespmem:s15+$0x4020]  }
0x11f: {  	v2 =	vadd.f32 v3, v2;
	[tilespmem:s15+$0x8070] =	vst.add.f32.msk $0xffff, v0  }
0x120: {  	v0 =	vld [tilespmem:s15+$0x30]  }
0x121: {  	v3 =	vadd.f32 v5, v4;
	v4 =	vld [tilespmem:s15+$0x4030]  }
0x122: {  	v5 =	vld [tilespmem:s15+$0x40]  }
0x123: {  	v1 =	vadd.f32 v1, v6;
	v6 =	vld [tilespmem:s15+$0x4040]  }
0x124: {  	v7 =	vld [tilespmem:s15+$0x50]  }
0x125: {  	v8 =	vld [tilespmem:s15+$0x4050]  }
0x126: {  	v0 =	vadd.f32 v4, v0;
	v4 =	vld [tilespmem:s15+$0x60]  }
0x127: {  	v9 =	vld [tilespmem:s15+$0x4060]  }
0x128: {  	[tilespmem:s15+$0x8000] =	vst.add.f32.msk $0xffff, v2;
	v2 =	vadd.f32 v6, v5  }
0x129: {  	[tilespmem:s15+$0x8010] =	vst.add.f32.msk $0xffff, v3  }
0x12a: {  	[tilespmem:s15+$0x8020] =	vst.add.f32.msk $0xffff, v1;
	v1 =	vadd.f32 v8, v7  }
.Ltmp6:
0x12b: {  	[tilespmem:s15+$0x8030] =	vst.add.f32.msk $0xffff, v0;
	(pc) =	sbr.rel @p1 .LBB2_9-.Ltmp6, $4  }
0x12c: {  	[tilespmem:s15+$0x8040] =	vst.add.f32.msk $0xffff, v2;
	v0 =	vadd.f32 v9, v4  }
0x12d: {  	[tilespmem:s15+$0x8050] =	vst.add.f32.msk $0xffff, v1  }
0x12e: {  	[tilespmem:s15+$0x8060] =	vst.add.f32.msk $0xffff, v0;
	s15 =	sshra.s32 s16, $0x2  }
0x12f: {  	s16 =	sadd.s32 $0x200, s16;
	v0 =	vld [tilespmem:s15+$0x70]  }
0x130: {  	v1 =	vld [tilespmem:s15+$0x4070]  }
0x131: {  	v2 =	vld [tilespmem:s15+$0x0]  }
0x132: {  	v3 =	vld [tilespmem:s15+$0x4000]  }
0x133: {  	v4 =	vld [tilespmem:s15+$0x10]  }
0x134: {  	v5 =	vld [tilespmem:s15+$0x4010]  }
0x135: {  	v6 =	vld [tilespmem:s15+$0x20]  }
0x136: {  	v57 =	vld [tilespmem:s15+$0x4020]  }
0x137: {  	v58 =	vld [tilespmem:s15+$0x30]  }
0x138: {  	v7 =	vld [tilespmem:s15+$0x4030]  }
0x139: {  	v8 =	vld [tilespmem:s15+$0x40]  }
0x13a: {  	v9 =	vld [tilespmem:s15+$0x4040]  }
0x13b: {  	v10 =	vld [tilespmem:s15+$0x50]  }
0x13c: {  	v11 =	vld [tilespmem:s15+$0x4050]  }
0x13d: {  	v59 =	vld [tilespmem:s15+$0x60];
	v0 =	vadd.f32 v1, v0  }
0x13e: {  	v60 =	vld [tilespmem:s15+$0x4060];
	v2 =	vadd.f32 v3, v2  }
0x13f: {  	v4 =	vadd.f32 v5, v4;
	[tilespmem:s15+$0x8070] =	vst.add.f32.msk $0xffff, v0  }
0x140: {  	v1 =	vadd.f32 v57, v6;
	[tilespmem:s15+$0x8000] =	vst.add.f32.msk $0xffff, v2  }
0x141: {  	v61 =	vadd.f32 v9, v8;
	[tilespmem:s15+$0x8010] =	vst.add.f32.msk $0xffff, v4  }
0x142: {  	v62 =	vadd.f32 v11, v10;
	[tilespmem:s15+$0x8020] =	vst.add.f32.msk $0xffff, v1  }
0x143: {  	v63 =	vadd.f32 v60, v59;
	[tilespmem:s15+$0x8040] =	vst.add.f32.msk $0xffff, v61  }
0x144: {  	v0 =	vadd.f32 v7, v58;
	[tilespmem:s15+$0x8050] =	vst.add.f32.msk $0xffff, v62  }
0x145: {  	[tilespmem:s15+$0x8060] =	vst.add.f32.msk $0xffff, v63  }
.Ltmp7:
0x146: {  	s2 =	simm.s32 $0x0;
	s31 =	rddreg [dreg:$0x8];
	[tilespmem:s15+$0x8030] =	vst.add.f32.msk $0xffff, v0;
	(pc) =	sbr.rel .LBB2_11-.Ltmp7, $4  }
0x147: {  	[hbm4b:s31+s2] =	stream.linear.scatter [tilespmem:s19], [sflag:$0xB], $0x4000, $0x38;
	[tilespmem:$0x18400] =	vst v63  }
0x148: {  	_ =	swait.ge [sflag:s13], $0x4000  }
0x149: {  	[sflag:s13] =	ssyncset.done $0x0  }
0x14a: {  	s0 =	rddreg [dreg:$0xa];
	[sflag:s13] =	ssyncadd.s32 $0xFFFFC000  }
.LBB2_12:
0x14b: {  	_ =	sfence.sel $0x180000  }
0x14c: {  	[bflag:$0x0] =	sbarrier.arrive $0xFFFF  }
0x14d: {  	_ =	strace $0x9000004A  }
0x14e: {  	s0 =	stileid.u32;
	[bflag:$0x2] =	sbarrier.arrive $0xFFFF  }
0x14f: {  	p0 =	sne.s32 s0, $0x0;
	s0 =	rddreg [dreg:$0x4]  }
0x150: {  	s0 =	sadd.s32 @!p0 $0x100000, s0  }
0x151: {  	[sflag:s0] =	ssyncadd.tile.s32 @!p0 $0x1;
	_ =	shalt  }
.Lfunc_end2:
_tile_overlayer_lowered:
.L_overlay_start_2:
0x152: {  	(tag) =	ssettag $0x2  }
0x153: {  	s0 =	rddreg [dreg:$0x0];
	s2 =	stileid.u32  }
0x154: {  	s1 =	rddreg [dreg:$0x1];
	p0 =	sne.s32 s2, $0x0  }
0x155: {  	s3 =	rddreg [dreg:$0x2];
	[bflag:$0x3] =	sbarrier.arrive $0xFFFF;
	s2 =	simm.s32 @!p0 $0x1C0B  }
0x156: {  	[timem:s3], [sflag:s2] =	dma.local @!p0 [hbm:s0], s1  }
0x157: {  	s0 =	simm.s32 @!p0 $0xB  }
0x158: {  	_ =	swait.ge @!p0 [sflag:s0], s1  }
0x159: {  	s1 =	ssub.s32 @!p0 $0x0, s1;
	[sflag:s0] =	ssyncset.done @!p0 $0x0  }
0x15a: {  	[sflag:s0] =	ssyncadd.s32 @!p0 s1  }
0x15b: {  	[bflag:$0x3] =	sbarrier.arrive $0xFFFF  }
0x15c: {  	_ =	shalt  }

</sc_bundles>
